<compile_context>
chip_gen: v7x
topology: tpu7x:2x2x1
jax: 0.10.2.dev20260603
libtpu: 0.0.44.dev20260713+nightly
codegen_flags: <defaults>
</compile_context>

<pallas_src>
import functools

import jax
import jax.numpy as jnp
from jax import lax
from jax.experimental import pallas as pl
from jax.experimental.pallas import tpu as pltpu
from jax.experimental.pallas import tpu_sc as plsc

N = 10000
NP = 10112
NE = 320000
F = 128
NG = 64
NOUT = 10

NC, NS = 2, 16
FH = F // NC
CHUNK = 128
NCHUNK = 160
NEP = CHUNK * NCHUNK * NS
E2D = NEP // CHUNK
DCHUNK = E2D // (NC * NS)
RPT = NP // NS
DEGW = 16


def _deg_body(dst_hbm, out_hbm, dst_v, ones_v, z_v, acc_sh):
    cid = lax.axis_index("c")
    sid = lax.axis_index("s")
    wid = cid * NS + sid
    row0 = sid * RPT

    @pl.loop(0, CHUNK)
    def _(r):
        ones_v[r, pl.ds(0, DEGW)] = jnp.ones((16,), jnp.float32)

    @pl.loop(0, RPT)
    def _(r):
        z_v[r, pl.ds(0, DEGW)] = jnp.zeros((16,), jnp.float32)

    pltpu.sync_copy(z_v, acc_sh.at[pl.ds(row0, RPT)])
    pltpu.sync_copy(dst_hbm.at[pl.ds(wid * DCHUNK, DCHUNK)], dst_v)
    plsc.subcore_barrier()

    @pl.loop(0, DCHUNK)
    def _(j):
        pltpu.sync_copy(ones_v, acc_sh.at[dst_v.at[j]], add=True)

    plsc.subcore_barrier()
    pltpu.sync_copy(acc_sh.at[pl.ds(row0, RPT)],
                    out_hbm.at[cid, pl.ds(row0, RPT)])


NBUF = 8
HCHUNK = NCHUNK // 2


def _prop_body(u_hbm, src_hbm, dst_hbm, out_hbm,
               src_v, dst_v, r0, r1, r2, r3, r4, r5, r6, r7, acc_sh,
               sg0, sg1, sg2, sg3, sg4, sg5, sg6, sg7):
    cid = lax.axis_index("c")
    sid = lax.axis_index("s")
    row0 = sid * RPT
    bufs = (r0, r1, r2, r3, r4, r5, r6, r7)
    gsems = (sg0, sg1, sg2, sg3, sg4, sg5, sg6, sg7)

    @pl.loop(0, CHUNK)
    def _(r):
        @pl.loop(0, FH, step=16)
        def _(col):
            r0[r, pl.ds(col, 16)] = jnp.zeros((16,), jnp.float32)

    for k in range(4):
        pltpu.sync_copy(r0, acc_sh.at[pl.ds(row0 + k * CHUNK, CHUNK)])
    pltpu.sync_copy(r0.at[pl.ds(0, RPT - 4 * CHUNK)],
                    acc_sh.at[pl.ds(row0 + 4 * CHUNK, RPT - 4 * CHUNK)])
    plsc.subcore_barrier()

    def gcopy(j, b):
        return pltpu.make_async_copy(
            u_hbm.at[cid].at[src_v.at[j]], bufs[b], gsems[b])

    for half in range(2):
        base = sid * NCHUNK + half * HCHUNK
        pltpu.sync_copy(src_hbm.at[pl.ds(base, HCHUNK)], src_v)
        pltpu.sync_copy(dst_hbm.at[pl.ds(base, HCHUNK)], dst_v)

        for b in range(NBUF):
            gcopy(b, b).start()

        @pl.loop(0, HCHUNK // NBUF - 1)
        def _(jj):
            for b in range(NBUF):
                j = jj * NBUF + b
                gcopy(j, b).wait()
                pltpu.sync_copy(bufs[b], acc_sh.at[dst_v.at[j]], add=True)
                gcopy(j + NBUF, b).start()

        for b in range(NBUF):
            j = HCHUNK - NBUF + b
            gcopy(j, b).wait()
            pltpu.sync_copy(bufs[b], acc_sh.at[dst_v.at[j]], add=True)

    plsc.subcore_barrier()
    pltpu.sync_copy(acc_sh.at[pl.ds(row0, RPT)],
                    out_hbm.at[cid, pl.ds(row0, RPT)])


@functools.cache
def _sc_kernels():
    mesh = plsc.VectorSubcoreMesh(core_axis_name="c", subcore_axis_name="s")
    cp = pltpu.CompilerParams(use_tc_tiling_on_sc=False)
    deg = pl.kernel(
        _deg_body,
        out_type=jax.ShapeDtypeStruct((NC, NP, DEGW), jnp.float32),
        mesh=mesh,
        scratch_types=[
            pltpu.VMEM((DCHUNK, CHUNK), jnp.int32),
            pltpu.VMEM((CHUNK, DEGW), jnp.float32),
            pltpu.VMEM((RPT, DEGW), jnp.float32),
            pltpu.VMEM_SHARED((NP, DEGW), jnp.float32),
        ],
        compiler_params=cp,
    )
    prop = pl.kernel(
        _prop_body,
        out_type=jax.ShapeDtypeStruct((NC, NP, FH), jnp.float32),
        mesh=mesh,
        scratch_types=[
            pltpu.VMEM((HCHUNK, CHUNK), jnp.int32),
            pltpu.VMEM((HCHUNK, CHUNK), jnp.int32),
        ] + [pltpu.VMEM((CHUNK, FH), jnp.float32)] * NBUF + [
            pltpu.VMEM_SHARED((NP, FH), jnp.float32),
        ] + [pltpu.SemaphoreType.DMA] * NBUF,
        compiler_params=cp,
    )
    return deg, prop



def _split(a):
    return jnp.stack([a[:, :FH], a[:, FH:]])


def _unsplit(s):
    return jnp.concatenate([s[0], s[1]], axis=1)


def _scale_body(dpart_ref, xp_ref, w_ref, u_ref, dinv_ref):
    deg = dpart_ref[0, :, 0:1] + dpart_ref[1, :, 0:1] + 1.0
    rows = lax.broadcasted_iota(jnp.int32, (NP, 1), 0)
    dinv = jnp.where(rows < N, lax.rsqrt(deg), 0.0)
    xw = jnp.dot(xp_ref[...], w_ref[...], preferred_element_type=jnp.float32)
    u_ref[...] = _split(xw * dinv)
    dinv_ref[...] = dinv


_scale_call = pl.pallas_call(
    _scale_body,
    out_shape=(jax.ShapeDtypeStruct((NC, NP, FH), jnp.float32),
               jax.ShapeDtypeStruct((NP, 1), jnp.float32)),
)


def _layer_body(s_ref, u_ref, dinv_ref, b_ref, w_ref, u2_ref):
    dinv = dinv_ref[...]
    h = (_unsplit(s_ref[...]) + _unsplit(u_ref[...])) * dinv + b_ref[...]
    h = jnp.maximum(h, 0.0)
    xw = jnp.dot(h, w_ref[...], preferred_element_type=jnp.float32)
    u2_ref[...] = _split(xw * dinv)


_layer_call = pl.pallas_call(
    _layer_body,
    out_shape=jax.ShapeDtypeStruct((NC, NP, FH), jnp.float32),
)


SEGB = 512


def _head_body(s_ref, u_ref, dinv_ref, b_ref, batch_ref, wd_ref, bd_ref,
               out_ref, y_ref, h_s, g_ref, his_s):
    dinv = dinv_ref[...]
    h = (_unsplit(s_ref[...]) + _unsplit(u_ref[...])) * dinv + b_ref[...]
    h = jnp.maximum(h, 0.0)
    hs = h[:N]
    y_ref[...] = jnp.max(hs, axis=1, keepdims=True)
    h_s[...] = h

    gcol = lax.broadcasted_iota(jnp.int32, (NG, 1), 0)
    b_row = batch_ref[...]
    his_s[...] = jnp.sum((b_row <= gcol).astype(jnp.int32), axis=1,
                         keepdims=True)
    g_ref[...] = jnp.full((NG, F), -jnp.inf, jnp.float32)

    def per_graph(gid, lo):
        hi = his_s[pl.ds(gid, 1), :][0, 0]
        cnt = hi - lo
        nblk = (cnt + SEGB - 1) // SEGB

        def per_block(k, acc):
            start = jnp.minimum(lo + k * SEGB, NP - SEGB)
            rows = h_s[pl.ds(start, SEGB), :]
            ridx = lax.broadcasted_iota(jnp.int32, (SEGB, 1), 0) + start
            mask = (ridx >= lo) & (ridx < hi)
            seg = jnp.where(mask, rows, -jnp.inf)
            return jnp.maximum(acc, jnp.max(seg, axis=0, keepdims=True))

        row = lax.fori_loop(0, nblk, per_block,
                            jnp.full((1, F), -jnp.inf, jnp.float32))
        g_ref[pl.ds(gid, 1), :] = row
        return hi

    lax.fori_loop(0, NG, per_graph, jnp.int32(0))
    g = g_ref[...]
    g = jnp.where(jnp.isfinite(g), g, 0.0)
    logits = jnp.dot(g, wd_ref[...], preferred_element_type=jnp.float32)
    logits = logits + bd_ref[...]
    z = logits - jnp.max(logits, axis=1, keepdims=True)
    e = jnp.exp(z)
    out_ref[...] = e / jnp.sum(e, axis=1, keepdims=True)


_head_call = pl.pallas_call(
    _head_body,
    out_shape=(jax.ShapeDtypeStruct((NG, NOUT), jnp.float32),
               jax.ShapeDtypeStruct((N, 1), jnp.float32)),
    scratch_shapes=[pltpu.VMEM((NP, F), jnp.float32),
                    pltpu.VMEM((NG, F), jnp.float32),
                    pltpu.VMEM((NG, 1), jnp.int32)],
)



@jax.jit
def kernel(x, edge_index, batch, W1, b1, W2, b2, Wd, bd):
    src = edge_index[0].astype(jnp.int32)
    dst = edge_index[1].astype(jnp.int32)
    pad = jnp.full((NEP - NE,), N, jnp.int32)
    srcp = jnp.concatenate([src, pad]).reshape(E2D, CHUNK)
    dstp = jnp.concatenate([dst, pad]).reshape(E2D, CHUNK)
    xp = jnp.pad(x, ((0, NP - N), (0, 0)))

    deg_kernel, prop_kernel = _sc_kernels()
    dpart = deg_kernel(dstp)
    u1, dinv = _scale_call(dpart, xp, W1)
    s1 = prop_kernel(u1, srcp, dstp)
    u2 = _layer_call(s1, u1, dinv, b1.reshape(1, F), W2)
    s2 = prop_kernel(u2, srcp, dstp)
    out, y = _head_call(s2, u2, dinv, b2.reshape(1, F),
                        batch.reshape(1, N).astype(jnp.int32),
                        Wd, bd.reshape(1, NOUT))
    return (out, y)

# --- scband reference (transcript-rebuilt; emitter-appended) ---
"""Pipeline reference for scband-gcn-33998961115490 (READ-ONLY COPY).

The authoritative reference and input builder live on the scoring server;
editing this copy changes nothing except your own understanding.
"""

import jax, jax.numpy as jnp
import numpy as np

N_NODES = 10000
N_EDGES = 320000
N_GRAPHS = 64
NIN = 128
NH = 128
NOUT = 10


def gcn_conv(x, edge_index, W, b):
    # Faithful PyG GCNConv: add self-loops, symmetric degree normalization,
    # x' = D^{-1/2} (A + I) D^{-1/2} X W + b
    n = x.shape[0]
    loop = jnp.arange(n, dtype=edge_index.dtype)
    src = jnp.concatenate([edge_index[0], loop])
    dst = jnp.concatenate([edge_index[1], loop])
    deg = jax.ops.segment_sum(jnp.ones_like(src, dtype=x.dtype), dst, num_segments=n)
    dinv = jnp.where(deg > 0, deg ** -0.5, 0.0)
    norm = dinv[src] * dinv[dst]
    xw = x @ W
    msg = xw[src] * norm[:, None]
    out = jax.ops.segment_sum(msg, dst, num_segments=n)
    return out + b


def setup_inputs(seed: int = 0) -> dict:
    key = jax.random.key(seed)
    ks = jax.random.split(key, 10)
    x = jax.random.normal(ks[0], (N_NODES, NIN), dtype=jnp.float32)
    edge_index = jax.random.randint(ks[1], (2, N_EDGES), 0, N_NODES)
    batch = jnp.sort(jax.random.randint(ks[2], (N_NODES,), 0, N_GRAPHS))
    W1 = jax.random.normal(ks[3], (NIN, NH), dtype=jnp.float32) * 0.05
    b1 = jnp.zeros((NH,), dtype=jnp.float32)
    W2 = jax.random.normal(ks[4], (NH, NH), dtype=jnp.float32) * 0.05
    b2 = jnp.zeros((NH,), dtype=jnp.float32)
    Wd = jax.random.normal(ks[5], (NH, NOUT), dtype=jnp.float32) * 0.05
    bd = jnp.zeros((NOUT,), dtype=jnp.float32)
    return {"x": x, "edge_index": edge_index, "batch": batch,
            "W1": W1, "b1": b1, "W2": W2, "b2": b2, "Wd": Wd, "bd": bd}


def reference(x, edge_index, batch, W1, b1, W2, b2, Wd, bd):
    h = jax.nn.relu(gcn_conv(x, edge_index, W1, b1))
    h = jax.nn.relu(gcn_conv(h, edge_index, W2, b2))
    y = jnp.max(h, axis=1, keepdims=True)
    g = jax.ops.segment_max(h, batch, num_segments=N_GRAPHS)
    g = jnp.where(jnp.isfinite(g), g, 0.0)  # guard empty segments
    # dropout is identity in eval mode
    out = g @ Wd + bd
    out = jax.nn.softmax(out, axis=-1)
    return (out, y)

if __name__ == "__main__":
    import jax
    _d = setup_inputs()
    print(jax.jit(kernel)(*tuple(_d.values())))

</pallas_src>

<mosaic_0001>
#map = affine_map<(d0, d1) -> (0, 0, 0)>
#map1 = affine_map<(d0, d1) -> (0, 0)>
module attributes {stable_mosaic.version = 14 : i64} {
  func.func @_prop_body(%arg0: i32, %arg1: i32, %arg2: memref<2x10112x64xf32, #tpu.memory_space<hbm>>, %arg3: memref<2560x128xi32, #tpu.memory_space<hbm>>, %arg4: memref<2560x128xi32, #tpu.memory_space<hbm>>, %arg5: memref<2x10112x64xf32, #tpu.memory_space<hbm>>, %arg6: memref<80x128xi32, #tpu.memory_space<vmem>>, %arg7: memref<80x128xi32, #tpu.memory_space<vmem>>, %arg8: memref<128x64xf32, #tpu.memory_space<vmem>>, %arg9: memref<128x64xf32, #tpu.memory_space<vmem>>, %arg10: memref<128x64xf32, #tpu.memory_space<vmem>>, %arg11: memref<128x64xf32, #tpu.memory_space<vmem>>, %arg12: memref<128x64xf32, #tpu.memory_space<vmem>>, %arg13: memref<128x64xf32, #tpu.memory_space<vmem>>, %arg14: memref<128x64xf32, #tpu.memory_space<vmem>>, %arg15: memref<128x64xf32, #tpu.memory_space<vmem>>, %arg16: memref<10112x64xf32, #tpu.memory_space<vmem_shared>>, %arg17: memref<!tpu.dma_semaphore, #tpu.memory_space<semaphore_mem>>, %arg18: memref<!tpu.dma_semaphore, #tpu.memory_space<semaphore_mem>>, %arg19: memref<!tpu.dma_semaphore, #tpu.memory_space<semaphore_mem>>, %arg20: memref<!tpu.dma_semaphore, #tpu.memory_space<semaphore_mem>>, %arg21: memref<!tpu.dma_semaphore, #tpu.memory_space<semaphore_mem>>, %arg22: memref<!tpu.dma_semaphore, #tpu.memory_space<semaphore_mem>>, %arg23: memref<!tpu.dma_semaphore, #tpu.memory_space<semaphore_mem>>, %arg24: memref<!tpu.dma_semaphore, #tpu.memory_space<semaphore_mem>>) attributes {dimension_semantics = [#tpu.dimension_semantics<core_parallel>, #tpu.dimension_semantics<subcore_parallel>], iteration_bounds = array<i64: 2, 16>, scalar_prefetch = 0 : i64, scratch_operands = 19 : i64, tpu.core_type = #tpu.core_type<sc_vector_subcore>, window_params = [{transform_indices = #map}, {transform_indices = #map1}, {transform_indices = #map1}, {transform_indices = #map}]} {
    %mul3A = arith.constant 632 : i32
    %mul3A_0 = arith.muli %arg1, %mul3A : i32
    %scan3A = arith.constant 0 : i32
    %scan3A_1 = arith.constant 128 : i32
    %scan3A_2 = arith.addi %scan3A, %scan3A_1 : i32
    %scan3A_3 = arith.constant 1 : i32
    scf.for %scan3A_398 = %scan3A to %scan3A_2 step %scan3A_3  : i32 {
      %mul3A_399 = arith.constant 1 : i32
      %mul3A_400 = arith.muli %scan3A_398, %mul3A_399 : i32
      %add3A_401 = arith.constant 0 : i32
      %add3A_402 = arith.addi %add3A_401, %mul3A_400 : i32
      %scan3A_403 = arith.constant 0 : i32
      %scan3A_404 = arith.constant 4 : i32
      %scan3A_405 = arith.addi %scan3A_403, %scan3A_404 : i32
      %scan3A_406 = arith.constant 1 : i32
      scf.for %scan3A_408 = %scan3A_403 to %scan3A_405 step %scan3A_406  : i32 {
        %mul3A_409 = arith.constant 16 : i32
        %mul3A_410 = arith.muli %scan3A_408, %mul3A_409 : i32
        %add3A_411 = arith.constant 0 : i32
        %add3A_412 = arith.addi %add3A_411, %mul3A_410 : i32
        %broadcast_in_dim3A = arith.constant 0.000000e+00 : f32
        %broadcast_in_dim3A_413 = vector.broadcast %broadcast_in_dim3A : f32 to vector<16xf32>
        %swap3A = arith.index_cast %add3A_402 : i32 to index
        %swap3A_414 = arith.index_cast %add3A_412 : i32 to index
        %swap3A_415 = tpu.vector_load %arg8[%swap3A, %swap3A_414] {strides = array<i32>} : memref<128x64xf32, #tpu.memory_space<vmem>>, vector<1x16xf32>,
        %swap3A_416 = vector.shape_cast %swap3A_415 : vector<1x16xf32> to vector<16xf32>
        %swap3A_417 = vector.shape_cast %broadcast_in_dim3A_413 : vector<16xf32> to vector<1x16xf32>
        tpu.vector_store %arg8[%swap3A, %swap3A_414], %swap3A_417 {strides = array<i32>} : memref<128x64xf32, #tpu.memory_space<vmem>>, vector<1x16xf32>,
      }
      %scan3A_407 = arith.constant 4 : i32
    }
    %scan3A_4 = arith.constant 128 : i32
    %add3A = arith.constant 0 : i32
    %add3A_5 = arith.addi %mul3A_0, %add3A : i32
    "tpu.region"() ({
      %run_scoped3A_398 = tpu.sem_alloc : memref<!tpu.dma_semaphore, #tpu.memory_space<semaphore_mem>>
      %dma_start3A_399 = arith.constant 0 : i32
      %dma_start3A_400 = tpu.memref_slice %arg16[%add3A_5, %dma_start3A_399] : memref<10112x64xf32, #tpu.memory_space<vmem_shared>> -> memref<128x64xf32, #tpu.memory_space<vmem_shared>>
      %dma_start3A_401 = arith.constant 0 : i32
      %dma_start3A_402 = tpu.memref_slice %arg16[%add3A_5, %dma_start3A_401] : memref<10112x64xf32, #tpu.memory_space<vmem_shared>> -> memref<128x64xf32, #tpu.memory_space<vmem_shared>>
      tpu.enqueue_dma source(%arg8 : memref<128x64xf32, #tpu.memory_space<vmem>>) target(%dma_start3A_402 : memref<128x64xf32, #tpu.memory_space<vmem_shared>>) target_semaphore(%run_scoped3A_398 : memref<!tpu.dma_semaphore, #tpu.memory_space<semaphore_mem>>)
      %dma_wait3A_403 = arith.constant 0 : i32
      %dma_wait3A_404 = tpu.memref_slice %arg16[%add3A_5, %dma_wait3A_403] : memref<10112x64xf32, #tpu.memory_space<vmem_shared>> -> memref<128x64xf32, #tpu.memory_space<vmem_shared>>
      %dma_wait3A_405 = arith.constant 0 : i32
      %dma_wait3A_406 = tpu.memref_slice %arg16[%add3A_5, %dma_wait3A_405] : memref<10112x64xf32, #tpu.memory_space<vmem_shared>> -> memref<128x64xf32, #tpu.memory_space<vmem_shared>>
      tpu.wait_dma2 semaphore(%run_scoped3A_398 : memref<!tpu.dma_semaphore, #tpu.memory_space<semaphore_mem>>) src(%arg8 : memref<128x64xf32, #tpu.memory_space<vmem>>) dst(%dma_wait3A_406 : memref<128x64xf32, #tpu.memory_space<vmem_shared>>)
      tpu.yield
    }) : () -> ()
    %add3A_6 = arith.constant 128 : i32
    %add3A_7 = arith.addi %mul3A_0, %add3A_6 : i32
    "tpu.region"() ({
      %run_scoped3A_398 = tpu.sem_alloc : memref<!tpu.dma_semaphore, #tpu.memory_space<semaphore_mem>>
      %dma_start3A_399 = arith.constant 0 : i32
      %dma_start3A_400 = tpu.memref_slice %arg16[%add3A_7, %dma_start3A_399] : memref<10112x64xf32, #tpu.memory_space<vmem_shared>> -> memref<128x64xf32, #tpu.memory_space<vmem_shared>>
      %dma_start3A_401 = arith.constant 0 : i32
      %dma_start3A_402 = tpu.memref_slice %arg16[%add3A_7, %dma_start3A_401] : memref<10112x64xf32, #tpu.memory_space<vmem_shared>> -> memref<128x64xf32, #tpu.memory_space<vmem_shared>>
      tpu.enqueue_dma source(%arg8 : memref<128x64xf32, #tpu.memory_space<vmem>>) target(%dma_start3A_402 : memref<128x64xf32, #tpu.memory_space<vmem_shared>>) target_semaphore(%run_scoped3A_398 : memref<!tpu.dma_semaphore, #tpu.memory_space<semaphore_mem>>)
      %dma_wait3A_403 = arith.constant 0 : i32
      %dma_wait3A_404 = tpu.memref_slice %arg16[%add3A_7, %dma_wait3A_403] : memref<10112x64xf32, #tpu.memory_space<vmem_shared>> -> memref<128x64xf32, #tpu.memory_space<vmem_shared>>
      %dma_wait3A_405 = arith.constant 0 : i32
      %dma_wait3A_406 = tpu.memref_slice %arg16[%add3A_7, %dma_wait3A_405] : memref<10112x64xf32, #tpu.memory_space<vmem_shared>> -> memref<128x64xf32, #tpu.memory_space<vmem_shared>>
      tpu.wait_dma2 semaphore(%run_scoped3A_398 : memref<!tpu.dma_semaphore, #tpu.memory_space<semaphore_mem>>) src(%arg8 : memref<128x64xf32, #tpu.memory_space<vmem>>) dst(%dma_wait3A_406 : memref<128x64xf32, #tpu.memory_space<vmem_shared>>)
      tpu.yield
    }) : () -> ()
    %add3A_8 = arith.constant 256 : i32
    %add3A_9 = arith.addi %mul3A_0, %add3A_8 : i32
    "tpu.region"() ({
      %run_scoped3A_398 = tpu.sem_alloc : memref<!tpu.dma_semaphore, #tpu.memory_space<semaphore_mem>>
      %dma_start3A_399 = arith.constant 0 : i32
      %dma_start3A_400 = tpu.memref_slice %arg16[%add3A_9, %dma_start3A_399] : memref<10112x64xf32, #tpu.memory_space<vmem_shared>> -> memref<128x64xf32, #tpu.memory_space<vmem_shared>>
      %dma_start3A_401 = arith.constant 0 : i32
      %dma_start3A_402 = tpu.memref_slice %arg16[%add3A_9, %dma_start3A_401] : memref<10112x64xf32, #tpu.memory_space<vmem_shared>> -> memref<128x64xf32, #tpu.memory_space<vmem_shared>>
      tpu.enqueue_dma source(%arg8 : memref<128x64xf32, #tpu.memory_space<vmem>>) target(%dma_start3A_402 : memref<128x64xf32, #tpu.memory_space<vmem_shared>>) target_semaphore(%run_scoped3A_398 : memref<!tpu.dma_semaphore, #tpu.memory_space<semaphore_mem>>)
      %dma_wait3A_403 = arith.constant 0 : i32
      %dma_wait3A_404 = tpu.memref_slice %arg16[%add3A_9, %dma_wait3A_403] : memref<10112x64xf32, #tpu.memory_space<vmem_shared>> -> memref<128x64xf32, #tpu.memory_space<vmem_shared>>
      %dma_wait3A_405 = arith.constant 0 : i32
      %dma_wait3A_406 = tpu.memref_slice %arg16[%add3A_9, %dma_wait3A_405] : memref<10112x64xf32, #tpu.memory_space<vmem_shared>> -> memref<128x64xf32, #tpu.memory_space<vmem_shared>>
      tpu.wait_dma2 semaphore(%run_scoped3A_398 : memref<!tpu.dma_semaphore, #tpu.memory_space<semaphore_mem>>) src(%arg8 : memref<128x64xf32, #tpu.memory_space<vmem>>) dst(%dma_wait3A_406 : memref<128x64xf32, #tpu.memory_space<vmem_shared>>)
      tpu.yield
    }) : () -> ()
    %add3A_10 = arith.constant 384 : i32
    %add3A_11 = arith.addi %mul3A_0, %add3A_10 : i32
    "tpu.region"() ({
      %run_scoped3A_398 = tpu.sem_alloc : memref<!tpu.dma_semaphore, #tpu.memory_space<semaphore_mem>>
      %dma_start3A_399 = arith.constant 0 : i32
      %dma_start3A_400 = tpu.memref_slice %arg16[%add3A_11, %dma_start3A_399] : memref<10112x64xf32, #tpu.memory_space<vmem_shared>> -> memref<128x64xf32, #tpu.memory_space<vmem_shared>>
      %dma_start3A_401 = arith.constant 0 : i32
      %dma_start3A_402 = tpu.memref_slice %arg16[%add3A_11, %dma_start3A_401] : memref<10112x64xf32, #tpu.memory_space<vmem_shared>> -> memref<128x64xf32, #tpu.memory_space<vmem_shared>>
      tpu.enqueue_dma source(%arg8 : memref<128x64xf32, #tpu.memory_space<vmem>>) target(%dma_start3A_402 : memref<128x64xf32, #tpu.memory_space<vmem_shared>>) target_semaphore(%run_scoped3A_398 : memref<!tpu.dma_semaphore, #tpu.memory_space<semaphore_mem>>)
      %dma_wait3A_403 = arith.constant 0 : i32
      %dma_wait3A_404 = tpu.memref_slice %arg16[%add3A_11, %dma_wait3A_403] : memref<10112x64xf32, #tpu.memory_space<vmem_shared>> -> memref<128x64xf32, #tpu.memory_space<vmem_shared>>
      %dma_wait3A_405 = arith.constant 0 : i32
      %dma_wait3A_406 = tpu.memref_slice %arg16[%add3A_11, %dma_wait3A_405] : memref<10112x64xf32, #tpu.memory_space<vmem_shared>> -> memref<128x64xf32, #tpu.memory_space<vmem_shared>>
      tpu.wait_dma2 semaphore(%run_scoped3A_398 : memref<!tpu.dma_semaphore, #tpu.memory_space<semaphore_mem>>) src(%arg8 : memref<128x64xf32, #tpu.memory_space<vmem>>) dst(%dma_wait3A_406 : memref<128x64xf32, #tpu.memory_space<vmem_shared>>)
      tpu.yield
    }) : () -> ()
    %add3A_12 = arith.constant 512 : i32
    %add3A_13 = arith.addi %mul3A_0, %add3A_12 : i32
    "tpu.region"() ({
      %run_scoped3A_398 = tpu.sem_alloc : memref<!tpu.dma_semaphore, #tpu.memory_space<semaphore_mem>>
      %dma_start3A_399 = arith.constant 0 : i32
      %dma_start3A_400 = arith.constant 0 : i32
      %dma_start3A_401 = tpu.memref_slice %arg8[%dma_start3A_399, %dma_start3A_400] : memref<128x64xf32, #tpu.memory_space<vmem>> -> memref<120x64xf32, #tpu.memory_space<vmem>>
      %dma_start3A_402 = arith.constant 0 : i32
      %dma_start3A_403 = tpu.memref_slice %arg16[%add3A_13, %dma_start3A_402] : memref<10112x64xf32, #tpu.memory_space<vmem_shared>> -> memref<120x64xf32, #tpu.memory_space<vmem_shared>>
      %dma_start3A_404 = arith.constant 0 : i32
      %dma_start3A_405 = tpu.memref_slice %arg16[%add3A_13, %dma_start3A_404] : memref<10112x64xf32, #tpu.memory_space<vmem_shared>> -> memref<120x64xf32, #tpu.memory_space<vmem_shared>>
      %dma_start3A_406 = arith.constant 0 : i32
      %dma_start3A_407 = arith.constant 0 : i32
      %dma_start3A_408 = tpu.memref_slice %arg8[%dma_start3A_406, %dma_start3A_407] : memref<128x64xf32, #tpu.memory_space<vmem>> -> memref<120x64xf32, #tpu.memory_space<vmem>>
      tpu.enqueue_dma source(%dma_start3A_408 : memref<120x64xf32, #tpu.memory_space<vmem>>) target(%dma_start3A_405 : memref<120x64xf32, #tpu.memory_space<vmem_shared>>) target_semaphore(%run_scoped3A_398 : memref<!tpu.dma_semaphore, #tpu.memory_space<semaphore_mem>>)
      %dma_wait3A_409 = arith.constant 0 : i32
      %dma_wait3A_410 = arith.constant 0 : i32
      %dma_wait3A_411 = tpu.memref_slice %arg8[%dma_wait3A_409, %dma_wait3A_410] : memref<128x64xf32, #tpu.memory_space<vmem>> -> memref<120x64xf32, #tpu.memory_space<vmem>>
      %dma_wait3A_412 = arith.constant 0 : i32
      %dma_wait3A_413 = tpu.memref_slice %arg16[%add3A_13, %dma_wait3A_412] : memref<10112x64xf32, #tpu.memory_space<vmem_shared>> -> memref<120x64xf32, #tpu.memory_space<vmem_shared>>
      %dma_wait3A_414 = arith.constant 0 : i32
      %dma_wait3A_415 = tpu.memref_slice %arg16[%add3A_13, %dma_wait3A_414] : memref<10112x64xf32, #tpu.memory_space<vmem_shared>> -> memref<120x64xf32, #tpu.memory_space<vmem_shared>>
      %dma_wait3A_416 = arith.constant 0 : i32
      %dma_wait3A_417 = arith.constant 0 : i32
      %dma_wait3A_418 = tpu.memref_slice %arg8[%dma_wait3A_416, %dma_wait3A_417] : memref<128x64xf32, #tpu.memory_space<vmem>> -> memref<120x64xf32, #tpu.memory_space<vmem>>
      tpu.wait_dma2 semaphore(%run_scoped3A_398 : memref<!tpu.dma_semaphore, #tpu.memory_space<semaphore_mem>>) src(%dma_wait3A_418 : memref<120x64xf32, #tpu.memory_space<vmem>>) dst(%dma_wait3A_415 : memref<120x64xf32, #tpu.memory_space<vmem_shared>>)
      tpu.yield
    }) : () -> ()
    %barrier3A = arith.constant 0 : index
    tpu.barrier barrier_id(%barrier3A)
    %mul3A_14 = arith.constant 160 : i32
    %mul3A_15 = arith.muli %arg1, %mul3A_14 : i32
    %add3A_16 = arith.constant 0 : i32
    %add3A_17 = arith.addi %mul3A_15, %add3A_16 : i32
    "tpu.region"() ({
      %run_scoped3A_398 = tpu.sem_alloc : memref<!tpu.dma_semaphore, #tpu.memory_space<semaphore_mem>>
      %dma_start3A_399 = arith.constant 0 : i32
      %dma_start3A_400 = tpu.memref_slice %arg3[%add3A_17, %dma_start3A_399] : memref<2560x128xi32, #tpu.memory_space<hbm>> -> memref<80x128xi32, #tpu.memory_space<hbm>>
      %dma_start3A_401 = arith.constant 0 : i32
      %dma_start3A_402 = tpu.memref_slice %arg3[%add3A_17, %dma_start3A_401] : memref<2560x128xi32, #tpu.memory_space<hbm>> -> memref<80x128xi32, #tpu.memory_space<hbm>>
      tpu.enqueue_dma source(%dma_start3A_402 : memref<80x128xi32, #tpu.memory_space<hbm>>) target(%arg6 : memref<80x128xi32, #tpu.memory_space<vmem>>) target_semaphore(%run_scoped3A_398 : memref<!tpu.dma_semaphore, #tpu.memory_space<semaphore_mem>>)
      %dma_wait3A_403 = arith.constant 0 : i32
      %dma_wait3A_404 = tpu.memref_slice %arg3[%add3A_17, %dma_wait3A_403] : memref<2560x128xi32, #tpu.memory_space<hbm>> -> memref<80x128xi32, #tpu.memory_space<hbm>>
      %dma_wait3A_405 = arith.constant 0 : i32
      %dma_wait3A_406 = tpu.memref_slice %arg3[%add3A_17, %dma_wait3A_405] : memref<2560x128xi32, #tpu.memory_space<hbm>> -> memref<80x128xi32, #tpu.memory_space<hbm>>
      tpu.wait_dma2 semaphore(%run_scoped3A_398 : memref<!tpu.dma_semaphore, #tpu.memory_space<semaphore_mem>>) src(%dma_wait3A_406 : memref<80x128xi32, #tpu.memory_space<hbm>>) dst(%arg6 : memref<80x128xi32, #tpu.memory_space<vmem>>)
      tpu.yield
    }) : () -> ()
    "tpu.region"() ({
      %run_scoped3A_398 = tpu.sem_alloc : memref<!tpu.dma_semaphore, #tpu.memory_space<semaphore_mem>>
      %dma_start3A_399 = arith.constant 0 : i32
      %dma_start3A_400 = tpu.memref_slice %arg4[%add3A_17, %dma_start3A_399] : memref<2560x128xi32, #tpu.memory_space<hbm>> -> memref<80x128xi32, #tpu.memory_space<hbm>>
      %dma_start3A_401 = arith.constant 0 : i32
      %dma_start3A_402 = tpu.memref_slice %arg4[%add3A_17, %dma_start3A_401] : memref<2560x128xi32, #tpu.memory_space<hbm>> -> memref<80x128xi32, #tpu.memory_space<hbm>>
      tpu.enqueue_dma source(%dma_start3A_402 : memref<80x128xi32, #tpu.memory_space<hbm>>) target(%arg7 : memref<80x128xi32, #tpu.memory_space<vmem>>) target_semaphore(%run_scoped3A_398 : memref<!tpu.dma_semaphore, #tpu.memory_space<semaphore_mem>>)
      %dma_wait3A_403 = arith.constant 0 : i32
      %dma_wait3A_404 = tpu.memref_slice %arg4[%add3A_17, %dma_wait3A_403] : memref<2560x128xi32, #tpu.memory_space<hbm>> -> memref<80x128xi32, #tpu.memory_space<hbm>>
      %dma_wait3A_405 = arith.constant 0 : i32
      %dma_wait3A_406 = tpu.memref_slice %arg4[%add3A_17, %dma_wait3A_405] : memref<2560x128xi32, #tpu.memory_space<hbm>> -> memref<80x128xi32, #tpu.memory_space<hbm>>
      tpu.wait_dma2 semaphore(%run_scoped3A_398 : memref<!tpu.dma_semaphore, #tpu.memory_space<semaphore_mem>>) src(%dma_wait3A_406 : memref<80x128xi32, #tpu.memory_space<hbm>>) dst(%arg7 : memref<80x128xi32, #tpu.memory_space<vmem>>)
      tpu.yield
    }) : () -> ()
    %dma_start3A = arith.constant 0 : i32
    %dma_start3A_18 = arith.constant 0 : i32
    %dma_start3A_19 = tpu.memref_slice %arg6[%dma_start3A, %dma_start3A_18] : memref<80x128xi32, #tpu.memory_space<vmem>> -> memref<1x128xi32, #tpu.memory_space<vmem>>
    %dma_start3A_20 = tpu.memref_squeeze %dma_start3A_19 : memref<1x128xi32, #tpu.memory_space<vmem>> -> memref<128xi32, #tpu.memory_space<vmem>>
    %dma_start3A_21 = arith.constant 0 : i32
    %dma_start3A_22 = arith.constant 0 : i32
    %dma_start3A_23 = tpu.memref_slice %arg2[%arg0, %dma_start3A_21, %dma_start3A_22] : memref<2x10112x64xf32, #tpu.memory_space<hbm>> -> memref<1x10112x64xf32, #tpu.memory_space<hbm>>
    %dma_start3A_24 = tpu.memref_squeeze %dma_start3A_23 : memref<1x10112x64xf32, #tpu.memory_space<hbm>> -> memref<10112x64xf32, #tpu.memory_space<hbm>>
    %dma_start3A_25 = arith.constant 0 : i32
    %dma_start3A_26 = arith.constant 0 : i32
    %dma_start3A_27 = tpu.memref_slice %dma_start3A_24[%dma_start3A_25, %dma_start3A_26] : memref<10112x64xf32, #tpu.memory_space<hbm>> -> memref<10112x64xf32, #tpu.memory_space<hbm>>
    tpu.enqueue_indirect_dma source(%dma_start3A_27 : memref<10112x64xf32, #tpu.memory_space<hbm>>) target(%arg8 : memref<128x64xf32, #tpu.memory_space<vmem>>) offsets(%dma_start3A_20 : memref<128xi32, #tpu.memory_space<vmem>>) semaphore(%arg17 : memref<!tpu.dma_semaphore, #tpu.memory_space<semaphore_mem>>)
    %dma_start3A_28 = arith.constant 1 : i32
    %dma_start3A_29 = arith.constant 0 : i32
    %dma_start3A_30 = tpu.memref_slice %arg6[%dma_start3A_28, %dma_start3A_29] : memref<80x128xi32, #tpu.memory_space<vmem>> -> memref<1x128xi32, #tpu.memory_space<vmem>>
    %dma_start3A_31 = tpu.memref_squeeze %dma_start3A_30 : memref<1x128xi32, #tpu.memory_space<vmem>> -> memref<128xi32, #tpu.memory_space<vmem>>
    %dma_start3A_32 = arith.constant 0 : i32
    %dma_start3A_33 = arith.constant 0 : i32
    %dma_start3A_34 = tpu.memref_slice %arg2[%arg0, %dma_start3A_32, %dma_start3A_33] : memref<2x10112x64xf32, #tpu.memory_space<hbm>> -> memref<1x10112x64xf32, #tpu.memory_space<hbm>>
    %dma_start3A_35 = tpu.memref_squeeze %dma_start3A_34 : memref<1x10112x64xf32, #tpu.memory_space<hbm>> -> memref<10112x64xf32, #tpu.memory_space<hbm>>
    %dma_start3A_36 = arith.constant 0 : i32
    %dma_start3A_37 = arith.constant 0 : i32
    %dma_start3A_38 = tpu.memref_slice %dma_start3A_35[%dma_start3A_36, %dma_start3A_37] : memref<10112x64xf32, #tpu.memory_space<hbm>> -> memref<10112x64xf32, #tpu.memory_space<hbm>>
    tpu.enqueue_indirect_dma source(%dma_start3A_38 : memref<10112x64xf32, #tpu.memory_space<hbm>>) target(%arg9 : memref<128x64xf32, #tpu.memory_space<vmem>>) offsets(%dma_start3A_31 : memref<128xi32, #tpu.memory_space<vmem>>) semaphore(%arg18 : memref<!tpu.dma_semaphore, #tpu.memory_space<semaphore_mem>>)
    %dma_start3A_39 = arith.constant 2 : i32
    %dma_start3A_40 = arith.constant 0 : i32
    %dma_start3A_41 = tpu.memref_slice %arg6[%dma_start3A_39, %dma_start3A_40] : memref<80x128xi32, #tpu.memory_space<vmem>> -> memref<1x128xi32, #tpu.memory_space<vmem>>
    %dma_start3A_42 = tpu.memref_squeeze %dma_start3A_41 : memref<1x128xi32, #tpu.memory_space<vmem>> -> memref<128xi32, #tpu.memory_space<vmem>>
    %dma_start3A_43 = arith.constant 0 : i32
    %dma_start3A_44 = arith.constant 0 : i32
    %dma_start3A_45 = tpu.memref_slice %arg2[%arg0, %dma_start3A_43, %dma_start3A_44] : memref<2x10112x64xf32, #tpu.memory_space<hbm>> -> memref<1x10112x64xf32, #tpu.memory_space<hbm>>
    %dma_start3A_46 = tpu.memref_squeeze %dma_start3A_45 : memref<1x10112x64xf32, #tpu.memory_space<hbm>> -> memref<10112x64xf32, #tpu.memory_space<hbm>>
    %dma_start3A_47 = arith.constant 0 : i32
    %dma_start3A_48 = arith.constant 0 : i32
    %dma_start3A_49 = tpu.memref_slice %dma_start3A_46[%dma_start3A_47, %dma_start3A_48] : memref<10112x64xf32, #tpu.memory_space<hbm>> -> memref<10112x64xf32, #tpu.memory_space<hbm>>
    tpu.enqueue_indirect_dma source(%dma_start3A_49 : memref<10112x64xf32, #tpu.memory_space<hbm>>) target(%arg10 : memref<128x64xf32, #tpu.memory_space<vmem>>) offsets(%dma_start3A_42 : memref<128xi32, #tpu.memory_space<vmem>>) semaphore(%arg19 : memref<!tpu.dma_semaphore, #tpu.memory_space<semaphore_mem>>)
    %dma_start3A_50 = arith.constant 3 : i32
    %dma_start3A_51 = arith.constant 0 : i32
    %dma_start3A_52 = tpu.memref_slice %arg6[%dma_start3A_50, %dma_start3A_51] : memref<80x128xi32, #tpu.memory_space<vmem>> -> memref<1x128xi32, #tpu.memory_space<vmem>>
    %dma_start3A_53 = tpu.memref_squeeze %dma_start3A_52 : memref<1x128xi32, #tpu.memory_space<vmem>> -> memref<128xi32, #tpu.memory_space<vmem>>
    %dma_start3A_54 = arith.constant 0 : i32
    %dma_start3A_55 = arith.constant 0 : i32
    %dma_start3A_56 = tpu.memref_slice %arg2[%arg0, %dma_start3A_54, %dma_start3A_55] : memref<2x10112x64xf32, #tpu.memory_space<hbm>> -> memref<1x10112x64xf32, #tpu.memory_space<hbm>>
    %dma_start3A_57 = tpu.memref_squeeze %dma_start3A_56 : memref<1x10112x64xf32, #tpu.memory_space<hbm>> -> memref<10112x64xf32, #tpu.memory_space<hbm>>
    %dma_start3A_58 = arith.constant 0 : i32
    %dma_start3A_59 = arith.constant 0 : i32
    %dma_start3A_60 = tpu.memref_slice %dma_start3A_57[%dma_start3A_58, %dma_start3A_59] : memref<10112x64xf32, #tpu.memory_space<hbm>> -> memref<10112x64xf32, #tpu.memory_space<hbm>>
    tpu.enqueue_indirect_dma source(%dma_start3A_60 : memref<10112x64xf32, #tpu.memory_space<hbm>>) target(%arg11 : memref<128x64xf32, #tpu.memory_space<vmem>>) offsets(%dma_start3A_53 : memref<128xi32, #tpu.memory_space<vmem>>) semaphore(%arg20 : memref<!tpu.dma_semaphore, #tpu.memory_space<semaphore_mem>>)
    %dma_start3A_61 = arith.constant 4 : i32
    %dma_start3A_62 = arith.constant 0 : i32
    %dma_start3A_63 = tpu.memref_slice %arg6[%dma_start3A_61, %dma_start3A_62] : memref<80x128xi32, #tpu.memory_space<vmem>> -> memref<1x128xi32, #tpu.memory_space<vmem>>
    %dma_start3A_64 = tpu.memref_squeeze %dma_start3A_63 : memref<1x128xi32, #tpu.memory_space<vmem>> -> memref<128xi32, #tpu.memory_space<vmem>>
    %dma_start3A_65 = arith.constant 0 : i32
    %dma_start3A_66 = arith.constant 0 : i32
    %dma_start3A_67 = tpu.memref_slice %arg2[%arg0, %dma_start3A_65, %dma_start3A_66] : memref<2x10112x64xf32, #tpu.memory_space<hbm>> -> memref<1x10112x64xf32, #tpu.memory_space<hbm>>
    %dma_start3A_68 = tpu.memref_squeeze %dma_start3A_67 : memref<1x10112x64xf32, #tpu.memory_space<hbm>> -> memref<10112x64xf32, #tpu.memory_space<hbm>>
    %dma_start3A_69 = arith.constant 0 : i32
    %dma_start3A_70 = arith.constant 0 : i32
    %dma_start3A_71 = tpu.memref_slice %dma_start3A_68[%dma_start3A_69, %dma_start3A_70] : memref<10112x64xf32, #tpu.memory_space<hbm>> -> memref<10112x64xf32, #tpu.memory_space<hbm>>
    tpu.enqueue_indirect_dma source(%dma_start3A_71 : memref<10112x64xf32, #tpu.memory_space<hbm>>) target(%arg12 : memref<128x64xf32, #tpu.memory_space<vmem>>) offsets(%dma_start3A_64 : memref<128xi32, #tpu.memory_space<vmem>>) semaphore(%arg21 : memref<!tpu.dma_semaphore, #tpu.memory_space<semaphore_mem>>)
    %dma_start3A_72 = arith.constant 5 : i32
    %dma_start3A_73 = arith.constant 0 : i32
    %dma_start3A_74 = tpu.memref_slice %arg6[%dma_start3A_72, %dma_start3A_73] : memref<80x128xi32, #tpu.memory_space<vmem>> -> memref<1x128xi32, #tpu.memory_space<vmem>>
    %dma_start3A_75 = tpu.memref_squeeze %dma_start3A_74 : memref<1x128xi32, #tpu.memory_space<vmem>> -> memref<128xi32, #tpu.memory_space<vmem>>
    %dma_start3A_76 = arith.constant 0 : i32
    %dma_start3A_77 = arith.constant 0 : i32
    %dma_start3A_78 = tpu.memref_slice %arg2[%arg0, %dma_start3A_76, %dma_start3A_77] : memref<2x10112x64xf32, #tpu.memory_space<hbm>> -> memref<1x10112x64xf32, #tpu.memory_space<hbm>>
    %dma_start3A_79 = tpu.memref_squeeze %dma_start3A_78 : memref<1x10112x64xf32, #tpu.memory_space<hbm>> -> memref<10112x64xf32, #tpu.memory_space<hbm>>
    %dma_start3A_80 = arith.constant 0 : i32
    %dma_start3A_81 = arith.constant 0 : i32
    %dma_start3A_82 = tpu.memref_slice %dma_start3A_79[%dma_start3A_80, %dma_start3A_81] : memref<10112x64xf32, #tpu.memory_space<hbm>> -> memref<10112x64xf32, #tpu.memory_space<hbm>>
    tpu.enqueue_indirect_dma source(%dma_start3A_82 : memref<10112x64xf32, #tpu.memory_space<hbm>>) target(%arg13 : memref<128x64xf32, #tpu.memory_space<vmem>>) offsets(%dma_start3A_75 : memref<128xi32, #tpu.memory_space<vmem>>) semaphore(%arg22 : memref<!tpu.dma_semaphore, #tpu.memory_space<semaphore_mem>>)
    %dma_start3A_83 = arith.constant 6 : i32
    %dma_start3A_84 = arith.constant 0 : i32
    %dma_start3A_85 = tpu.memref_slice %arg6[%dma_start3A_83, %dma_start3A_84] : memref<80x128xi32, #tpu.memory_space<vmem>> -> memref<1x128xi32, #tpu.memory_space<vmem>>
    %dma_start3A_86 = tpu.memref_squeeze %dma_start3A_85 : memref<1x128xi32, #tpu.memory_space<vmem>> -> memref<128xi32, #tpu.memory_space<vmem>>
    %dma_start3A_87 = arith.constant 0 : i32
    %dma_start3A_88 = arith.constant 0 : i32
    %dma_start3A_89 = tpu.memref_slice %arg2[%arg0, %dma_start3A_87, %dma_start3A_88] : memref<2x10112x64xf32, #tpu.memory_space<hbm>> -> memref<1x10112x64xf32, #tpu.memory_space<hbm>>
    %dma_start3A_90 = tpu.memref_squeeze %dma_start3A_89 : memref<1x10112x64xf32, #tpu.memory_space<hbm>> -> memref<10112x64xf32, #tpu.memory_space<hbm>>
    %dma_start3A_91 = arith.constant 0 : i32
    %dma_start3A_92 = arith.constant 0 : i32
    %dma_start3A_93 = tpu.memref_slice %dma_start3A_90[%dma_start3A_91, %dma_start3A_92] : memref<10112x64xf32, #tpu.memory_space<hbm>> -> memref<10112x64xf32, #tpu.memory_space<hbm>>
    tpu.enqueue_indirect_dma source(%dma_start3A_93 : memref<10112x64xf32, #tpu.memory_space<hbm>>) target(%arg14 : memref<128x64xf32, #tpu.memory_space<vmem>>) offsets(%dma_start3A_86 : memref<128xi32, #tpu.memory_space<vmem>>) semaphore(%arg23 : memref<!tpu.dma_semaphore, #tpu.memory_space<semaphore_mem>>)
    %dma_start3A_94 = arith.constant 7 : i32
    %dma_start3A_95 = arith.constant 0 : i32
    %dma_start3A_96 = tpu.memref_slice %arg6[%dma_start3A_94, %dma_start3A_95] : memref<80x128xi32, #tpu.memory_space<vmem>> -> memref<1x128xi32, #tpu.memory_space<vmem>>
    %dma_start3A_97 = tpu.memref_squeeze %dma_start3A_96 : memref<1x128xi32, #tpu.memory_space<vmem>> -> memref<128xi32, #tpu.memory_space<vmem>>
    %dma_start3A_98 = arith.constant 0 : i32
    %dma_start3A_99 = arith.constant 0 : i32
    %dma_start3A_100 = tpu.memref_slice %arg2[%arg0, %dma_start3A_98, %dma_start3A_99] : memref<2x10112x64xf32, #tpu.memory_space<hbm>> -> memref<1x10112x64xf32, #tpu.memory_space<hbm>>
    %dma_start3A_101 = tpu.memref_squeeze %dma_start3A_100 : memref<1x10112x64xf32, #tpu.memory_space<hbm>> -> memref<10112x64xf32, #tpu.memory_space<hbm>>
    %dma_start3A_102 = arith.constant 0 : i32
    %dma_start3A_103 = arith.constant 0 : i32
    %dma_start3A_104 = tpu.memref_slice %dma_start3A_101[%dma_start3A_102, %dma_start3A_103] : memref<10112x64xf32, #tpu.memory_space<hbm>> -> memref<10112x64xf32, #tpu.memory_space<hbm>>
    tpu.enqueue_indirect_dma source(%dma_start3A_104 : memref<10112x64xf32, #tpu.memory_space<hbm>>) target(%arg15 : memref<128x64xf32, #tpu.memory_space<vmem>>) offsets(%dma_start3A_97 : memref<128xi32, #tpu.memory_space<vmem>>) semaphore(%arg24 : memref<!tpu.dma_semaphore, #tpu.memory_space<semaphore_mem>>)
    %scan3A_105 = arith.constant 0 : i32
    %scan3A_106 = arith.constant 9 : i32
    %scan3A_107 = arith.addi %scan3A_105, %scan3A_106 : i32
    %scan3A_108 = arith.constant 1 : i32
    scf.for %scan3A_398 = %scan3A_105 to %scan3A_107 step %scan3A_108  : i32 {
      %mul3A_399 = arith.constant 1 : i32
      %mul3A_400 = arith.muli %scan3A_398, %mul3A_399 : i32
      %add3A_401 = arith.constant 0 : i32
      %add3A_402 = arith.addi %add3A_401, %mul3A_400 : i32
      %mul3A_403 = arith.constant 8 : i32
      %mul3A_404 = arith.muli %add3A_402, %mul3A_403 : i32
      %add3A_405 = arith.constant 0 : i32
      %add3A_406 = arith.addi %mul3A_404, %add3A_405 : i32
      %dma_wait3A_407 = arith.constant 0 : i32
      %dma_wait3A_408 = tpu.memref_slice %arg6[%add3A_406, %dma_wait3A_407] : memref<80x128xi32, #tpu.memory_space<vmem>> -> memref<1x128xi32, #tpu.memory_space<vmem>>
      %dma_wait3A_409 = tpu.memref_squeeze %dma_wait3A_408 : memref<1x128xi32, #tpu.memory_space<vmem>> -> memref<128xi32, #tpu.memory_space<vmem>>
      %dma_wait3A_410 = arith.constant 0 : i32
      %dma_wait3A_411 = arith.constant 0 : i32
      %dma_wait3A_412 = tpu.memref_slice %arg2[%arg0, %dma_wait3A_410, %dma_wait3A_411] : memref<2x10112x64xf32, #tpu.memory_space<hbm>> -> memref<1x10112x64xf32, #tpu.memory_space<hbm>>
      %dma_wait3A_413 = tpu.memref_squeeze %dma_wait3A_412 : memref<1x10112x64xf32, #tpu.memory_space<hbm>> -> memref<10112x64xf32, #tpu.memory_space<hbm>>
      %dma_wait3A_414 = arith.constant 0 : i32
      %dma_wait3A_415 = arith.constant 0 : i32
      %dma_wait3A_416 = tpu.memref_slice %dma_wait3A_413[%dma_wait3A_414, %dma_wait3A_415] : memref<10112x64xf32, #tpu.memory_space<hbm>> -> memref<10112x64xf32, #tpu.memory_space<hbm>>
      tpu.wait_indirect_dma semaphore(%arg17 : memref<!tpu.dma_semaphore, #tpu.memory_space<semaphore_mem>>) src(%dma_wait3A_416 : memref<10112x64xf32, #tpu.memory_space<hbm>>) dst(%arg8 : memref<128x64xf32, #tpu.memory_space<vmem>>)
      "tpu.region"() ({
        %run_scoped3A_611 = tpu.sem_alloc : memref<!tpu.dma_semaphore, #tpu.memory_space<semaphore_mem>>
        %dma_start3A_612 = arith.constant 0 : i32
        %dma_start3A_613 = tpu.memref_slice %arg7[%add3A_406, %dma_start3A_612] : memref<80x128xi32, #tpu.memory_space<vmem>> -> memref<1x128xi32, #tpu.memory_space<vmem>>
        %dma_start3A_614 = tpu.memref_squeeze %dma_start3A_613 : memref<1x128xi32, #tpu.memory_space<vmem>> -> memref<128xi32, #tpu.memory_space<vmem>>
        %dma_start3A_615 = arith.constant 0 : i32
        %dma_start3A_616 = arith.constant 0 : i32
        %dma_start3A_617 = tpu.memref_slice %arg16[%dma_start3A_615, %dma_start3A_616] : memref<10112x64xf32, #tpu.memory_space<vmem_shared>> -> memref<10112x64xf32, #tpu.memory_space<vmem_shared>>
        tpu.enqueue_indirect_dma source(%arg8 : memref<128x64xf32, #tpu.memory_space<vmem>>) target(%dma_start3A_617 : memref<10112x64xf32, #tpu.memory_space<vmem_shared>>) offsets(%dma_start3A_614 : memref<128xi32, #tpu.memory_space<vmem>>) semaphore(%run_scoped3A_611 : memref<!tpu.dma_semaphore, #tpu.memory_space<semaphore_mem>>) {add = true}
        %dma_wait3A_618 = arith.constant 0 : i32
        %dma_wait3A_619 = tpu.memref_slice %arg7[%add3A_406, %dma_wait3A_618] : memref<80x128xi32, #tpu.memory_space<vmem>> -> memref<1x128xi32, #tpu.memory_space<vmem>>
        %dma_wait3A_620 = tpu.memref_squeeze %dma_wait3A_619 : memref<1x128xi32, #tpu.memory_space<vmem>> -> memref<128xi32, #tpu.memory_space<vmem>>
        %dma_wait3A_621 = arith.constant 0 : i32
        %dma_wait3A_622 = arith.constant 0 : i32
        %dma_wait3A_623 = tpu.memref_slice %arg16[%dma_wait3A_621, %dma_wait3A_622] : memref<10112x64xf32, #tpu.memory_space<vmem_shared>> -> memref<10112x64xf32, #tpu.memory_space<vmem_shared>>
        tpu.wait_indirect_dma semaphore(%run_scoped3A_611 : memref<!tpu.dma_semaphore, #tpu.memory_space<semaphore_mem>>) src(%arg8 : memref<128x64xf32, #tpu.memory_space<vmem>>) dst(%dma_wait3A_623 : memref<10112x64xf32, #tpu.memory_space<vmem_shared>>)
        tpu.yield
      }) : () -> ()
      %add3A_417 = arith.constant 8 : i32
      %add3A_418 = arith.addi %add3A_406, %add3A_417 : i32
      %dma_start3A_419 = arith.constant 0 : i32
      %dma_start3A_420 = tpu.memref_slice %arg6[%add3A_418, %dma_start3A_419] : memref<80x128xi32, #tpu.memory_space<vmem>> -> memref<1x128xi32, #tpu.memory_space<vmem>>
      %dma_start3A_421 = tpu.memref_squeeze %dma_start3A_420 : memref<1x128xi32, #tpu.memory_space<vmem>> -> memref<128xi32, #tpu.memory_space<vmem>>
      %dma_start3A_422 = arith.constant 0 : i32
      %dma_start3A_423 = arith.constant 0 : i32
      %dma_start3A_424 = tpu.memref_slice %arg2[%arg0, %dma_start3A_422, %dma_start3A_423] : memref<2x10112x64xf32, #tpu.memory_space<hbm>> -> memref<1x10112x64xf32, #tpu.memory_space<hbm>>
      %dma_start3A_425 = tpu.memref_squeeze %dma_start3A_424 : memref<1x10112x64xf32, #tpu.memory_space<hbm>> -> memref<10112x64xf32, #tpu.memory_space<hbm>>
      %dma_start3A_426 = arith.constant 0 : i32
      %dma_start3A_427 = arith.constant 0 : i32
      %dma_start3A_428 = tpu.memref_slice %dma_start3A_425[%dma_start3A_426, %dma_start3A_427] : memref<10112x64xf32, #tpu.memory_space<hbm>> -> memref<10112x64xf32, #tpu.memory_space<hbm>>
      tpu.enqueue_indirect_dma source(%dma_start3A_428 : memref<10112x64xf32, #tpu.memory_space<hbm>>) target(%arg8 : memref<128x64xf32, #tpu.memory_space<vmem>>) offsets(%dma_start3A_421 : memref<128xi32, #tpu.memory_space<vmem>>) semaphore(%arg17 : memref<!tpu.dma_semaphore, #tpu.memory_space<semaphore_mem>>)
      %mul3A_429 = arith.constant 8 : i32
      %mul3A_430 = arith.muli %add3A_402, %mul3A_429 : i32
      %add3A_431 = arith.constant 1 : i32
      %add3A_432 = arith.addi %mul3A_430, %add3A_431 : i32
      %dma_wait3A_433 = arith.constant 0 : i32
      %dma_wait3A_434 = tpu.memref_slice %arg6[%add3A_432, %dma_wait3A_433] : memref<80x128xi32, #tpu.memory_space<vmem>> -> memref<1x128xi32, #tpu.memory_space<vmem>>
      %dma_wait3A_435 = tpu.memref_squeeze %dma_wait3A_434 : memref<1x128xi32, #tpu.memory_space<vmem>> -> memref<128xi32, #tpu.memory_space<vmem>>
      %dma_wait3A_436 = arith.constant 0 : i32
      %dma_wait3A_437 = arith.constant 0 : i32
      %dma_wait3A_438 = tpu.memref_slice %arg2[%arg0, %dma_wait3A_436, %dma_wait3A_437] : memref<2x10112x64xf32, #tpu.memory_space<hbm>> -> memref<1x10112x64xf32, #tpu.memory_space<hbm>>
      %dma_wait3A_439 = tpu.memref_squeeze %dma_wait3A_438 : memref<1x10112x64xf32, #tpu.memory_space<hbm>> -> memref<10112x64xf32, #tpu.memory_space<hbm>>
      %dma_wait3A_440 = arith.constant 0 : i32
      %dma_wait3A_441 = arith.constant 0 : i32
      %dma_wait3A_442 = tpu.memref_slice %dma_wait3A_439[%dma_wait3A_440, %dma_wait3A_441] : memref<10112x64xf32, #tpu.memory_space<hbm>> -> memref<10112x64xf32, #tpu.memory_space<hbm>>
      tpu.wait_indirect_dma semaphore(%arg18 : memref<!tpu.dma_semaphore, #tpu.memory_space<semaphore_mem>>) src(%dma_wait3A_442 : memref<10112x64xf32, #tpu.memory_space<hbm>>) dst(%arg9 : memref<128x64xf32, #tpu.memory_space<vmem>>)
      "tpu.region"() ({
        %run_scoped3A_611 = tpu.sem_alloc : memref<!tpu.dma_semaphore, #tpu.memory_space<semaphore_mem>>
        %dma_start3A_612 = arith.constant 0 : i32
        %dma_start3A_613 = tpu.memref_slice %arg7[%add3A_432, %dma_start3A_612] : memref<80x128xi32, #tpu.memory_space<vmem>> -> memref<1x128xi32, #tpu.memory_space<vmem>>
        %dma_start3A_614 = tpu.memref_squeeze %dma_start3A_613 : memref<1x128xi32, #tpu.memory_space<vmem>> -> memref<128xi32, #tpu.memory_space<vmem>>
        %dma_start3A_615 = arith.constant 0 : i32
        %dma_start3A_616 = arith.constant 0 : i32
        %dma_start3A_617 = tpu.memref_slice %arg16[%dma_start3A_615, %dma_start3A_616] : memref<10112x64xf32, #tpu.memory_space<vmem_shared>> -> memref<10112x64xf32, #tpu.memory_space<vmem_shared>>
        tpu.enqueue_indirect_dma source(%arg9 : memref<128x64xf32, #tpu.memory_space<vmem>>) target(%dma_start3A_617 : memref<10112x64xf32, #tpu.memory_space<vmem_shared>>) offsets(%dma_start3A_614 : memref<128xi32, #tpu.memory_space<vmem>>) semaphore(%run_scoped3A_611 : memref<!tpu.dma_semaphore, #tpu.memory_space<semaphore_mem>>) {add = true}
        %dma_wait3A_618 = arith.constant 0 : i32
        %dma_wait3A_619 = tpu.memref_slice %arg7[%add3A_432, %dma_wait3A_618] : memref<80x128xi32, #tpu.memory_space<vmem>> -> memref<1x128xi32, #tpu.memory_space<vmem>>
        %dma_wait3A_620 = tpu.memref_squeeze %dma_wait3A_619 : memref<1x128xi32, #tpu.memory_space<vmem>> -> memref<128xi32, #tpu.memory_space<vmem>>
        %dma_wait3A_621 = arith.constant 0 : i32
        %dma_wait3A_622 = arith.constant 0 : i32
        %dma_wait3A_623 = tpu.memref_slice %arg16[%dma_wait3A_621, %dma_wait3A_622] : memref<10112x64xf32, #tpu.memory_space<vmem_shared>> -> memref<10112x64xf32, #tpu.memory_space<vmem_shared>>
        tpu.wait_indirect_dma semaphore(%run_scoped3A_611 : memref<!tpu.dma_semaphore, #tpu.memory_space<semaphore_mem>>) src(%arg9 : memref<128x64xf32, #tpu.memory_space<vmem>>) dst(%dma_wait3A_623 : memref<10112x64xf32, #tpu.memory_space<vmem_shared>>)
        tpu.yield
      }) : () -> ()
      %add3A_443 = arith.constant 8 : i32
      %add3A_444 = arith.addi %add3A_432, %add3A_443 : i32
      %dma_start3A_445 = arith.constant 0 : i32
      %dma_start3A_446 = tpu.memref_slice %arg6[%add3A_444, %dma_start3A_445] : memref<80x128xi32, #tpu.memory_space<vmem>> -> memref<1x128xi32, #tpu.memory_space<vmem>>
      %dma_start3A_447 = tpu.memref_squeeze %dma_start3A_446 : memref<1x128xi32, #tpu.memory_space<vmem>> -> memref<128xi32, #tpu.memory_space<vmem>>
      %dma_start3A_448 = arith.constant 0 : i32
      %dma_start3A_449 = arith.constant 0 : i32
      %dma_start3A_450 = tpu.memref_slice %arg2[%arg0, %dma_start3A_448, %dma_start3A_449] : memref<2x10112x64xf32, #tpu.memory_space<hbm>> -> memref<1x10112x64xf32, #tpu.memory_space<hbm>>
      %dma_start3A_451 = tpu.memref_squeeze %dma_start3A_450 : memref<1x10112x64xf32, #tpu.memory_space<hbm>> -> memref<10112x64xf32, #tpu.memory_space<hbm>>
      %dma_start3A_452 = arith.constant 0 : i32
      %dma_start3A_453 = arith.constant 0 : i32
      %dma_start3A_454 = tpu.memref_slice %dma_start3A_451[%dma_start3A_452, %dma_start3A_453] : memref<10112x64xf32, #tpu.memory_space<hbm>> -> memref<10112x64xf32, #tpu.memory_space<hbm>>
      tpu.enqueue_indirect_dma source(%dma_start3A_454 : memref<10112x64xf32, #tpu.memory_space<hbm>>) target(%arg9 : memref<128x64xf32, #tpu.memory_space<vmem>>) offsets(%dma_start3A_447 : memref<128xi32, #tpu.memory_space<vmem>>) semaphore(%arg18 : memref<!tpu.dma_semaphore, #tpu.memory_space<semaphore_mem>>)
      %mul3A_455 = arith.constant 8 : i32
      %mul3A_456 = arith.muli %add3A_402, %mul3A_455 : i32
      %add3A_457 = arith.constant 2 : i32
      %add3A_458 = arith.addi %mul3A_456, %add3A_457 : i32
      %dma_wait3A_459 = arith.constant 0 : i32
      %dma_wait3A_460 = tpu.memref_slice %arg6[%add3A_458, %dma_wait3A_459] : memref<80x128xi32, #tpu.memory_space<vmem>> -> memref<1x128xi32, #tpu.memory_space<vmem>>
      %dma_wait3A_461 = tpu.memref_squeeze %dma_wait3A_460 : memref<1x128xi32, #tpu.memory_space<vmem>> -> memref<128xi32, #tpu.memory_space<vmem>>
      %dma_wait3A_462 = arith.constant 0 : i32
      %dma_wait3A_463 = arith.constant 0 : i32
      %dma_wait3A_464 = tpu.memref_slice %arg2[%arg0, %dma_wait3A_462, %dma_wait3A_463] : memref<2x10112x64xf32, #tpu.memory_space<hbm>> -> memref<1x10112x64xf32, #tpu.memory_space<hbm>>
      %dma_wait3A_465 = tpu.memref_squeeze %dma_wait3A_464 : memref<1x10112x64xf32, #tpu.memory_space<hbm>> -> memref<10112x64xf32, #tpu.memory_space<hbm>>
      %dma_wait3A_466 = arith.constant 0 : i32
      %dma_wait3A_467 = arith.constant 0 : i32
      %dma_wait3A_468 = tpu.memref_slice %dma_wait3A_465[%dma_wait3A_466, %dma_wait3A_467] : memref<10112x64xf32, #tpu.memory_space<hbm>> -> memref<10112x64xf32, #tpu.memory_space<hbm>>
      tpu.wait_indirect_dma semaphore(%arg19 : memref<!tpu.dma_semaphore, #tpu.memory_space<semaphore_mem>>) src(%dma_wait3A_468 : memref<10112x64xf32, #tpu.memory_space<hbm>>) dst(%arg10 : memref<128x64xf32, #tpu.memory_space<vmem>>)
      "tpu.region"() ({
        %run_scoped3A_611 = tpu.sem_alloc : memref<!tpu.dma_semaphore, #tpu.memory_space<semaphore_mem>>
        %dma_start3A_612 = arith.constant 0 : i32
        %dma_start3A_613 = tpu.memref_slice %arg7[%add3A_458, %dma_start3A_612] : memref<80x128xi32, #tpu.memory_space<vmem>> -> memref<1x128xi32, #tpu.memory_space<vmem>>
        %dma_start3A_614 = tpu.memref_squeeze %dma_start3A_613 : memref<1x128xi32, #tpu.memory_space<vmem>> -> memref<128xi32, #tpu.memory_space<vmem>>
        %dma_start3A_615 = arith.constant 0 : i32
        %dma_start3A_616 = arith.constant 0 : i32
        %dma_start3A_617 = tpu.memref_slice %arg16[%dma_start3A_615, %dma_start3A_616] : memref<10112x64xf32, #tpu.memory_space<vmem_shared>> -> memref<10112x64xf32, #tpu.memory_space<vmem_shared>>
        tpu.enqueue_indirect_dma source(%arg10 : memref<128x64xf32, #tpu.memory_space<vmem>>) target(%dma_start3A_617 : memref<10112x64xf32, #tpu.memory_space<vmem_shared>>) offsets(%dma_start3A_614 : memref<128xi32, #tpu.memory_space<vmem>>) semaphore(%run_scoped3A_611 : memref<!tpu.dma_semaphore, #tpu.memory_space<semaphore_mem>>) {add = true}
        %dma_wait3A_618 = arith.constant 0 : i32
        %dma_wait3A_619 = tpu.memref_slice %arg7[%add3A_458, %dma_wait3A_618] : memref<80x128xi32, #tpu.memory_space<vmem>> -> memref<1x128xi32, #tpu.memory_space<vmem>>
        %dma_wait3A_620 = tpu.memref_squeeze %dma_wait3A_619 : memref<1x128xi32, #tpu.memory_space<vmem>> -> memref<128xi32, #tpu.memory_space<vmem>>
        %dma_wait3A_621 = arith.constant 0 : i32
        %dma_wait3A_622 = arith.constant 0 : i32
        %dma_wait3A_623 = tpu.memref_slice %arg16[%dma_wait3A_621, %dma_wait3A_622] : memref<10112x64xf32, #tpu.memory_space<vmem_shared>> -> memref<10112x64xf32, #tpu.memory_space<vmem_shared>>
        tpu.wait_indirect_dma semaphore(%run_scoped3A_611 : memref<!tpu.dma_semaphore, #tpu.memory_space<semaphore_mem>>) src(%arg10 : memref<128x64xf32, #tpu.memory_space<vmem>>) dst(%dma_wait3A_623 : memref<10112x64xf32, #tpu.memory_space<vmem_shared>>)
        tpu.yield
      }) : () -> ()
      %add3A_469 = arith.constant 8 : i32
      %add3A_470 = arith.addi %add3A_458, %add3A_469 : i32
      %dma_start3A_471 = arith.constant 0 : i32
      %dma_start3A_472 = tpu.memref_slice %arg6[%add3A_470, %dma_start3A_471] : memref<80x128xi32, #tpu.memory_space<vmem>> -> memref<1x128xi32, #tpu.memory_space<vmem>>
      %dma_start3A_473 = tpu.memref_squeeze %dma_start3A_472 : memref<1x128xi32, #tpu.memory_space<vmem>> -> memref<128xi32, #tpu.memory_space<vmem>>
      %dma_start3A_474 = arith.constant 0 : i32
      %dma_start3A_475 = arith.constant 0 : i32
      %dma_start3A_476 = tpu.memref_slice %arg2[%arg0, %dma_start3A_474, %dma_start3A_475] : memref<2x10112x64xf32, #tpu.memory_space<hbm>> -> memref<1x10112x64xf32, #tpu.memory_space<hbm>>
      %dma_start3A_477 = tpu.memref_squeeze %dma_start3A_476 : memref<1x10112x64xf32, #tpu.memory_space<hbm>> -> memref<10112x64xf32, #tpu.memory_space<hbm>>
      %dma_start3A_478 = arith.constant 0 : i32
      %dma_start3A_479 = arith.constant 0 : i32
      %dma_start3A_480 = tpu.memref_slice %dma_start3A_477[%dma_start3A_478, %dma_start3A_479] : memref<10112x64xf32, #tpu.memory_space<hbm>> -> memref<10112x64xf32, #tpu.memory_space<hbm>>
      tpu.enqueue_indirect_dma source(%dma_start3A_480 : memref<10112x64xf32, #tpu.memory_space<hbm>>) target(%arg10 : memref<128x64xf32, #tpu.memory_space<vmem>>) offsets(%dma_start3A_473 : memref<128xi32, #tpu.memory_space<vmem>>) semaphore(%arg19 : memref<!tpu.dma_semaphore, #tpu.memory_space<semaphore_mem>>)
      %mul3A_481 = arith.constant 8 : i32
      %mul3A_482 = arith.muli %add3A_402, %mul3A_481 : i32
      %add3A_483 = arith.constant 3 : i32
      %add3A_484 = arith.addi %mul3A_482, %add3A_483 : i32
      %dma_wait3A_485 = arith.constant 0 : i32
      %dma_wait3A_486 = tpu.memref_slice %arg6[%add3A_484, %dma_wait3A_485] : memref<80x128xi32, #tpu.memory_space<vmem>> -> memref<1x128xi32, #tpu.memory_space<vmem>>
      %dma_wait3A_487 = tpu.memref_squeeze %dma_wait3A_486 : memref<1x128xi32, #tpu.memory_space<vmem>> -> memref<128xi32, #tpu.memory_space<vmem>>
      %dma_wait3A_488 = arith.constant 0 : i32
      %dma_wait3A_489 = arith.constant 0 : i32
      %dma_wait3A_490 = tpu.memref_slice %arg2[%arg0, %dma_wait3A_488, %dma_wait3A_489] : memref<2x10112x64xf32, #tpu.memory_space<hbm>> -> memref<1x10112x64xf32, #tpu.memory_space<hbm>>
      %dma_wait3A_491 = tpu.memref_squeeze %dma_wait3A_490 : memref<1x10112x64xf32, #tpu.memory_space<hbm>> -> memref<10112x64xf32, #tpu.memory_space<hbm>>
      %dma_wait3A_492 = arith.constant 0 : i32
      %dma_wait3A_493 = arith.constant 0 : i32
      %dma_wait3A_494 = tpu.memref_slice %dma_wait3A_491[%dma_wait3A_492, %dma_wait3A_493] : memref<10112x64xf32, #tpu.memory_space<hbm>> -> memref<10112x64xf32, #tpu.memory_space<hbm>>
      tpu.wait_indirect_dma semaphore(%arg20 : memref<!tpu.dma_semaphore, #tpu.memory_space<semaphore_mem>>) src(%dma_wait3A_494 : memref<10112x64xf32, #tpu.memory_space<hbm>>) dst(%arg11 : memref<128x64xf32, #tpu.memory_space<vmem>>)
      "tpu.region"() ({
        %run_scoped3A_611 = tpu.sem_alloc : memref<!tpu.dma_semaphore, #tpu.memory_space<semaphore_mem>>
        %dma_start3A_612 = arith.constant 0 : i32
        %dma_start3A_613 = tpu.memref_slice %arg7[%add3A_484, %dma_start3A_612] : memref<80x128xi32, #tpu.memory_space<vmem>> -> memref<1x128xi32, #tpu.memory_space<vmem>>
        %dma_start3A_614 = tpu.memref_squeeze %dma_start3A_613 : memref<1x128xi32, #tpu.memory_space<vmem>> -> memref<128xi32, #tpu.memory_space<vmem>>
        %dma_start3A_615 = arith.constant 0 : i32
        %dma_start3A_616 = arith.constant 0 : i32
        %dma_start3A_617 = tpu.memref_slice %arg16[%dma_start3A_615, %dma_start3A_616] : memref<10112x64xf32, #tpu.memory_space<vmem_shared>> -> memref<10112x64xf32, #tpu.memory_space<vmem_shared>>
        tpu.enqueue_indirect_dma source(%arg11 : memref<128x64xf32, #tpu.memory_space<vmem>>) target(%dma_start3A_617 : memref<10112x64xf32, #tpu.memory_space<vmem_shared>>) offsets(%dma_start3A_614 : memref<128xi32, #tpu.memory_space<vmem>>) semaphore(%run_scoped3A_611 : memref<!tpu.dma_semaphore, #tpu.memory_space<semaphore_mem>>) {add = true}
        %dma_wait3A_618 = arith.constant 0 : i32
        %dma_wait3A_619 = tpu.memref_slice %arg7[%add3A_484, %dma_wait3A_618] : memref<80x128xi32, #tpu.memory_space<vmem>> -> memref<1x128xi32, #tpu.memory_space<vmem>>
        %dma_wait3A_620 = tpu.memref_squeeze %dma_wait3A_619 : memref<1x128xi32, #tpu.memory_space<vmem>> -> memref<128xi32, #tpu.memory_space<vmem>>
        %dma_wait3A_621 = arith.constant 0 : i32
        %dma_wait3A_622 = arith.constant 0 : i32
        %dma_wait3A_623 = tpu.memref_slice %arg16[%dma_wait3A_621, %dma_wait3A_622] : memref<10112x64xf32, #tpu.memory_space<vmem_shared>> -> memref<10112x64xf32, #tpu.memory_space<vmem_shared>>
        tpu.wait_indirect_dma semaphore(%run_scoped3A_611 : memref<!tpu.dma_semaphore, #tpu.memory_space<semaphore_mem>>) src(%arg11 : memref<128x64xf32, #tpu.memory_space<vmem>>) dst(%dma_wait3A_623 : memref<10112x64xf32, #tpu.memory_space<vmem_shared>>)
        tpu.yield
      }) : () -> ()
      %add3A_495 = arith.constant 8 : i32
      %add3A_496 = arith.addi %add3A_484, %add3A_495 : i32
      %dma_start3A_497 = arith.constant 0 : i32
      %dma_start3A_498 = tpu.memref_slice %arg6[%add3A_496, %dma_start3A_497] : memref<80x128xi32, #tpu.memory_space<vmem>> -> memref<1x128xi32, #tpu.memory_space<vmem>>
      %dma_start3A_499 = tpu.memref_squeeze %dma_start3A_498 : memref<1x128xi32, #tpu.memory_space<vmem>> -> memref<128xi32, #tpu.memory_space<vmem>>
      %dma_start3A_500 = arith.constant 0 : i32
      %dma_start3A_501 = arith.constant 0 : i32
      %dma_start3A_502 = tpu.memref_slice %arg2[%arg0, %dma_start3A_500, %dma_start3A_501] : memref<2x10112x64xf32, #tpu.memory_space<hbm>> -> memref<1x10112x64xf32, #tpu.memory_space<hbm>>
      %dma_start3A_503 = tpu.memref_squeeze %dma_start3A_502 : memref<1x10112x64xf32, #tpu.memory_space<hbm>> -> memref<10112x64xf32, #tpu.memory_space<hbm>>
      %dma_start3A_504 = arith.constant 0 : i32
      %dma_start3A_505 = arith.constant 0 : i32
      %dma_start3A_506 = tpu.memref_slice %dma_start3A_503[%dma_start3A_504, %dma_start3A_505] : memref<10112x64xf32, #tpu.memory_space<hbm>> -> memref<10112x64xf32, #tpu.memory_space<hbm>>
      tpu.enqueue_indirect_dma source(%dma_start3A_506 : memref<10112x64xf32, #tpu.memory_space<hbm>>) target(%arg11 : memref<128x64xf32, #tpu.memory_space<vmem>>) offsets(%dma_start3A_499 : memref<128xi32, #tpu.memory_space<vmem>>) semaphore(%arg20 : memref<!tpu.dma_semaphore, #tpu.memory_space<semaphore_mem>>)
      %mul3A_507 = arith.constant 8 : i32
      %mul3A_508 = arith.muli %add3A_402, %mul3A_507 : i32
      %add3A_509 = arith.constant 4 : i32
      %add3A_510 = arith.addi %mul3A_508, %add3A_509 : i32
      %dma_wait3A_511 = arith.constant 0 : i32
      %dma_wait3A_512 = tpu.memref_slice %arg6[%add3A_510, %dma_wait3A_511] : memref<80x128xi32, #tpu.memory_space<vmem>> -> memref<1x128xi32, #tpu.memory_space<vmem>>
      %dma_wait3A_513 = tpu.memref_squeeze %dma_wait3A_512 : memref<1x128xi32, #tpu.memory_space<vmem>> -> memref<128xi32, #tpu.memory_space<vmem>>
      %dma_wait3A_514 = arith.constant 0 : i32
      %dma_wait3A_515 = arith.constant 0 : i32
      %dma_wait3A_516 = tpu.memref_slice %arg2[%arg0, %dma_wait3A_514, %dma_wait3A_515] : memref<2x10112x64xf32, #tpu.memory_space<hbm>> -> memref<1x10112x64xf32, #tpu.memory_space<hbm>>
      %dma_wait3A_517 = tpu.memref_squeeze %dma_wait3A_516 : memref<1x10112x64xf32, #tpu.memory_space<hbm>> -> memref<10112x64xf32, #tpu.memory_space<hbm>>
      %dma_wait3A_518 = arith.constant 0 : i32
      %dma_wait3A_519 = arith.constant 0 : i32
      %dma_wait3A_520 = tpu.memref_slice %dma_wait3A_517[%dma_wait3A_518, %dma_wait3A_519] : memref<10112x64xf32, #tpu.memory_space<hbm>> -> memref<10112x64xf32, #tpu.memory_space<hbm>>
      tpu.wait_indirect_dma semaphore(%arg21 : memref<!tpu.dma_semaphore, #tpu.memory_space<semaphore_mem>>) src(%dma_wait3A_520 : memref<10112x64xf32, #tpu.memory_space<hbm>>) dst(%arg12 : memref<128x64xf32, #tpu.memory_space<vmem>>)
      "tpu.region"() ({
        %run_scoped3A_611 = tpu.sem_alloc : memref<!tpu.dma_semaphore, #tpu.memory_space<semaphore_mem>>
        %dma_start3A_612 = arith.constant 0 : i32
        %dma_start3A_613 = tpu.memref_slice %arg7[%add3A_510, %dma_start3A_612] : memref<80x128xi32, #tpu.memory_space<vmem>> -> memref<1x128xi32, #tpu.memory_space<vmem>>
        %dma_start3A_614 = tpu.memref_squeeze %dma_start3A_613 : memref<1x128xi32, #tpu.memory_space<vmem>> -> memref<128xi32, #tpu.memory_space<vmem>>
        %dma_start3A_615 = arith.constant 0 : i32
        %dma_start3A_616 = arith.constant 0 : i32
        %dma_start3A_617 = tpu.memref_slice %arg16[%dma_start3A_615, %dma_start3A_616] : memref<10112x64xf32, #tpu.memory_space<vmem_shared>> -> memref<10112x64xf32, #tpu.memory_space<vmem_shared>>
        tpu.enqueue_indirect_dma source(%arg12 : memref<128x64xf32, #tpu.memory_space<vmem>>) target(%dma_start3A_617 : memref<10112x64xf32, #tpu.memory_space<vmem_shared>>) offsets(%dma_start3A_614 : memref<128xi32, #tpu.memory_space<vmem>>) semaphore(%run_scoped3A_611 : memref<!tpu.dma_semaphore, #tpu.memory_space<semaphore_mem>>) {add = true}
        %dma_wait3A_618 = arith.constant 0 : i32
        %dma_wait3A_619 = tpu.memref_slice %arg7[%add3A_510, %dma_wait3A_618] : memref<80x128xi32, #tpu.memory_space<vmem>> -> memref<1x128xi32, #tpu.memory_space<vmem>>
        %dma_wait3A_620 = tpu.memref_squeeze %dma_wait3A_619 : memref<1x128xi32, #tpu.memory_space<vmem>> -> memref<128xi32, #tpu.memory_space<vmem>>
        %dma_wait3A_621 = arith.constant 0 : i32
        %dma_wait3A_622 = arith.constant 0 : i32
        %dma_wait3A_623 = tpu.memref_slice %arg16[%dma_wait3A_621, %dma_wait3A_622] : memref<10112x64xf32, #tpu.memory_space<vmem_shared>> -> memref<10112x64xf32, #tpu.memory_space<vmem_shared>>
        tpu.wait_indirect_dma semaphore(%run_scoped3A_611 : memref<!tpu.dma_semaphore, #tpu.memory_space<semaphore_mem>>) src(%arg12 : memref<128x64xf32, #tpu.memory_space<vmem>>) dst(%dma_wait3A_623 : memref<10112x64xf32, #tpu.memory_space<vmem_shared>>)
        tpu.yield
      }) : () -> ()
      %add3A_521 = arith.constant 8 : i32
      %add3A_522 = arith.addi %add3A_510, %add3A_521 : i32
      %dma_start3A_523 = arith.constant 0 : i32
      %dma_start3A_524 = tpu.memref_slice %arg6[%add3A_522, %dma_start3A_523] : memref<80x128xi32, #tpu.memory_space<vmem>> -> memref<1x128xi32, #tpu.memory_space<vmem>>
      %dma_start3A_525 = tpu.memref_squeeze %dma_start3A_524 : memref<1x128xi32, #tpu.memory_space<vmem>> -> memref<128xi32, #tpu.memory_space<vmem>>
      %dma_start3A_526 = arith.constant 0 : i32
      %dma_start3A_527 = arith.constant 0 : i32
      %dma_start3A_528 = tpu.memref_slice %arg2[%arg0, %dma_start3A_526, %dma_start3A_527] : memref<2x10112x64xf32, #tpu.memory_space<hbm>> -> memref<1x10112x64xf32, #tpu.memory_space<hbm>>
      %dma_start3A_529 = tpu.memref_squeeze %dma_start3A_528 : memref<1x10112x64xf32, #tpu.memory_space<hbm>> -> memref<10112x64xf32, #tpu.memory_space<hbm>>
      %dma_start3A_530 = arith.constant 0 : i32
      %dma_start3A_531 = arith.constant 0 : i32
      %dma_start3A_532 = tpu.memref_slice %dma_start3A_529[%dma_start3A_530, %dma_start3A_531] : memref<10112x64xf32, #tpu.memory_space<hbm>> -> memref<10112x64xf32, #tpu.memory_space<hbm>>
      tpu.enqueue_indirect_dma source(%dma_start3A_532 : memref<10112x64xf32, #tpu.memory_space<hbm>>) target(%arg12 : memref<128x64xf32, #tpu.memory_space<vmem>>) offsets(%dma_start3A_525 : memref<128xi32, #tpu.memory_space<vmem>>) semaphore(%arg21 : memref<!tpu.dma_semaphore, #tpu.memory_space<semaphore_mem>>)
      %mul3A_533 = arith.constant 8 : i32
      %mul3A_534 = arith.muli %add3A_402, %mul3A_533 : i32
      %add3A_535 = arith.constant 5 : i32
      %add3A_536 = arith.addi %mul3A_534, %add3A_535 : i32
      %dma_wait3A_537 = arith.constant 0 : i32
      %dma_wait3A_538 = tpu.memref_slice %arg6[%add3A_536, %dma_wait3A_537] : memref<80x128xi32, #tpu.memory_space<vmem>> -> memref<1x128xi32, #tpu.memory_space<vmem>>
      %dma_wait3A_539 = tpu.memref_squeeze %dma_wait3A_538 : memref<1x128xi32, #tpu.memory_space<vmem>> -> memref<128xi32, #tpu.memory_space<vmem>>
      %dma_wait3A_540 = arith.constant 0 : i32
      %dma_wait3A_541 = arith.constant 0 : i32
      %dma_wait3A_542 = tpu.memref_slice %arg2[%arg0, %dma_wait3A_540, %dma_wait3A_541] : memref<2x10112x64xf32, #tpu.memory_space<hbm>> -> memref<1x10112x64xf32, #tpu.memory_space<hbm>>
      %dma_wait3A_543 = tpu.memref_squeeze %dma_wait3A_542 : memref<1x10112x64xf32, #tpu.memory_space<hbm>> -> memref<10112x64xf32, #tpu.memory_space<hbm>>
      %dma_wait3A_544 = arith.constant 0 : i32
      %dma_wait3A_545 = arith.constant 0 : i32
      %dma_wait3A_546 = tpu.memref_slice %dma_wait3A_543[%dma_wait3A_544, %dma_wait3A_545] : memref<10112x64xf32, #tpu.memory_space<hbm>> -> memref<10112x64xf32, #tpu.memory_space<hbm>>
      tpu.wait_indirect_dma semaphore(%arg22 : memref<!tpu.dma_semaphore, #tpu.memory_space<semaphore_mem>>) src(%dma_wait3A_546 : memref<10112x64xf32, #tpu.memory_space<hbm>>) dst(%arg13 : memref<128x64xf32, #tpu.memory_space<vmem>>)
      "tpu.region"() ({
        %run_scoped3A_611 = tpu.sem_alloc : memref<!tpu.dma_semaphore, #tpu.memory_space<semaphore_mem>>
        %dma_start3A_612 = arith.constant 0 : i32
        %dma_start3A_613 = tpu.memref_slice %arg7[%add3A_536, %dma_start3A_612] : memref<80x128xi32, #tpu.memory_space<vmem>> -> memref<1x128xi32, #tpu.memory_space<vmem>>
        %dma_start3A_614 = tpu.memref_squeeze %dma_start3A_613 : memref<1x128xi32, #tpu.memory_space<vmem>> -> memref<128xi32, #tpu.memory_space<vmem>>
        %dma_start3A_615 = arith.constant 0 : i32
        %dma_start3A_616 = arith.constant 0 : i32
        %dma_start3A_617 = tpu.memref_slice %arg16[%dma_start3A_615, %dma_start3A_616] : memref<10112x64xf32, #tpu.memory_space<vmem_shared>> -> memref<10112x64xf32, #tpu.memory_space<vmem_shared>>
        tpu.enqueue_indirect_dma source(%arg13 : memref<128x64xf32, #tpu.memory_space<vmem>>) target(%dma_start3A_617 : memref<10112x64xf32, #tpu.memory_space<vmem_shared>>) offsets(%dma_start3A_614 : memref<128xi32, #tpu.memory_space<vmem>>) semaphore(%run_scoped3A_611 : memref<!tpu.dma_semaphore, #tpu.memory_space<semaphore_mem>>) {add = true}
        %dma_wait3A_618 = arith.constant 0 : i32
        %dma_wait3A_619 = tpu.memref_slice %arg7[%add3A_536, %dma_wait3A_618] : memref<80x128xi32, #tpu.memory_space<vmem>> -> memref<1x128xi32, #tpu.memory_space<vmem>>
        %dma_wait3A_620 = tpu.memref_squeeze %dma_wait3A_619 : memref<1x128xi32, #tpu.memory_space<vmem>> -> memref<128xi32, #tpu.memory_space<vmem>>
        %dma_wait3A_621 = arith.constant 0 : i32
        %dma_wait3A_622 = arith.constant 0 : i32
        %dma_wait3A_623 = tpu.memref_slice %arg16[%dma_wait3A_621, %dma_wait3A_622] : memref<10112x64xf32, #tpu.memory_space<vmem_shared>> -> memref<10112x64xf32, #tpu.memory_space<vmem_shared>>
        tpu.wait_indirect_dma semaphore(%run_scoped3A_611 : memref<!tpu.dma_semaphore, #tpu.memory_space<semaphore_mem>>) src(%arg13 : memref<128x64xf32, #tpu.memory_space<vmem>>) dst(%dma_wait3A_623 : memref<10112x64xf32, #tpu.memory_space<vmem_shared>>)
        tpu.yield
      }) : () -> ()
      %add3A_547 = arith.constant 8 : i32
      %add3A_548 = arith.addi %add3A_536, %add3A_547 : i32
      %dma_start3A_549 = arith.constant 0 : i32
      %dma_start3A_550 = tpu.memref_slice %arg6[%add3A_548, %dma_start3A_549] : memref<80x128xi32, #tpu.memory_space<vmem>> -> memref<1x128xi32, #tpu.memory_space<vmem>>
      %dma_start3A_551 = tpu.memref_squeeze %dma_start3A_550 : memref<1x128xi32, #tpu.memory_space<vmem>> -> memref<128xi32, #tpu.memory_space<vmem>>
      %dma_start3A_552 = arith.constant 0 : i32
      %dma_start3A_553 = arith.constant 0 : i32
      %dma_start3A_554 = tpu.memref_slice %arg2[%arg0, %dma_start3A_552, %dma_start3A_553] : memref<2x10112x64xf32, #tpu.memory_space<hbm>> -> memref<1x10112x64xf32, #tpu.memory_space<hbm>>
      %dma_start3A_555 = tpu.memref_squeeze %dma_start3A_554 : memref<1x10112x64xf32, #tpu.memory_space<hbm>> -> memref<10112x64xf32, #tpu.memory_space<hbm>>
      %dma_start3A_556 = arith.constant 0 : i32
      %dma_start3A_557 = arith.constant 0 : i32
      %dma_start3A_558 = tpu.memref_slice %dma_start3A_555[%dma_start3A_556, %dma_start3A_557] : memref<10112x64xf32, #tpu.memory_space<hbm>> -> memref<10112x64xf32, #tpu.memory_space<hbm>>
      tpu.enqueue_indirect_dma source(%dma_start3A_558 : memref<10112x64xf32, #tpu.memory_space<hbm>>) target(%arg13 : memref<128x64xf32, #tpu.memory_space<vmem>>) offsets(%dma_start3A_551 : memref<128xi32, #tpu.memory_space<vmem>>) semaphore(%arg22 : memref<!tpu.dma_semaphore, #tpu.memory_space<semaphore_mem>>)
      %mul3A_559 = arith.constant 8 : i32
      %mul3A_560 = arith.muli %add3A_402, %mul3A_559 : i32
      %add3A_561 = arith.constant 6 : i32
      %add3A_562 = arith.addi %mul3A_560, %add3A_561 : i32
      %dma_wait3A_563 = arith.constant 0 : i32
      %dma_wait3A_564 = tpu.memref_slice %arg6[%add3A_562, %dma_wait3A_563] : memref<80x128xi32, #tpu.memory_space<vmem>> -> memref<1x128xi32, #tpu.memory_space<vmem>>
      %dma_wait3A_565 = tpu.memref_squeeze %dma_wait3A_564 : memref<1x128xi32, #tpu.memory_space<vmem>> -> memref<128xi32, #tpu.memory_space<vmem>>
      %dma_wait3A_566 = arith.constant 0 : i32
      %dma_wait3A_567 = arith.constant 0 : i32
      %dma_wait3A_568 = tpu.memref_slice %arg2[%arg0, %dma_wait3A_566, %dma_wait3A_567] : memref<2x10112x64xf32, #tpu.memory_space<hbm>> -> memref<1x10112x64xf32, #tpu.memory_space<hbm>>
      %dma_wait3A_569 = tpu.memref_squeeze %dma_wait3A_568 : memref<1x10112x64xf32, #tpu.memory_space<hbm>> -> memref<10112x64xf32, #tpu.memory_space<hbm>>
      %dma_wait3A_570 = arith.constant 0 : i32
      %dma_wait3A_571 = arith.constant 0 : i32
      %dma_wait3A_572 = tpu.memref_slice %dma_wait3A_569[%dma_wait3A_570, %dma_wait3A_571] : memref<10112x64xf32, #tpu.memory_space<hbm>> -> memref<10112x64xf32, #tpu.memory_space<hbm>>
      tpu.wait_indirect_dma semaphore(%arg23 : memref<!tpu.dma_semaphore, #tpu.memory_space<semaphore_mem>>) src(%dma_wait3A_572 : memref<10112x64xf32, #tpu.memory_space<hbm>>) dst(%arg14 : memref<128x64xf32, #tpu.memory_space<vmem>>)
      "tpu.region"() ({
        %run_scoped3A_611 = tpu.sem_alloc : memref<!tpu.dma_semaphore, #tpu.memory_space<semaphore_mem>>
        %dma_start3A_612 = arith.constant 0 : i32
        %dma_start3A_613 = tpu.memref_slice %arg7[%add3A_562, %dma_start3A_612] : memref<80x128xi32, #tpu.memory_space<vmem>> -> memref<1x128xi32, #tpu.memory_space<vmem>>
        %dma_start3A_614 = tpu.memref_squeeze %dma_start3A_613 : memref<1x128xi32, #tpu.memory_space<vmem>> -> memref<128xi32, #tpu.memory_space<vmem>>
        %dma_start3A_615 = arith.constant 0 : i32
        %dma_start3A_616 = arith.constant 0 : i32
        %dma_start3A_617 = tpu.memref_slice %arg16[%dma_start3A_615, %dma_start3A_616] : memref<10112x64xf32, #tpu.memory_space<vmem_shared>> -> memref<10112x64xf32, #tpu.memory_space<vmem_shared>>
        tpu.enqueue_indirect_dma source(%arg14 : memref<128x64xf32, #tpu.memory_space<vmem>>) target(%dma_start3A_617 : memref<10112x64xf32, #tpu.memory_space<vmem_shared>>) offsets(%dma_start3A_614 : memref<128xi32, #tpu.memory_space<vmem>>) semaphore(%run_scoped3A_611 : memref<!tpu.dma_semaphore, #tpu.memory_space<semaphore_mem>>) {add = true}
        %dma_wait3A_618 = arith.constant 0 : i32
        %dma_wait3A_619 = tpu.memref_slice %arg7[%add3A_562, %dma_wait3A_618] : memref<80x128xi32, #tpu.memory_space<vmem>> -> memref<1x128xi32, #tpu.memory_space<vmem>>
        %dma_wait3A_620 = tpu.memref_squeeze %dma_wait3A_619 : memref<1x128xi32, #tpu.memory_space<vmem>> -> memref<128xi32, #tpu.memory_space<vmem>>
        %dma_wait3A_621 = arith.constant 0 : i32
        %dma_wait3A_622 = arith.constant 0 : i32
        %dma_wait3A_623 = tpu.memref_slice %arg16[%dma_wait3A_621, %dma_wait3A_622] : memref<10112x64xf32, #tpu.memory_space<vmem_shared>> -> memref<10112x64xf32, #tpu.memory_space<vmem_shared>>
        tpu.wait_indirect_dma semaphore(%run_scoped3A_611 : memref<!tpu.dma_semaphore, #tpu.memory_space<semaphore_mem>>) src(%arg14 : memref<128x64xf32, #tpu.memory_space<vmem>>) dst(%dma_wait3A_623 : memref<10112x64xf32, #tpu.memory_space<vmem_shared>>)
        tpu.yield
      }) : () -> ()
      %add3A_573 = arith.constant 8 : i32
      %add3A_574 = arith.addi %add3A_562, %add3A_573 : i32
      %dma_start3A_575 = arith.constant 0 : i32
      %dma_start3A_576 = tpu.memref_slice %arg6[%add3A_574, %dma_start3A_575] : memref<80x128xi32, #tpu.memory_space<vmem>> -> memref<1x128xi32, #tpu.memory_space<vmem>>
      %dma_start3A_577 = tpu.memref_squeeze %dma_start3A_576 : memref<1x128xi32, #tpu.memory_space<vmem>> -> memref<128xi32, #tpu.memory_space<vmem>>
      %dma_start3A_578 = arith.constant 0 : i32
      %dma_start3A_579 = arith.constant 0 : i32
      %dma_start3A_580 = tpu.memref_slice %arg2[%arg0, %dma_start3A_578, %dma_start3A_579] : memref<2x10112x64xf32, #tpu.memory_space<hbm>> -> memref<1x10112x64xf32, #tpu.memory_space<hbm>>
      %dma_start3A_581 = tpu.memref_squeeze %dma_start3A_580 : memref<1x10112x64xf32, #tpu.memory_space<hbm>> -> memref<10112x64xf32, #tpu.memory_space<hbm>>
      %dma_start3A_582 = arith.constant 0 : i32
      %dma_start3A_583 = arith.constant 0 : i32
      %dma_start3A_584 = tpu.memref_slice %dma_start3A_581[%dma_start3A_582, %dma_start3A_583] : memref<10112x64xf32, #tpu.memory_space<hbm>> -> memref<10112x64xf32, #tpu.memory_space<hbm>>
      tpu.enqueue_indirect_dma source(%dma_start3A_584 : memref<10112x64xf32, #tpu.memory_space<hbm>>) target(%arg14 : memref<128x64xf32, #tpu.memory_space<vmem>>) offsets(%dma_start3A_577 : memref<128xi32, #tpu.memory_space<vmem>>) semaphore(%arg23 : memref<!tpu.dma_semaphore, #tpu.memory_space<semaphore_mem>>)
      %mul3A_585 = arith.constant 8 : i32
      %mul3A_586 = arith.muli %add3A_402, %mul3A_585 : i32
      %add3A_587 = arith.constant 7 : i32
      %add3A_588 = arith.addi %mul3A_586, %add3A_587 : i32
      %dma_wait3A_589 = arith.constant 0 : i32
      %dma_wait3A_590 = tpu.memref_slice %arg6[%add3A_588, %dma_wait3A_589] : memref<80x128xi32, #tpu.memory_space<vmem>> -> memref<1x128xi32, #tpu.memory_space<vmem>>
      %dma_wait3A_591 = tpu.memref_squeeze %dma_wait3A_590 : memref<1x128xi32, #tpu.memory_space<vmem>> -> memref<128xi32, #tpu.memory_space<vmem>>
      %dma_wait3A_592 = arith.constant 0 : i32
      %dma_wait3A_593 = arith.constant 0 : i32
      %dma_wait3A_594 = tpu.memref_slice %arg2[%arg0, %dma_wait3A_592, %dma_wait3A_593] : memref<2x10112x64xf32, #tpu.memory_space<hbm>> -> memref<1x10112x64xf32, #tpu.memory_space<hbm>>
      %dma_wait3A_595 = tpu.memref_squeeze %dma_wait3A_594 : memref<1x10112x64xf32, #tpu.memory_space<hbm>> -> memref<10112x64xf32, #tpu.memory_space<hbm>>
      %dma_wait3A_596 = arith.constant 0 : i32
      %dma_wait3A_597 = arith.constant 0 : i32
      %dma_wait3A_598 = tpu.memref_slice %dma_wait3A_595[%dma_wait3A_596, %dma_wait3A_597] : memref<10112x64xf32, #tpu.memory_space<hbm>> -> memref<10112x64xf32, #tpu.memory_space<hbm>>
      tpu.wait_indirect_dma semaphore(%arg24 : memref<!tpu.dma_semaphore, #tpu.memory_space<semaphore_mem>>) src(%dma_wait3A_598 : memref<10112x64xf32, #tpu.memory_space<hbm>>) dst(%arg15 : memref<128x64xf32, #tpu.memory_space<vmem>>)
      "tpu.region"() ({
        %run_scoped3A_611 = tpu.sem_alloc : memref<!tpu.dma_semaphore, #tpu.memory_space<semaphore_mem>>
        %dma_start3A_612 = arith.constant 0 : i32
        %dma_start3A_613 = tpu.memref_slice %arg7[%add3A_588, %dma_start3A_612] : memref<80x128xi32, #tpu.memory_space<vmem>> -> memref<1x128xi32, #tpu.memory_space<vmem>>
        %dma_start3A_614 = tpu.memref_squeeze %dma_start3A_613 : memref<1x128xi32, #tpu.memory_space<vmem>> -> memref<128xi32, #tpu.memory_space<vmem>>
        %dma_start3A_615 = arith.constant 0 : i32
        %dma_start3A_616 = arith.constant 0 : i32
        %dma_start3A_617 = tpu.memref_slice %arg16[%dma_start3A_615, %dma_start3A_616] : memref<10112x64xf32, #tpu.memory_space<vmem_shared>> -> memref<10112x64xf32, #tpu.memory_space<vmem_shared>>
        tpu.enqueue_indirect_dma source(%arg15 : memref<128x64xf32, #tpu.memory_space<vmem>>) target(%dma_start3A_617 : memref<10112x64xf32, #tpu.memory_space<vmem_shared>>) offsets(%dma_start3A_614 : memref<128xi32, #tpu.memory_space<vmem>>) semaphore(%run_scoped3A_611 : memref<!tpu.dma_semaphore, #tpu.memory_space<semaphore_mem>>) {add = true}
        %dma_wait3A_618 = arith.constant 0 : i32
        %dma_wait3A_619 = tpu.memref_slice %arg7[%add3A_588, %dma_wait3A_618] : memref<80x128xi32, #tpu.memory_space<vmem>> -> memref<1x128xi32, #tpu.memory_space<vmem>>
        %dma_wait3A_620 = tpu.memref_squeeze %dma_wait3A_619 : memref<1x128xi32, #tpu.memory_space<vmem>> -> memref<128xi32, #tpu.memory_space<vmem>>
        %dma_wait3A_621 = arith.constant 0 : i32
        %dma_wait3A_622 = arith.constant 0 : i32
        %dma_wait3A_623 = tpu.memref_slice %arg16[%dma_wait3A_621, %dma_wait3A_622] : memref<10112x64xf32, #tpu.memory_space<vmem_shared>> -> memref<10112x64xf32, #tpu.memory_space<vmem_shared>>
        tpu.wait_indirect_dma semaphore(%run_scoped3A_611 : memref<!tpu.dma_semaphore, #tpu.memory_space<semaphore_mem>>) src(%arg15 : memref<128x64xf32, #tpu.memory_space<vmem>>) dst(%dma_wait3A_623 : memref<10112x64xf32, #tpu.memory_space<vmem_shared>>)
        tpu.yield
      }) : () -> ()
      %add3A_599 = arith.constant 8 : i32
      %add3A_600 = arith.addi %add3A_588, %add3A_599 : i32
      %dma_start3A_601 = arith.constant 0 : i32
      %dma_start3A_602 = tpu.memref_slice %arg6[%add3A_600, %dma_start3A_601] : memref<80x128xi32, #tpu.memory_space<vmem>> -> memref<1x128xi32, #tpu.memory_space<vmem>>
      %dma_start3A_603 = tpu.memref_squeeze %dma_start3A_602 : memref<1x128xi32, #tpu.memory_space<vmem>> -> memref<128xi32, #tpu.memory_space<vmem>>
      %dma_start3A_604 = arith.constant 0 : i32
      %dma_start3A_605 = arith.constant 0 : i32
      %dma_start3A_606 = tpu.memref_slice %arg2[%arg0, %dma_start3A_604, %dma_start3A_605] : memref<2x10112x64xf32, #tpu.memory_space<hbm>> -> memref<1x10112x64xf32, #tpu.memory_space<hbm>>
      %dma_start3A_607 = tpu.memref_squeeze %dma_start3A_606 : memref<1x10112x64xf32, #tpu.memory_space<hbm>> -> memref<10112x64xf32, #tpu.memory_space<hbm>>
      %dma_start3A_608 = arith.constant 0 : i32
      %dma_start3A_609 = arith.constant 0 : i32
      %dma_start3A_610 = tpu.memref_slice %dma_start3A_607[%dma_start3A_608, %dma_start3A_609] : memref<10112x64xf32, #tpu.memory_space<hbm>> -> memref<10112x64xf32, #tpu.memory_space<hbm>>
      tpu.enqueue_indirect_dma source(%dma_start3A_610 : memref<10112x64xf32, #tpu.memory_space<hbm>>) target(%arg15 : memref<128x64xf32, #tpu.memory_space<vmem>>) offsets(%dma_start3A_603 : memref<128xi32, #tpu.memory_space<vmem>>) semaphore(%arg24 : memref<!tpu.dma_semaphore, #tpu.memory_space<semaphore_mem>>)
    }
    %scan3A_109 = arith.constant 9 : i32
    %dma_wait3A = arith.constant 72 : i32
    %dma_wait3A_110 = arith.constant 0 : i32
    %dma_wait3A_111 = tpu.memref_slice %arg6[%dma_wait3A, %dma_wait3A_110] : memref<80x128xi32, #tpu.memory_space<vmem>> -> memref<1x128xi32, #tpu.memory_space<vmem>>
    %dma_wait3A_112 = tpu.memref_squeeze %dma_wait3A_111 : memref<1x128xi32, #tpu.memory_space<vmem>> -> memref<128xi32, #tpu.memory_space<vmem>>
    %dma_wait3A_113 = arith.constant 0 : i32
    %dma_wait3A_114 = arith.constant 0 : i32
    %dma_wait3A_115 = tpu.memref_slice %arg2[%arg0, %dma_wait3A_113, %dma_wait3A_114] : memref<2x10112x64xf32, #tpu.memory_space<hbm>> -> memref<1x10112x64xf32, #tpu.memory_space<hbm>>
    %dma_wait3A_116 = tpu.memref_squeeze %dma_wait3A_115 : memref<1x10112x64xf32, #tpu.memory_space<hbm>> -> memref<10112x64xf32, #tpu.memory_space<hbm>>
    %dma_wait3A_117 = arith.constant 0 : i32
    %dma_wait3A_118 = arith.constant 0 : i32
    %dma_wait3A_119 = tpu.memref_slice %dma_wait3A_116[%dma_wait3A_117, %dma_wait3A_118] : memref<10112x64xf32, #tpu.memory_space<hbm>> -> memref<10112x64xf32, #tpu.memory_space<hbm>>
    tpu.wait_indirect_dma semaphore(%arg17 : memref<!tpu.dma_semaphore, #tpu.memory_space<semaphore_mem>>) src(%dma_wait3A_119 : memref<10112x64xf32, #tpu.memory_space<hbm>>) dst(%arg8 : memref<128x64xf32, #tpu.memory_space<vmem>>)
    %run_scoped3A = arith.constant 72 : i32
    "tpu.region"() ({
      %run_scoped3A_398 = tpu.sem_alloc : memref<!tpu.dma_semaphore, #tpu.memory_space<semaphore_mem>>
      %dma_start3A_399 = arith.constant 0 : i32
      %dma_start3A_400 = tpu.memref_slice %arg7[%run_scoped3A, %dma_start3A_399] : memref<80x128xi32, #tpu.memory_space<vmem>> -> memref<1x128xi32, #tpu.memory_space<vmem>>
      %dma_start3A_401 = tpu.memref_squeeze %dma_start3A_400 : memref<1x128xi32, #tpu.memory_space<vmem>> -> memref<128xi32, #tpu.memory_space<vmem>>
      %dma_start3A_402 = arith.constant 0 : i32
      %dma_start3A_403 = arith.constant 0 : i32
      %dma_start3A_404 = tpu.memref_slice %arg16[%dma_start3A_402, %dma_start3A_403] : memref<10112x64xf32, #tpu.memory_space<vmem_shared>> -> memref<10112x64xf32, #tpu.memory_space<vmem_shared>>
      tpu.enqueue_indirect_dma source(%arg8 : memref<128x64xf32, #tpu.memory_space<vmem>>) target(%dma_start3A_404 : memref<10112x64xf32, #tpu.memory_space<vmem_shared>>) offsets(%dma_start3A_401 : memref<128xi32, #tpu.memory_space<vmem>>) semaphore(%run_scoped3A_398 : memref<!tpu.dma_semaphore, #tpu.memory_space<semaphore_mem>>) {add = true}
      %dma_wait3A_405 = arith.constant 0 : i32
      %dma_wait3A_406 = tpu.memref_slice %arg7[%run_scoped3A, %dma_wait3A_405] : memref<80x128xi32, #tpu.memory_space<vmem>> -> memref<1x128xi32, #tpu.memory_space<vmem>>
      %dma_wait3A_407 = tpu.memref_squeeze %dma_wait3A_406 : memref<1x128xi32, #tpu.memory_space<vmem>> -> memref<128xi32, #tpu.memory_space<vmem>>
      %dma_wait3A_408 = arith.constant 0 : i32
      %dma_wait3A_409 = arith.constant 0 : i32
      %dma_wait3A_410 = tpu.memref_slice %arg16[%dma_wait3A_408, %dma_wait3A_409] : memref<10112x64xf32, #tpu.memory_space<vmem_shared>> -> memref<10112x64xf32, #tpu.memory_space<vmem_shared>>
      tpu.wait_indirect_dma semaphore(%run_scoped3A_398 : memref<!tpu.dma_semaphore, #tpu.memory_space<semaphore_mem>>) src(%arg8 : memref<128x64xf32, #tpu.memory_space<vmem>>) dst(%dma_wait3A_410 : memref<10112x64xf32, #tpu.memory_space<vmem_shared>>)
      tpu.yield
    }) : () -> ()
    %dma_wait3A_120 = arith.constant 73 : i32
    %dma_wait3A_121 = arith.constant 0 : i32
    %dma_wait3A_122 = tpu.memref_slice %arg6[%dma_wait3A_120, %dma_wait3A_121] : memref<80x128xi32, #tpu.memory_space<vmem>> -> memref<1x128xi32, #tpu.memory_space<vmem>>
    %dma_wait3A_123 = tpu.memref_squeeze %dma_wait3A_122 : memref<1x128xi32, #tpu.memory_space<vmem>> -> memref<128xi32, #tpu.memory_space<vmem>>
    %dma_wait3A_124 = arith.constant 0 : i32
    %dma_wait3A_125 = arith.constant 0 : i32
    %dma_wait3A_126 = tpu.memref_slice %arg2[%arg0, %dma_wait3A_124, %dma_wait3A_125] : memref<2x10112x64xf32, #tpu.memory_space<hbm>> -> memref<1x10112x64xf32, #tpu.memory_space<hbm>>
    %dma_wait3A_127 = tpu.memref_squeeze %dma_wait3A_126 : memref<1x10112x64xf32, #tpu.memory_space<hbm>> -> memref<10112x64xf32, #tpu.memory_space<hbm>>
    %dma_wait3A_128 = arith.constant 0 : i32
    %dma_wait3A_129 = arith.constant 0 : i32
    %dma_wait3A_130 = tpu.memref_slice %dma_wait3A_127[%dma_wait3A_128, %dma_wait3A_129] : memref<10112x64xf32, #tpu.memory_space<hbm>> -> memref<10112x64xf32, #tpu.memory_space<hbm>>
    tpu.wait_indirect_dma semaphore(%arg18 : memref<!tpu.dma_semaphore, #tpu.memory_space<semaphore_mem>>) src(%dma_wait3A_130 : memref<10112x64xf32, #tpu.memory_space<hbm>>) dst(%arg9 : memref<128x64xf32, #tpu.memory_space<vmem>>)
    %run_scoped3A_131 = arith.constant 73 : i32
    "tpu.region"() ({
      %run_scoped3A_398 = tpu.sem_alloc : memref<!tpu.dma_semaphore, #tpu.memory_space<semaphore_mem>>
      %dma_start3A_399 = arith.constant 0 : i32
      %dma_start3A_400 = tpu.memref_slice %arg7[%run_scoped3A_131, %dma_start3A_399] : memref<80x128xi32, #tpu.memory_space<vmem>> -> memref<1x128xi32, #tpu.memory_space<vmem>>
      %dma_start3A_401 = tpu.memref_squeeze %dma_start3A_400 : memref<1x128xi32, #tpu.memory_space<vmem>> -> memref<128xi32, #tpu.memory_space<vmem>>
      %dma_start3A_402 = arith.constant 0 : i32
      %dma_start3A_403 = arith.constant 0 : i32
      %dma_start3A_404 = tpu.memref_slice %arg16[%dma_start3A_402, %dma_start3A_403] : memref<10112x64xf32, #tpu.memory_space<vmem_shared>> -> memref<10112x64xf32, #tpu.memory_space<vmem_shared>>
      tpu.enqueue_indirect_dma source(%arg9 : memref<128x64xf32, #tpu.memory_space<vmem>>) target(%dma_start3A_404 : memref<10112x64xf32, #tpu.memory_space<vmem_shared>>) offsets(%dma_start3A_401 : memref<128xi32, #tpu.memory_space<vmem>>) semaphore(%run_scoped3A_398 : memref<!tpu.dma_semaphore, #tpu.memory_space<semaphore_mem>>) {add = true}
      %dma_wait3A_405 = arith.constant 0 : i32
      %dma_wait3A_406 = tpu.memref_slice %arg7[%run_scoped3A_131, %dma_wait3A_405] : memref<80x128xi32, #tpu.memory_space<vmem>> -> memref<1x128xi32, #tpu.memory_space<vmem>>
      %dma_wait3A_407 = tpu.memref_squeeze %dma_wait3A_406 : memref<1x128xi32, #tpu.memory_space<vmem>> -> memref<128xi32, #tpu.memory_space<vmem>>
      %dma_wait3A_408 = arith.constant 0 : i32
      %dma_wait3A_409 = arith.constant 0 : i32
      %dma_wait3A_410 = tpu.memref_slice %arg16[%dma_wait3A_408, %dma_wait3A_409] : memref<10112x64xf32, #tpu.memory_space<vmem_shared>> -> memref<10112x64xf32, #tpu.memory_space<vmem_shared>>
      tpu.wait_indirect_dma semaphore(%run_scoped3A_398 : memref<!tpu.dma_semaphore, #tpu.memory_space<semaphore_mem>>) src(%arg9 : memref<128x64xf32, #tpu.memory_space<vmem>>) dst(%dma_wait3A_410 : memref<10112x64xf32, #tpu.memory_space<vmem_shared>>)
      tpu.yield
    }) : () -> ()
    %dma_wait3A_132 = arith.constant 74 : i32
    %dma_wait3A_133 = arith.constant 0 : i32
    %dma_wait3A_134 = tpu.memref_slice %arg6[%dma_wait3A_132, %dma_wait3A_133] : memref<80x128xi32, #tpu.memory_space<vmem>> -> memref<1x128xi32, #tpu.memory_space<vmem>>
    %dma_wait3A_135 = tpu.memref_squeeze %dma_wait3A_134 : memref<1x128xi32, #tpu.memory_space<vmem>> -> memref<128xi32, #tpu.memory_space<vmem>>
    %dma_wait3A_136 = arith.constant 0 : i32
    %dma_wait3A_137 = arith.constant 0 : i32
    %dma_wait3A_138 = tpu.memref_slice %arg2[%arg0, %dma_wait3A_136, %dma_wait3A_137] : memref<2x10112x64xf32, #tpu.memory_space<hbm>> -> memref<1x10112x64xf32, #tpu.memory_space<hbm>>
    %dma_wait3A_139 = tpu.memref_squeeze %dma_wait3A_138 : memref<1x10112x64xf32, #tpu.memory_space<hbm>> -> memref<10112x64xf32, #tpu.memory_space<hbm>>
    %dma_wait3A_140 = arith.constant 0 : i32
    %dma_wait3A_141 = arith.constant 0 : i32
    %dma_wait3A_142 = tpu.memref_slice %dma_wait3A_139[%dma_wait3A_140, %dma_wait3A_141] : memref<10112x64xf32, #tpu.memory_space<hbm>> -> memref<10112x64xf32, #tpu.memory_space<hbm>>
    tpu.wait_indirect_dma semaphore(%arg19 : memref<!tpu.dma_semaphore, #tpu.memory_space<semaphore_mem>>) src(%dma_wait3A_142 : memref<10112x64xf32, #tpu.memory_space<hbm>>) dst(%arg10 : memref<128x64xf32, #tpu.memory_space<vmem>>)
    %run_scoped3A_143 = arith.constant 74 : i32
    "tpu.region"() ({
      %run_scoped3A_398 = tpu.sem_alloc : memref<!tpu.dma_semaphore, #tpu.memory_space<semaphore_mem>>
      %dma_start3A_399 = arith.constant 0 : i32
      %dma_start3A_400 = tpu.memref_slice %arg7[%run_scoped3A_143, %dma_start3A_399] : memref<80x128xi32, #tpu.memory_space<vmem>> -> memref<1x128xi32, #tpu.memory_space<vmem>>
      %dma_start3A_401 = tpu.memref_squeeze %dma_start3A_400 : memref<1x128xi32, #tpu.memory_space<vmem>> -> memref<128xi32, #tpu.memory_space<vmem>>
      %dma_start3A_402 = arith.constant 0 : i32
      %dma_start3A_403 = arith.constant 0 : i32
      %dma_start3A_404 = tpu.memref_slice %arg16[%dma_start3A_402, %dma_start3A_403] : memref<10112x64xf32, #tpu.memory_space<vmem_shared>> -> memref<10112x64xf32, #tpu.memory_space<vmem_shared>>
      tpu.enqueue_indirect_dma source(%arg10 : memref<128x64xf32, #tpu.memory_space<vmem>>) target(%dma_start3A_404 : memref<10112x64xf32, #tpu.memory_space<vmem_shared>>) offsets(%dma_start3A_401 : memref<128xi32, #tpu.memory_space<vmem>>) semaphore(%run_scoped3A_398 : memref<!tpu.dma_semaphore, #tpu.memory_space<semaphore_mem>>) {add = true}
      %dma_wait3A_405 = arith.constant 0 : i32
      %dma_wait3A_406 = tpu.memref_slice %arg7[%run_scoped3A_143, %dma_wait3A_405] : memref<80x128xi32, #tpu.memory_space<vmem>> -> memref<1x128xi32, #tpu.memory_space<vmem>>
      %dma_wait3A_407 = tpu.memref_squeeze %dma_wait3A_406 : memref<1x128xi32, #tpu.memory_space<vmem>> -> memref<128xi32, #tpu.memory_space<vmem>>
      %dma_wait3A_408 = arith.constant 0 : i32
      %dma_wait3A_409 = arith.constant 0 : i32
      %dma_wait3A_410 = tpu.memref_slice %arg16[%dma_wait3A_408, %dma_wait3A_409] : memref<10112x64xf32, #tpu.memory_space<vmem_shared>> -> memref<10112x64xf32, #tpu.memory_space<vmem_shared>>
      tpu.wait_indirect_dma semaphore(%run_scoped3A_398 : memref<!tpu.dma_semaphore, #tpu.memory_space<semaphore_mem>>) src(%arg10 : memref<128x64xf32, #tpu.memory_space<vmem>>) dst(%dma_wait3A_410 : memref<10112x64xf32, #tpu.memory_space<vmem_shared>>)
      tpu.yield
    }) : () -> ()
    %dma_wait3A_144 = arith.constant 75 : i32
    %dma_wait3A_145 = arith.constant 0 : i32
    %dma_wait3A_146 = tpu.memref_slice %arg6[%dma_wait3A_144, %dma_wait3A_145] : memref<80x128xi32, #tpu.memory_space<vmem>> -> memref<1x128xi32, #tpu.memory_space<vmem>>
    %dma_wait3A_147 = tpu.memref_squeeze %dma_wait3A_146 : memref<1x128xi32, #tpu.memory_space<vmem>> -> memref<128xi32, #tpu.memory_space<vmem>>
    %dma_wait3A_148 = arith.constant 0 : i32
    %dma_wait3A_149 = arith.constant 0 : i32
    %dma_wait3A_150 = tpu.memref_slice %arg2[%arg0, %dma_wait3A_148, %dma_wait3A_149] : memref<2x10112x64xf32, #tpu.memory_space<hbm>> -> memref<1x10112x64xf32, #tpu.memory_space<hbm>>
    %dma_wait3A_151 = tpu.memref_squeeze %dma_wait3A_150 : memref<1x10112x64xf32, #tpu.memory_space<hbm>> -> memref<10112x64xf32, #tpu.memory_space<hbm>>
    %dma_wait3A_152 = arith.constant 0 : i32
    %dma_wait3A_153 = arith.constant 0 : i32
    %dma_wait3A_154 = tpu.memref_slice %dma_wait3A_151[%dma_wait3A_152, %dma_wait3A_153] : memref<10112x64xf32, #tpu.memory_space<hbm>> -> memref<10112x64xf32, #tpu.memory_space<hbm>>
    tpu.wait_indirect_dma semaphore(%arg20 : memref<!tpu.dma_semaphore, #tpu.memory_space<semaphore_mem>>) src(%dma_wait3A_154 : memref<10112x64xf32, #tpu.memory_space<hbm>>) dst(%arg11 : memref<128x64xf32, #tpu.memory_space<vmem>>)
    %run_scoped3A_155 = arith.constant 75 : i32
    "tpu.region"() ({
      %run_scoped3A_398 = tpu.sem_alloc : memref<!tpu.dma_semaphore, #tpu.memory_space<semaphore_mem>>
      %dma_start3A_399 = arith.constant 0 : i32
      %dma_start3A_400 = tpu.memref_slice %arg7[%run_scoped3A_155, %dma_start3A_399] : memref<80x128xi32, #tpu.memory_space<vmem>> -> memref<1x128xi32, #tpu.memory_space<vmem>>
      %dma_start3A_401 = tpu.memref_squeeze %dma_start3A_400 : memref<1x128xi32, #tpu.memory_space<vmem>> -> memref<128xi32, #tpu.memory_space<vmem>>
      %dma_start3A_402 = arith.constant 0 : i32
      %dma_start3A_403 = arith.constant 0 : i32
      %dma_start3A_404 = tpu.memref_slice %arg16[%dma_start3A_402, %dma_start3A_403] : memref<10112x64xf32, #tpu.memory_space<vmem_shared>> -> memref<10112x64xf32, #tpu.memory_space<vmem_shared>>
      tpu.enqueue_indirect_dma source(%arg11 : memref<128x64xf32, #tpu.memory_space<vmem>>) target(%dma_start3A_404 : memref<10112x64xf32, #tpu.memory_space<vmem_shared>>) offsets(%dma_start3A_401 : memref<128xi32, #tpu.memory_space<vmem>>) semaphore(%run_scoped3A_398 : memref<!tpu.dma_semaphore, #tpu.memory_space<semaphore_mem>>) {add = true}
      %dma_wait3A_405 = arith.constant 0 : i32
      %dma_wait3A_406 = tpu.memref_slice %arg7[%run_scoped3A_155, %dma_wait3A_405] : memref<80x128xi32, #tpu.memory_space<vmem>> -> memref<1x128xi32, #tpu.memory_space<vmem>>
      %dma_wait3A_407 = tpu.memref_squeeze %dma_wait3A_406 : memref<1x128xi32, #tpu.memory_space<vmem>> -> memref<128xi32, #tpu.memory_space<vmem>>
      %dma_wait3A_408 = arith.constant 0 : i32
      %dma_wait3A_409 = arith.constant 0 : i32
      %dma_wait3A_410 = tpu.memref_slice %arg16[%dma_wait3A_408, %dma_wait3A_409] : memref<10112x64xf32, #tpu.memory_space<vmem_shared>> -> memref<10112x64xf32, #tpu.memory_space<vmem_shared>>
      tpu.wait_indirect_dma semaphore(%run_scoped3A_398 : memref<!tpu.dma_semaphore, #tpu.memory_space<semaphore_mem>>) src(%arg11 : memref<128x64xf32, #tpu.memory_space<vmem>>) dst(%dma_wait3A_410 : memref<10112x64xf32, #tpu.memory_space<vmem_shared>>)
      tpu.yield
    }) : () -> ()
    %dma_wait3A_156 = arith.constant 76 : i32
    %dma_wait3A_157 = arith.constant 0 : i32
    %dma_wait3A_158 = tpu.memref_slice %arg6[%dma_wait3A_156, %dma_wait3A_157] : memref<80x128xi32, #tpu.memory_space<vmem>> -> memref<1x128xi32, #tpu.memory_space<vmem>>
    %dma_wait3A_159 = tpu.memref_squeeze %dma_wait3A_158 : memref<1x128xi32, #tpu.memory_space<vmem>> -> memref<128xi32, #tpu.memory_space<vmem>>
    %dma_wait3A_160 = arith.constant 0 : i32
    %dma_wait3A_161 = arith.constant 0 : i32
    %dma_wait3A_162 = tpu.memref_slice %arg2[%arg0, %dma_wait3A_160, %dma_wait3A_161] : memref<2x10112x64xf32, #tpu.memory_space<hbm>> -> memref<1x10112x64xf32, #tpu.memory_space<hbm>>
    %dma_wait3A_163 = tpu.memref_squeeze %dma_wait3A_162 : memref<1x10112x64xf32, #tpu.memory_space<hbm>> -> memref<10112x64xf32, #tpu.memory_space<hbm>>
    %dma_wait3A_164 = arith.constant 0 : i32
    %dma_wait3A_165 = arith.constant 0 : i32
    %dma_wait3A_166 = tpu.memref_slice %dma_wait3A_163[%dma_wait3A_164, %dma_wait3A_165] : memref<10112x64xf32, #tpu.memory_space<hbm>> -> memref<10112x64xf32, #tpu.memory_space<hbm>>
    tpu.wait_indirect_dma semaphore(%arg21 : memref<!tpu.dma_semaphore, #tpu.memory_space<semaphore_mem>>) src(%dma_wait3A_166 : memref<10112x64xf32, #tpu.memory_space<hbm>>) dst(%arg12 : memref<128x64xf32, #tpu.memory_space<vmem>>)
    %run_scoped3A_167 = arith.constant 76 : i32
    "tpu.region"() ({
      %run_scoped3A_398 = tpu.sem_alloc : memref<!tpu.dma_semaphore, #tpu.memory_space<semaphore_mem>>
      %dma_start3A_399 = arith.constant 0 : i32
      %dma_start3A_400 = tpu.memref_slice %arg7[%run_scoped3A_167, %dma_start3A_399] : memref<80x128xi32, #tpu.memory_space<vmem>> -> memref<1x128xi32, #tpu.memory_space<vmem>>
      %dma_start3A_401 = tpu.memref_squeeze %dma_start3A_400 : memref<1x128xi32, #tpu.memory_space<vmem>> -> memref<128xi32, #tpu.memory_space<vmem>>
      %dma_start3A_402 = arith.constant 0 : i32
      %dma_start3A_403 = arith.constant 0 : i32
      %dma_start3A_404 = tpu.memref_slice %arg16[%dma_start3A_402, %dma_start3A_403] : memref<10112x64xf32, #tpu.memory_space<vmem_shared>> -> memref<10112x64xf32, #tpu.memory_space<vmem_shared>>
      tpu.enqueue_indirect_dma source(%arg12 : memref<128x64xf32, #tpu.memory_space<vmem>>) target(%dma_start3A_404 : memref<10112x64xf32, #tpu.memory_space<vmem_shared>>) offsets(%dma_start3A_401 : memref<128xi32, #tpu.memory_space<vmem>>) semaphore(%run_scoped3A_398 : memref<!tpu.dma_semaphore, #tpu.memory_space<semaphore_mem>>) {add = true}
      %dma_wait3A_405 = arith.constant 0 : i32
      %dma_wait3A_406 = tpu.memref_slice %arg7[%run_scoped3A_167, %dma_wait3A_405] : memref<80x128xi32, #tpu.memory_space<vmem>> -> memref<1x128xi32, #tpu.memory_space<vmem>>
      %dma_wait3A_407 = tpu.memref_squeeze %dma_wait3A_406 : memref<1x128xi32, #tpu.memory_space<vmem>> -> memref<128xi32, #tpu.memory_space<vmem>>
      %dma_wait3A_408 = arith.constant 0 : i32
      %dma_wait3A_409 = arith.constant 0 : i32
      %dma_wait3A_410 = tpu.memref_slice %arg16[%dma_wait3A_408, %dma_wait3A_409] : memref<10112x64xf32, #tpu.memory_space<vmem_shared>> -> memref<10112x64xf32, #tpu.memory_space<vmem_shared>>
      tpu.wait_indirect_dma semaphore(%run_scoped3A_398 : memref<!tpu.dma_semaphore, #tpu.memory_space<semaphore_mem>>) src(%arg12 : memref<128x64xf32, #tpu.memory_space<vmem>>) dst(%dma_wait3A_410 : memref<10112x64xf32, #tpu.memory_space<vmem_shared>>)
      tpu.yield
    }) : () -> ()
    %dma_wait3A_168 = arith.constant 77 : i32
    %dma_wait3A_169 = arith.constant 0 : i32
    %dma_wait3A_170 = tpu.memref_slice %arg6[%dma_wait3A_168, %dma_wait3A_169] : memref<80x128xi32, #tpu.memory_space<vmem>> -> memref<1x128xi32, #tpu.memory_space<vmem>>
    %dma_wait3A_171 = tpu.memref_squeeze %dma_wait3A_170 : memref<1x128xi32, #tpu.memory_space<vmem>> -> memref<128xi32, #tpu.memory_space<vmem>>
    %dma_wait3A_172 = arith.constant 0 : i32
    %dma_wait3A_173 = arith.constant 0 : i32
    %dma_wait3A_174 = tpu.memref_slice %arg2[%arg0, %dma_wait3A_172, %dma_wait3A_173] : memref<2x10112x64xf32, #tpu.memory_space<hbm>> -> memref<1x10112x64xf32, #tpu.memory_space<hbm>>
    %dma_wait3A_175 = tpu.memref_squeeze %dma_wait3A_174 : memref<1x10112x64xf32, #tpu.memory_space<hbm>> -> memref<10112x64xf32, #tpu.memory_space<hbm>>
    %dma_wait3A_176 = arith.constant 0 : i32
    %dma_wait3A_177 = arith.constant 0 : i32
    %dma_wait3A_178 = tpu.memref_slice %dma_wait3A_175[%dma_wait3A_176, %dma_wait3A_177] : memref<10112x64xf32, #tpu.memory_space<hbm>> -> memref<10112x64xf32, #tpu.memory_space<hbm>>
    tpu.wait_indirect_dma semaphore(%arg22 : memref<!tpu.dma_semaphore, #tpu.memory_space<semaphore_mem>>) src(%dma_wait3A_178 : memref<10112x64xf32, #tpu.memory_space<hbm>>) dst(%arg13 : memref<128x64xf32, #tpu.memory_space<vmem>>)
    %run_scoped3A_179 = arith.constant 77 : i32
    "tpu.region"() ({
      %run_scoped3A_398 = tpu.sem_alloc : memref<!tpu.dma_semaphore, #tpu.memory_space<semaphore_mem>>
      %dma_start3A_399 = arith.constant 0 : i32
      %dma_start3A_400 = tpu.memref_slice %arg7[%run_scoped3A_179, %dma_start3A_399] : memref<80x128xi32, #tpu.memory_space<vmem>> -> memref<1x128xi32, #tpu.memory_space<vmem>>
      %dma_start3A_401 = tpu.memref_squeeze %dma_start3A_400 : memref<1x128xi32, #tpu.memory_space<vmem>> -> memref<128xi32, #tpu.memory_space<vmem>>
      %dma_start3A_402 = arith.constant 0 : i32
      %dma_start3A_403 = arith.constant 0 : i32
      %dma_start3A_404 = tpu.memref_slice %arg16[%dma_start3A_402, %dma_start3A_403] : memref<10112x64xf32, #tpu.memory_space<vmem_shared>> -> memref<10112x64xf32, #tpu.memory_space<vmem_shared>>
      tpu.enqueue_indirect_dma source(%arg13 : memref<128x64xf32, #tpu.memory_space<vmem>>) target(%dma_start3A_404 : memref<10112x64xf32, #tpu.memory_space<vmem_shared>>) offsets(%dma_start3A_401 : memref<128xi32, #tpu.memory_space<vmem>>) semaphore(%run_scoped3A_398 : memref<!tpu.dma_semaphore, #tpu.memory_space<semaphore_mem>>) {add = true}
      %dma_wait3A_405 = arith.constant 0 : i32
      %dma_wait3A_406 = tpu.memref_slice %arg7[%run_scoped3A_179, %dma_wait3A_405] : memref<80x128xi32, #tpu.memory_space<vmem>> -> memref<1x128xi32, #tpu.memory_space<vmem>>
      %dma_wait3A_407 = tpu.memref_squeeze %dma_wait3A_406 : memref<1x128xi32, #tpu.memory_space<vmem>> -> memref<128xi32, #tpu.memory_space<vmem>>
      %dma_wait3A_408 = arith.constant 0 : i32
      %dma_wait3A_409 = arith.constant 0 : i32
      %dma_wait3A_410 = tpu.memref_slice %arg16[%dma_wait3A_408, %dma_wait3A_409] : memref<10112x64xf32, #tpu.memory_space<vmem_shared>> -> memref<10112x64xf32, #tpu.memory_space<vmem_shared>>
      tpu.wait_indirect_dma semaphore(%run_scoped3A_398 : memref<!tpu.dma_semaphore, #tpu.memory_space<semaphore_mem>>) src(%arg13 : memref<128x64xf32, #tpu.memory_space<vmem>>) dst(%dma_wait3A_410 : memref<10112x64xf32, #tpu.memory_space<vmem_shared>>)
      tpu.yield
    }) : () -> ()
    %dma_wait3A_180 = arith.constant 78 : i32
    %dma_wait3A_181 = arith.constant 0 : i32
    %dma_wait3A_182 = tpu.memref_slice %arg6[%dma_wait3A_180, %dma_wait3A_181] : memref<80x128xi32, #tpu.memory_space<vmem>> -> memref<1x128xi32, #tpu.memory_space<vmem>>
    %dma_wait3A_183 = tpu.memref_squeeze %dma_wait3A_182 : memref<1x128xi32, #tpu.memory_space<vmem>> -> memref<128xi32, #tpu.memory_space<vmem>>
    %dma_wait3A_184 = arith.constant 0 : i32
    %dma_wait3A_185 = arith.constant 0 : i32
    %dma_wait3A_186 = tpu.memref_slice %arg2[%arg0, %dma_wait3A_184, %dma_wait3A_185] : memref<2x10112x64xf32, #tpu.memory_space<hbm>> -> memref<1x10112x64xf32, #tpu.memory_space<hbm>>
    %dma_wait3A_187 = tpu.memref_squeeze %dma_wait3A_186 : memref<1x10112x64xf32, #tpu.memory_space<hbm>> -> memref<10112x64xf32, #tpu.memory_space<hbm>>
    %dma_wait3A_188 = arith.constant 0 : i32
    %dma_wait3A_189 = arith.constant 0 : i32
    %dma_wait3A_190 = tpu.memref_slice %dma_wait3A_187[%dma_wait3A_188, %dma_wait3A_189] : memref<10112x64xf32, #tpu.memory_space<hbm>> -> memref<10112x64xf32, #tpu.memory_space<hbm>>
    tpu.wait_indirect_dma semaphore(%arg23 : memref<!tpu.dma_semaphore, #tpu.memory_space<semaphore_mem>>) src(%dma_wait3A_190 : memref<10112x64xf32, #tpu.memory_space<hbm>>) dst(%arg14 : memref<128x64xf32, #tpu.memory_space<vmem>>)
    %run_scoped3A_191 = arith.constant 78 : i32
    "tpu.region"() ({
      %run_scoped3A_398 = tpu.sem_alloc : memref<!tpu.dma_semaphore, #tpu.memory_space<semaphore_mem>>
      %dma_start3A_399 = arith.constant 0 : i32
      %dma_start3A_400 = tpu.memref_slice %arg7[%run_scoped3A_191, %dma_start3A_399] : memref<80x128xi32, #tpu.memory_space<vmem>> -> memref<1x128xi32, #tpu.memory_space<vmem>>
      %dma_start3A_401 = tpu.memref_squeeze %dma_start3A_400 : memref<1x128xi32, #tpu.memory_space<vmem>> -> memref<128xi32, #tpu.memory_space<vmem>>
      %dma_start3A_402 = arith.constant 0 : i32
      %dma_start3A_403 = arith.constant 0 : i32
      %dma_start3A_404 = tpu.memref_slice %arg16[%dma_start3A_402, %dma_start3A_403] : memref<10112x64xf32, #tpu.memory_space<vmem_shared>> -> memref<10112x64xf32, #tpu.memory_space<vmem_shared>>
      tpu.enqueue_indirect_dma source(%arg14 : memref<128x64xf32, #tpu.memory_space<vmem>>) target(%dma_start3A_404 : memref<10112x64xf32, #tpu.memory_space<vmem_shared>>) offsets(%dma_start3A_401 : memref<128xi32, #tpu.memory_space<vmem>>) semaphore(%run_scoped3A_398 : memref<!tpu.dma_semaphore, #tpu.memory_space<semaphore_mem>>) {add = true}
      %dma_wait3A_405 = arith.constant 0 : i32
      %dma_wait3A_406 = tpu.memref_slice %arg7[%run_scoped3A_191, %dma_wait3A_405] : memref<80x128xi32, #tpu.memory_space<vmem>> -> memref<1x128xi32, #tpu.memory_space<vmem>>
      %dma_wait3A_407 = tpu.memref_squeeze %dma_wait3A_406 : memref<1x128xi32, #tpu.memory_space<vmem>> -> memref<128xi32, #tpu.memory_space<vmem>>
      %dma_wait3A_408 = arith.constant 0 : i32
      %dma_wait3A_409 = arith.constant 0 : i32
      %dma_wait3A_410 = tpu.memref_slice %arg16[%dma_wait3A_408, %dma_wait3A_409] : memref<10112x64xf32, #tpu.memory_space<vmem_shared>> -> memref<10112x64xf32, #tpu.memory_space<vmem_shared>>
      tpu.wait_indirect_dma semaphore(%run_scoped3A_398 : memref<!tpu.dma_semaphore, #tpu.memory_space<semaphore_mem>>) src(%arg14 : memref<128x64xf32, #tpu.memory_space<vmem>>) dst(%dma_wait3A_410 : memref<10112x64xf32, #tpu.memory_space<vmem_shared>>)
      tpu.yield
    }) : () -> ()
    %dma_wait3A_192 = arith.constant 79 : i32
    %dma_wait3A_193 = arith.constant 0 : i32
    %dma_wait3A_194 = tpu.memref_slice %arg6[%dma_wait3A_192, %dma_wait3A_193] : memref<80x128xi32, #tpu.memory_space<vmem>> -> memref<1x128xi32, #tpu.memory_space<vmem>>
    %dma_wait3A_195 = tpu.memref_squeeze %dma_wait3A_194 : memref<1x128xi32, #tpu.memory_space<vmem>> -> memref<128xi32, #tpu.memory_space<vmem>>
    %dma_wait3A_196 = arith.constant 0 : i32
    %dma_wait3A_197 = arith.constant 0 : i32
    %dma_wait3A_198 = tpu.memref_slice %arg2[%arg0, %dma_wait3A_196, %dma_wait3A_197] : memref<2x10112x64xf32, #tpu.memory_space<hbm>> -> memref<1x10112x64xf32, #tpu.memory_space<hbm>>
    %dma_wait3A_199 = tpu.memref_squeeze %dma_wait3A_198 : memref<1x10112x64xf32, #tpu.memory_space<hbm>> -> memref<10112x64xf32, #tpu.memory_space<hbm>>
    %dma_wait3A_200 = arith.constant 0 : i32
    %dma_wait3A_201 = arith.constant 0 : i32
    %dma_wait3A_202 = tpu.memref_slice %dma_wait3A_199[%dma_wait3A_200, %dma_wait3A_201] : memref<10112x64xf32, #tpu.memory_space<hbm>> -> memref<10112x64xf32, #tpu.memory_space<hbm>>
    tpu.wait_indirect_dma semaphore(%arg24 : memref<!tpu.dma_semaphore, #tpu.memory_space<semaphore_mem>>) src(%dma_wait3A_202 : memref<10112x64xf32, #tpu.memory_space<hbm>>) dst(%arg15 : memref<128x64xf32, #tpu.memory_space<vmem>>)
    %run_scoped3A_203 = arith.constant 79 : i32
    "tpu.region"() ({
      %run_scoped3A_398 = tpu.sem_alloc : memref<!tpu.dma_semaphore, #tpu.memory_space<semaphore_mem>>
      %dma_start3A_399 = arith.constant 0 : i32
      %dma_start3A_400 = tpu.memref_slice %arg7[%run_scoped3A_203, %dma_start3A_399] : memref<80x128xi32, #tpu.memory_space<vmem>> -> memref<1x128xi32, #tpu.memory_space<vmem>>
      %dma_start3A_401 = tpu.memref_squeeze %dma_start3A_400 : memref<1x128xi32, #tpu.memory_space<vmem>> -> memref<128xi32, #tpu.memory_space<vmem>>
      %dma_start3A_402 = arith.constant 0 : i32
      %dma_start3A_403 = arith.constant 0 : i32
      %dma_start3A_404 = tpu.memref_slice %arg16[%dma_start3A_402, %dma_start3A_403] : memref<10112x64xf32, #tpu.memory_space<vmem_shared>> -> memref<10112x64xf32, #tpu.memory_space<vmem_shared>>
      tpu.enqueue_indirect_dma source(%arg15 : memref<128x64xf32, #tpu.memory_space<vmem>>) target(%dma_start3A_404 : memref<10112x64xf32, #tpu.memory_space<vmem_shared>>) offsets(%dma_start3A_401 : memref<128xi32, #tpu.memory_space<vmem>>) semaphore(%run_scoped3A_398 : memref<!tpu.dma_semaphore, #tpu.memory_space<semaphore_mem>>) {add = true}
      %dma_wait3A_405 = arith.constant 0 : i32
      %dma_wait3A_406 = tpu.memref_slice %arg7[%run_scoped3A_203, %dma_wait3A_405] : memref<80x128xi32, #tpu.memory_space<vmem>> -> memref<1x128xi32, #tpu.memory_space<vmem>>
      %dma_wait3A_407 = tpu.memref_squeeze %dma_wait3A_406 : memref<1x128xi32, #tpu.memory_space<vmem>> -> memref<128xi32, #tpu.memory_space<vmem>>
      %dma_wait3A_408 = arith.constant 0 : i32
      %dma_wait3A_409 = arith.constant 0 : i32
      %dma_wait3A_410 = tpu.memref_slice %arg16[%dma_wait3A_408, %dma_wait3A_409] : memref<10112x64xf32, #tpu.memory_space<vmem_shared>> -> memref<10112x64xf32, #tpu.memory_space<vmem_shared>>
      tpu.wait_indirect_dma semaphore(%run_scoped3A_398 : memref<!tpu.dma_semaphore, #tpu.memory_space<semaphore_mem>>) src(%arg15 : memref<128x64xf32, #tpu.memory_space<vmem>>) dst(%dma_wait3A_410 : memref<10112x64xf32, #tpu.memory_space<vmem_shared>>)
      tpu.yield
    }) : () -> ()
    %mul3A_204 = arith.constant 160 : i32
    %mul3A_205 = arith.muli %arg1, %mul3A_204 : i32
    %add3A_206 = arith.constant 80 : i32
    %add3A_207 = arith.addi %mul3A_205, %add3A_206 : i32
    "tpu.region"() ({
      %run_scoped3A_398 = tpu.sem_alloc : memref<!tpu.dma_semaphore, #tpu.memory_space<semaphore_mem>>
      %dma_start3A_399 = arith.constant 0 : i32
      %dma_start3A_400 = tpu.memref_slice %arg3[%add3A_207, %dma_start3A_399] : memref<2560x128xi32, #tpu.memory_space<hbm>> -> memref<80x128xi32, #tpu.memory_space<hbm>>
      %dma_start3A_401 = arith.constant 0 : i32
      %dma_start3A_402 = tpu.memref_slice %arg3[%add3A_207, %dma_start3A_401] : memref<2560x128xi32, #tpu.memory_space<hbm>> -> memref<80x128xi32, #tpu.memory_space<hbm>>
      tpu.enqueue_dma source(%dma_start3A_402 : memref<80x128xi32, #tpu.memory_space<hbm>>) target(%arg6 : memref<80x128xi32, #tpu.memory_space<vmem>>) target_semaphore(%run_scoped3A_398 : memref<!tpu.dma_semaphore, #tpu.memory_space<semaphore_mem>>)
      %dma_wait3A_403 = arith.constant 0 : i32
      %dma_wait3A_404 = tpu.memref_slice %arg3[%add3A_207, %dma_wait3A_403] : memref<2560x128xi32, #tpu.memory_space<hbm>> -> memref<80x128xi32, #tpu.memory_space<hbm>>
      %dma_wait3A_405 = arith.constant 0 : i32
      %dma_wait3A_406 = tpu.memref_slice %arg3[%add3A_207, %dma_wait3A_405] : memref<2560x128xi32, #tpu.memory_space<hbm>> -> memref<80x128xi32, #tpu.memory_space<hbm>>
      tpu.wait_dma2 semaphore(%run_scoped3A_398 : memref<!tpu.dma_semaphore, #tpu.memory_space<semaphore_mem>>) src(%dma_wait3A_406 : memref<80x128xi32, #tpu.memory_space<hbm>>) dst(%arg6 : memref<80x128xi32, #tpu.memory_space<vmem>>)
      tpu.yield
    }) : () -> ()
    "tpu.region"() ({
      %run_scoped3A_398 = tpu.sem_alloc : memref<!tpu.dma_semaphore, #tpu.memory_space<semaphore_mem>>
      %dma_start3A_399 = arith.constant 0 : i32
      %dma_start3A_400 = tpu.memref_slice %arg4[%add3A_207, %dma_start3A_399] : memref<2560x128xi32, #tpu.memory_space<hbm>> -> memref<80x128xi32, #tpu.memory_space<hbm>>
      %dma_start3A_401 = arith.constant 0 : i32
      %dma_start3A_402 = tpu.memref_slice %arg4[%add3A_207, %dma_start3A_401] : memref<2560x128xi32, #tpu.memory_space<hbm>> -> memref<80x128xi32, #tpu.memory_space<hbm>>
      tpu.enqueue_dma source(%dma_start3A_402 : memref<80x128xi32, #tpu.memory_space<hbm>>) target(%arg7 : memref<80x128xi32, #tpu.memory_space<vmem>>) target_semaphore(%run_scoped3A_398 : memref<!tpu.dma_semaphore, #tpu.memory_space<semaphore_mem>>)
      %dma_wait3A_403 = arith.constant 0 : i32
      %dma_wait3A_404 = tpu.memref_slice %arg4[%add3A_207, %dma_wait3A_403] : memref<2560x128xi32, #tpu.memory_space<hbm>> -> memref<80x128xi32, #tpu.memory_space<hbm>>
      %dma_wait3A_405 = arith.constant 0 : i32
      %dma_wait3A_406 = tpu.memref_slice %arg4[%add3A_207, %dma_wait3A_405] : memref<2560x128xi32, #tpu.memory_space<hbm>> -> memref<80x128xi32, #tpu.memory_space<hbm>>
      tpu.wait_dma2 semaphore(%run_scoped3A_398 : memref<!tpu.dma_semaphore, #tpu.memory_space<semaphore_mem>>) src(%dma_wait3A_406 : memref<80x128xi32, #tpu.memory_space<hbm>>) dst(%arg7 : memref<80x128xi32, #tpu.memory_space<vmem>>)
      tpu.yield
    }) : () -> ()
    %dma_start3A_208 = arith.constant 0 : i32
    %dma_start3A_209 = arith.constant 0 : i32
    %dma_start3A_210 = tpu.memref_slice %arg6[%dma_start3A_208, %dma_start3A_209] : memref<80x128xi32, #tpu.memory_space<vmem>> -> memref<1x128xi32, #tpu.memory_space<vmem>>
    %dma_start3A_211 = tpu.memref_squeeze %dma_start3A_210 : memref<1x128xi32, #tpu.memory_space<vmem>> -> memref<128xi32, #tpu.memory_space<vmem>>
    %dma_start3A_212 = arith.constant 0 : i32
    %dma_start3A_213 = arith.constant 0 : i32
    %dma_start3A_214 = tpu.memref_slice %arg2[%arg0, %dma_start3A_212, %dma_start3A_213] : memref<2x10112x64xf32, #tpu.memory_space<hbm>> -> memref<1x10112x64xf32, #tpu.memory_space<hbm>>
    %dma_start3A_215 = tpu.memref_squeeze %dma_start3A_214 : memref<1x10112x64xf32, #tpu.memory_space<hbm>> -> memref<10112x64xf32, #tpu.memory_space<hbm>>
    %dma_start3A_216 = arith.constant 0 : i32
    %dma_start3A_217 = arith.constant 0 : i32
    %dma_start3A_218 = tpu.memref_slice %dma_start3A_215[%dma_start3A_216, %dma_start3A_217] : memref<10112x64xf32, #tpu.memory_space<hbm>> -> memref<10112x64xf32, #tpu.memory_space<hbm>>
    tpu.enqueue_indirect_dma source(%dma_start3A_218 : memref<10112x64xf32, #tpu.memory_space<hbm>>) target(%arg8 : memref<128x64xf32, #tpu.memory_space<vmem>>) offsets(%dma_start3A_211 : memref<128xi32, #tpu.memory_space<vmem>>) semaphore(%arg17 : memref<!tpu.dma_semaphore, #tpu.memory_space<semaphore_mem>>)
    %dma_start3A_219 = arith.constant 1 : i32
    %dma_start3A_220 = arith.constant 0 : i32
    %dma_start3A_221 = tpu.memref_slice %arg6[%dma_start3A_219, %dma_start3A_220] : memref<80x128xi32, #tpu.memory_space<vmem>> -> memref<1x128xi32, #tpu.memory_space<vmem>>
    %dma_start3A_222 = tpu.memref_squeeze %dma_start3A_221 : memref<1x128xi32, #tpu.memory_space<vmem>> -> memref<128xi32, #tpu.memory_space<vmem>>
    %dma_start3A_223 = arith.constant 0 : i32
    %dma_start3A_224 = arith.constant 0 : i32
    %dma_start3A_225 = tpu.memref_slice %arg2[%arg0, %dma_start3A_223, %dma_start3A_224] : memref<2x10112x64xf32, #tpu.memory_space<hbm>> -> memref<1x10112x64xf32, #tpu.memory_space<hbm>>
    %dma_start3A_226 = tpu.memref_squeeze %dma_start3A_225 : memref<1x10112x64xf32, #tpu.memory_space<hbm>> -> memref<10112x64xf32, #tpu.memory_space<hbm>>
    %dma_start3A_227 = arith.constant 0 : i32
    %dma_start3A_228 = arith.constant 0 : i32
    %dma_start3A_229 = tpu.memref_slice %dma_start3A_226[%dma_start3A_227, %dma_start3A_228] : memref<10112x64xf32, #tpu.memory_space<hbm>> -> memref<10112x64xf32, #tpu.memory_space<hbm>>
    tpu.enqueue_indirect_dma source(%dma_start3A_229 : memref<10112x64xf32, #tpu.memory_space<hbm>>) target(%arg9 : memref<128x64xf32, #tpu.memory_space<vmem>>) offsets(%dma_start3A_222 : memref<128xi32, #tpu.memory_space<vmem>>) semaphore(%arg18 : memref<!tpu.dma_semaphore, #tpu.memory_space<semaphore_mem>>)
    %dma_start3A_230 = arith.constant 2 : i32
    %dma_start3A_231 = arith.constant 0 : i32
    %dma_start3A_232 = tpu.memref_slice %arg6[%dma_start3A_230, %dma_start3A_231] : memref<80x128xi32, #tpu.memory_space<vmem>> -> memref<1x128xi32, #tpu.memory_space<vmem>>
    %dma_start3A_233 = tpu.memref_squeeze %dma_start3A_232 : memref<1x128xi32, #tpu.memory_space<vmem>> -> memref<128xi32, #tpu.memory_space<vmem>>
    %dma_start3A_234 = arith.constant 0 : i32
    %dma_start3A_235 = arith.constant 0 : i32
    %dma_start3A_236 = tpu.memref_slice %arg2[%arg0, %dma_start3A_234, %dma_start3A_235] : memref<2x10112x64xf32, #tpu.memory_space<hbm>> -> memref<1x10112x64xf32, #tpu.memory_space<hbm>>
    %dma_start3A_237 = tpu.memref_squeeze %dma_start3A_236 : memref<1x10112x64xf32, #tpu.memory_space<hbm>> -> memref<10112x64xf32, #tpu.memory_space<hbm>>
    %dma_start3A_238 = arith.constant 0 : i32
    %dma_start3A_239 = arith.constant 0 : i32
    %dma_start3A_240 = tpu.memref_slice %dma_start3A_237[%dma_start3A_238, %dma_start3A_239] : memref<10112x64xf32, #tpu.memory_space<hbm>> -> memref<10112x64xf32, #tpu.memory_space<hbm>>
    tpu.enqueue_indirect_dma source(%dma_start3A_240 : memref<10112x64xf32, #tpu.memory_space<hbm>>) target(%arg10 : memref<128x64xf32, #tpu.memory_space<vmem>>) offsets(%dma_start3A_233 : memref<128xi32, #tpu.memory_space<vmem>>) semaphore(%arg19 : memref<!tpu.dma_semaphore, #tpu.memory_space<semaphore_mem>>)
    %dma_start3A_241 = arith.constant 3 : i32
    %dma_start3A_242 = arith.constant 0 : i32
    %dma_start3A_243 = tpu.memref_slice %arg6[%dma_start3A_241, %dma_start3A_242] : memref<80x128xi32, #tpu.memory_space<vmem>> -> memref<1x128xi32, #tpu.memory_space<vmem>>
    %dma_start3A_244 = tpu.memref_squeeze %dma_start3A_243 : memref<1x128xi32, #tpu.memory_space<vmem>> -> memref<128xi32, #tpu.memory_space<vmem>>
    %dma_start3A_245 = arith.constant 0 : i32
    %dma_start3A_246 = arith.constant 0 : i32
    %dma_start3A_247 = tpu.memref_slice %arg2[%arg0, %dma_start3A_245, %dma_start3A_246] : memref<2x10112x64xf32, #tpu.memory_space<hbm>> -> memref<1x10112x64xf32, #tpu.memory_space<hbm>>
    %dma_start3A_248 = tpu.memref_squeeze %dma_start3A_247 : memref<1x10112x64xf32, #tpu.memory_space<hbm>> -> memref<10112x64xf32, #tpu.memory_space<hbm>>
    %dma_start3A_249 = arith.constant 0 : i32
    %dma_start3A_250 = arith.constant 0 : i32
    %dma_start3A_251 = tpu.memref_slice %dma_start3A_248[%dma_start3A_249, %dma_start3A_250] : memref<10112x64xf32, #tpu.memory_space<hbm>> -> memref<10112x64xf32, #tpu.memory_space<hbm>>
    tpu.enqueue_indirect_dma source(%dma_start3A_251 : memref<10112x64xf32, #tpu.memory_space<hbm>>) target(%arg11 : memref<128x64xf32, #tpu.memory_space<vmem>>) offsets(%dma_start3A_244 : memref<128xi32, #tpu.memory_space<vmem>>) semaphore(%arg20 : memref<!tpu.dma_semaphore, #tpu.memory_space<semaphore_mem>>)
    %dma_start3A_252 = arith.constant 4 : i32
    %dma_start3A_253 = arith.constant 0 : i32
    %dma_start3A_254 = tpu.memref_slice %arg6[%dma_start3A_252, %dma_start3A_253] : memref<80x128xi32, #tpu.memory_space<vmem>> -> memref<1x128xi32, #tpu.memory_space<vmem>>
    %dma_start3A_255 = tpu.memref_squeeze %dma_start3A_254 : memref<1x128xi32, #tpu.memory_space<vmem>> -> memref<128xi32, #tpu.memory_space<vmem>>
    %dma_start3A_256 = arith.constant 0 : i32
    %dma_start3A_257 = arith.constant 0 : i32
    %dma_start3A_258 = tpu.memref_slice %arg2[%arg0, %dma_start3A_256, %dma_start3A_257] : memref<2x10112x64xf32, #tpu.memory_space<hbm>> -> memref<1x10112x64xf32, #tpu.memory_space<hbm>>
    %dma_start3A_259 = tpu.memref_squeeze %dma_start3A_258 : memref<1x10112x64xf32, #tpu.memory_space<hbm>> -> memref<10112x64xf32, #tpu.memory_space<hbm>>
    %dma_start3A_260 = arith.constant 0 : i32
    %dma_start3A_261 = arith.constant 0 : i32
    %dma_start3A_262 = tpu.memref_slice %dma_start3A_259[%dma_start3A_260, %dma_start3A_261] : memref<10112x64xf32, #tpu.memory_space<hbm>> -> memref<10112x64xf32, #tpu.memory_space<hbm>>
    tpu.enqueue_indirect_dma source(%dma_start3A_262 : memref<10112x64xf32, #tpu.memory_space<hbm>>) target(%arg12 : memref<128x64xf32, #tpu.memory_space<vmem>>) offsets(%dma_start3A_255 : memref<128xi32, #tpu.memory_space<vmem>>) semaphore(%arg21 : memref<!tpu.dma_semaphore, #tpu.memory_space<semaphore_mem>>)
    %dma_start3A_263 = arith.constant 5 : i32
    %dma_start3A_264 = arith.constant 0 : i32
    %dma_start3A_265 = tpu.memref_slice %arg6[%dma_start3A_263, %dma_start3A_264] : memref<80x128xi32, #tpu.memory_space<vmem>> -> memref<1x128xi32, #tpu.memory_space<vmem>>
    %dma_start3A_266 = tpu.memref_squeeze %dma_start3A_265 : memref<1x128xi32, #tpu.memory_space<vmem>> -> memref<128xi32, #tpu.memory_space<vmem>>
    %dma_start3A_267 = arith.constant 0 : i32
    %dma_start3A_268 = arith.constant 0 : i32
    %dma_start3A_269 = tpu.memref_slice %arg2[%arg0, %dma_start3A_267, %dma_start3A_268] : memref<2x10112x64xf32, #tpu.memory_space<hbm>> -> memref<1x10112x64xf32, #tpu.memory_space<hbm>>
    %dma_start3A_270 = tpu.memref_squeeze %dma_start3A_269 : memref<1x10112x64xf32, #tpu.memory_space<hbm>> -> memref<10112x64xf32, #tpu.memory_space<hbm>>
    %dma_start3A_271 = arith.constant 0 : i32
    %dma_start3A_272 = arith.constant 0 : i32
    %dma_start3A_273 = tpu.memref_slice %dma_start3A_270[%dma_start3A_271, %dma_start3A_272] : memref<10112x64xf32, #tpu.memory_space<hbm>> -> memref<10112x64xf32, #tpu.memory_space<hbm>>
    tpu.enqueue_indirect_dma source(%dma_start3A_273 : memref<10112x64xf32, #tpu.memory_space<hbm>>) target(%arg13 : memref<128x64xf32, #tpu.memory_space<vmem>>) offsets(%dma_start3A_266 : memref<128xi32, #tpu.memory_space<vmem>>) semaphore(%arg22 : memref<!tpu.dma_semaphore, #tpu.memory_space<semaphore_mem>>)
    %dma_start3A_274 = arith.constant 6 : i32
    %dma_start3A_275 = arith.constant 0 : i32
    %dma_start3A_276 = tpu.memref_slice %arg6[%dma_start3A_274, %dma_start3A_275] : memref<80x128xi32, #tpu.memory_space<vmem>> -> memref<1x128xi32, #tpu.memory_space<vmem>>
    %dma_start3A_277 = tpu.memref_squeeze %dma_start3A_276 : memref<1x128xi32, #tpu.memory_space<vmem>> -> memref<128xi32, #tpu.memory_space<vmem>>
    %dma_start3A_278 = arith.constant 0 : i32
    %dma_start3A_279 = arith.constant 0 : i32
    %dma_start3A_280 = tpu.memref_slice %arg2[%arg0, %dma_start3A_278, %dma_start3A_279] : memref<2x10112x64xf32, #tpu.memory_space<hbm>> -> memref<1x10112x64xf32, #tpu.memory_space<hbm>>
    %dma_start3A_281 = tpu.memref_squeeze %dma_start3A_280 : memref<1x10112x64xf32, #tpu.memory_space<hbm>> -> memref<10112x64xf32, #tpu.memory_space<hbm>>
    %dma_start3A_282 = arith.constant 0 : i32
    %dma_start3A_283 = arith.constant 0 : i32
    %dma_start3A_284 = tpu.memref_slice %dma_start3A_281[%dma_start3A_282, %dma_start3A_283] : memref<10112x64xf32, #tpu.memory_space<hbm>> -> memref<10112x64xf32, #tpu.memory_space<hbm>>
    tpu.enqueue_indirect_dma source(%dma_start3A_284 : memref<10112x64xf32, #tpu.memory_space<hbm>>) target(%arg14 : memref<128x64xf32, #tpu.memory_space<vmem>>) offsets(%dma_start3A_277 : memref<128xi32, #tpu.memory_space<vmem>>) semaphore(%arg23 : memref<!tpu.dma_semaphore, #tpu.memory_space<semaphore_mem>>)
    %dma_start3A_285 = arith.constant 7 : i32
    %dma_start3A_286 = arith.constant 0 : i32
    %dma_start3A_287 = tpu.memref_slice %arg6[%dma_start3A_285, %dma_start3A_286] : memref<80x128xi32, #tpu.memory_space<vmem>> -> memref<1x128xi32, #tpu.memory_space<vmem>>
    %dma_start3A_288 = tpu.memref_squeeze %dma_start3A_287 : memref<1x128xi32, #tpu.memory_space<vmem>> -> memref<128xi32, #tpu.memory_space<vmem>>
    %dma_start3A_289 = arith.constant 0 : i32
    %dma_start3A_290 = arith.constant 0 : i32
    %dma_start3A_291 = tpu.memref_slice %arg2[%arg0, %dma_start3A_289, %dma_start3A_290] : memref<2x10112x64xf32, #tpu.memory_space<hbm>> -> memref<1x10112x64xf32, #tpu.memory_space<hbm>>
    %dma_start3A_292 = tpu.memref_squeeze %dma_start3A_291 : memref<1x10112x64xf32, #tpu.memory_space<hbm>> -> memref<10112x64xf32, #tpu.memory_space<hbm>>
    %dma_start3A_293 = arith.constant 0 : i32
    %dma_start3A_294 = arith.constant 0 : i32
    %dma_start3A_295 = tpu.memref_slice %dma_start3A_292[%dma_start3A_293, %dma_start3A_294] : memref<10112x64xf32, #tpu.memory_space<hbm>> -> memref<10112x64xf32, #tpu.memory_space<hbm>>
    tpu.enqueue_indirect_dma source(%dma_start3A_295 : memref<10112x64xf32, #tpu.memory_space<hbm>>) target(%arg15 : memref<128x64xf32, #tpu.memory_space<vmem>>) offsets(%dma_start3A_288 : memref<128xi32, #tpu.memory_space<vmem>>) semaphore(%arg24 : memref<!tpu.dma_semaphore, #tpu.memory_space<semaphore_mem>>)
    %scan3A_296 = arith.constant 0 : i32
    %scan3A_297 = arith.constant 9 : i32
    %scan3A_298 = arith.addi %scan3A_296, %scan3A_297 : i32
    %scan3A_299 = arith.constant 1 : i32
    scf.for %scan3A_398 = %scan3A_296 to %scan3A_298 step %scan3A_299  : i32 {
      %mul3A_399 = arith.constant 1 : i32
      %mul3A_400 = arith.muli %scan3A_398, %mul3A_399 : i32
      %add3A_401 = arith.constant 0 : i32
      %add3A_402 = arith.addi %add3A_401, %mul3A_400 : i32
      %mul3A_403 = arith.constant 8 : i32
      %mul3A_404 = arith.muli %add3A_402, %mul3A_403 : i32
      %add3A_405 = arith.constant 0 : i32
      %add3A_406 = arith.addi %mul3A_404, %add3A_405 : i32
      %dma_wait3A_407 = arith.constant 0 : i32
      %dma_wait3A_408 = tpu.memref_slice %arg6[%add3A_406, %dma_wait3A_407] : memref<80x128xi32, #tpu.memory_space<vmem>> -> memref<1x128xi32, #tpu.memory_space<vmem>>
      %dma_wait3A_409 = tpu.memref_squeeze %dma_wait3A_408 : memref<1x128xi32, #tpu.memory_space<vmem>> -> memref<128xi32, #tpu.memory_space<vmem>>
      %dma_wait3A_410 = arith.constant 0 : i32
      %dma_wait3A_411 = arith.constant 0 : i32
      %dma_wait3A_412 = tpu.memref_slice %arg2[%arg0, %dma_wait3A_410, %dma_wait3A_411] : memref<2x10112x64xf32, #tpu.memory_space<hbm>> -> memref<1x10112x64xf32, #tpu.memory_space<hbm>>
      %dma_wait3A_413 = tpu.memref_squeeze %dma_wait3A_412 : memref<1x10112x64xf32, #tpu.memory_space<hbm>> -> memref<10112x64xf32, #tpu.memory_space<hbm>>
      %dma_wait3A_414 = arith.constant 0 : i32
      %dma_wait3A_415 = arith.constant 0 : i32
      %dma_wait3A_416 = tpu.memref_slice %dma_wait3A_413[%dma_wait3A_414, %dma_wait3A_415] : memref<10112x64xf32, #tpu.memory_space<hbm>> -> memref<10112x64xf32, #tpu.memory_space<hbm>>
      tpu.wait_indirect_dma semaphore(%arg17 : memref<!tpu.dma_semaphore, #tpu.memory_space<semaphore_mem>>) src(%dma_wait3A_416 : memref<10112x64xf32, #tpu.memory_space<hbm>>) dst(%arg8 : memref<128x64xf32, #tpu.memory_space<vmem>>)
      "tpu.region"() ({
        %run_scoped3A_611 = tpu.sem_alloc : memref<!tpu.dma_semaphore, #tpu.memory_space<semaphore_mem>>
        %dma_start3A_612 = arith.constant 0 : i32
        %dma_start3A_613 = tpu.memref_slice %arg7[%add3A_406, %dma_start3A_612] : memref<80x128xi32, #tpu.memory_space<vmem>> -> memref<1x128xi32, #tpu.memory_space<vmem>>
        %dma_start3A_614 = tpu.memref_squeeze %dma_start3A_613 : memref<1x128xi32, #tpu.memory_space<vmem>> -> memref<128xi32, #tpu.memory_space<vmem>>
        %dma_start3A_615 = arith.constant 0 : i32
        %dma_start3A_616 = arith.constant 0 : i32
        %dma_start3A_617 = tpu.memref_slice %arg16[%dma_start3A_615, %dma_start3A_616] : memref<10112x64xf32, #tpu.memory_space<vmem_shared>> -> memref<10112x64xf32, #tpu.memory_space<vmem_shared>>
        tpu.enqueue_indirect_dma source(%arg8 : memref<128x64xf32, #tpu.memory_space<vmem>>) target(%dma_start3A_617 : memref<10112x64xf32, #tpu.memory_space<vmem_shared>>) offsets(%dma_start3A_614 : memref<128xi32, #tpu.memory_space<vmem>>) semaphore(%run_scoped3A_611 : memref<!tpu.dma_semaphore, #tpu.memory_space<semaphore_mem>>) {add = true}
        %dma_wait3A_618 = arith.constant 0 : i32
        %dma_wait3A_619 = tpu.memref_slice %arg7[%add3A_406, %dma_wait3A_618] : memref<80x128xi32, #tpu.memory_space<vmem>> -> memref<1x128xi32, #tpu.memory_space<vmem>>
        %dma_wait3A_620 = tpu.memref_squeeze %dma_wait3A_619 : memref<1x128xi32, #tpu.memory_space<vmem>> -> memref<128xi32, #tpu.memory_space<vmem>>
        %dma_wait3A_621 = arith.constant 0 : i32
        %dma_wait3A_622 = arith.constant 0 : i32
        %dma_wait3A_623 = tpu.memref_slice %arg16[%dma_wait3A_621, %dma_wait3A_622] : memref<10112x64xf32, #tpu.memory_space<vmem_shared>> -> memref<10112x64xf32, #tpu.memory_space<vmem_shared>>
        tpu.wait_indirect_dma semaphore(%run_scoped3A_611 : memref<!tpu.dma_semaphore, #tpu.memory_space<semaphore_mem>>) src(%arg8 : memref<128x64xf32, #tpu.memory_space<vmem>>) dst(%dma_wait3A_623 : memref<10112x64xf32, #tpu.memory_space<vmem_shared>>)
        tpu.yield
      }) : () -> ()
      %add3A_417 = arith.constant 8 : i32
      %add3A_418 = arith.addi %add3A_406, %add3A_417 : i32
      %dma_start3A_419 = arith.constant 0 : i32
      %dma_start3A_420 = tpu.memref_slice %arg6[%add3A_418, %dma_start3A_419] : memref<80x128xi32, #tpu.memory_space<vmem>> -> memref<1x128xi32, #tpu.memory_space<vmem>>
      %dma_start3A_421 = tpu.memref_squeeze %dma_start3A_420 : memref<1x128xi32, #tpu.memory_space<vmem>> -> memref<128xi32, #tpu.memory_space<vmem>>
      %dma_start3A_422 = arith.constant 0 : i32
      %dma_start3A_423 = arith.constant 0 : i32
      %dma_start3A_424 = tpu.memref_slice %arg2[%arg0, %dma_start3A_422, %dma_start3A_423] : memref<2x10112x64xf32, #tpu.memory_space<hbm>> -> memref<1x10112x64xf32, #tpu.memory_space<hbm>>
      %dma_start3A_425 = tpu.memref_squeeze %dma_start3A_424 : memref<1x10112x64xf32, #tpu.memory_space<hbm>> -> memref<10112x64xf32, #tpu.memory_space<hbm>>
      %dma_start3A_426 = arith.constant 0 : i32
      %dma_start3A_427 = arith.constant 0 : i32
      %dma_start3A_428 = tpu.memref_slice %dma_start3A_425[%dma_start3A_426, %dma_start3A_427] : memref<10112x64xf32, #tpu.memory_space<hbm>> -> memref<10112x64xf32, #tpu.memory_space<hbm>>
      tpu.enqueue_indirect_dma source(%dma_start3A_428 : memref<10112x64xf32, #tpu.memory_space<hbm>>) target(%arg8 : memref<128x64xf32, #tpu.memory_space<vmem>>) offsets(%dma_start3A_421 : memref<128xi32, #tpu.memory_space<vmem>>) semaphore(%arg17 : memref<!tpu.dma_semaphore, #tpu.memory_space<semaphore_mem>>)
      %mul3A_429 = arith.constant 8 : i32
      %mul3A_430 = arith.muli %add3A_402, %mul3A_429 : i32
      %add3A_431 = arith.constant 1 : i32
      %add3A_432 = arith.addi %mul3A_430, %add3A_431 : i32
      %dma_wait3A_433 = arith.constant 0 : i32
      %dma_wait3A_434 = tpu.memref_slice %arg6[%add3A_432, %dma_wait3A_433] : memref<80x128xi32, #tpu.memory_space<vmem>> -> memref<1x128xi32, #tpu.memory_space<vmem>>
      %dma_wait3A_435 = tpu.memref_squeeze %dma_wait3A_434 : memref<1x128xi32, #tpu.memory_space<vmem>> -> memref<128xi32, #tpu.memory_space<vmem>>
      %dma_wait3A_436 = arith.constant 0 : i32
      %dma_wait3A_437 = arith.constant 0 : i32
      %dma_wait3A_438 = tpu.memref_slice %arg2[%arg0, %dma_wait3A_436, %dma_wait3A_437] : memref<2x10112x64xf32, #tpu.memory_space<hbm>> -> memref<1x10112x64xf32, #tpu.memory_space<hbm>>
      %dma_wait3A_439 = tpu.memref_squeeze %dma_wait3A_438 : memref<1x10112x64xf32, #tpu.memory_space<hbm>> -> memref<10112x64xf32, #tpu.memory_space<hbm>>
      %dma_wait3A_440 = arith.constant 0 : i32
      %dma_wait3A_441 = arith.constant 0 : i32
      %dma_wait3A_442 = tpu.memref_slice %dma_wait3A_439[%dma_wait3A_440, %dma_wait3A_441] : memref<10112x64xf32, #tpu.memory_space<hbm>> -> memref<10112x64xf32, #tpu.memory_space<hbm>>
      tpu.wait_indirect_dma semaphore(%arg18 : memref<!tpu.dma_semaphore, #tpu.memory_space<semaphore_mem>>) src(%dma_wait3A_442 : memref<10112x64xf32, #tpu.memory_space<hbm>>) dst(%arg9 : memref<128x64xf32, #tpu.memory_space<vmem>>)
      "tpu.region"() ({
        %run_scoped3A_611 = tpu.sem_alloc : memref<!tpu.dma_semaphore, #tpu.memory_space<semaphore_mem>>
        %dma_start3A_612 = arith.constant 0 : i32
        %dma_start3A_613 = tpu.memref_slice %arg7[%add3A_432, %dma_start3A_612] : memref<80x128xi32, #tpu.memory_space<vmem>> -> memref<1x128xi32, #tpu.memory_space<vmem>>
        %dma_start3A_614 = tpu.memref_squeeze %dma_start3A_613 : memref<1x128xi32, #tpu.memory_space<vmem>> -> memref<128xi32, #tpu.memory_space<vmem>>
        %dma_start3A_615 = arith.constant 0 : i32
        %dma_start3A_616 = arith.constant 0 : i32
        %dma_start3A_617 = tpu.memref_slice %arg16[%dma_start3A_615, %dma_start3A_616] : memref<10112x64xf32, #tpu.memory_space<vmem_shared>> -> memref<10112x64xf32, #tpu.memory_space<vmem_shared>>
        tpu.enqueue_indirect_dma source(%arg9 : memref<128x64xf32, #tpu.memory_space<vmem>>) target(%dma_start3A_617 : memref<10112x64xf32, #tpu.memory_space<vmem_shared>>) offsets(%dma_start3A_614 : memref<128xi32, #tpu.memory_space<vmem>>) semaphore(%run_scoped3A_611 : memref<!tpu.dma_semaphore, #tpu.memory_space<semaphore_mem>>) {add = true}
        %dma_wait3A_618 = arith.constant 0 : i32
        %dma_wait3A_619 = tpu.memref_slice %arg7[%add3A_432, %dma_wait3A_618] : memref<80x128xi32, #tpu.memory_space<vmem>> -> memref<1x128xi32, #tpu.memory_space<vmem>>
        %dma_wait3A_620 = tpu.memref_squeeze %dma_wait3A_619 : memref<1x128xi32, #tpu.memory_space<vmem>> -> memref<128xi32, #tpu.memory_space<vmem>>
        %dma_wait3A_621 = arith.constant 0 : i32
        %dma_wait3A_622 = arith.constant 0 : i32
        %dma_wait3A_623 = tpu.memref_slice %arg16[%dma_wait3A_621, %dma_wait3A_622] : memref<10112x64xf32, #tpu.memory_space<vmem_shared>> -> memref<10112x64xf32, #tpu.memory_space<vmem_shared>>
        tpu.wait_indirect_dma semaphore(%run_scoped3A_611 : memref<!tpu.dma_semaphore, #tpu.memory_space<semaphore_mem>>) src(%arg9 : memref<128x64xf32, #tpu.memory_space<vmem>>) dst(%dma_wait3A_623 : memref<10112x64xf32, #tpu.memory_space<vmem_shared>>)
        tpu.yield
      }) : () -> ()
      %add3A_443 = arith.constant 8 : i32
      %add3A_444 = arith.addi %add3A_432, %add3A_443 : i32
      %dma_start3A_445 = arith.constant 0 : i32
      %dma_start3A_446 = tpu.memref_slice %arg6[%add3A_444, %dma_start3A_445] : memref<80x128xi32, #tpu.memory_space<vmem>> -> memref<1x128xi32, #tpu.memory_space<vmem>>
      %dma_start3A_447 = tpu.memref_squeeze %dma_start3A_446 : memref<1x128xi32, #tpu.memory_space<vmem>> -> memref<128xi32, #tpu.memory_space<vmem>>
      %dma_start3A_448 = arith.constant 0 : i32
      %dma_start3A_449 = arith.constant 0 : i32
      %dma_start3A_450 = tpu.memref_slice %arg2[%arg0, %dma_start3A_448, %dma_start3A_449] : memref<2x10112x64xf32, #tpu.memory_space<hbm>> -> memref<1x10112x64xf32, #tpu.memory_space<hbm>>
      %dma_start3A_451 = tpu.memref_squeeze %dma_start3A_450 : memref<1x10112x64xf32, #tpu.memory_space<hbm>> -> memref<10112x64xf32, #tpu.memory_space<hbm>>
      %dma_start3A_452 = arith.constant 0 : i32
      %dma_start3A_453 = arith.constant 0 : i32
      %dma_start3A_454 = tpu.memref_slice %dma_start3A_451[%dma_start3A_452, %dma_start3A_453] : memref<10112x64xf32, #tpu.memory_space<hbm>> -> memref<10112x64xf32, #tpu.memory_space<hbm>>
      tpu.enqueue_indirect_dma source(%dma_start3A_454 : memref<10112x64xf32, #tpu.memory_space<hbm>>) target(%arg9 : memref<128x64xf32, #tpu.memory_space<vmem>>) offsets(%dma_start3A_447 : memref<128xi32, #tpu.memory_space<vmem>>) semaphore(%arg18 : memref<!tpu.dma_semaphore, #tpu.memory_space<semaphore_mem>>)
      %mul3A_455 = arith.constant 8 : i32
      %mul3A_456 = arith.muli %add3A_402, %mul3A_455 : i32
      %add3A_457 = arith.constant 2 : i32
      %add3A_458 = arith.addi %mul3A_456, %add3A_457 : i32
      %dma_wait3A_459 = arith.constant 0 : i32
      %dma_wait3A_460 = tpu.memref_slice %arg6[%add3A_458, %dma_wait3A_459] : memref<80x128xi32, #tpu.memory_space<vmem>> -> memref<1x128xi32, #tpu.memory_space<vmem>>
      %dma_wait3A_461 = tpu.memref_squeeze %dma_wait3A_460 : memref<1x128xi32, #tpu.memory_space<vmem>> -> memref<128xi32, #tpu.memory_space<vmem>>
      %dma_wait3A_462 = arith.constant 0 : i32
      %dma_wait3A_463 = arith.constant 0 : i32
      %dma_wait3A_464 = tpu.memref_slice %arg2[%arg0, %dma_wait3A_462, %dma_wait3A_463] : memref<2x10112x64xf32, #tpu.memory_space<hbm>> -> memref<1x10112x64xf32, #tpu.memory_space<hbm>>
      %dma_wait3A_465 = tpu.memref_squeeze %dma_wait3A_464 : memref<1x10112x64xf32, #tpu.memory_space<hbm>> -> memref<10112x64xf32, #tpu.memory_space<hbm>>
      %dma_wait3A_466 = arith.constant 0 : i32
      %dma_wait3A_467 = arith.constant 0 : i32
      %dma_wait3A_468 = tpu.memref_slice %dma_wait3A_465[%dma_wait3A_466, %dma_wait3A_467] : memref<10112x64xf32, #tpu.memory_space<hbm>> -> memref<10112x64xf32, #tpu.memory_space<hbm>>
      tpu.wait_indirect_dma semaphore(%arg19 : memref<!tpu.dma_semaphore, #tpu.memory_space<semaphore_mem>>) src(%dma_wait3A_468 : memref<10112x64xf32, #tpu.memory_space<hbm>>) dst(%arg10 : memref<128x64xf32, #tpu.memory_space<vmem>>)
      "tpu.region"() ({
        %run_scoped3A_611 = tpu.sem_alloc : memref<!tpu.dma_semaphore, #tpu.memory_space<semaphore_mem>>
        %dma_start3A_612 = arith.constant 0 : i32
        %dma_start3A_613 = tpu.memref_slice %arg7[%add3A_458, %dma_start3A_612] : memref<80x128xi32, #tpu.memory_space<vmem>> -> memref<1x128xi32, #tpu.memory_space<vmem>>
        %dma_start3A_614 = tpu.memref_squeeze %dma_start3A_613 : memref<1x128xi32, #tpu.memory_space<vmem>> -> memref<128xi32, #tpu.memory_space<vmem>>
        %dma_start3A_615 = arith.constant 0 : i32
        %dma_start3A_616 = arith.constant 0 : i32
        %dma_start3A_617 = tpu.memref_slice %arg16[%dma_start3A_615, %dma_start3A_616] : memref<10112x64xf32, #tpu.memory_space<vmem_shared>> -> memref<10112x64xf32, #tpu.memory_space<vmem_shared>>
        tpu.enqueue_indirect_dma source(%arg10 : memref<128x64xf32, #tpu.memory_space<vmem>>) target(%dma_start3A_617 : memref<10112x64xf32, #tpu.memory_space<vmem_shared>>) offsets(%dma_start3A_614 : memref<128xi32, #tpu.memory_space<vmem>>) semaphore(%run_scoped3A_611 : memref<!tpu.dma_semaphore, #tpu.memory_space<semaphore_mem>>) {add = true}
        %dma_wait3A_618 = arith.constant 0 : i32
        %dma_wait3A_619 = tpu.memref_slice %arg7[%add3A_458, %dma_wait3A_618] : memref<80x128xi32, #tpu.memory_space<vmem>> -> memref<1x128xi32, #tpu.memory_space<vmem>>
        %dma_wait3A_620 = tpu.memref_squeeze %dma_wait3A_619 : memref<1x128xi32, #tpu.memory_space<vmem>> -> memref<128xi32, #tpu.memory_space<vmem>>
        %dma_wait3A_621 = arith.constant 0 : i32
        %dma_wait3A_622 = arith.constant 0 : i32
        %dma_wait3A_623 = tpu.memref_slice %arg16[%dma_wait3A_621, %dma_wait3A_622] : memref<10112x64xf32, #tpu.memory_space<vmem_shared>> -> memref<10112x64xf32, #tpu.memory_space<vmem_shared>>
        tpu.wait_indirect_dma semaphore(%run_scoped3A_611 : memref<!tpu.dma_semaphore, #tpu.memory_space<semaphore_mem>>) src(%arg10 : memref<128x64xf32, #tpu.memory_space<vmem>>) dst(%dma_wait3A_623 : memref<10112x64xf32, #tpu.memory_space<vmem_shared>>)
        tpu.yield
      }) : () -> ()
      %add3A_469 = arith.constant 8 : i32
      %add3A_470 = arith.addi %add3A_458, %add3A_469 : i32
      %dma_start3A_471 = arith.constant 0 : i32
      %dma_start3A_472 = tpu.memref_slice %arg6[%add3A_470, %dma_start3A_471] : memref<80x128xi32, #tpu.memory_space<vmem>> -> memref<1x128xi32, #tpu.memory_space<vmem>>
      %dma_start3A_473 = tpu.memref_squeeze %dma_start3A_472 : memref<1x128xi32, #tpu.memory_space<vmem>> -> memref<128xi32, #tpu.memory_space<vmem>>
      %dma_start3A_474 = arith.constant 0 : i32
      %dma_start3A_475 = arith.constant 0 : i32
      %dma_start3A_476 = tpu.memref_slice %arg2[%arg0, %dma_start3A_474, %dma_start3A_475] : memref<2x10112x64xf32, #tpu.memory_space<hbm>> -> memref<1x10112x64xf32, #tpu.memory_space<hbm>>
      %dma_start3A_477 = tpu.memref_squeeze %dma_start3A_476 : memref<1x10112x64xf32, #tpu.memory_space<hbm>> -> memref<10112x64xf32, #tpu.memory_space<hbm>>
      %dma_start3A_478 = arith.constant 0 : i32
      %dma_start3A_479 = arith.constant 0 : i32
      %dma_start3A_480 = tpu.memref_slice %dma_start3A_477[%dma_start3A_478, %dma_start3A_479] : memref<10112x64xf32, #tpu.memory_space<hbm>> -> memref<10112x64xf32, #tpu.memory_space<hbm>>
      tpu.enqueue_indirect_dma source(%dma_start3A_480 : memref<10112x64xf32, #tpu.memory_space<hbm>>) target(%arg10 : memref<128x64xf32, #tpu.memory_space<vmem>>) offsets(%dma_start3A_473 : memref<128xi32, #tpu.memory_space<vmem>>) semaphore(%arg19 : memref<!tpu.dma_semaphore, #tpu.memory_space<semaphore_mem>>)
      %mul3A_481 = arith.constant 8 : i32
      %mul3A_482 = arith.muli %add3A_402, %mul3A_481 : i32
      %add3A_483 = arith.constant 3 : i32
      %add3A_484 = arith.addi %mul3A_482, %add3A_483 : i32
      %dma_wait3A_485 = arith.constant 0 : i32
      %dma_wait3A_486 = tpu.memref_slice %arg6[%add3A_484, %dma_wait3A_485] : memref<80x128xi32, #tpu.memory_space<vmem>> -> memref<1x128xi32, #tpu.memory_space<vmem>>
      %dma_wait3A_487 = tpu.memref_squeeze %dma_wait3A_486 : memref<1x128xi32, #tpu.memory_space<vmem>> -> memref<128xi32, #tpu.memory_space<vmem>>
      %dma_wait3A_488 = arith.constant 0 : i32
      %dma_wait3A_489 = arith.constant 0 : i32
      %dma_wait3A_490 = tpu.memref_slice %arg2[%arg0, %dma_wait3A_488, %dma_wait3A_489] : memref<2x10112x64xf32, #tpu.memory_space<hbm>> -> memref<1x10112x64xf32, #tpu.memory_space<hbm>>
      %dma_wait3A_491 = tpu.memref_squeeze %dma_wait3A_490 : memref<1x10112x64xf32, #tpu.memory_space<hbm>> -> memref<10112x64xf32, #tpu.memory_space<hbm>>
      %dma_wait3A_492 = arith.constant 0 : i32
      %dma_wait3A_493 = arith.constant 0 : i32
      %dma_wait3A_494 = tpu.memref_slice %dma_wait3A_491[%dma_wait3A_492, %dma_wait3A_493] : memref<10112x64xf32, #tpu.memory_space<hbm>> -> memref<10112x64xf32, #tpu.memory_space<hbm>>
      tpu.wait_indirect_dma semaphore(%arg20 : memref<!tpu.dma_semaphore, #tpu.memory_space<semaphore_mem>>) src(%dma_wait3A_494 : memref<10112x64xf32, #tpu.memory_space<hbm>>) dst(%arg11 : memref<128x64xf32, #tpu.memory_space<vmem>>)
      "tpu.region"() ({
        %run_scoped3A_611 = tpu.sem_alloc : memref<!tpu.dma_semaphore, #tpu.memory_space<semaphore_mem>>
        %dma_start3A_612 = arith.constant 0 : i32
        %dma_start3A_613 = tpu.memref_slice %arg7[%add3A_484, %dma_start3A_612] : memref<80x128xi32, #tpu.memory_space<vmem>> -> memref<1x128xi32, #tpu.memory_space<vmem>>
        %dma_start3A_614 = tpu.memref_squeeze %dma_start3A_613 : memref<1x128xi32, #tpu.memory_space<vmem>> -> memref<128xi32, #tpu.memory_space<vmem>>
        %dma_start3A_615 = arith.constant 0 : i32
        %dma_start3A_616 = arith.constant 0 : i32
        %dma_start3A_617 = tpu.memref_slice %arg16[%dma_start3A_615, %dma_start3A_616] : memref<10112x64xf32, #tpu.memory_space<vmem_shared>> -> memref<10112x64xf32, #tpu.memory_space<vmem_shared>>
        tpu.enqueue_indirect_dma source(%arg11 : memref<128x64xf32, #tpu.memory_space<vmem>>) target(%dma_start3A_617 : memref<10112x64xf32, #tpu.memory_space<vmem_shared>>) offsets(%dma_start3A_614 : memref<128xi32, #tpu.memory_space<vmem>>) semaphore(%run_scoped3A_611 : memref<!tpu.dma_semaphore, #tpu.memory_space<semaphore_mem>>) {add = true}
        %dma_wait3A_618 = arith.constant 0 : i32
        %dma_wait3A_619 = tpu.memref_slice %arg7[%add3A_484, %dma_wait3A_618] : memref<80x128xi32, #tpu.memory_space<vmem>> -> memref<1x128xi32, #tpu.memory_space<vmem>>
        %dma_wait3A_620 = tpu.memref_squeeze %dma_wait3A_619 : memref<1x128xi32, #tpu.memory_space<vmem>> -> memref<128xi32, #tpu.memory_space<vmem>>
        %dma_wait3A_621 = arith.constant 0 : i32
        %dma_wait3A_622 = arith.constant 0 : i32
        %dma_wait3A_623 = tpu.memref_slice %arg16[%dma_wait3A_621, %dma_wait3A_622] : memref<10112x64xf32, #tpu.memory_space<vmem_shared>> -> memref<10112x64xf32, #tpu.memory_space<vmem_shared>>
        tpu.wait_indirect_dma semaphore(%run_scoped3A_611 : memref<!tpu.dma_semaphore, #tpu.memory_space<semaphore_mem>>) src(%arg11 : memref<128x64xf32, #tpu.memory_space<vmem>>) dst(%dma_wait3A_623 : memref<10112x64xf32, #tpu.memory_space<vmem_shared>>)
        tpu.yield
      }) : () -> ()
      %add3A_495 = arith.constant 8 : i32
      %add3A_496 = arith.addi %add3A_484, %add3A_495 : i32
      %dma_start3A_497 = arith.constant 0 : i32
      %dma_start3A_498 = tpu.memref_slice %arg6[%add3A_496, %dma_start3A_497] : memref<80x128xi32, #tpu.memory_space<vmem>> -> memref<1x128xi32, #tpu.memory_space<vmem>>
      %dma_start3A_499 = tpu.memref_squeeze %dma_start3A_498 : memref<1x128xi32, #tpu.memory_space<vmem>> -> memref<128xi32, #tpu.memory_space<vmem>>
      %dma_start3A_500 = arith.constant 0 : i32
      %dma_start3A_501 = arith.constant 0 : i32
      %dma_start3A_502 = tpu.memref_slice %arg2[%arg0, %dma_start3A_500, %dma_start3A_501] : memref<2x10112x64xf32, #tpu.memory_space<hbm>> -> memref<1x10112x64xf32, #tpu.memory_space<hbm>>
      %dma_start3A_503 = tpu.memref_squeeze %dma_start3A_502 : memref<1x10112x64xf32, #tpu.memory_space<hbm>> -> memref<10112x64xf32, #tpu.memory_space<hbm>>
      %dma_start3A_504 = arith.constant 0 : i32
      %dma_start3A_505 = arith.constant 0 : i32
      %dma_start3A_506 = tpu.memref_slice %dma_start3A_503[%dma_start3A_504, %dma_start3A_505] : memref<10112x64xf32, #tpu.memory_space<hbm>> -> memref<10112x64xf32, #tpu.memory_space<hbm>>
      tpu.enqueue_indirect_dma source(%dma_start3A_506 : memref<10112x64xf32, #tpu.memory_space<hbm>>) target(%arg11 : memref<128x64xf32, #tpu.memory_space<vmem>>) offsets(%dma_start3A_499 : memref<128xi32, #tpu.memory_space<vmem>>) semaphore(%arg20 : memref<!tpu.dma_semaphore, #tpu.memory_space<semaphore_mem>>)
      %mul3A_507 = arith.constant 8 : i32
      %mul3A_508 = arith.muli %add3A_402, %mul3A_507 : i32
      %add3A_509 = arith.constant 4 : i32
      %add3A_510 = arith.addi %mul3A_508, %add3A_509 : i32
      %dma_wait3A_511 = arith.constant 0 : i32
      %dma_wait3A_512 = tpu.memref_slice %arg6[%add3A_510, %dma_wait3A_511] : memref<80x128xi32, #tpu.memory_space<vmem>> -> memref<1x128xi32, #tpu.memory_space<vmem>>
      %dma_wait3A_513 = tpu.memref_squeeze %dma_wait3A_512 : memref<1x128xi32, #tpu.memory_space<vmem>> -> memref<128xi32, #tpu.memory_space<vmem>>
      %dma_wait3A_514 = arith.constant 0 : i32
      %dma_wait3A_515 = arith.constant 0 : i32
      %dma_wait3A_516 = tpu.memref_slice %arg2[%arg0, %dma_wait3A_514, %dma_wait3A_515] : memref<2x10112x64xf32, #tpu.memory_space<hbm>> -> memref<1x10112x64xf32, #tpu.memory_space<hbm>>
      %dma_wait3A_517 = tpu.memref_squeeze %dma_wait3A_516 : memref<1x10112x64xf32, #tpu.memory_space<hbm>> -> memref<10112x64xf32, #tpu.memory_space<hbm>>
      %dma_wait3A_518 = arith.constant 0 : i32
      %dma_wait3A_519 = arith.constant 0 : i32
      %dma_wait3A_520 = tpu.memref_slice %dma_wait3A_517[%dma_wait3A_518, %dma_wait3A_519] : memref<10112x64xf32, #tpu.memory_space<hbm>> -> memref<10112x64xf32, #tpu.memory_space<hbm>>
      tpu.wait_indirect_dma semaphore(%arg21 : memref<!tpu.dma_semaphore, #tpu.memory_space<semaphore_mem>>) src(%dma_wait3A_520 : memref<10112x64xf32, #tpu.memory_space<hbm>>) dst(%arg12 : memref<128x64xf32, #tpu.memory_space<vmem>>)
      "tpu.region"() ({
        %run_scoped3A_611 = tpu.sem_alloc : memref<!tpu.dma_semaphore, #tpu.memory_space<semaphore_mem>>
        %dma_start3A_612 = arith.constant 0 : i32
        %dma_start3A_613 = tpu.memref_slice %arg7[%add3A_510, %dma_start3A_612] : memref<80x128xi32, #tpu.memory_space<vmem>> -> memref<1x128xi32, #tpu.memory_space<vmem>>
        %dma_start3A_614 = tpu.memref_squeeze %dma_start3A_613 : memref<1x128xi32, #tpu.memory_space<vmem>> -> memref<128xi32, #tpu.memory_space<vmem>>
        %dma_start3A_615 = arith.constant 0 : i32
        %dma_start3A_616 = arith.constant 0 : i32
        %dma_start3A_617 = tpu.memref_slice %arg16[%dma_start3A_615, %dma_start3A_616] : memref<10112x64xf32, #tpu.memory_space<vmem_shared>> -> memref<10112x64xf32, #tpu.memory_space<vmem_shared>>
        tpu.enqueue_indirect_dma source(%arg12 : memref<128x64xf32, #tpu.memory_space<vmem>>) target(%dma_start3A_617 : memref<10112x64xf32, #tpu.memory_space<vmem_shared>>) offsets(%dma_start3A_614 : memref<128xi32, #tpu.memory_space<vmem>>) semaphore(%run_scoped3A_611 : memref<!tpu.dma_semaphore, #tpu.memory_space<semaphore_mem>>) {add = true}
        %dma_wait3A_618 = arith.constant 0 : i32
        %dma_wait3A_619 = tpu.memref_slice %arg7[%add3A_510, %dma_wait3A_618] : memref<80x128xi32, #tpu.memory_space<vmem>> -> memref<1x128xi32, #tpu.memory_space<vmem>>
        %dma_wait3A_620 = tpu.memref_squeeze %dma_wait3A_619 : memref<1x128xi32, #tpu.memory_space<vmem>> -> memref<128xi32, #tpu.memory_space<vmem>>
        %dma_wait3A_621 = arith.constant 0 : i32
        %dma_wait3A_622 = arith.constant 0 : i32
        %dma_wait3A_623 = tpu.memref_slice %arg16[%dma_wait3A_621, %dma_wait3A_622] : memref<10112x64xf32, #tpu.memory_space<vmem_shared>> -> memref<10112x64xf32, #tpu.memory_space<vmem_shared>>
        tpu.wait_indirect_dma semaphore(%run_scoped3A_611 : memref<!tpu.dma_semaphore, #tpu.memory_space<semaphore_mem>>) src(%arg12 : memref<128x64xf32, #tpu.memory_space<vmem>>) dst(%dma_wait3A_623 : memref<10112x64xf32, #tpu.memory_space<vmem_shared>>)
        tpu.yield
      }) : () -> ()
      %add3A_521 = arith.constant 8 : i32
      %add3A_522 = arith.addi %add3A_510, %add3A_521 : i32
      %dma_start3A_523 = arith.constant 0 : i32
      %dma_start3A_524 = tpu.memref_slice %arg6[%add3A_522, %dma_start3A_523] : memref<80x128xi32, #tpu.memory_space<vmem>> -> memref<1x128xi32, #tpu.memory_space<vmem>>
      %dma_start3A_525 = tpu.memref_squeeze %dma_start3A_524 : memref<1x128xi32, #tpu.memory_space<vmem>> -> memref<128xi32, #tpu.memory_space<vmem>>
      %dma_start3A_526 = arith.constant 0 : i32
      %dma_start3A_527 = arith.constant 0 : i32
      %dma_start3A_528 = tpu.memref_slice %arg2[%arg0, %dma_start3A_526, %dma_start3A_527] : memref<2x10112x64xf32, #tpu.memory_space<hbm>> -> memref<1x10112x64xf32, #tpu.memory_space<hbm>>
      %dma_start3A_529 = tpu.memref_squeeze %dma_start3A_528 : memref<1x10112x64xf32, #tpu.memory_space<hbm>> -> memref<10112x64xf32, #tpu.memory_space<hbm>>
      %dma_start3A_530 = arith.constant 0 : i32
      %dma_start3A_531 = arith.constant 0 : i32
      %dma_start3A_532 = tpu.memref_slice %dma_start3A_529[%dma_start3A_530, %dma_start3A_531] : memref<10112x64xf32, #tpu.memory_space<hbm>> -> memref<10112x64xf32, #tpu.memory_space<hbm>>
      tpu.enqueue_indirect_dma source(%dma_start3A_532 : memref<10112x64xf32, #tpu.memory_space<hbm>>) target(%arg12 : memref<128x64xf32, #tpu.memory_space<vmem>>) offsets(%dma_start3A_525 : memref<128xi32, #tpu.memory_space<vmem>>) semaphore(%arg21 : memref<!tpu.dma_semaphore, #tpu.memory_space<semaphore_mem>>)
      %mul3A_533 = arith.constant 8 : i32
      %mul3A_534 = arith.muli %add3A_402, %mul3A_533 : i32
      %add3A_535 = arith.constant 5 : i32
      %add3A_536 = arith.addi %mul3A_534, %add3A_535 : i32
      %dma_wait3A_537 = arith.constant 0 : i32
      %dma_wait3A_538 = tpu.memref_slice %arg6[%add3A_536, %dma_wait3A_537] : memref<80x128xi32, #tpu.memory_space<vmem>> -> memref<1x128xi32, #tpu.memory_space<vmem>>
      %dma_wait3A_539 = tpu.memref_squeeze %dma_wait3A_538 : memref<1x128xi32, #tpu.memory_space<vmem>> -> memref<128xi32, #tpu.memory_space<vmem>>
      %dma_wait3A_540 = arith.constant 0 : i32
      %dma_wait3A_541 = arith.constant 0 : i32
      %dma_wait3A_542 = tpu.memref_slice %arg2[%arg0, %dma_wait3A_540, %dma_wait3A_541] : memref<2x10112x64xf32, #tpu.memory_space<hbm>> -> memref<1x10112x64xf32, #tpu.memory_space<hbm>>
      %dma_wait3A_543 = tpu.memref_squeeze %dma_wait3A_542 : memref<1x10112x64xf32, #tpu.memory_space<hbm>> -> memref<10112x64xf32, #tpu.memory_space<hbm>>
      %dma_wait3A_544 = arith.constant 0 : i32
      %dma_wait3A_545 = arith.constant 0 : i32
      %dma_wait3A_546 = tpu.memref_slice %dma_wait3A_543[%dma_wait3A_544, %dma_wait3A_545] : memref<10112x64xf32, #tpu.memory_space<hbm>> -> memref<10112x64xf32, #tpu.memory_space<hbm>>
      tpu.wait_indirect_dma semaphore(%arg22 : memref<!tpu.dma_semaphore, #tpu.memory_space<semaphore_mem>>) src(%dma_wait3A_546 : memref<10112x64xf32, #tpu.memory_space<hbm>>) dst(%arg13 : memref<128x64xf32, #tpu.memory_space<vmem>>)
      "tpu.region"() ({
        %run_scoped3A_611 = tpu.sem_alloc : memref<!tpu.dma_semaphore, #tpu.memory_space<semaphore_mem>>
        %dma_start3A_612 = arith.constant 0 : i32
        %dma_start3A_613 = tpu.memref_slice %arg7[%add3A_536, %dma_start3A_612] : memref<80x128xi32, #tpu.memory_space<vmem>> -> memref<1x128xi32, #tpu.memory_space<vmem>>
        %dma_start3A_614 = tpu.memref_squeeze %dma_start3A_613 : memref<1x128xi32, #tpu.memory_space<vmem>> -> memref<128xi32, #tpu.memory_space<vmem>>
        %dma_start3A_615 = arith.constant 0 : i32
        %dma_start3A_616 = arith.constant 0 : i32
        %dma_start3A_617 = tpu.memref_slice %arg16[%dma_start3A_615, %dma_start3A_616] : memref<10112x64xf32, #tpu.memory_space<vmem_shared>> -> memref<10112x64xf32, #tpu.memory_space<vmem_shared>>
        tpu.enqueue_indirect_dma source(%arg13 : memref<128x64xf32, #tpu.memory_space<vmem>>) target(%dma_start3A_617 : memref<10112x64xf32, #tpu.memory_space<vmem_shared>>) offsets(%dma_start3A_614 : memref<128xi32, #tpu.memory_space<vmem>>) semaphore(%run_scoped3A_611 : memref<!tpu.dma_semaphore, #tpu.memory_space<semaphore_mem>>) {add = true}
        %dma_wait3A_618 = arith.constant 0 : i32
        %dma_wait3A_619 = tpu.memref_slice %arg7[%add3A_536, %dma_wait3A_618] : memref<80x128xi32, #tpu.memory_space<vmem>> -> memref<1x128xi32, #tpu.memory_space<vmem>>
        %dma_wait3A_620 = tpu.memref_squeeze %dma_wait3A_619 : memref<1x128xi32, #tpu.memory_space<vmem>> -> memref<128xi32, #tpu.memory_space<vmem>>
        %dma_wait3A_621 = arith.constant 0 : i32
        %dma_wait3A_622 = arith.constant 0 : i32
        %dma_wait3A_623 = tpu.memref_slice %arg16[%dma_wait3A_621, %dma_wait3A_622] : memref<10112x64xf32, #tpu.memory_space<vmem_shared>> -> memref<10112x64xf32, #tpu.memory_space<vmem_shared>>
        tpu.wait_indirect_dma semaphore(%run_scoped3A_611 : memref<!tpu.dma_semaphore, #tpu.memory_space<semaphore_mem>>) src(%arg13 : memref<128x64xf32, #tpu.memory_space<vmem>>) dst(%dma_wait3A_623 : memref<10112x64xf32, #tpu.memory_space<vmem_shared>>)
        tpu.yield
      }) : () -> ()
      %add3A_547 = arith.constant 8 : i32
      %add3A_548 = arith.addi %add3A_536, %add3A_547 : i32
      %dma_start3A_549 = arith.constant 0 : i32
      %dma_start3A_550 = tpu.memref_slice %arg6[%add3A_548, %dma_start3A_549] : memref<80x128xi32, #tpu.memory_space<vmem>> -> memref<1x128xi32, #tpu.memory_space<vmem>>
      %dma_start3A_551 = tpu.memref_squeeze %dma_start3A_550 : memref<1x128xi32, #tpu.memory_space<vmem>> -> memref<128xi32, #tpu.memory_space<vmem>>
      %dma_start3A_552 = arith.constant 0 : i32
      %dma_start3A_553 = arith.constant 0 : i32
      %dma_start3A_554 = tpu.memref_slice %arg2[%arg0, %dma_start3A_552, %dma_start3A_553] : memref<2x10112x64xf32, #tpu.memory_space<hbm>> -> memref<1x10112x64xf32, #tpu.memory_space<hbm>>
      %dma_start3A_555 = tpu.memref_squeeze %dma_start3A_554 : memref<1x10112x64xf32, #tpu.memory_space<hbm>> -> memref<10112x64xf32, #tpu.memory_space<hbm>>
      %dma_start3A_556 = arith.constant 0 : i32
      %dma_start3A_557 = arith.constant 0 : i32
      %dma_start3A_558 = tpu.memref_slice %dma_start3A_555[%dma_start3A_556, %dma_start3A_557] : memref<10112x64xf32, #tpu.memory_space<hbm>> -> memref<10112x64xf32, #tpu.memory_space<hbm>>
      tpu.enqueue_indirect_dma source(%dma_start3A_558 : memref<10112x64xf32, #tpu.memory_space<hbm>>) target(%arg13 : memref<128x64xf32, #tpu.memory_space<vmem>>) offsets(%dma_start3A_551 : memref<128xi32, #tpu.memory_space<vmem>>) semaphore(%arg22 : memref<!tpu.dma_semaphore, #tpu.memory_space<semaphore_mem>>)
      %mul3A_559 = arith.constant 8 : i32
      %mul3A_560 = arith.muli %add3A_402, %mul3A_559 : i32
      %add3A_561 = arith.constant 6 : i32
      %add3A_562 = arith.addi %mul3A_560, %add3A_561 : i32
      %dma_wait3A_563 = arith.constant 0 : i32
      %dma_wait3A_564 = tpu.memref_slice %arg6[%add3A_562, %dma_wait3A_563] : memref<80x128xi32, #tpu.memory_space<vmem>> -> memref<1x128xi32, #tpu.memory_space<vmem>>
      %dma_wait3A_565 = tpu.memref_squeeze %dma_wait3A_564 : memref<1x128xi32, #tpu.memory_space<vmem>> -> memref<128xi32, #tpu.memory_space<vmem>>
      %dma_wait3A_566 = arith.constant 0 : i32
      %dma_wait3A_567 = arith.constant 0 : i32
      %dma_wait3A_568 = tpu.memref_slice %arg2[%arg0, %dma_wait3A_566, %dma_wait3A_567] : memref<2x10112x64xf32, #tpu.memory_space<hbm>> -> memref<1x10112x64xf32, #tpu.memory_space<hbm>>
      %dma_wait3A_569 = tpu.memref_squeeze %dma_wait3A_568 : memref<1x10112x64xf32, #tpu.memory_space<hbm>> -> memref<10112x64xf32, #tpu.memory_space<hbm>>
      %dma_wait3A_570 = arith.constant 0 : i32
      %dma_wait3A_571 = arith.constant 0 : i32
      %dma_wait3A_572 = tpu.memref_slice %dma_wait3A_569[%dma_wait3A_570, %dma_wait3A_571] : memref<10112x64xf32, #tpu.memory_space<hbm>> -> memref<10112x64xf32, #tpu.memory_space<hbm>>
      tpu.wait_indirect_dma semaphore(%arg23 : memref<!tpu.dma_semaphore, #tpu.memory_space<semaphore_mem>>) src(%dma_wait3A_572 : memref<10112x64xf32, #tpu.memory_space<hbm>>) dst(%arg14 : memref<128x64xf32, #tpu.memory_space<vmem>>)
      "tpu.region"() ({
        %run_scoped3A_611 = tpu.sem_alloc : memref<!tpu.dma_semaphore, #tpu.memory_space<semaphore_mem>>
        %dma_start3A_612 = arith.constant 0 : i32
        %dma_start3A_613 = tpu.memref_slice %arg7[%add3A_562, %dma_start3A_612] : memref<80x128xi32, #tpu.memory_space<vmem>> -> memref<1x128xi32, #tpu.memory_space<vmem>>
        %dma_start3A_614 = tpu.memref_squeeze %dma_start3A_613 : memref<1x128xi32, #tpu.memory_space<vmem>> -> memref<128xi32, #tpu.memory_space<vmem>>
        %dma_start3A_615 = arith.constant 0 : i32
        %dma_start3A_616 = arith.constant 0 : i32
        %dma_start3A_617 = tpu.memref_slice %arg16[%dma_start3A_615, %dma_start3A_616] : memref<10112x64xf32, #tpu.memory_space<vmem_shared>> -> memref<10112x64xf32, #tpu.memory_space<vmem_shared>>
        tpu.enqueue_indirect_dma source(%arg14 : memref<128x64xf32, #tpu.memory_space<vmem>>) target(%dma_start3A_617 : memref<10112x64xf32, #tpu.memory_space<vmem_shared>>) offsets(%dma_start3A_614 : memref<128xi32, #tpu.memory_space<vmem>>) semaphore(%run_scoped3A_611 : memref<!tpu.dma_semaphore, #tpu.memory_space<semaphore_mem>>) {add = true}
        %dma_wait3A_618 = arith.constant 0 : i32
        %dma_wait3A_619 = tpu.memref_slice %arg7[%add3A_562, %dma_wait3A_618] : memref<80x128xi32, #tpu.memory_space<vmem>> -> memref<1x128xi32, #tpu.memory_space<vmem>>
        %dma_wait3A_620 = tpu.memref_squeeze %dma_wait3A_619 : memref<1x128xi32, #tpu.memory_space<vmem>> -> memref<128xi32, #tpu.memory_space<vmem>>
        %dma_wait3A_621 = arith.constant 0 : i32
        %dma_wait3A_622 = arith.constant 0 : i32
        %dma_wait3A_623 = tpu.memref_slice %arg16[%dma_wait3A_621, %dma_wait3A_622] : memref<10112x64xf32, #tpu.memory_space<vmem_shared>> -> memref<10112x64xf32, #tpu.memory_space<vmem_shared>>
        tpu.wait_indirect_dma semaphore(%run_scoped3A_611 : memref<!tpu.dma_semaphore, #tpu.memory_space<semaphore_mem>>) src(%arg14 : memref<128x64xf32, #tpu.memory_space<vmem>>) dst(%dma_wait3A_623 : memref<10112x64xf32, #tpu.memory_space<vmem_shared>>)
        tpu.yield
      }) : () -> ()
      %add3A_573 = arith.constant 8 : i32
      %add3A_574 = arith.addi %add3A_562, %add3A_573 : i32
      %dma_start3A_575 = arith.constant 0 : i32
      %dma_start3A_576 = tpu.memref_slice %arg6[%add3A_574, %dma_start3A_575] : memref<80x128xi32, #tpu.memory_space<vmem>> -> memref<1x128xi32, #tpu.memory_space<vmem>>
      %dma_start3A_577 = tpu.memref_squeeze %dma_start3A_576 : memref<1x128xi32, #tpu.memory_space<vmem>> -> memref<128xi32, #tpu.memory_space<vmem>>
      %dma_start3A_578 = arith.constant 0 : i32
      %dma_start3A_579 = arith.constant 0 : i32
      %dma_start3A_580 = tpu.memref_slice %arg2[%arg0, %dma_start3A_578, %dma_start3A_579] : memref<2x10112x64xf32, #tpu.memory_space<hbm>> -> memref<1x10112x64xf32, #tpu.memory_space<hbm>>
      %dma_start3A_581 = tpu.memref_squeeze %dma_start3A_580 : memref<1x10112x64xf32, #tpu.memory_space<hbm>> -> memref<10112x64xf32, #tpu.memory_space<hbm>>
      %dma_start3A_582 = arith.constant 0 : i32
      %dma_start3A_583 = arith.constant 0 : i32
      %dma_start3A_584 = tpu.memref_slice %dma_start3A_581[%dma_start3A_582, %dma_start3A_583] : memref<10112x64xf32, #tpu.memory_space<hbm>> -> memref<10112x64xf32, #tpu.memory_space<hbm>>
      tpu.enqueue_indirect_dma source(%dma_start3A_584 : memref<10112x64xf32, #tpu.memory_space<hbm>>) target(%arg14 : memref<128x64xf32, #tpu.memory_space<vmem>>) offsets(%dma_start3A_577 : memref<128xi32, #tpu.memory_space<vmem>>) semaphore(%arg23 : memref<!tpu.dma_semaphore, #tpu.memory_space<semaphore_mem>>)
      %mul3A_585 = arith.constant 8 : i32
      %mul3A_586 = arith.muli %add3A_402, %mul3A_585 : i32
      %add3A_587 = arith.constant 7 : i32
      %add3A_588 = arith.addi %mul3A_586, %add3A_587 : i32
      %dma_wait3A_589 = arith.constant 0 : i32
      %dma_wait3A_590 = tpu.memref_slice %arg6[%add3A_588, %dma_wait3A_589] : memref<80x128xi32, #tpu.memory_space<vmem>> -> memref<1x128xi32, #tpu.memory_space<vmem>>
      %dma_wait3A_591 = tpu.memref_squeeze %dma_wait3A_590 : memref<1x128xi32, #tpu.memory_space<vmem>> -> memref<128xi32, #tpu.memory_space<vmem>>
      %dma_wait3A_592 = arith.constant 0 : i32
      %dma_wait3A_593 = arith.constant 0 : i32
      %dma_wait3A_594 = tpu.memref_slice %arg2[%arg0, %dma_wait3A_592, %dma_wait3A_593] : memref<2x10112x64xf32, #tpu.memory_space<hbm>> -> memref<1x10112x64xf32, #tpu.memory_space<hbm>>
      %dma_wait3A_595 = tpu.memref_squeeze %dma_wait3A_594 : memref<1x10112x64xf32, #tpu.memory_space<hbm>> -> memref<10112x64xf32, #tpu.memory_space<hbm>>
      %dma_wait3A_596 = arith.constant 0 : i32
      %dma_wait3A_597 = arith.constant 0 : i32
      %dma_wait3A_598 = tpu.memref_slice %dma_wait3A_595[%dma_wait3A_596, %dma_wait3A_597] : memref<10112x64xf32, #tpu.memory_space<hbm>> -> memref<10112x64xf32, #tpu.memory_space<hbm>>
      tpu.wait_indirect_dma semaphore(%arg24 : memref<!tpu.dma_semaphore, #tpu.memory_space<semaphore_mem>>) src(%dma_wait3A_598 : memref<10112x64xf32, #tpu.memory_space<hbm>>) dst(%arg15 : memref<128x64xf32, #tpu.memory_space<vmem>>)
      "tpu.region"() ({
        %run_scoped3A_611 = tpu.sem_alloc : memref<!tpu.dma_semaphore, #tpu.memory_space<semaphore_mem>>
        %dma_start3A_612 = arith.constant 0 : i32
        %dma_start3A_613 = tpu.memref_slice %arg7[%add3A_588, %dma_start3A_612] : memref<80x128xi32, #tpu.memory_space<vmem>> -> memref<1x128xi32, #tpu.memory_space<vmem>>
        %dma_start3A_614 = tpu.memref_squeeze %dma_start3A_613 : memref<1x128xi32, #tpu.memory_space<vmem>> -> memref<128xi32, #tpu.memory_space<vmem>>
        %dma_start3A_615 = arith.constant 0 : i32
        %dma_start3A_616 = arith.constant 0 : i32
        %dma_start3A_617 = tpu.memref_slice %arg16[%dma_start3A_615, %dma_start3A_616] : memref<10112x64xf32, #tpu.memory_space<vmem_shared>> -> memref<10112x64xf32, #tpu.memory_space<vmem_shared>>
        tpu.enqueue_indirect_dma source(%arg15 : memref<128x64xf32, #tpu.memory_space<vmem>>) target(%dma_start3A_617 : memref<10112x64xf32, #tpu.memory_space<vmem_shared>>) offsets(%dma_start3A_614 : memref<128xi32, #tpu.memory_space<vmem>>) semaphore(%run_scoped3A_611 : memref<!tpu.dma_semaphore, #tpu.memory_space<semaphore_mem>>) {add = true}
        %dma_wait3A_618 = arith.constant 0 : i32
        %dma_wait3A_619 = tpu.memref_slice %arg7[%add3A_588, %dma_wait3A_618] : memref<80x128xi32, #tpu.memory_space<vmem>> -> memref<1x128xi32, #tpu.memory_space<vmem>>
        %dma_wait3A_620 = tpu.memref_squeeze %dma_wait3A_619 : memref<1x128xi32, #tpu.memory_space<vmem>> -> memref<128xi32, #tpu.memory_space<vmem>>
        %dma_wait3A_621 = arith.constant 0 : i32
        %dma_wait3A_622 = arith.constant 0 : i32
        %dma_wait3A_623 = tpu.memref_slice %arg16[%dma_wait3A_621, %dma_wait3A_622] : memref<10112x64xf32, #tpu.memory_space<vmem_shared>> -> memref<10112x64xf32, #tpu.memory_space<vmem_shared>>
        tpu.wait_indirect_dma semaphore(%run_scoped3A_611 : memref<!tpu.dma_semaphore, #tpu.memory_space<semaphore_mem>>) src(%arg15 : memref<128x64xf32, #tpu.memory_space<vmem>>) dst(%dma_wait3A_623 : memref<10112x64xf32, #tpu.memory_space<vmem_shared>>)
        tpu.yield
      }) : () -> ()
      %add3A_599 = arith.constant 8 : i32
      %add3A_600 = arith.addi %add3A_588, %add3A_599 : i32
      %dma_start3A_601 = arith.constant 0 : i32
      %dma_start3A_602 = tpu.memref_slice %arg6[%add3A_600, %dma_start3A_601] : memref<80x128xi32, #tpu.memory_space<vmem>> -> memref<1x128xi32, #tpu.memory_space<vmem>>
      %dma_start3A_603 = tpu.memref_squeeze %dma_start3A_602 : memref<1x128xi32, #tpu.memory_space<vmem>> -> memref<128xi32, #tpu.memory_space<vmem>>
      %dma_start3A_604 = arith.constant 0 : i32
      %dma_start3A_605 = arith.constant 0 : i32
      %dma_start3A_606 = tpu.memref_slice %arg2[%arg0, %dma_start3A_604, %dma_start3A_605] : memref<2x10112x64xf32, #tpu.memory_space<hbm>> -> memref<1x10112x64xf32, #tpu.memory_space<hbm>>
      %dma_start3A_607 = tpu.memref_squeeze %dma_start3A_606 : memref<1x10112x64xf32, #tpu.memory_space<hbm>> -> memref<10112x64xf32, #tpu.memory_space<hbm>>
      %dma_start3A_608 = arith.constant 0 : i32
      %dma_start3A_609 = arith.constant 0 : i32
      %dma_start3A_610 = tpu.memref_slice %dma_start3A_607[%dma_start3A_608, %dma_start3A_609] : memref<10112x64xf32, #tpu.memory_space<hbm>> -> memref<10112x64xf32, #tpu.memory_space<hbm>>
      tpu.enqueue_indirect_dma source(%dma_start3A_610 : memref<10112x64xf32, #tpu.memory_space<hbm>>) target(%arg15 : memref<128x64xf32, #tpu.memory_space<vmem>>) offsets(%dma_start3A_603 : memref<128xi32, #tpu.memory_space<vmem>>) semaphore(%arg24 : memref<!tpu.dma_semaphore, #tpu.memory_space<semaphore_mem>>)
    }
    %scan3A_300 = arith.constant 9 : i32
    %dma_wait3A_301 = arith.constant 72 : i32
    %dma_wait3A_302 = arith.constant 0 : i32
    %dma_wait3A_303 = tpu.memref_slice %arg6[%dma_wait3A_301, %dma_wait3A_302] : memref<80x128xi32, #tpu.memory_space<vmem>> -> memref<1x128xi32, #tpu.memory_space<vmem>>
    %dma_wait3A_304 = tpu.memref_squeeze %dma_wait3A_303 : memref<1x128xi32, #tpu.memory_space<vmem>> -> memref<128xi32, #tpu.memory_space<vmem>>
    %dma_wait3A_305 = arith.constant 0 : i32
    %dma_wait3A_306 = arith.constant 0 : i32
    %dma_wait3A_307 = tpu.memref_slice %arg2[%arg0, %dma_wait3A_305, %dma_wait3A_306] : memref<2x10112x64xf32, #tpu.memory_space<hbm>> -> memref<1x10112x64xf32, #tpu.memory_space<hbm>>
    %dma_wait3A_308 = tpu.memref_squeeze %dma_wait3A_307 : memref<1x10112x64xf32, #tpu.memory_space<hbm>> -> memref<10112x64xf32, #tpu.memory_space<hbm>>
    %dma_wait3A_309 = arith.constant 0 : i32
    %dma_wait3A_310 = arith.constant 0 : i32
    %dma_wait3A_311 = tpu.memref_slice %dma_wait3A_308[%dma_wait3A_309, %dma_wait3A_310] : memref<10112x64xf32, #tpu.memory_space<hbm>> -> memref<10112x64xf32, #tpu.memory_space<hbm>>
    tpu.wait_indirect_dma semaphore(%arg17 : memref<!tpu.dma_semaphore, #tpu.memory_space<semaphore_mem>>) src(%dma_wait3A_311 : memref<10112x64xf32, #tpu.memory_space<hbm>>) dst(%arg8 : memref<128x64xf32, #tpu.memory_space<vmem>>)
    %run_scoped3A_312 = arith.constant 72 : i32
    "tpu.region"() ({
      %run_scoped3A_398 = tpu.sem_alloc : memref<!tpu.dma_semaphore, #tpu.memory_space<semaphore_mem>>
      %dma_start3A_399 = arith.constant 0 : i32
      %dma_start3A_400 = tpu.memref_slice %arg7[%run_scoped3A_312, %dma_start3A_399] : memref<80x128xi32, #tpu.memory_space<vmem>> -> memref<1x128xi32, #tpu.memory_space<vmem>>
      %dma_start3A_401 = tpu.memref_squeeze %dma_start3A_400 : memref<1x128xi32, #tpu.memory_space<vmem>> -> memref<128xi32, #tpu.memory_space<vmem>>
      %dma_start3A_402 = arith.constant 0 : i32
      %dma_start3A_403 = arith.constant 0 : i32
      %dma_start3A_404 = tpu.memref_slice %arg16[%dma_start3A_402, %dma_start3A_403] : memref<10112x64xf32, #tpu.memory_space<vmem_shared>> -> memref<10112x64xf32, #tpu.memory_space<vmem_shared>>
      tpu.enqueue_indirect_dma source(%arg8 : memref<128x64xf32, #tpu.memory_space<vmem>>) target(%dma_start3A_404 : memref<10112x64xf32, #tpu.memory_space<vmem_shared>>) offsets(%dma_start3A_401 : memref<128xi32, #tpu.memory_space<vmem>>) semaphore(%run_scoped3A_398 : memref<!tpu.dma_semaphore, #tpu.memory_space<semaphore_mem>>) {add = true}
      %dma_wait3A_405 = arith.constant 0 : i32
      %dma_wait3A_406 = tpu.memref_slice %arg7[%run_scoped3A_312, %dma_wait3A_405] : memref<80x128xi32, #tpu.memory_space<vmem>> -> memref<1x128xi32, #tpu.memory_space<vmem>>
      %dma_wait3A_407 = tpu.memref_squeeze %dma_wait3A_406 : memref<1x128xi32, #tpu.memory_space<vmem>> -> memref<128xi32, #tpu.memory_space<vmem>>
      %dma_wait3A_408 = arith.constant 0 : i32
      %dma_wait3A_409 = arith.constant 0 : i32
      %dma_wait3A_410 = tpu.memref_slice %arg16[%dma_wait3A_408, %dma_wait3A_409] : memref<10112x64xf32, #tpu.memory_space<vmem_shared>> -> memref<10112x64xf32, #tpu.memory_space<vmem_shared>>
      tpu.wait_indirect_dma semaphore(%run_scoped3A_398 : memref<!tpu.dma_semaphore, #tpu.memory_space<semaphore_mem>>) src(%arg8 : memref<128x64xf32, #tpu.memory_space<vmem>>) dst(%dma_wait3A_410 : memref<10112x64xf32, #tpu.memory_space<vmem_shared>>)
      tpu.yield
    }) : () -> ()
    %dma_wait3A_313 = arith.constant 73 : i32
    %dma_wait3A_314 = arith.constant 0 : i32
    %dma_wait3A_315 = tpu.memref_slice %arg6[%dma_wait3A_313, %dma_wait3A_314] : memref<80x128xi32, #tpu.memory_space<vmem>> -> memref<1x128xi32, #tpu.memory_space<vmem>>
    %dma_wait3A_316 = tpu.memref_squeeze %dma_wait3A_315 : memref<1x128xi32, #tpu.memory_space<vmem>> -> memref<128xi32, #tpu.memory_space<vmem>>
    %dma_wait3A_317 = arith.constant 0 : i32
    %dma_wait3A_318 = arith.constant 0 : i32
    %dma_wait3A_319 = tpu.memref_slice %arg2[%arg0, %dma_wait3A_317, %dma_wait3A_318] : memref<2x10112x64xf32, #tpu.memory_space<hbm>> -> memref<1x10112x64xf32, #tpu.memory_space<hbm>>
    %dma_wait3A_320 = tpu.memref_squeeze %dma_wait3A_319 : memref<1x10112x64xf32, #tpu.memory_space<hbm>> -> memref<10112x64xf32, #tpu.memory_space<hbm>>
    %dma_wait3A_321 = arith.constant 0 : i32
    %dma_wait3A_322 = arith.constant 0 : i32
    %dma_wait3A_323 = tpu.memref_slice %dma_wait3A_320[%dma_wait3A_321, %dma_wait3A_322] : memref<10112x64xf32, #tpu.memory_space<hbm>> -> memref<10112x64xf32, #tpu.memory_space<hbm>>
    tpu.wait_indirect_dma semaphore(%arg18 : memref<!tpu.dma_semaphore, #tpu.memory_space<semaphore_mem>>) src(%dma_wait3A_323 : memref<10112x64xf32, #tpu.memory_space<hbm>>) dst(%arg9 : memref<128x64xf32, #tpu.memory_space<vmem>>)
    %run_scoped3A_324 = arith.constant 73 : i32
    "tpu.region"() ({
      %run_scoped3A_398 = tpu.sem_alloc : memref<!tpu.dma_semaphore, #tpu.memory_space<semaphore_mem>>
      %dma_start3A_399 = arith.constant 0 : i32
      %dma_start3A_400 = tpu.memref_slice %arg7[%run_scoped3A_324, %dma_start3A_399] : memref<80x128xi32, #tpu.memory_space<vmem>> -> memref<1x128xi32, #tpu.memory_space<vmem>>
      %dma_start3A_401 = tpu.memref_squeeze %dma_start3A_400 : memref<1x128xi32, #tpu.memory_space<vmem>> -> memref<128xi32, #tpu.memory_space<vmem>>
      %dma_start3A_402 = arith.constant 0 : i32
      %dma_start3A_403 = arith.constant 0 : i32
      %dma_start3A_404 = tpu.memref_slice %arg16[%dma_start3A_402, %dma_start3A_403] : memref<10112x64xf32, #tpu.memory_space<vmem_shared>> -> memref<10112x64xf32, #tpu.memory_space<vmem_shared>>
      tpu.enqueue_indirect_dma source(%arg9 : memref<128x64xf32, #tpu.memory_space<vmem>>) target(%dma_start3A_404 : memref<10112x64xf32, #tpu.memory_space<vmem_shared>>) offsets(%dma_start3A_401 : memref<128xi32, #tpu.memory_space<vmem>>) semaphore(%run_scoped3A_398 : memref<!tpu.dma_semaphore, #tpu.memory_space<semaphore_mem>>) {add = true}
      %dma_wait3A_405 = arith.constant 0 : i32
      %dma_wait3A_406 = tpu.memref_slice %arg7[%run_scoped3A_324, %dma_wait3A_405] : memref<80x128xi32, #tpu.memory_space<vmem>> -> memref<1x128xi32, #tpu.memory_space<vmem>>
      %dma_wait3A_407 = tpu.memref_squeeze %dma_wait3A_406 : memref<1x128xi32, #tpu.memory_space<vmem>> -> memref<128xi32, #tpu.memory_space<vmem>>
      %dma_wait3A_408 = arith.constant 0 : i32
      %dma_wait3A_409 = arith.constant 0 : i32
      %dma_wait3A_410 = tpu.memref_slice %arg16[%dma_wait3A_408, %dma_wait3A_409] : memref<10112x64xf32, #tpu.memory_space<vmem_shared>> -> memref<10112x64xf32, #tpu.memory_space<vmem_shared>>
      tpu.wait_indirect_dma semaphore(%run_scoped3A_398 : memref<!tpu.dma_semaphore, #tpu.memory_space<semaphore_mem>>) src(%arg9 : memref<128x64xf32, #tpu.memory_space<vmem>>) dst(%dma_wait3A_410 : memref<10112x64xf32, #tpu.memory_space<vmem_shared>>)
      tpu.yield
    }) : () -> ()
    %dma_wait3A_325 = arith.constant 74 : i32
    %dma_wait3A_326 = arith.constant 0 : i32
    %dma_wait3A_327 = tpu.memref_slice %arg6[%dma_wait3A_325, %dma_wait3A_326] : memref<80x128xi32, #tpu.memory_space<vmem>> -> memref<1x128xi32, #tpu.memory_space<vmem>>
    %dma_wait3A_328 = tpu.memref_squeeze %dma_wait3A_327 : memref<1x128xi32, #tpu.memory_space<vmem>> -> memref<128xi32, #tpu.memory_space<vmem>>
    %dma_wait3A_329 = arith.constant 0 : i32
    %dma_wait3A_330 = arith.constant 0 : i32
    %dma_wait3A_331 = tpu.memref_slice %arg2[%arg0, %dma_wait3A_329, %dma_wait3A_330] : memref<2x10112x64xf32, #tpu.memory_space<hbm>> -> memref<1x10112x64xf32, #tpu.memory_space<hbm>>
    %dma_wait3A_332 = tpu.memref_squeeze %dma_wait3A_331 : memref<1x10112x64xf32, #tpu.memory_space<hbm>> -> memref<10112x64xf32, #tpu.memory_space<hbm>>
    %dma_wait3A_333 = arith.constant 0 : i32
    %dma_wait3A_334 = arith.constant 0 : i32
    %dma_wait3A_335 = tpu.memref_slice %dma_wait3A_332[%dma_wait3A_333, %dma_wait3A_334] : memref<10112x64xf32, #tpu.memory_space<hbm>> -> memref<10112x64xf32, #tpu.memory_space<hbm>>
    tpu.wait_indirect_dma semaphore(%arg19 : memref<!tpu.dma_semaphore, #tpu.memory_space<semaphore_mem>>) src(%dma_wait3A_335 : memref<10112x64xf32, #tpu.memory_space<hbm>>) dst(%arg10 : memref<128x64xf32, #tpu.memory_space<vmem>>)
    %run_scoped3A_336 = arith.constant 74 : i32
    "tpu.region"() ({
      %run_scoped3A_398 = tpu.sem_alloc : memref<!tpu.dma_semaphore, #tpu.memory_space<semaphore_mem>>
      %dma_start3A_399 = arith.constant 0 : i32
      %dma_start3A_400 = tpu.memref_slice %arg7[%run_scoped3A_336, %dma_start3A_399] : memref<80x128xi32, #tpu.memory_space<vmem>> -> memref<1x128xi32, #tpu.memory_space<vmem>>
      %dma_start3A_401 = tpu.memref_squeeze %dma_start3A_400 : memref<1x128xi32, #tpu.memory_space<vmem>> -> memref<128xi32, #tpu.memory_space<vmem>>
      %dma_start3A_402 = arith.constant 0 : i32
      %dma_start3A_403 = arith.constant 0 : i32
      %dma_start3A_404 = tpu.memref_slice %arg16[%dma_start3A_402, %dma_start3A_403] : memref<10112x64xf32, #tpu.memory_space<vmem_shared>> -> memref<10112x64xf32, #tpu.memory_space<vmem_shared>>
      tpu.enqueue_indirect_dma source(%arg10 : memref<128x64xf32, #tpu.memory_space<vmem>>) target(%dma_start3A_404 : memref<10112x64xf32, #tpu.memory_space<vmem_shared>>) offsets(%dma_start3A_401 : memref<128xi32, #tpu.memory_space<vmem>>) semaphore(%run_scoped3A_398 : memref<!tpu.dma_semaphore, #tpu.memory_space<semaphore_mem>>) {add = true}
      %dma_wait3A_405 = arith.constant 0 : i32
      %dma_wait3A_406 = tpu.memref_slice %arg7[%run_scoped3A_336, %dma_wait3A_405] : memref<80x128xi32, #tpu.memory_space<vmem>> -> memref<1x128xi32, #tpu.memory_space<vmem>>
      %dma_wait3A_407 = tpu.memref_squeeze %dma_wait3A_406 : memref<1x128xi32, #tpu.memory_space<vmem>> -> memref<128xi32, #tpu.memory_space<vmem>>
      %dma_wait3A_408 = arith.constant 0 : i32
      %dma_wait3A_409 = arith.constant 0 : i32
      %dma_wait3A_410 = tpu.memref_slice %arg16[%dma_wait3A_408, %dma_wait3A_409] : memref<10112x64xf32, #tpu.memory_space<vmem_shared>> -> memref<10112x64xf32, #tpu.memory_space<vmem_shared>>
      tpu.wait_indirect_dma semaphore(%run_scoped3A_398 : memref<!tpu.dma_semaphore, #tpu.memory_space<semaphore_mem>>) src(%arg10 : memref<128x64xf32, #tpu.memory_space<vmem>>) dst(%dma_wait3A_410 : memref<10112x64xf32, #tpu.memory_space<vmem_shared>>)
      tpu.yield
    }) : () -> ()
    %dma_wait3A_337 = arith.constant 75 : i32
    %dma_wait3A_338 = arith.constant 0 : i32
    %dma_wait3A_339 = tpu.memref_slice %arg6[%dma_wait3A_337, %dma_wait3A_338] : memref<80x128xi32, #tpu.memory_space<vmem>> -> memref<1x128xi32, #tpu.memory_space<vmem>>
    %dma_wait3A_340 = tpu.memref_squeeze %dma_wait3A_339 : memref<1x128xi32, #tpu.memory_space<vmem>> -> memref<128xi32, #tpu.memory_space<vmem>>
    %dma_wait3A_341 = arith.constant 0 : i32
    %dma_wait3A_342 = arith.constant 0 : i32
    %dma_wait3A_343 = tpu.memref_slice %arg2[%arg0, %dma_wait3A_341, %dma_wait3A_342] : memref<2x10112x64xf32, #tpu.memory_space<hbm>> -> memref<1x10112x64xf32, #tpu.memory_space<hbm>>
    %dma_wait3A_344 = tpu.memref_squeeze %dma_wait3A_343 : memref<1x10112x64xf32, #tpu.memory_space<hbm>> -> memref<10112x64xf32, #tpu.memory_space<hbm>>
    %dma_wait3A_345 = arith.constant 0 : i32
    %dma_wait3A_346 = arith.constant 0 : i32
    %dma_wait3A_347 = tpu.memref_slice %dma_wait3A_344[%dma_wait3A_345, %dma_wait3A_346] : memref<10112x64xf32, #tpu.memory_space<hbm>> -> memref<10112x64xf32, #tpu.memory_space<hbm>>
    tpu.wait_indirect_dma semaphore(%arg20 : memref<!tpu.dma_semaphore, #tpu.memory_space<semaphore_mem>>) src(%dma_wait3A_347 : memref<10112x64xf32, #tpu.memory_space<hbm>>) dst(%arg11 : memref<128x64xf32, #tpu.memory_space<vmem>>)
    %run_scoped3A_348 = arith.constant 75 : i32
    "tpu.region"() ({
      %run_scoped3A_398 = tpu.sem_alloc : memref<!tpu.dma_semaphore, #tpu.memory_space<semaphore_mem>>
      %dma_start3A_399 = arith.constant 0 : i32
      %dma_start3A_400 = tpu.memref_slice %arg7[%run_scoped3A_348, %dma_start3A_399] : memref<80x128xi32, #tpu.memory_space<vmem>> -> memref<1x128xi32, #tpu.memory_space<vmem>>
      %dma_start3A_401 = tpu.memref_squeeze %dma_start3A_400 : memref<1x128xi32, #tpu.memory_space<vmem>> -> memref<128xi32, #tpu.memory_space<vmem>>
      %dma_start3A_402 = arith.constant 0 : i32
      %dma_start3A_403 = arith.constant 0 : i32
      %dma_start3A_404 = tpu.memref_slice %arg16[%dma_start3A_402, %dma_start3A_403] : memref<10112x64xf32, #tpu.memory_space<vmem_shared>> -> memref<10112x64xf32, #tpu.memory_space<vmem_shared>>
      tpu.enqueue_indirect_dma source(%arg11 : memref<128x64xf32, #tpu.memory_space<vmem>>) target(%dma_start3A_404 : memref<10112x64xf32, #tpu.memory_space<vmem_shared>>) offsets(%dma_start3A_401 : memref<128xi32, #tpu.memory_space<vmem>>) semaphore(%run_scoped3A_398 : memref<!tpu.dma_semaphore, #tpu.memory_space<semaphore_mem>>) {add = true}
      %dma_wait3A_405 = arith.constant 0 : i32
      %dma_wait3A_406 = tpu.memref_slice %arg7[%run_scoped3A_348, %dma_wait3A_405] : memref<80x128xi32, #tpu.memory_space<vmem>> -> memref<1x128xi32, #tpu.memory_space<vmem>>
      %dma_wait3A_407 = tpu.memref_squeeze %dma_wait3A_406 : memref<1x128xi32, #tpu.memory_space<vmem>> -> memref<128xi32, #tpu.memory_space<vmem>>
      %dma_wait3A_408 = arith.constant 0 : i32
      %dma_wait3A_409 = arith.constant 0 : i32
      %dma_wait3A_410 = tpu.memref_slice %arg16[%dma_wait3A_408, %dma_wait3A_409] : memref<10112x64xf32, #tpu.memory_space<vmem_shared>> -> memref<10112x64xf32, #tpu.memory_space<vmem_shared>>
      tpu.wait_indirect_dma semaphore(%run_scoped3A_398 : memref<!tpu.dma_semaphore, #tpu.memory_space<semaphore_mem>>) src(%arg11 : memref<128x64xf32, #tpu.memory_space<vmem>>) dst(%dma_wait3A_410 : memref<10112x64xf32, #tpu.memory_space<vmem_shared>>)
      tpu.yield
    }) : () -> ()
    %dma_wait3A_349 = arith.constant 76 : i32
    %dma_wait3A_350 = arith.constant 0 : i32
    %dma_wait3A_351 = tpu.memref_slice %arg6[%dma_wait3A_349, %dma_wait3A_350] : memref<80x128xi32, #tpu.memory_space<vmem>> -> memref<1x128xi32, #tpu.memory_space<vmem>>
    %dma_wait3A_352 = tpu.memref_squeeze %dma_wait3A_351 : memref<1x128xi32, #tpu.memory_space<vmem>> -> memref<128xi32, #tpu.memory_space<vmem>>
    %dma_wait3A_353 = arith.constant 0 : i32
    %dma_wait3A_354 = arith.constant 0 : i32
    %dma_wait3A_355 = tpu.memref_slice %arg2[%arg0, %dma_wait3A_353, %dma_wait3A_354] : memref<2x10112x64xf32, #tpu.memory_space<hbm>> -> memref<1x10112x64xf32, #tpu.memory_space<hbm>>
    %dma_wait3A_356 = tpu.memref_squeeze %dma_wait3A_355 : memref<1x10112x64xf32, #tpu.memory_space<hbm>> -> memref<10112x64xf32, #tpu.memory_space<hbm>>
    %dma_wait3A_357 = arith.constant 0 : i32
    %dma_wait3A_358 = arith.constant 0 : i32
    %dma_wait3A_359 = tpu.memref_slice %dma_wait3A_356[%dma_wait3A_357, %dma_wait3A_358] : memref<10112x64xf32, #tpu.memory_space<hbm>> -> memref<10112x64xf32, #tpu.memory_space<hbm>>
    tpu.wait_indirect_dma semaphore(%arg21 : memref<!tpu.dma_semaphore, #tpu.memory_space<semaphore_mem>>) src(%dma_wait3A_359 : memref<10112x64xf32, #tpu.memory_space<hbm>>) dst(%arg12 : memref<128x64xf32, #tpu.memory_space<vmem>>)
    %run_scoped3A_360 = arith.constant 76 : i32
    "tpu.region"() ({
      %run_scoped3A_398 = tpu.sem_alloc : memref<!tpu.dma_semaphore, #tpu.memory_space<semaphore_mem>>
      %dma_start3A_399 = arith.constant 0 : i32
      %dma_start3A_400 = tpu.memref_slice %arg7[%run_scoped3A_360, %dma_start3A_399] : memref<80x128xi32, #tpu.memory_space<vmem>> -> memref<1x128xi32, #tpu.memory_space<vmem>>
      %dma_start3A_401 = tpu.memref_squeeze %dma_start3A_400 : memref<1x128xi32, #tpu.memory_space<vmem>> -> memref<128xi32, #tpu.memory_space<vmem>>
      %dma_start3A_402 = arith.constant 0 : i32
      %dma_start3A_403 = arith.constant 0 : i32
      %dma_start3A_404 = tpu.memref_slice %arg16[%dma_start3A_402, %dma_start3A_403] : memref<10112x64xf32, #tpu.memory_space<vmem_shared>> -> memref<10112x64xf32, #tpu.memory_space<vmem_shared>>
      tpu.enqueue_indirect_dma source(%arg12 : memref<128x64xf32, #tpu.memory_space<vmem>>) target(%dma_start3A_404 : memref<10112x64xf32, #tpu.memory_space<vmem_shared>>) offsets(%dma_start3A_401 : memref<128xi32, #tpu.memory_space<vmem>>) semaphore(%run_scoped3A_398 : memref<!tpu.dma_semaphore, #tpu.memory_space<semaphore_mem>>) {add = true}
      %dma_wait3A_405 = arith.constant 0 : i32
      %dma_wait3A_406 = tpu.memref_slice %arg7[%run_scoped3A_360, %dma_wait3A_405] : memref<80x128xi32, #tpu.memory_space<vmem>> -> memref<1x128xi32, #tpu.memory_space<vmem>>
      %dma_wait3A_407 = tpu.memref_squeeze %dma_wait3A_406 : memref<1x128xi32, #tpu.memory_space<vmem>> -> memref<128xi32, #tpu.memory_space<vmem>>
      %dma_wait3A_408 = arith.constant 0 : i32
      %dma_wait3A_409 = arith.constant 0 : i32
      %dma_wait3A_410 = tpu.memref_slice %arg16[%dma_wait3A_408, %dma_wait3A_409] : memref<10112x64xf32, #tpu.memory_space<vmem_shared>> -> memref<10112x64xf32, #tpu.memory_space<vmem_shared>>
      tpu.wait_indirect_dma semaphore(%run_scoped3A_398 : memref<!tpu.dma_semaphore, #tpu.memory_space<semaphore_mem>>) src(%arg12 : memref<128x64xf32, #tpu.memory_space<vmem>>) dst(%dma_wait3A_410 : memref<10112x64xf32, #tpu.memory_space<vmem_shared>>)
      tpu.yield
    }) : () -> ()
    %dma_wait3A_361 = arith.constant 77 : i32
    %dma_wait3A_362 = arith.constant 0 : i32
    %dma_wait3A_363 = tpu.memref_slice %arg6[%dma_wait3A_361, %dma_wait3A_362] : memref<80x128xi32, #tpu.memory_space<vmem>> -> memref<1x128xi32, #tpu.memory_space<vmem>>
    %dma_wait3A_364 = tpu.memref_squeeze %dma_wait3A_363 : memref<1x128xi32, #tpu.memory_space<vmem>> -> memref<128xi32, #tpu.memory_space<vmem>>
    %dma_wait3A_365 = arith.constant 0 : i32
    %dma_wait3A_366 = arith.constant 0 : i32
    %dma_wait3A_367 = tpu.memref_slice %arg2[%arg0, %dma_wait3A_365, %dma_wait3A_366] : memref<2x10112x64xf32, #tpu.memory_space<hbm>> -> memref<1x10112x64xf32, #tpu.memory_space<hbm>>
    %dma_wait3A_368 = tpu.memref_squeeze %dma_wait3A_367 : memref<1x10112x64xf32, #tpu.memory_space<hbm>> -> memref<10112x64xf32, #tpu.memory_space<hbm>>
    %dma_wait3A_369 = arith.constant 0 : i32
    %dma_wait3A_370 = arith.constant 0 : i32
    %dma_wait3A_371 = tpu.memref_slice %dma_wait3A_368[%dma_wait3A_369, %dma_wait3A_370] : memref<10112x64xf32, #tpu.memory_space<hbm>> -> memref<10112x64xf32, #tpu.memory_space<hbm>>
    tpu.wait_indirect_dma semaphore(%arg22 : memref<!tpu.dma_semaphore, #tpu.memory_space<semaphore_mem>>) src(%dma_wait3A_371 : memref<10112x64xf32, #tpu.memory_space<hbm>>) dst(%arg13 : memref<128x64xf32, #tpu.memory_space<vmem>>)
    %run_scoped3A_372 = arith.constant 77 : i32
    "tpu.region"() ({
      %run_scoped3A_398 = tpu.sem_alloc : memref<!tpu.dma_semaphore, #tpu.memory_space<semaphore_mem>>
      %dma_start3A_399 = arith.constant 0 : i32
      %dma_start3A_400 = tpu.memref_slice %arg7[%run_scoped3A_372, %dma_start3A_399] : memref<80x128xi32, #tpu.memory_space<vmem>> -> memref<1x128xi32, #tpu.memory_space<vmem>>
      %dma_start3A_401 = tpu.memref_squeeze %dma_start3A_400 : memref<1x128xi32, #tpu.memory_space<vmem>> -> memref<128xi32, #tpu.memory_space<vmem>>
      %dma_start3A_402 = arith.constant 0 : i32
      %dma_start3A_403 = arith.constant 0 : i32
      %dma_start3A_404 = tpu.memref_slice %arg16[%dma_start3A_402, %dma_start3A_403] : memref<10112x64xf32, #tpu.memory_space<vmem_shared>> -> memref<10112x64xf32, #tpu.memory_space<vmem_shared>>
      tpu.enqueue_indirect_dma source(%arg13 : memref<128x64xf32, #tpu.memory_space<vmem>>) target(%dma_start3A_404 : memref<10112x64xf32, #tpu.memory_space<vmem_shared>>) offsets(%dma_start3A_401 : memref<128xi32, #tpu.memory_space<vmem>>) semaphore(%run_scoped3A_398 : memref<!tpu.dma_semaphore, #tpu.memory_space<semaphore_mem>>) {add = true}
      %dma_wait3A_405 = arith.constant 0 : i32
      %dma_wait3A_406 = tpu.memref_slice %arg7[%run_scoped3A_372, %dma_wait3A_405] : memref<80x128xi32, #tpu.memory_space<vmem>> -> memref<1x128xi32, #tpu.memory_space<vmem>>
      %dma_wait3A_407 = tpu.memref_squeeze %dma_wait3A_406 : memref<1x128xi32, #tpu.memory_space<vmem>> -> memref<128xi32, #tpu.memory_space<vmem>>
      %dma_wait3A_408 = arith.constant 0 : i32
      %dma_wait3A_409 = arith.constant 0 : i32
      %dma_wait3A_410 = tpu.memref_slice %arg16[%dma_wait3A_408, %dma_wait3A_409] : memref<10112x64xf32, #tpu.memory_space<vmem_shared>> -> memref<10112x64xf32, #tpu.memory_space<vmem_shared>>
      tpu.wait_indirect_dma semaphore(%run_scoped3A_398 : memref<!tpu.dma_semaphore, #tpu.memory_space<semaphore_mem>>) src(%arg13 : memref<128x64xf32, #tpu.memory_space<vmem>>) dst(%dma_wait3A_410 : memref<10112x64xf32, #tpu.memory_space<vmem_shared>>)
      tpu.yield
    }) : () -> ()
    %dma_wait3A_373 = arith.constant 78 : i32
    %dma_wait3A_374 = arith.constant 0 : i32
    %dma_wait3A_375 = tpu.memref_slice %arg6[%dma_wait3A_373, %dma_wait3A_374] : memref<80x128xi32, #tpu.memory_space<vmem>> -> memref<1x128xi32, #tpu.memory_space<vmem>>
    %dma_wait3A_376 = tpu.memref_squeeze %dma_wait3A_375 : memref<1x128xi32, #tpu.memory_space<vmem>> -> memref<128xi32, #tpu.memory_space<vmem>>
    %dma_wait3A_377 = arith.constant 0 : i32
    %dma_wait3A_378 = arith.constant 0 : i32
    %dma_wait3A_379 = tpu.memref_slice %arg2[%arg0, %dma_wait3A_377, %dma_wait3A_378] : memref<2x10112x64xf32, #tpu.memory_space<hbm>> -> memref<1x10112x64xf32, #tpu.memory_space<hbm>>
    %dma_wait3A_380 = tpu.memref_squeeze %dma_wait3A_379 : memref<1x10112x64xf32, #tpu.memory_space<hbm>> -> memref<10112x64xf32, #tpu.memory_space<hbm>>
    %dma_wait3A_381 = arith.constant 0 : i32
    %dma_wait3A_382 = arith.constant 0 : i32
    %dma_wait3A_383 = tpu.memref_slice %dma_wait3A_380[%dma_wait3A_381, %dma_wait3A_382] : memref<10112x64xf32, #tpu.memory_space<hbm>> -> memref<10112x64xf32, #tpu.memory_space<hbm>>
    tpu.wait_indirect_dma semaphore(%arg23 : memref<!tpu.dma_semaphore, #tpu.memory_space<semaphore_mem>>) src(%dma_wait3A_383 : memref<10112x64xf32, #tpu.memory_space<hbm>>) dst(%arg14 : memref<128x64xf32, #tpu.memory_space<vmem>>)
    %run_scoped3A_384 = arith.constant 78 : i32
    "tpu.region"() ({
      %run_scoped3A_398 = tpu.sem_alloc : memref<!tpu.dma_semaphore, #tpu.memory_space<semaphore_mem>>
      %dma_start3A_399 = arith.constant 0 : i32
      %dma_start3A_400 = tpu.memref_slice %arg7[%run_scoped3A_384, %dma_start3A_399] : memref<80x128xi32, #tpu.memory_space<vmem>> -> memref<1x128xi32, #tpu.memory_space<vmem>>
      %dma_start3A_401 = tpu.memref_squeeze %dma_start3A_400 : memref<1x128xi32, #tpu.memory_space<vmem>> -> memref<128xi32, #tpu.memory_space<vmem>>
      %dma_start3A_402 = arith.constant 0 : i32
      %dma_start3A_403 = arith.constant 0 : i32
      %dma_start3A_404 = tpu.memref_slice %arg16[%dma_start3A_402, %dma_start3A_403] : memref<10112x64xf32, #tpu.memory_space<vmem_shared>> -> memref<10112x64xf32, #tpu.memory_space<vmem_shared>>
      tpu.enqueue_indirect_dma source(%arg14 : memref<128x64xf32, #tpu.memory_space<vmem>>) target(%dma_start3A_404 : memref<10112x64xf32, #tpu.memory_space<vmem_shared>>) offsets(%dma_start3A_401 : memref<128xi32, #tpu.memory_space<vmem>>) semaphore(%run_scoped3A_398 : memref<!tpu.dma_semaphore, #tpu.memory_space<semaphore_mem>>) {add = true}
      %dma_wait3A_405 = arith.constant 0 : i32
      %dma_wait3A_406 = tpu.memref_slice %arg7[%run_scoped3A_384, %dma_wait3A_405] : memref<80x128xi32, #tpu.memory_space<vmem>> -> memref<1x128xi32, #tpu.memory_space<vmem>>
      %dma_wait3A_407 = tpu.memref_squeeze %dma_wait3A_406 : memref<1x128xi32, #tpu.memory_space<vmem>> -> memref<128xi32, #tpu.memory_space<vmem>>
      %dma_wait3A_408 = arith.constant 0 : i32
      %dma_wait3A_409 = arith.constant 0 : i32
      %dma_wait3A_410 = tpu.memref_slice %arg16[%dma_wait3A_408, %dma_wait3A_409] : memref<10112x64xf32, #tpu.memory_space<vmem_shared>> -> memref<10112x64xf32, #tpu.memory_space<vmem_shared>>
      tpu.wait_indirect_dma semaphore(%run_scoped3A_398 : memref<!tpu.dma_semaphore, #tpu.memory_space<semaphore_mem>>) src(%arg14 : memref<128x64xf32, #tpu.memory_space<vmem>>) dst(%dma_wait3A_410 : memref<10112x64xf32, #tpu.memory_space<vmem_shared>>)
      tpu.yield
    }) : () -> ()
    %dma_wait3A_385 = arith.constant 79 : i32
    %dma_wait3A_386 = arith.constant 0 : i32
    %dma_wait3A_387 = tpu.memref_slice %arg6[%dma_wait3A_385, %dma_wait3A_386] : memref<80x128xi32, #tpu.memory_space<vmem>> -> memref<1x128xi32, #tpu.memory_space<vmem>>
    %dma_wait3A_388 = tpu.memref_squeeze %dma_wait3A_387 : memref<1x128xi32, #tpu.memory_space<vmem>> -> memref<128xi32, #tpu.memory_space<vmem>>
    %dma_wait3A_389 = arith.constant 0 : i32
    %dma_wait3A_390 = arith.constant 0 : i32
    %dma_wait3A_391 = tpu.memref_slice %arg2[%arg0, %dma_wait3A_389, %dma_wait3A_390] : memref<2x10112x64xf32, #tpu.memory_space<hbm>> -> memref<1x10112x64xf32, #tpu.memory_space<hbm>>
    %dma_wait3A_392 = tpu.memref_squeeze %dma_wait3A_391 : memref<1x10112x64xf32, #tpu.memory_space<hbm>> -> memref<10112x64xf32, #tpu.memory_space<hbm>>
    %dma_wait3A_393 = arith.constant 0 : i32
    %dma_wait3A_394 = arith.constant 0 : i32
    %dma_wait3A_395 = tpu.memref_slice %dma_wait3A_392[%dma_wait3A_393, %dma_wait3A_394] : memref<10112x64xf32, #tpu.memory_space<hbm>> -> memref<10112x64xf32, #tpu.memory_space<hbm>>
    tpu.wait_indirect_dma semaphore(%arg24 : memref<!tpu.dma_semaphore, #tpu.memory_space<semaphore_mem>>) src(%dma_wait3A_395 : memref<10112x64xf32, #tpu.memory_space<hbm>>) dst(%arg15 : memref<128x64xf32, #tpu.memory_space<vmem>>)
    %run_scoped3A_396 = arith.constant 79 : i32
    "tpu.region"() ({
      %run_scoped3A_398 = tpu.sem_alloc : memref<!tpu.dma_semaphore, #tpu.memory_space<semaphore_mem>>
      %dma_start3A_399 = arith.constant 0 : i32
      %dma_start3A_400 = tpu.memref_slice %arg7[%run_scoped3A_396, %dma_start3A_399] : memref<80x128xi32, #tpu.memory_space<vmem>> -> memref<1x128xi32, #tpu.memory_space<vmem>>
      %dma_start3A_401 = tpu.memref_squeeze %dma_start3A_400 : memref<1x128xi32, #tpu.memory_space<vmem>> -> memref<128xi32, #tpu.memory_space<vmem>>
      %dma_start3A_402 = arith.constant 0 : i32
      %dma_start3A_403 = arith.constant 0 : i32
      %dma_start3A_404 = tpu.memref_slice %arg16[%dma_start3A_402, %dma_start3A_403] : memref<10112x64xf32, #tpu.memory_space<vmem_shared>> -> memref<10112x64xf32, #tpu.memory_space<vmem_shared>>
      tpu.enqueue_indirect_dma source(%arg15 : memref<128x64xf32, #tpu.memory_space<vmem>>) target(%dma_start3A_404 : memref<10112x64xf32, #tpu.memory_space<vmem_shared>>) offsets(%dma_start3A_401 : memref<128xi32, #tpu.memory_space<vmem>>) semaphore(%run_scoped3A_398 : memref<!tpu.dma_semaphore, #tpu.memory_space<semaphore_mem>>) {add = true}
      %dma_wait3A_405 = arith.constant 0 : i32
      %dma_wait3A_406 = tpu.memref_slice %arg7[%run_scoped3A_396, %dma_wait3A_405] : memref<80x128xi32, #tpu.memory_space<vmem>> -> memref<1x128xi32, #tpu.memory_space<vmem>>
      %dma_wait3A_407 = tpu.memref_squeeze %dma_wait3A_406 : memref<1x128xi32, #tpu.memory_space<vmem>> -> memref<128xi32, #tpu.memory_space<vmem>>
      %dma_wait3A_408 = arith.constant 0 : i32
      %dma_wait3A_409 = arith.constant 0 : i32
      %dma_wait3A_410 = tpu.memref_slice %arg16[%dma_wait3A_408, %dma_wait3A_409] : memref<10112x64xf32, #tpu.memory_space<vmem_shared>> -> memref<10112x64xf32, #tpu.memory_space<vmem_shared>>
      tpu.wait_indirect_dma semaphore(%run_scoped3A_398 : memref<!tpu.dma_semaphore, #tpu.memory_space<semaphore_mem>>) src(%arg15 : memref<128x64xf32, #tpu.memory_space<vmem>>) dst(%dma_wait3A_410 : memref<10112x64xf32, #tpu.memory_space<vmem_shared>>)
      tpu.yield
    }) : () -> ()
    %barrier3A_397 = arith.constant 0 : index
    tpu.barrier barrier_id(%barrier3A_397)
    "tpu.region"() ({
      %run_scoped3A_398 = tpu.sem_alloc : memref<!tpu.dma_semaphore, #tpu.memory_space<semaphore_mem>>
      %dma_start3A_399 = arith.constant 0 : i32
      %dma_start3A_400 = tpu.memref_slice %arg5[%arg0, %mul3A_0, %dma_start3A_399] : memref<2x10112x64xf32, #tpu.memory_space<hbm>> -> memref<1x632x64xf32, #tpu.memory_space<hbm>>
      %dma_start3A_401 = tpu.memref_squeeze %dma_start3A_400 : memref<1x632x64xf32, #tpu.memory_space<hbm>> -> memref<632x64xf32, #tpu.memory_space<hbm>>
      %dma_start3A_402 = arith.constant 0 : i32
      %dma_start3A_403 = tpu.memref_slice %arg16[%mul3A_0, %dma_start3A_402] : memref<10112x64xf32, #tpu.memory_space<vmem_shared>> -> memref<632x64xf32, #tpu.memory_space<vmem_shared>>
      tpu.enqueue_dma source(%dma_start3A_403 : memref<632x64xf32, #tpu.memory_space<vmem_shared>>) target(%dma_start3A_401 : memref<632x64xf32, #tpu.memory_space<hbm>>) target_semaphore(%run_scoped3A_398 : memref<!tpu.dma_semaphore, #tpu.memory_space<semaphore_mem>>)
      %dma_wait3A_404 = arith.constant 0 : i32
      %dma_wait3A_405 = tpu.memref_slice %arg5[%arg0, %mul3A_0, %dma_wait3A_404] : memref<2x10112x64xf32, #tpu.memory_space<hbm>> -> memref<1x632x64xf32, #tpu.memory_space<hbm>>
      %dma_wait3A_406 = tpu.memref_squeeze %dma_wait3A_405 : memref<1x632x64xf32, #tpu.memory_space<hbm>> -> memref<632x64xf32, #tpu.memory_space<hbm>>
      %dma_wait3A_407 = arith.constant 0 : i32
      %dma_wait3A_408 = tpu.memref_slice %arg16[%mul3A_0, %dma_wait3A_407] : memref<10112x64xf32, #tpu.memory_space<vmem_shared>> -> memref<632x64xf32, #tpu.memory_space<vmem_shared>>
      tpu.wait_dma2 semaphore(%run_scoped3A_398 : memref<!tpu.dma_semaphore, #tpu.memory_space<semaphore_mem>>) src(%dma_wait3A_408 : memref<632x64xf32, #tpu.memory_space<vmem_shared>>) dst(%dma_wait3A_406 : memref<632x64xf32, #tpu.memory_space<hbm>>)
      tpu.yield
    }) : () -> ()
    return
  }
}

#map = affine_map<(d0, d1) -> (0, 0)>
#map1 = affine_map<(d0, d1) -> (0, 0, 0)>
module attributes {stable_mosaic.version = 14 : i64} {
  func.func @_deg_body(%arg0: i32, %arg1: i32, %arg2: memref<2560x128xi32, #tpu.memory_space<hbm>>, %arg3: memref<2x10112x16xf32, #tpu.memory_space<hbm>>, %arg4: memref<80x128xi32, #tpu.memory_space<vmem>>, %arg5: memref<128x16xf32, #tpu.memory_space<vmem>>, %arg6: memref<632x16xf32, #tpu.memory_space<vmem>>, %arg7: memref<10112x16xf32, #tpu.memory_space<vmem_shared>>) attributes {dimension_semantics = [#tpu.dimension_semantics<core_parallel>, #tpu.dimension_semantics<subcore_parallel>], iteration_bounds = array<i64: 2, 16>, scalar_prefetch = 0 : i64, scratch_operands = 4 : i64, tpu.core_type = #tpu.core_type<sc_vector_subcore>, window_params = [{transform_indices = #map}, {transform_indices = #map1}]} {
    %mul3A = arith.constant 16 : i32
    %mul3A_0 = arith.muli %arg0, %mul3A : i32
    %add3A = arith.addi %mul3A_0, %arg1 : i32
    %mul3A_1 = arith.constant 632 : i32
    %mul3A_2 = arith.muli %arg1, %mul3A_1 : i32
    %scan3A = arith.constant 0 : i32
    %scan3A_3 = arith.constant 128 : i32
    %scan3A_4 = arith.addi %scan3A, %scan3A_3 : i32
    %scan3A_5 = arith.constant 1 : i32
    scf.for %scan3A_20 = %scan3A to %scan3A_4 step %scan3A_5  : i32 {
      %mul3A_21 = arith.constant 1 : i32
      %mul3A_22 = arith.muli %scan3A_20, %mul3A_21 : i32
      %add3A_23 = arith.constant 0 : i32
      %add3A_24 = arith.addi %add3A_23, %mul3A_22 : i32
      %broadcast_in_dim3A = arith.constant 1.000000e+00 : f32
      %broadcast_in_dim3A_25 = vector.broadcast %broadcast_in_dim3A : f32 to vector<16xf32>
      %swap3A = arith.index_cast %add3A_24 : i32 to index
      %swap3A_26 = arith.constant 0 : index
      %swap3A_27 = tpu.vector_load %arg5[%swap3A, %swap3A_26] {strides = array<i32>} : memref<128x16xf32, #tpu.memory_space<vmem>>, vector<1x16xf32>,
      %swap3A_28 = vector.shape_cast %swap3A_27 : vector<1x16xf32> to vector<16xf32>
      %swap3A_29 = vector.shape_cast %broadcast_in_dim3A_25 : vector<16xf32> to vector<1x16xf32>
      tpu.vector_store %arg5[%swap3A, %swap3A_26], %swap3A_29 {strides = array<i32>} : memref<128x16xf32, #tpu.memory_space<vmem>>, vector<1x16xf32>,
    }
    %scan3A_6 = arith.constant 128 : i32
    %scan3A_7 = arith.constant 0 : i32
    %scan3A_8 = arith.constant 632 : i32
    %scan3A_9 = arith.addi %scan3A_7, %scan3A_8 : i32
    %scan3A_10 = arith.constant 1 : i32
    scf.for %scan3A_20 = %scan3A_7 to %scan3A_9 step %scan3A_10  : i32 {
      %mul3A_21 = arith.constant 1 : i32
      %mul3A_22 = arith.muli %scan3A_20, %mul3A_21 : i32
      %add3A_23 = arith.constant 0 : i32
      %add3A_24 = arith.addi %add3A_23, %mul3A_22 : i32
      %broadcast_in_dim3A = arith.constant 0.000000e+00 : f32
      %broadcast_in_dim3A_25 = vector.broadcast %broadcast_in_dim3A : f32 to vector<16xf32>
      %swap3A = arith.index_cast %add3A_24 : i32 to index
      %swap3A_26 = arith.constant 0 : index
      %swap3A_27 = tpu.vector_load %arg6[%swap3A, %swap3A_26] {strides = array<i32>} : memref<632x16xf32, #tpu.memory_space<vmem>>, vector<1x16xf32>,
      %swap3A_28 = vector.shape_cast %swap3A_27 : vector<1x16xf32> to vector<16xf32>
      %swap3A_29 = vector.shape_cast %broadcast_in_dim3A_25 : vector<16xf32> to vector<1x16xf32>
      tpu.vector_store %arg6[%swap3A, %swap3A_26], %swap3A_29 {strides = array<i32>} : memref<632x16xf32, #tpu.memory_space<vmem>>, vector<1x16xf32>,
    }
    %scan3A_11 = arith.constant 632 : i32
    "tpu.region"() ({
      %run_scoped3A = tpu.sem_alloc : memref<!tpu.dma_semaphore, #tpu.memory_space<semaphore_mem>>
      %dma_start3A = arith.constant 0 : i32
      %dma_start3A_20 = tpu.memref_slice %arg7[%mul3A_2, %dma_start3A] : memref<10112x16xf32, #tpu.memory_space<vmem_shared>> -> memref<632x16xf32, #tpu.memory_space<vmem_shared>>
      %dma_start3A_21 = arith.constant 0 : i32
      %dma_start3A_22 = tpu.memref_slice %arg7[%mul3A_2, %dma_start3A_21] : memref<10112x16xf32, #tpu.memory_space<vmem_shared>> -> memref<632x16xf32, #tpu.memory_space<vmem_shared>>
      tpu.enqueue_dma source(%arg6 : memref<632x16xf32, #tpu.memory_space<vmem>>) target(%dma_start3A_22 : memref<632x16xf32, #tpu.memory_space<vmem_shared>>) target_semaphore(%run_scoped3A : memref<!tpu.dma_semaphore, #tpu.memory_space<semaphore_mem>>)
      %dma_wait3A = arith.constant 0 : i32
      %dma_wait3A_23 = tpu.memref_slice %arg7[%mul3A_2, %dma_wait3A] : memref<10112x16xf32, #tpu.memory_space<vmem_shared>> -> memref<632x16xf32, #tpu.memory_space<vmem_shared>>
      %dma_wait3A_24 = arith.constant 0 : i32
      %dma_wait3A_25 = tpu.memref_slice %arg7[%mul3A_2, %dma_wait3A_24] : memref<10112x16xf32, #tpu.memory_space<vmem_shared>> -> memref<632x16xf32, #tpu.memory_space<vmem_shared>>
      tpu.wait_dma2 semaphore(%run_scoped3A : memref<!tpu.dma_semaphore, #tpu.memory_space<semaphore_mem>>) src(%arg6 : memref<632x16xf32, #tpu.memory_space<vmem>>) dst(%dma_wait3A_25 : memref<632x16xf32, #tpu.memory_space<vmem_shared>>)
      tpu.yield
    }) : () -> ()
    %mul3A_12 = arith.constant 80 : i32
    %mul3A_13 = arith.muli %add3A, %mul3A_12 : i32
    "tpu.region"() ({
      %run_scoped3A = tpu.sem_alloc : memref<!tpu.dma_semaphore, #tpu.memory_space<semaphore_mem>>
      %dma_start3A = arith.constant 0 : i32
      %dma_start3A_20 = tpu.memref_slice %arg2[%mul3A_13, %dma_start3A] : memref<2560x128xi32, #tpu.memory_space<hbm>> -> memref<80x128xi32, #tpu.memory_space<hbm>>
      %dma_start3A_21 = arith.constant 0 : i32
      %dma_start3A_22 = tpu.memref_slice %arg2[%mul3A_13, %dma_start3A_21] : memref<2560x128xi32, #tpu.memory_space<hbm>> -> memref<80x128xi32, #tpu.memory_space<hbm>>
      tpu.enqueue_dma source(%dma_start3A_22 : memref<80x128xi32, #tpu.memory_space<hbm>>) target(%arg4 : memref<80x128xi32, #tpu.memory_space<vmem>>) target_semaphore(%run_scoped3A : memref<!tpu.dma_semaphore, #tpu.memory_space<semaphore_mem>>)
      %dma_wait3A = arith.constant 0 : i32
      %dma_wait3A_23 = tpu.memref_slice %arg2[%mul3A_13, %dma_wait3A] : memref<2560x128xi32, #tpu.memory_space<hbm>> -> memref<80x128xi32, #tpu.memory_space<hbm>>
      %dma_wait3A_24 = arith.constant 0 : i32
      %dma_wait3A_25 = tpu.memref_slice %arg2[%mul3A_13, %dma_wait3A_24] : memref<2560x128xi32, #tpu.memory_space<hbm>> -> memref<80x128xi32, #tpu.memory_space<hbm>>
      tpu.wait_dma2 semaphore(%run_scoped3A : memref<!tpu.dma_semaphore, #tpu.memory_space<semaphore_mem>>) src(%dma_wait3A_25 : memref<80x128xi32, #tpu.memory_space<hbm>>) dst(%arg4 : memref<80x128xi32, #tpu.memory_space<vmem>>)
      tpu.yield
    }) : () -> ()
    %barrier3A = arith.constant 0 : index
    tpu.barrier barrier_id(%barrier3A)
    %scan3A_14 = arith.constant 0 : i32
    %scan3A_15 = arith.constant 80 : i32
    %scan3A_16 = arith.addi %scan3A_14, %scan3A_15 : i32
    %scan3A_17 = arith.constant 1 : i32
    scf.for %scan3A_20 = %scan3A_14 to %scan3A_16 step %scan3A_17  : i32 {
      %mul3A_21 = arith.constant 1 : i32
      %mul3A_22 = arith.muli %scan3A_20, %mul3A_21 : i32
      %add3A_23 = arith.constant 0 : i32
      %add3A_24 = arith.addi %add3A_23, %mul3A_22 : i32
      "tpu.region"() ({
        %run_scoped3A = tpu.sem_alloc : memref<!tpu.dma_semaphore, #tpu.memory_space<semaphore_mem>>
        %dma_start3A = arith.constant 0 : i32
        %dma_start3A_25 = tpu.memref_slice %arg4[%add3A_24, %dma_start3A] : memref<80x128xi32, #tpu.memory_space<vmem>> -> memref<1x128xi32, #tpu.memory_space<vmem>>
        %dma_start3A_26 = tpu.memref_squeeze %dma_start3A_25 : memref<1x128xi32, #tpu.memory_space<vmem>> -> memref<128xi32, #tpu.memory_space<vmem>>
        %dma_start3A_27 = arith.constant 0 : i32
        %dma_start3A_28 = arith.constant 0 : i32
        %dma_start3A_29 = tpu.memref_slice %arg7[%dma_start3A_27, %dma_start3A_28] : memref<10112x16xf32, #tpu.memory_space<vmem_shared>> -> memref<10112x16xf32, #tpu.memory_space<vmem_shared>>
        tpu.enqueue_indirect_dma source(%arg5 : memref<128x16xf32, #tpu.memory_space<vmem>>) target(%dma_start3A_29 : memref<10112x16xf32, #tpu.memory_space<vmem_shared>>) offsets(%dma_start3A_26 : memref<128xi32, #tpu.memory_space<vmem>>) semaphore(%run_scoped3A : memref<!tpu.dma_semaphore, #tpu.memory_space<semaphore_mem>>) {add = true}
        %dma_wait3A = arith.constant 0 : i32
        %dma_wait3A_30 = tpu.memref_slice %arg4[%add3A_24, %dma_wait3A] : memref<80x128xi32, #tpu.memory_space<vmem>> -> memref<1x128xi32, #tpu.memory_space<vmem>>
        %dma_wait3A_31 = tpu.memref_squeeze %dma_wait3A_30 : memref<1x128xi32, #tpu.memory_space<vmem>> -> memref<128xi32, #tpu.memory_space<vmem>>
        %dma_wait3A_32 = arith.constant 0 : i32
        %dma_wait3A_33 = arith.constant 0 : i32
        %dma_wait3A_34 = tpu.memref_slice %arg7[%dma_wait3A_32, %dma_wait3A_33] : memref<10112x16xf32, #tpu.memory_space<vmem_shared>> -> memref<10112x16xf32, #tpu.memory_space<vmem_shared>>
        tpu.wait_indirect_dma semaphore(%run_scoped3A : memref<!tpu.dma_semaphore, #tpu.memory_space<semaphore_mem>>) src(%arg5 : memref<128x16xf32, #tpu.memory_space<vmem>>) dst(%dma_wait3A_34 : memref<10112x16xf32, #tpu.memory_space<vmem_shared>>)
        tpu.yield
      }) : () -> ()
    }
    %scan3A_18 = arith.constant 80 : i32
    %barrier3A_19 = arith.constant 0 : index
    tpu.barrier barrier_id(%barrier3A_19)
    "tpu.region"() ({
      %run_scoped3A = tpu.sem_alloc : memref<!tpu.dma_semaphore, #tpu.memory_space<semaphore_mem>>
      %dma_start3A = arith.constant 0 : i32
      %dma_start3A_20 = tpu.memref_slice %arg3[%arg0, %mul3A_2, %dma_start3A] : memref<2x10112x16xf32, #tpu.memory_space<hbm>> -> memref<1x632x16xf32, #tpu.memory_space<hbm>>
      %dma_start3A_21 = tpu.memref_squeeze %dma_start3A_20 : memref<1x632x16xf32, #tpu.memory_space<hbm>> -> memref<632x16xf32, #tpu.memory_space<hbm>>
      %dma_start3A_22 = arith.constant 0 : i32
      %dma_start3A_23 = tpu.memref_slice %arg7[%mul3A_2, %dma_start3A_22] : memref<10112x16xf32, #tpu.memory_space<vmem_shared>> -> memref<632x16xf32, #tpu.memory_space<vmem_shared>>
      tpu.enqueue_dma source(%dma_start3A_23 : memref<632x16xf32, #tpu.memory_space<vmem_shared>>) target(%dma_start3A_21 : memref<632x16xf32, #tpu.memory_space<hbm>>) target_semaphore(%run_scoped3A : memref<!tpu.dma_semaphore, #tpu.memory_space<semaphore_mem>>)
      %dma_wait3A = arith.constant 0 : i32
      %dma_wait3A_24 = tpu.memref_slice %arg3[%arg0, %mul3A_2, %dma_wait3A] : memref<2x10112x16xf32, #tpu.memory_space<hbm>> -> memref<1x632x16xf32, #tpu.memory_space<hbm>>
      %dma_wait3A_25 = tpu.memref_squeeze %dma_wait3A_24 : memref<1x632x16xf32, #tpu.memory_space<hbm>> -> memref<632x16xf32, #tpu.memory_space<hbm>>
      %dma_wait3A_26 = arith.constant 0 : i32
      %dma_wait3A_27 = tpu.memref_slice %arg7[%mul3A_2, %dma_wait3A_26] : memref<10112x16xf32, #tpu.memory_space<vmem_shared>> -> memref<632x16xf32, #tpu.memory_space<vmem_shared>>
      tpu.wait_dma2 semaphore(%run_scoped3A : memref<!tpu.dma_semaphore, #tpu.memory_space<semaphore_mem>>) src(%dma_wait3A_27 : memref<632x16xf32, #tpu.memory_space<vmem_shared>>) dst(%dma_wait3A_25 : memref<632x16xf32, #tpu.memory_space<hbm>>)
      tpu.yield
    }) : () -> ()
    return
  }
}

#map = affine_map<(d0, d1) -> (0, 0, 0)>
#map1 = affine_map<(d0, d1) -> (0, 0)>
module attributes {stable_mosaic.version = 14 : i64} {
  func.func @_prop_body(%arg0: i32, %arg1: i32, %arg2: memref<2x10112x64xf32, #tpu.memory_space<hbm>>, %arg3: memref<2560x128xi32, #tpu.memory_space<hbm>>, %arg4: memref<2560x128xi32, #tpu.memory_space<hbm>>, %arg5: memref<2x10112x64xf32, #tpu.memory_space<hbm>>, %arg6: memref<80x128xi32, #tpu.memory_space<vmem>>, %arg7: memref<80x128xi32, #tpu.memory_space<vmem>>, %arg8: memref<128x64xf32, #tpu.memory_space<vmem>>, %arg9: memref<128x64xf32, #tpu.memory_space<vmem>>, %arg10: memref<128x64xf32, #tpu.memory_space<vmem>>, %arg11: memref<128x64xf32, #tpu.memory_space<vmem>>, %arg12: memref<128x64xf32, #tpu.memory_space<vmem>>, %arg13: memref<128x64xf32, #tpu.memory_space<vmem>>, %arg14: memref<128x64xf32, #tpu.memory_space<vmem>>, %arg15: memref<128x64xf32, #tpu.memory_space<vmem>>, %arg16: memref<10112x64xf32, #tpu.memory_space<vmem_shared>>, %arg17: memref<!tpu.dma_semaphore, #tpu.memory_space<semaphore_mem>>, %arg18: memref<!tpu.dma_semaphore, #tpu.memory_space<semaphore_mem>>, %arg19: memref<!tpu.dma_semaphore, #tpu.memory_space<semaphore_mem>>, %arg20: memref<!tpu.dma_semaphore, #tpu.memory_space<semaphore_mem>>, %arg21: memref<!tpu.dma_semaphore, #tpu.memory_space<semaphore_mem>>, %arg22: memref<!tpu.dma_semaphore, #tpu.memory_space<semaphore_mem>>, %arg23: memref<!tpu.dma_semaphore, #tpu.memory_space<semaphore_mem>>, %arg24: memref<!tpu.dma_semaphore, #tpu.memory_space<semaphore_mem>>) attributes {dimension_semantics = [#tpu.dimension_semantics<core_parallel>, #tpu.dimension_semantics<subcore_parallel>], iteration_bounds = array<i64: 2, 16>, scalar_prefetch = 0 : i64, scratch_operands = 19 : i64, tpu.core_type = #tpu.core_type<sc_vector_subcore>, window_params = [{transform_indices = #map}, {transform_indices = #map1}, {transform_indices = #map1}, {transform_indices = #map}]} {
    %mul3A = arith.constant 632 : i32
    %mul3A_0 = arith.muli %arg1, %mul3A : i32
    %scan3A = arith.constant 0 : i32
    %scan3A_1 = arith.constant 128 : i32
    %scan3A_2 = arith.addi %scan3A, %scan3A_1 : i32
    %scan3A_3 = arith.constant 1 : i32
    scf.for %scan3A_398 = %scan3A to %scan3A_2 step %scan3A_3  : i32 {
      %mul3A_399 = arith.constant 1 : i32
      %mul3A_400 = arith.muli %scan3A_398, %mul3A_399 : i32
      %add3A_401 = arith.constant 0 : i32
      %add3A_402 = arith.addi %add3A_401, %mul3A_400 : i32
      %scan3A_403 = arith.constant 0 : i32
      %scan3A_404 = arith.constant 4 : i32
      %scan3A_405 = arith.addi %scan3A_403, %scan3A_404 : i32
      %scan3A_406 = arith.constant 1 : i32
      scf.for %scan3A_408 = %scan3A_403 to %scan3A_405 step %scan3A_406  : i32 {
        %mul3A_409 = arith.constant 16 : i32
        %mul3A_410 = arith.muli %scan3A_408, %mul3A_409 : i32
        %add3A_411 = arith.constant 0 : i32
        %add3A_412 = arith.addi %add3A_411, %mul3A_410 : i32
        %broadcast_in_dim3A = arith.constant 0.000000e+00 : f32
        %broadcast_in_dim3A_413 = vector.broadcast %broadcast_in_dim3A : f32 to vector<16xf32>
        %swap3A = arith.index_cast %add3A_402 : i32 to index
        %swap3A_414 = arith.index_cast %add3A_412 : i32 to index
        %swap3A_415 = tpu.vector_load %arg8[%swap3A, %swap3A_414] {strides = array<i32>} : memref<128x64xf32, #tpu.memory_space<vmem>>, vector<1x16xf32>,
        %swap3A_416 = vector.shape_cast %swap3A_415 : vector<1x16xf32> to vector<16xf32>
        %swap3A_417 = vector.shape_cast %broadcast_in_dim3A_413 : vector<16xf32> to vector<1x16xf32>
        tpu.vector_store %arg8[%swap3A, %swap3A_414], %swap3A_417 {strides = array<i32>} : memref<128x64xf32, #tpu.memory_space<vmem>>, vector<1x16xf32>,
      }
      %scan3A_407 = arith.constant 4 : i32
    }
    %scan3A_4 = arith.constant 128 : i32
    %add3A = arith.constant 0 : i32
    %add3A_5 = arith.addi %mul3A_0, %add3A : i32
    "tpu.region"() ({
      %run_scoped3A_398 = tpu.sem_alloc : memref<!tpu.dma_semaphore, #tpu.memory_space<semaphore_mem>>
      %dma_start3A_399 = arith.constant 0 : i32
      %dma_start3A_400 = tpu.memref_slice %arg16[%add3A_5, %dma_start3A_399] : memref<10112x64xf32, #tpu.memory_space<vmem_shared>> -> memref<128x64xf32, #tpu.memory_space<vmem_shared>>
      %dma_start3A_401 = arith.constant 0 : i32
      %dma_start3A_402 = tpu.memref_slice %arg16[%add3A_5, %dma_start3A_401] : memref<10112x64xf32, #tpu.memory_space<vmem_shared>> -> memref<128x64xf32, #tpu.memory_space<vmem_shared>>
      tpu.enqueue_dma source(%arg8 : memref<128x64xf32, #tpu.memory_space<vmem>>) target(%dma_start3A_402 : memref<128x64xf32, #tpu.memory_space<vmem_shared>>) target_semaphore(%run_scoped3A_398 : memref<!tpu.dma_semaphore, #tpu.memory_space<semaphore_mem>>)
      %dma_wait3A_403 = arith.constant 0 : i32
      %dma_wait3A_404 = tpu.memref_slice %arg16[%add3A_5, %dma_wait3A_403] : memref<10112x64xf32, #tpu.memory_space<vmem_shared>> -> memref<128x64xf32, #tpu.memory_space<vmem_shared>>
      %dma_wait3A_405 = arith.constant 0 : i32
      %dma_wait3A_406 = tpu.memref_slice %arg16[%add3A_5, %dma_wait3A_405] : memref<10112x64xf32, #tpu.memory_space<vmem_shared>> -> memref<128x64xf32, #tpu.memory_space<vmem_shared>>
      tpu.wait_dma2 semaphore(%run_scoped3A_398 : memref<!tpu.dma_semaphore, #tpu.memory_space<semaphore_mem>>) src(%arg8 : memref<128x64xf32, #tpu.memory_space<vmem>>) dst(%dma_wait3A_406 : memref<128x64xf32, #tpu.memory_space<vmem_shared>>)
      tpu.yield
    }) : () -> ()
    %add3A_6 = arith.constant 128 : i32
    %add3A_7 = arith.addi %mul3A_0, %add3A_6 : i32
    "tpu.region"() ({
      %run_scoped3A_398 = tpu.sem_alloc : memref<!tpu.dma_semaphore, #tpu.memory_space<semaphore_mem>>
      %dma_start3A_399 = arith.constant 0 : i32
      %dma_start3A_400 = tpu.memref_slice %arg16[%add3A_7, %dma_start3A_399] : memref<10112x64xf32, #tpu.memory_space<vmem_shared>> -> memref<128x64xf32, #tpu.memory_space<vmem_shared>>
      %dma_start3A_401 = arith.constant 0 : i32
      %dma_start3A_402 = tpu.memref_slice %arg16[%add3A_7, %dma_start3A_401] : memref<10112x64xf32, #tpu.memory_space<vmem_shared>> -> memref<128x64xf32, #tpu.memory_space<vmem_shared>>
      tpu.enqueue_dma source(%arg8 : memref<128x64xf32, #tpu.memory_space<vmem>>) target(%dma_start3A_402 : memref<128x64xf32, #tpu.memory_space<vmem_shared>>) target_semaphore(%run_scoped3A_398 : memref<!tpu.dma_semaphore, #tpu.memory_space<semaphore_mem>>)
      %dma_wait3A_403 = arith.constant 0 : i32
      %dma_wait3A_404 = tpu.memref_slice %arg16[%add3A_7, %dma_wait3A_403] : memref<10112x64xf32, #tpu.memory_space<vmem_shared>> -> memref<128x64xf32, #tpu.memory_space<vmem_shared>>
      %dma_wait3A_405 = arith.constant 0 : i32
      %dma_wait3A_406 = tpu.memref_slice %arg16[%add3A_7, %dma_wait3A_405] : memref<10112x64xf32, #tpu.memory_space<vmem_shared>> -> memref<128x64xf32, #tpu.memory_space<vmem_shared>>
      tpu.wait_dma2 semaphore(%run_scoped3A_398 : memref<!tpu.dma_semaphore, #tpu.memory_space<semaphore_mem>>) src(%arg8 : memref<128x64xf32, #tpu.memory_space<vmem>>) dst(%dma_wait3A_406 : memref<128x64xf32, #tpu.memory_space<vmem_shared>>)
      tpu.yield
    }) : () -> ()
    %add3A_8 = arith.constant 256 : i32
    %add3A_9 = arith.addi %mul3A_0, %add3A_8 : i32
    "tpu.region"() ({
      %run_scoped3A_398 = tpu.sem_alloc : memref<!tpu.dma_semaphore, #tpu.memory_space<semaphore_mem>>
      %dma_start3A_399 = arith.constant 0 : i32
      %dma_start3A_400 = tpu.memref_slice %arg16[%add3A_9, %dma_start3A_399] : memref<10112x64xf32, #tpu.memory_space<vmem_shared>> -> memref<128x64xf32, #tpu.memory_space<vmem_shared>>
      %dma_start3A_401 = arith.constant 0 : i32
      %dma_start3A_402 = tpu.memref_slice %arg16[%add3A_9, %dma_start3A_401] : memref<10112x64xf32, #tpu.memory_space<vmem_shared>> -> memref<128x64xf32, #tpu.memory_space<vmem_shared>>
      tpu.enqueue_dma source(%arg8 : memref<128x64xf32, #tpu.memory_space<vmem>>) target(%dma_start3A_402 : memref<128x64xf32, #tpu.memory_space<vmem_shared>>) target_semaphore(%run_scoped3A_398 : memref<!tpu.dma_semaphore, #tpu.memory_space<semaphore_mem>>)
      %dma_wait3A_403 = arith.constant 0 : i32
      %dma_wait3A_404 = tpu.memref_slice %arg16[%add3A_9, %dma_wait3A_403] : memref<10112x64xf32, #tpu.memory_space<vmem_shared>> -> memref<128x64xf32, #tpu.memory_space<vmem_shared>>
      %dma_wait3A_405 = arith.constant 0 : i32
      %dma_wait3A_406 = tpu.memref_slice %arg16[%add3A_9, %dma_wait3A_405] : memref<10112x64xf32, #tpu.memory_space<vmem_shared>> -> memref<128x64xf32, #tpu.memory_space<vmem_shared>>
      tpu.wait_dma2 semaphore(%run_scoped3A_398 : memref<!tpu.dma_semaphore, #tpu.memory_space<semaphore_mem>>) src(%arg8 : memref<128x64xf32, #tpu.memory_space<vmem>>) dst(%dma_wait3A_406 : memref<128x64xf32, #tpu.memory_space<vmem_shared>>)
      tpu.yield
    }) : () -> ()
    %add3A_10 = arith.constant 384 : i32
    %add3A_11 = arith.addi %mul3A_0, %add3A_10 : i32
    "tpu.region"() ({
      %run_scoped3A_398 = tpu.sem_alloc : memref<!tpu.dma_semaphore, #tpu.memory_space<semaphore_mem>>
      %dma_start3A_399 = arith.constant 0 : i32
      %dma_start3A_400 = tpu.memref_slice %arg16[%add3A_11, %dma_start3A_399] : memref<10112x64xf32, #tpu.memory_space<vmem_shared>> -> memref<128x64xf32, #tpu.memory_space<vmem_shared>>
      %dma_start3A_401 = arith.constant 0 : i32
      %dma_start3A_402 = tpu.memref_slice %arg16[%add3A_11, %dma_start3A_401] : memref<10112x64xf32, #tpu.memory_space<vmem_shared>> -> memref<128x64xf32, #tpu.memory_space<vmem_shared>>
      tpu.enqueue_dma source(%arg8 : memref<128x64xf32, #tpu.memory_space<vmem>>) target(%dma_start3A_402 : memref<128x64xf32, #tpu.memory_space<vmem_shared>>) target_semaphore(%run_scoped3A_398 : memref<!tpu.dma_semaphore, #tpu.memory_space<semaphore_mem>>)
      %dma_wait3A_403 = arith.constant 0 : i32
      %dma_wait3A_404 = tpu.memref_slice %arg16[%add3A_11, %dma_wait3A_403] : memref<10112x64xf32, #tpu.memory_space<vmem_shared>> -> memref<128x64xf32, #tpu.memory_space<vmem_shared>>
      %dma_wait3A_405 = arith.constant 0 : i32
      %dma_wait3A_406 = tpu.memref_slice %arg16[%add3A_11, %dma_wait3A_405] : memref<10112x64xf32, #tpu.memory_space<vmem_shared>> -> memref<128x64xf32, #tpu.memory_space<vmem_shared>>
      tpu.wait_dma2 semaphore(%run_scoped3A_398 : memref<!tpu.dma_semaphore, #tpu.memory_space<semaphore_mem>>) src(%arg8 : memref<128x64xf32, #tpu.memory_space<vmem>>) dst(%dma_wait3A_406 : memref<128x64xf32, #tpu.memory_space<vmem_shared>>)
      tpu.yield
    }) : () -> ()
    %add3A_12 = arith.constant 512 : i32
    %add3A_13 = arith.addi %mul3A_0, %add3A_12 : i32
    "tpu.region"() ({
      %run_scoped3A_398 = tpu.sem_alloc : memref<!tpu.dma_semaphore, #tpu.memory_space<semaphore_mem>>
      %dma_start3A_399 = arith.constant 0 : i32
      %dma_start3A_400 = arith.constant 0 : i32
      %dma_start3A_401 = tpu.memref_slice %arg8[%dma_start3A_399, %dma_start3A_400] : memref<128x64xf32, #tpu.memory_space<vmem>> -> memref<120x64xf32, #tpu.memory_space<vmem>>
      %dma_start3A_402 = arith.constant 0 : i32
      %dma_start3A_403 = tpu.memref_slice %arg16[%add3A_13, %dma_start3A_402] : memref<10112x64xf32, #tpu.memory_space<vmem_shared>> -> memref<120x64xf32, #tpu.memory_space<vmem_shared>>
      %dma_start3A_404 = arith.constant 0 : i32
      %dma_start3A_405 = tpu.memref_slice %arg16[%add3A_13, %dma_start3A_404] : memref<10112x64xf32, #tpu.memory_space<vmem_shared>> -> memref<120x64xf32, #tpu.memory_space<vmem_shared>>
      %dma_start3A_406 = arith.constant 0 : i32
      %dma_start3A_407 = arith.constant 0 : i32
      %dma_start3A_408 = tpu.memref_slice %arg8[%dma_start3A_406, %dma_start3A_407] : memref<128x64xf32, #tpu.memory_space<vmem>> -> memref<120x64xf32, #tpu.memory_space<vmem>>
      tpu.enqueue_dma source(%dma_start3A_408 : memref<120x64xf32, #tpu.memory_space<vmem>>) target(%dma_start3A_405 : memref<120x64xf32, #tpu.memory_space<vmem_shared>>) target_semaphore(%run_scoped3A_398 : memref<!tpu.dma_semaphore, #tpu.memory_space<semaphore_mem>>)
      %dma_wait3A_409 = arith.constant 0 : i32
      %dma_wait3A_410 = arith.constant 0 : i32
      %dma_wait3A_411 = tpu.memref_slice %arg8[%dma_wait3A_409, %dma_wait3A_410] : memref<128x64xf32, #tpu.memory_space<vmem>> -> memref<120x64xf32, #tpu.memory_space<vmem>>
      %dma_wait3A_412 = arith.constant 0 : i32
      %dma_wait3A_413 = tpu.memref_slice %arg16[%add3A_13, %dma_wait3A_412] : memref<10112x64xf32, #tpu.memory_space<vmem_shared>> -> memref<120x64xf32, #tpu.memory_space<vmem_shared>>
      %dma_wait3A_414 = arith.constant 0 : i32
      %dma_wait3A_415 = tpu.memref_slice %arg16[%add3A_13, %dma_wait3A_414] : memref<10112x64xf32, #tpu.memory_space<vmem_shared>> -> memref<120x64xf32, #tpu.memory_space<vmem_shared>>
      %dma_wait3A_416 = arith.constant 0 : i32
      %dma_wait3A_417 = arith.constant 0 : i32
      %dma_wait3A_418 = tpu.memref_slice %arg8[%dma_wait3A_416, %dma_wait3A_417] : memref<128x64xf32, #tpu.memory_space<vmem>> -> memref<120x64xf32, #tpu.memory_space<vmem>>
      tpu.wait_dma2 semaphore(%run_scoped3A_398 : memref<!tpu.dma_semaphore, #tpu.memory_space<semaphore_mem>>) src(%dma_wait3A_418 : memref<120x64xf32, #tpu.memory_space<vmem>>) dst(%dma_wait3A_415 : memref<120x64xf32, #tpu.memory_space<vmem_shared>>)
      tpu.yield
    }) : () -> ()
    %barrier3A = arith.constant 0 : index
    tpu.barrier barrier_id(%barrier3A)
    %mul3A_14 = arith.constant 160 : i32
    %mul3A_15 = arith.muli %arg1, %mul3A_14 : i32
    %add3A_16 = arith.constant 0 : i32
    %add3A_17 = arith.addi %mul3A_15, %add3A_16 : i32
    "tpu.region"() ({
      %run_scoped3A_398 = tpu.sem_alloc : memref<!tpu.dma_semaphore, #tpu.memory_space<semaphore_mem>>
      %dma_start3A_399 = arith.constant 0 : i32
      %dma_start3A_400 = tpu.memref_slice %arg3[%add3A_17, %dma_start3A_399] : memref<2560x128xi32, #tpu.memory_space<hbm>> -> memref<80x128xi32, #tpu.memory_space<hbm>>
      %dma_start3A_401 = arith.constant 0 : i32
      %dma_start3A_402 = tpu.memref_slice %arg3[%add3A_17, %dma_start3A_401] : memref<2560x128xi32, #tpu.memory_space<hbm>> -> memref<80x128xi32, #tpu.memory_space<hbm>>
      tpu.enqueue_dma source(%dma_start3A_402 : memref<80x128xi32, #tpu.memory_space<hbm>>) target(%arg6 : memref<80x128xi32, #tpu.memory_space<vmem>>) target_semaphore(%run_scoped3A_398 : memref<!tpu.dma_semaphore, #tpu.memory_space<semaphore_mem>>)
      %dma_wait3A_403 = arith.constant 0 : i32
      %dma_wait3A_404 = tpu.memref_slice %arg3[%add3A_17, %dma_wait3A_403] : memref<2560x128xi32, #tpu.memory_space<hbm>> -> memref<80x128xi32, #tpu.memory_space<hbm>>
      %dma_wait3A_405 = arith.constant 0 : i32
      %dma_wait3A_406 = tpu.memref_slice %arg3[%add3A_17, %dma_wait3A_405] : memref<2560x128xi32, #tpu.memory_space<hbm>> -> memref<80x128xi32, #tpu.memory_space<hbm>>
      tpu.wait_dma2 semaphore(%run_scoped3A_398 : memref<!tpu.dma_semaphore, #tpu.memory_space<semaphore_mem>>) src(%dma_wait3A_406 : memref<80x128xi32, #tpu.memory_space<hbm>>) dst(%arg6 : memref<80x128xi32, #tpu.memory_space<vmem>>)
      tpu.yield
    }) : () -> ()
    "tpu.region"() ({
      %run_scoped3A_398 = tpu.sem_alloc : memref<!tpu.dma_semaphore, #tpu.memory_space<semaphore_mem>>
      %dma_start3A_399 = arith.constant 0 : i32
      %dma_start3A_400 = tpu.memref_slice %arg4[%add3A_17, %dma_start3A_399] : memref<2560x128xi32, #tpu.memory_space<hbm>> -> memref<80x128xi32, #tpu.memory_space<hbm>>
      %dma_start3A_401 = arith.constant 0 : i32
      %dma_start3A_402 = tpu.memref_slice %arg4[%add3A_17, %dma_start3A_401] : memref<2560x128xi32, #tpu.memory_space<hbm>> -> memref<80x128xi32, #tpu.memory_space<hbm>>
      tpu.enqueue_dma source(%dma_start3A_402 : memref<80x128xi32, #tpu.memory_space<hbm>>) target(%arg7 : memref<80x128xi32, #tpu.memory_space<vmem>>) target_semaphore(%run_scoped3A_398 : memref<!tpu.dma_semaphore, #tpu.memory_space<semaphore_mem>>)
      %dma_wait3A_403 = arith.constant 0 : i32
      %dma_wait3A_404 = tpu.memref_slice %arg4[%add3A_17, %dma_wait3A_403] : memref<2560x128xi32, #tpu.memory_space<hbm>> -> memref<80x128xi32, #tpu.memory_space<hbm>>
      %dma_wait3A_405 = arith.constant 0 : i32
      %dma_wait3A_406 = tpu.memref_slice %arg4[%add3A_17, %dma_wait3A_405] : memref<2560x128xi32, #tpu.memory_space<hbm>> -> memref<80x128xi32, #tpu.memory_space<hbm>>
      tpu.wait_dma2 semaphore(%run_scoped3A_398 : memref<!tpu.dma_semaphore, #tpu.memory_space<semaphore_mem>>) src(%dma_wait3A_406 : memref<80x128xi32, #tpu.memory_space<hbm>>) dst(%arg7 : memref<80x128xi32, #tpu.memory_space<vmem>>)
      tpu.yield
    }) : () -> ()
    %dma_start3A = arith.constant 0 : i32
    %dma_start3A_18 = arith.constant 0 : i32
    %dma_start3A_19 = tpu.memref_slice %arg6[%dma_start3A, %dma_start3A_18] : memref<80x128xi32, #tpu.memory_space<vmem>> -> memref<1x128xi32, #tpu.memory_space<vmem>>
    %dma_start3A_20 = tpu.memref_squeeze %dma_start3A_19 : memref<1x128xi32, #tpu.memory_space<vmem>> -> memref<128xi32, #tpu.memory_space<vmem>>
    %dma_start3A_21 = arith.constant 0 : i32
    %dma_start3A_22 = arith.constant 0 : i32
    %dma_start3A_23 = tpu.memref_slice %arg2[%arg0, %dma_start3A_21, %dma_start3A_22] : memref<2x10112x64xf32, #tpu.memory_space<hbm>> -> memref<1x10112x64xf32, #tpu.memory_space<hbm>>
    %dma_start3A_24 = tpu.memref_squeeze %dma_start3A_23 : memref<1x10112x64xf32, #tpu.memory_space<hbm>> -> memref<10112x64xf32, #tpu.memory_space<hbm>>
    %dma_start3A_25 = arith.constant 0 : i32
    %dma_start3A_26 = arith.constant 0 : i32
    %dma_start3A_27 = tpu.memref_slice %dma_start3A_24[%dma_start3A_25, %dma_start3A_26] : memref<10112x64xf32, #tpu.memory_space<hbm>> -> memref<10112x64xf32, #tpu.memory_space<hbm>>
    tpu.enqueue_indirect_dma source(%dma_start3A_27 : memref<10112x64xf32, #tpu.memory_space<hbm>>) target(%arg8 : memref<128x64xf32, #tpu.memory_space<vmem>>) offsets(%dma_start3A_20 : memref<128xi32, #tpu.memory_space<vmem>>) semaphore(%arg17 : memref<!tpu.dma_semaphore, #tpu.memory_space<semaphore_mem>>)
    %dma_start3A_28 = arith.constant 1 : i32
    %dma_start3A_29 = arith.constant 0 : i32
    %dma_start3A_30 = tpu.memref_slice %arg6[%dma_start3A_28, %dma_start3A_29] : memref<80x128xi32, #tpu.memory_space<vmem>> -> memref<1x128xi32, #tpu.memory_space<vmem>>
    %dma_start3A_31 = tpu.memref_squeeze %dma_start3A_30 : memref<1x128xi32, #tpu.memory_space<vmem>> -> memref<128xi32, #tpu.memory_space<vmem>>
    %dma_start3A_32 = arith.constant 0 : i32
    %dma_start3A_33 = arith.constant 0 : i32
    %dma_start3A_34 = tpu.memref_slice %arg2[%arg0, %dma_start3A_32, %dma_start3A_33] : memref<2x10112x64xf32, #tpu.memory_space<hbm>> -> memref<1x10112x64xf32, #tpu.memory_space<hbm>>
    %dma_start3A_35 = tpu.memref_squeeze %dma_start3A_34 : memref<1x10112x64xf32, #tpu.memory_space<hbm>> -> memref<10112x64xf32, #tpu.memory_space<hbm>>
    %dma_start3A_36 = arith.constant 0 : i32
    %dma_start3A_37 = arith.constant 0 : i32
    %dma_start3A_38 = tpu.memref_slice %dma_start3A_35[%dma_start3A_36, %dma_start3A_37] : memref<10112x64xf32, #tpu.memory_space<hbm>> -> memref<10112x64xf32, #tpu.memory_space<hbm>>
    tpu.enqueue_indirect_dma source(%dma_start3A_38 : memref<10112x64xf32, #tpu.memory_space<hbm>>) target(%arg9 : memref<128x64xf32, #tpu.memory_space<vmem>>) offsets(%dma_start3A_31 : memref<128xi32, #tpu.memory_space<vmem>>) semaphore(%arg18 : memref<!tpu.dma_semaphore, #tpu.memory_space<semaphore_mem>>)
    %dma_start3A_39 = arith.constant 2 : i32
    %dma_start3A_40 = arith.constant 0 : i32
    %dma_start3A_41 = tpu.memref_slice %arg6[%dma_start3A_39, %dma_start3A_40] : memref<80x128xi32, #tpu.memory_space<vmem>> -> memref<1x128xi32, #tpu.memory_space<vmem>>
    %dma_start3A_42 = tpu.memref_squeeze %dma_start3A_41 : memref<1x128xi32, #tpu.memory_space<vmem>> -> memref<128xi32, #tpu.memory_space<vmem>>
    %dma_start3A_43 = arith.constant 0 : i32
    %dma_start3A_44 = arith.constant 0 : i32
    %dma_start3A_45 = tpu.memref_slice %arg2[%arg0, %dma_start3A_43, %dma_start3A_44] : memref<2x10112x64xf32, #tpu.memory_space<hbm>> -> memref<1x10112x64xf32, #tpu.memory_space<hbm>>
    %dma_start3A_46 = tpu.memref_squeeze %dma_start3A_45 : memref<1x10112x64xf32, #tpu.memory_space<hbm>> -> memref<10112x64xf32, #tpu.memory_space<hbm>>
    %dma_start3A_47 = arith.constant 0 : i32
    %dma_start3A_48 = arith.constant 0 : i32
    %dma_start3A_49 = tpu.memref_slice %dma_start3A_46[%dma_start3A_47, %dma_start3A_48] : memref<10112x64xf32, #tpu.memory_space<hbm>> -> memref<10112x64xf32, #tpu.memory_space<hbm>>
    tpu.enqueue_indirect_dma source(%dma_start3A_49 : memref<10112x64xf32, #tpu.memory_space<hbm>>) target(%arg10 : memref<128x64xf32, #tpu.memory_space<vmem>>) offsets(%dma_start3A_42 : memref<128xi32, #tpu.memory_space<vmem>>) semaphore(%arg19 : memref<!tpu.dma_semaphore, #tpu.memory_space<semaphore_mem>>)
    %dma_start3A_50 = arith.constant 3 : i32
    %dma_start3A_51 = arith.constant 0 : i32
    %dma_start3A_52 = tpu.memref_slice %arg6[%dma_start3A_50, %dma_start3A_51] : memref<80x128xi32, #tpu.memory_space<vmem>> -> memref<1x128xi32, #tpu.memory_space<vmem>>
    %dma_start3A_53 = tpu.memref_squeeze %dma_start3A_52 : memref<1x128xi32, #tpu.memory_space<vmem>> -> memref<128xi32, #tpu.memory_space<vmem>>
    %dma_start3A_54 = arith.constant 0 : i32
    %dma_start3A_55 = arith.constant 0 : i32
    %dma_start3A_56 = tpu.memref_slice %arg2[%arg0, %dma_start3A_54, %dma_start3A_55] : memref<2x10112x64xf32, #tpu.memory_space<hbm>> -> memref<1x10112x64xf32, #tpu.memory_space<hbm>>
    %dma_start3A_57 = tpu.memref_squeeze %dma_start3A_56 : memref<1x10112x64xf32, #tpu.memory_space<hbm>> -> memref<10112x64xf32, #tpu.memory_space<hbm>>
    %dma_start3A_58 = arith.constant 0 : i32
    %dma_start3A_59 = arith.constant 0 : i32
    %dma_start3A_60 = tpu.memref_slice %dma_start3A_57[%dma_start3A_58, %dma_start3A_59] : memref<10112x64xf32, #tpu.memory_space<hbm>> -> memref<10112x64xf32, #tpu.memory_space<hbm>>
    tpu.enqueue_indirect_dma source(%dma_start3A_60 : memref<10112x64xf32, #tpu.memory_space<hbm>>) target(%arg11 : memref<128x64xf32, #tpu.memory_space<vmem>>) offsets(%dma_start3A_53 : memref<128xi32, #tpu.memory_space<vmem>>) semaphore(%arg20 : memref<!tpu.dma_semaphore, #tpu.memory_space<semaphore_mem>>)
    %dma_start3A_61 = arith.constant 4 : i32
    %dma_start3A_62 = arith.constant 0 : i32
    %dma_start3A_63 = tpu.memref_slice %arg6[%dma_start3A_61, %dma_start3A_62] : memref<80x128xi32, #tpu.memory_space<vmem>> -> memref<1x128xi32, #tpu.memory_space<vmem>>
    %dma_start3A_64 = tpu.memref_squeeze %dma_start3A_63 : memref<1x128xi32, #tpu.memory_space<vmem>> -> memref<128xi32, #tpu.memory_space<vmem>>
    %dma_start3A_65 = arith.constant 0 : i32
    %dma_start3A_66 = arith.constant 0 : i32
    %dma_start3A_67 = tpu.memref_slice %arg2[%arg0, %dma_start3A_65, %dma_start3A_66] : memref<2x10112x64xf32, #tpu.memory_space<hbm>> -> memref<1x10112x64xf32, #tpu.memory_space<hbm>>
    %dma_start3A_68 = tpu.memref_squeeze %dma_start3A_67 : memref<1x10112x64xf32, #tpu.memory_space<hbm>> -> memref<10112x64xf32, #tpu.memory_space<hbm>>
    %dma_start3A_69 = arith.constant 0 : i32
    %dma_start3A_70 = arith.constant 0 : i32
    %dma_start3A_71 = tpu.memref_slice %dma_start3A_68[%dma_start3A_69, %dma_start3A_70] : memref<10112x64xf32, #tpu.memory_space<hbm>> -> memref<10112x64xf32, #tpu.memory_space<hbm>>
    tpu.enqueue_indirect_dma source(%dma_start3A_71 : memref<10112x64xf32, #tpu.memory_space<hbm>>) target(%arg12 : memref<128x64xf32, #tpu.memory_space<vmem>>) offsets(%dma_start3A_64 : memref<128xi32, #tpu.memory_space<vmem>>) semaphore(%arg21 : memref<!tpu.dma_semaphore, #tpu.memory_space<semaphore_mem>>)
    %dma_start3A_72 = arith.constant 5 : i32
    %dma_start3A_73 = arith.constant 0 : i32
    %dma_start3A_74 = tpu.memref_slice %arg6[%dma_start3A_72, %dma_start3A_73] : memref<80x128xi32, #tpu.memory_space<vmem>> -> memref<1x128xi32, #tpu.memory_space<vmem>>
    %dma_start3A_75 = tpu.memref_squeeze %dma_start3A_74 : memref<1x128xi32, #tpu.memory_space<vmem>> -> memref<128xi32, #tpu.memory_space<vmem>>
    %dma_start3A_76 = arith.constant 0 : i32
    %dma_start3A_77 = arith.constant 0 : i32
    %dma_start3A_78 = tpu.memref_slice %arg2[%arg0, %dma_start3A_76, %dma_start3A_77] : memref<2x10112x64xf32, #tpu.memory_space<hbm>> -> memref<1x10112x64xf32, #tpu.memory_space<hbm>>
    %dma_start3A_79 = tpu.memref_squeeze %dma_start3A_78 : memref<1x10112x64xf32, #tpu.memory_space<hbm>> -> memref<10112x64xf32, #tpu.memory_space<hbm>>
    %dma_start3A_80 = arith.constant 0 : i32
    %dma_start3A_81 = arith.constant 0 : i32
    %dma_start3A_82 = tpu.memref_slice %dma_start3A_79[%dma_start3A_80, %dma_start3A_81] : memref<10112x64xf32, #tpu.memory_space<hbm>> -> memref<10112x64xf32, #tpu.memory_space<hbm>>
    tpu.enqueue_indirect_dma source(%dma_start3A_82 : memref<10112x64xf32, #tpu.memory_space<hbm>>) target(%arg13 : memref<128x64xf32, #tpu.memory_space<vmem>>) offsets(%dma_start3A_75 : memref<128xi32, #tpu.memory_space<vmem>>) semaphore(%arg22 : memref<!tpu.dma_semaphore, #tpu.memory_space<semaphore_mem>>)
    %dma_start3A_83 = arith.constant 6 : i32
    %dma_start3A_84 = arith.constant 0 : i32
    %dma_start3A_85 = tpu.memref_slice %arg6[%dma_start3A_83, %dma_start3A_84] : memref<80x128xi32, #tpu.memory_space<vmem>> -> memref<1x128xi32, #tpu.memory_space<vmem>>
    %dma_start3A_86 = tpu.memref_squeeze %dma_start3A_85 : memref<1x128xi32, #tpu.memory_space<vmem>> -> memref<128xi32, #tpu.memory_space<vmem>>
    %dma_start3A_87 = arith.constant 0 : i32
    %dma_start3A_88 = arith.constant 0 : i32
    %dma_start3A_89 = tpu.memref_slice %arg2[%arg0, %dma_start3A_87, %dma_start3A_88] : memref<2x10112x64xf32, #tpu.memory_space<hbm>> -> memref<1x10112x64xf32, #tpu.memory_space<hbm>>
    %dma_start3A_90 = tpu.memref_squeeze %dma_start3A_89 : memref<1x10112x64xf32, #tpu.memory_space<hbm>> -> memref<10112x64xf32, #tpu.memory_space<hbm>>
    %dma_start3A_91 = arith.constant 0 : i32
    %dma_start3A_92 = arith.constant 0 : i32
    %dma_start3A_93 = tpu.memref_slice %dma_start3A_90[%dma_start3A_91, %dma_start3A_92] : memref<10112x64xf32, #tpu.memory_space<hbm>> -> memref<10112x64xf32, #tpu.memory_space<hbm>>
    tpu.enqueue_indirect_dma source(%dma_start3A_93 : memref<10112x64xf32, #tpu.memory_space<hbm>>) target(%arg14 : memref<128x64xf32, #tpu.memory_space<vmem>>) offsets(%dma_start3A_86 : memref<128xi32, #tpu.memory_space<vmem>>) semaphore(%arg23 : memref<!tpu.dma_semaphore, #tpu.memory_space<semaphore_mem>>)
    %dma_start3A_94 = arith.constant 7 : i32
    %dma_start3A_95 = arith.constant 0 : i32
    %dma_start3A_96 = tpu.memref_slice %arg6[%dma_start3A_94, %dma_start3A_95] : memref<80x128xi32, #tpu.memory_space<vmem>> -> memref<1x128xi32, #tpu.memory_space<vmem>>
    %dma_start3A_97 = tpu.memref_squeeze %dma_start3A_96 : memref<1x128xi32, #tpu.memory_space<vmem>> -> memref<128xi32, #tpu.memory_space<vmem>>
    %dma_start3A_98 = arith.constant 0 : i32
    %dma_start3A_99 = arith.constant 0 : i32
    %dma_start3A_100 = tpu.memref_slice %arg2[%arg0, %dma_start3A_98, %dma_start3A_99] : memref<2x10112x64xf32, #tpu.memory_space<hbm>> -> memref<1x10112x64xf32, #tpu.memory_space<hbm>>
    %dma_start3A_101 = tpu.memref_squeeze %dma_start3A_100 : memref<1x10112x64xf32, #tpu.memory_space<hbm>> -> memref<10112x64xf32, #tpu.memory_space<hbm>>
    %dma_start3A_102 = arith.constant 0 : i32
    %dma_start3A_103 = arith.constant 0 : i32
    %dma_start3A_104 = tpu.memref_slice %dma_start3A_101[%dma_start3A_102, %dma_start3A_103] : memref<10112x64xf32, #tpu.memory_space<hbm>> -> memref<10112x64xf32, #tpu.memory_space<hbm>>
    tpu.enqueue_indirect_dma source(%dma_start3A_104 : memref<10112x64xf32, #tpu.memory_space<hbm>>) target(%arg15 : memref<128x64xf32, #tpu.memory_space<vmem>>) offsets(%dma_start3A_97 : memref<128xi32, #tpu.memory_space<vmem>>) semaphore(%arg24 : memref<!tpu.dma_semaphore, #tpu.memory_space<semaphore_mem>>)
    %scan3A_105 = arith.constant 0 : i32
    %scan3A_106 = arith.constant 9 : i32
    %scan3A_107 = arith.addi %scan3A_105, %scan3A_106 : i32
    %scan3A_108 = arith.constant 1 : i32
    scf.for %scan3A_398 = %scan3A_105 to %scan3A_107 step %scan3A_108  : i32 {
      %mul3A_399 = arith.constant 1 : i32
      %mul3A_400 = arith.muli %scan3A_398, %mul3A_399 : i32
      %add3A_401 = arith.constant 0 : i32
      %add3A_402 = arith.addi %add3A_401, %mul3A_400 : i32
      %mul3A_403 = arith.constant 8 : i32
      %mul3A_404 = arith.muli %add3A_402, %mul3A_403 : i32
      %add3A_405 = arith.constant 0 : i32
      %add3A_406 = arith.addi %mul3A_404, %add3A_405 : i32
      %dma_wait3A_407 = arith.constant 0 : i32
      %dma_wait3A_408 = tpu.memref_slice %arg6[%add3A_406, %dma_wait3A_407] : memref<80x128xi32, #tpu.memory_space<vmem>> -> memref<1x128xi32, #tpu.memory_space<vmem>>
      %dma_wait3A_409 = tpu.memref_squeeze %dma_wait3A_408 : memref<1x128xi32, #tpu.memory_space<vmem>> -> memref<128xi32, #tpu.memory_space<vmem>>
      %dma_wait3A_410 = arith.constant 0 : i32
      %dma_wait3A_411 = arith.constant 0 : i32
      %dma_wait3A_412 = tpu.memref_slice %arg2[%arg0, %dma_wait3A_410, %dma_wait3A_411] : memref<2x10112x64xf32, #tpu.memory_space<hbm>> -> memref<1x10112x64xf32, #tpu.memory_space<hbm>>
      %dma_wait3A_413 = tpu.memref_squeeze %dma_wait3A_412 : memref<1x10112x64xf32, #tpu.memory_space<hbm>> -> memref<10112x64xf32, #tpu.memory_space<hbm>>
      %dma_wait3A_414 = arith.constant 0 : i32
      %dma_wait3A_415 = arith.constant 0 : i32
      %dma_wait3A_416 = tpu.memref_slice %dma_wait3A_413[%dma_wait3A_414, %dma_wait3A_415] : memref<10112x64xf32, #tpu.memory_space<hbm>> -> memref<10112x64xf32, #tpu.memory_space<hbm>>
      tpu.wait_indirect_dma semaphore(%arg17 : memref<!tpu.dma_semaphore, #tpu.memory_space<semaphore_mem>>) src(%dma_wait3A_416 : memref<10112x64xf32, #tpu.memory_space<hbm>>) dst(%arg8 : memref<128x64xf32, #tpu.memory_space<vmem>>)
      "tpu.region"() ({
        %run_scoped3A_611 = tpu.sem_alloc : memref<!tpu.dma_semaphore, #tpu.memory_space<semaphore_mem>>
        %dma_start3A_612 = arith.constant 0 : i32
        %dma_start3A_613 = tpu.memref_slice %arg7[%add3A_406, %dma_start3A_612] : memref<80x128xi32, #tpu.memory_space<vmem>> -> memref<1x128xi32, #tpu.memory_space<vmem>>
        %dma_start3A_614 = tpu.memref_squeeze %dma_start3A_613 : memref<1x128xi32, #tpu.memory_space<vmem>> -> memref<128xi32, #tpu.memory_space<vmem>>
        %dma_start3A_615 = arith.constant 0 : i32
        %dma_start3A_616 = arith.constant 0 : i32
        %dma_start3A_617 = tpu.memref_slice %arg16[%dma_start3A_615, %dma_start3A_616] : memref<10112x64xf32, #tpu.memory_space<vmem_shared>> -> memref<10112x64xf32, #tpu.memory_space<vmem_shared>>
        tpu.enqueue_indirect_dma source(%arg8 : memref<128x64xf32, #tpu.memory_space<vmem>>) target(%dma_start3A_617 : memref<10112x64xf32, #tpu.memory_space<vmem_shared>>) offsets(%dma_start3A_614 : memref<128xi32, #tpu.memory_space<vmem>>) semaphore(%run_scoped3A_611 : memref<!tpu.dma_semaphore, #tpu.memory_space<semaphore_mem>>) {add = true}
        %dma_wait3A_618 = arith.constant 0 : i32
        %dma_wait3A_619 = tpu.memref_slice %arg7[%add3A_406, %dma_wait3A_618] : memref<80x128xi32, #tpu.memory_space<vmem>> -> memref<1x128xi32, #tpu.memory_space<vmem>>
        %dma_wait3A_620 = tpu.memref_squeeze %dma_wait3A_619 : memref<1x128xi32, #tpu.memory_space<vmem>> -> memref<128xi32, #tpu.memory_space<vmem>>
        %dma_wait3A_621 = arith.constant 0 : i32
        %dma_wait3A_622 = arith.constant 0 : i32
        %dma_wait3A_623 = tpu.memref_slice %arg16[%dma_wait3A_621, %dma_wait3A_622] : memref<10112x64xf32, #tpu.memory_space<vmem_shared>> -> memref<10112x64xf32, #tpu.memory_space<vmem_shared>>
        tpu.wait_indirect_dma semaphore(%run_scoped3A_611 : memref<!tpu.dma_semaphore, #tpu.memory_space<semaphore_mem>>) src(%arg8 : memref<128x64xf32, #tpu.memory_space<vmem>>) dst(%dma_wait3A_623 : memref<10112x64xf32, #tpu.memory_space<vmem_shared>>)
        tpu.yield
      }) : () -> ()
      %add3A_417 = arith.constant 8 : i32
      %add3A_418 = arith.addi %add3A_406, %add3A_417 : i32
      %dma_start3A_419 = arith.constant 0 : i32
      %dma_start3A_420 = tpu.memref_slice %arg6[%add3A_418, %dma_start3A_419] : memref<80x128xi32, #tpu.memory_space<vmem>> -> memref<1x128xi32, #tpu.memory_space<vmem>>
      %dma_start3A_421 = tpu.memref_squeeze %dma_start3A_420 : memref<1x128xi32, #tpu.memory_space<vmem>> -> memref<128xi32, #tpu.memory_space<vmem>>
      %dma_start3A_422 = arith.constant 0 : i32
      %dma_start3A_423 = arith.constant 0 : i32
      %dma_start3A_424 = tpu.memref_slice %arg2[%arg0, %dma_start3A_422, %dma_start3A_423] : memref<2x10112x64xf32, #tpu.memory_space<hbm>> -> memref<1x10112x64xf32, #tpu.memory_space<hbm>>
      %dma_start3A_425 = tpu.memref_squeeze %dma_start3A_424 : memref<1x10112x64xf32, #tpu.memory_space<hbm>> -> memref<10112x64xf32, #tpu.memory_space<hbm>>
      %dma_start3A_426 = arith.constant 0 : i32
      %dma_start3A_427 = arith.constant 0 : i32
      %dma_start3A_428 = tpu.memref_slice %dma_start3A_425[%dma_start3A_426, %dma_start3A_427] : memref<10112x64xf32, #tpu.memory_space<hbm>> -> memref<10112x64xf32, #tpu.memory_space<hbm>>
      tpu.enqueue_indirect_dma source(%dma_start3A_428 : memref<10112x64xf32, #tpu.memory_space<hbm>>) target(%arg8 : memref<128x64xf32, #tpu.memory_space<vmem>>) offsets(%dma_start3A_421 : memref<128xi32, #tpu.memory_space<vmem>>) semaphore(%arg17 : memref<!tpu.dma_semaphore, #tpu.memory_space<semaphore_mem>>)
      %mul3A_429 = arith.constant 8 : i32
      %mul3A_430 = arith.muli %add3A_402, %mul3A_429 : i32
      %add3A_431 = arith.constant 1 : i32
      %add3A_432 = arith.addi %mul3A_430, %add3A_431 : i32
      %dma_wait3A_433 = arith.constant 0 : i32
      %dma_wait3A_434 = tpu.memref_slice %arg6[%add3A_432, %dma_wait3A_433] : memref<80x128xi32, #tpu.memory_space<vmem>> -> memref<1x128xi32, #tpu.memory_space<vmem>>
      %dma_wait3A_435 = tpu.memref_squeeze %dma_wait3A_434 : memref<1x128xi32, #tpu.memory_space<vmem>> -> memref<128xi32, #tpu.memory_space<vmem>>
      %dma_wait3A_436 = arith.constant 0 : i32
      %dma_wait3A_437 = arith.constant 0 : i32
      %dma_wait3A_438 = tpu.memref_slice %arg2[%arg0, %dma_wait3A_436, %dma_wait3A_437] : memref<2x10112x64xf32, #tpu.memory_space<hbm>> -> memref<1x10112x64xf32, #tpu.memory_space<hbm>>
      %dma_wait3A_439 = tpu.memref_squeeze %dma_wait3A_438 : memref<1x10112x64xf32, #tpu.memory_space<hbm>> -> memref<10112x64xf32, #tpu.memory_space<hbm>>
      %dma_wait3A_440 = arith.constant 0 : i32
      %dma_wait3A_441 = arith.constant 0 : i32
      %dma_wait3A_442 = tpu.memref_slice %dma_wait3A_439[%dma_wait3A_440, %dma_wait3A_441] : memref<10112x64xf32, #tpu.memory_space<hbm>> -> memref<10112x64xf32, #tpu.memory_space<hbm>>
      tpu.wait_indirect_dma semaphore(%arg18 : memref<!tpu.dma_semaphore, #tpu.memory_space<semaphore_mem>>) src(%dma_wait3A_442 : memref<10112x64xf32, #tpu.memory_space<hbm>>) dst(%arg9 : memref<128x64xf32, #tpu.memory_space<vmem>>)
      "tpu.region"() ({
        %run_scoped3A_611 = tpu.sem_alloc : memref<!tpu.dma_semaphore, #tpu.memory_space<semaphore_mem>>
        %dma_start3A_612 = arith.constant 0 : i32
        %dma_start3A_613 = tpu.memref_slice %arg7[%add3A_432, %dma_start3A_612] : memref<80x128xi32, #tpu.memory_space<vmem>> -> memref<1x128xi32, #tpu.memory_space<vmem>>
        %dma_start3A_614 = tpu.memref_squeeze %dma_start3A_613 : memref<1x128xi32, #tpu.memory_space<vmem>> -> memref<128xi32, #tpu.memory_space<vmem>>
        %dma_start3A_615 = arith.constant 0 : i32
        %dma_start3A_616 = arith.constant 0 : i32
        %dma_start3A_617 = tpu.memref_slice %arg16[%dma_start3A_615, %dma_start3A_616] : memref<10112x64xf32, #tpu.memory_space<vmem_shared>> -> memref<10112x64xf32, #tpu.memory_space<vmem_shared>>
        tpu.enqueue_indirect_dma source(%arg9 : memref<128x64xf32, #tpu.memory_space<vmem>>) target(%dma_start3A_617 : memref<10112x64xf32, #tpu.memory_space<vmem_shared>>) offsets(%dma_start3A_614 : memref<128xi32, #tpu.memory_space<vmem>>) semaphore(%run_scoped3A_611 : memref<!tpu.dma_semaphore, #tpu.memory_space<semaphore_mem>>) {add = true}
        %dma_wait3A_618 = arith.constant 0 : i32
        %dma_wait3A_619 = tpu.memref_slice %arg7[%add3A_432, %dma_wait3A_618] : memref<80x128xi32, #tpu.memory_space<vmem>> -> memref<1x128xi32, #tpu.memory_space<vmem>>
        %dma_wait3A_620 = tpu.memref_squeeze %dma_wait3A_619 : memref<1x128xi32, #tpu.memory_space<vmem>> -> memref<128xi32, #tpu.memory_space<vmem>>
        %dma_wait3A_621 = arith.constant 0 : i32
        %dma_wait3A_622 = arith.constant 0 : i32
        %dma_wait3A_623 = tpu.memref_slice %arg16[%dma_wait3A_621, %dma_wait3A_622] : memref<10112x64xf32, #tpu.memory_space<vmem_shared>> -> memref<10112x64xf32, #tpu.memory_space<vmem_shared>>
        tpu.wait_indirect_dma semaphore(%run_scoped3A_611 : memref<!tpu.dma_semaphore, #tpu.memory_space<semaphore_mem>>) src(%arg9 : memref<128x64xf32, #tpu.memory_space<vmem>>) dst(%dma_wait3A_623 : memref<10112x64xf32, #tpu.memory_space<vmem_shared>>)
        tpu.yield
      }) : () -> ()
      %add3A_443 = arith.constant 8 : i32
      %add3A_444 = arith.addi %add3A_432, %add3A_443 : i32
      %dma_start3A_445 = arith.constant 0 : i32
      %dma_start3A_446 = tpu.memref_slice %arg6[%add3A_444, %dma_start3A_445] : memref<80x128xi32, #tpu.memory_space<vmem>> -> memref<1x128xi32, #tpu.memory_space<vmem>>
      %dma_start3A_447 = tpu.memref_squeeze %dma_start3A_446 : memref<1x128xi32, #tpu.memory_space<vmem>> -> memref<128xi32, #tpu.memory_space<vmem>>
      %dma_start3A_448 = arith.constant 0 : i32
      %dma_start3A_449 = arith.constant 0 : i32
      %dma_start3A_450 = tpu.memref_slice %arg2[%arg0, %dma_start3A_448, %dma_start3A_449] : memref<2x10112x64xf32, #tpu.memory_space<hbm>> -> memref<1x10112x64xf32, #tpu.memory_space<hbm>>
      %dma_start3A_451 = tpu.memref_squeeze %dma_start3A_450 : memref<1x10112x64xf32, #tpu.memory_space<hbm>> -> memref<10112x64xf32, #tpu.memory_space<hbm>>
      %dma_start3A_452 = arith.constant 0 : i32
      %dma_start3A_453 = arith.constant 0 : i32
      %dma_start3A_454 = tpu.memref_slice %dma_start3A_451[%dma_start3A_452, %dma_start3A_453] : memref<10112x64xf32, #tpu.memory_space<hbm>> -> memref<10112x64xf32, #tpu.memory_space<hbm>>
      tpu.enqueue_indirect_dma source(%dma_start3A_454 : memref<10112x64xf32, #tpu.memory_space<hbm>>) target(%arg9 : memref<128x64xf32, #tpu.memory_space<vmem>>) offsets(%dma_start3A_447 : memref<128xi32, #tpu.memory_space<vmem>>) semaphore(%arg18 : memref<!tpu.dma_semaphore, #tpu.memory_space<semaphore_mem>>)
      %mul3A_455 = arith.constant 8 : i32
      %mul3A_456 = arith.muli %add3A_402, %mul3A_455 : i32
      %add3A_457 = arith.constant 2 : i32
      %add3A_458 = arith.addi %mul3A_456, %add3A_457 : i32
      %dma_wait3A_459 = arith.constant 0 : i32
      %dma_wait3A_460 = tpu.memref_slice %arg6[%add3A_458, %dma_wait3A_459] : memref<80x128xi32, #tpu.memory_space<vmem>> -> memref<1x128xi32, #tpu.memory_space<vmem>>
      %dma_wait3A_461 = tpu.memref_squeeze %dma_wait3A_460 : memref<1x128xi32, #tpu.memory_space<vmem>> -> memref<128xi32, #tpu.memory_space<vmem>>
      %dma_wait3A_462 = arith.constant 0 : i32
      %dma_wait3A_463 = arith.constant 0 : i32
      %dma_wait3A_464 = tpu.memref_slice %arg2[%arg0, %dma_wait3A_462, %dma_wait3A_463] : memref<2x10112x64xf32, #tpu.memory_space<hbm>> -> memref<1x10112x64xf32, #tpu.memory_space<hbm>>
      %dma_wait3A_465 = tpu.memref_squeeze %dma_wait3A_464 : memref<1x10112x64xf32, #tpu.memory_space<hbm>> -> memref<10112x64xf32, #tpu.memory_space<hbm>>
      %dma_wait3A_466 = arith.constant 0 : i32
      %dma_wait3A_467 = arith.constant 0 : i32
      %dma_wait3A_468 = tpu.memref_slice %dma_wait3A_465[%dma_wait3A_466, %dma_wait3A_467] : memref<10112x64xf32, #tpu.memory_space<hbm>> -> memref<10112x64xf32, #tpu.memory_space<hbm>>
      tpu.wait_indirect_dma semaphore(%arg19 : memref<!tpu.dma_semaphore, #tpu.memory_space<semaphore_mem>>) src(%dma_wait3A_468 : memref<10112x64xf32, #tpu.memory_space<hbm>>) dst(%arg10 : memref<128x64xf32, #tpu.memory_space<vmem>>)
      "tpu.region"() ({
        %run_scoped3A_611 = tpu.sem_alloc : memref<!tpu.dma_semaphore, #tpu.memory_space<semaphore_mem>>
        %dma_start3A_612 = arith.constant 0 : i32
        %dma_start3A_613 = tpu.memref_slice %arg7[%add3A_458, %dma_start3A_612] : memref<80x128xi32, #tpu.memory_space<vmem>> -> memref<1x128xi32, #tpu.memory_space<vmem>>
        %dma_start3A_614 = tpu.memref_squeeze %dma_start3A_613 : memref<1x128xi32, #tpu.memory_space<vmem>> -> memref<128xi32, #tpu.memory_space<vmem>>
        %dma_start3A_615 = arith.constant 0 : i32
        %dma_start3A_616 = arith.constant 0 : i32
        %dma_start3A_617 = tpu.memref_slice %arg16[%dma_start3A_615, %dma_start3A_616] : memref<10112x64xf32, #tpu.memory_space<vmem_shared>> -> memref<10112x64xf32, #tpu.memory_space<vmem_shared>>
        tpu.enqueue_indirect_dma source(%arg10 : memref<128x64xf32, #tpu.memory_space<vmem>>) target(%dma_start3A_617 : memref<10112x64xf32, #tpu.memory_space<vmem_shared>>) offsets(%dma_start3A_614 : memref<128xi32, #tpu.memory_space<vmem>>) semaphore(%run_scoped3A_611 : memref<!tpu.dma_semaphore, #tpu.memory_space<semaphore_mem>>) {add = true}
        %dma_wait3A_618 = arith.constant 0 : i32
        %dma_wait3A_619 = tpu.memref_slice %arg7[%add3A_458, %dma_wait3A_618] : memref<80x128xi32, #tpu.memory_space<vmem>> -> memref<1x128xi32, #tpu.memory_space<vmem>>
        %dma_wait3A_620 = tpu.memref_squeeze %dma_wait3A_619 : memref<1x128xi32, #tpu.memory_space<vmem>> -> memref<128xi32, #tpu.memory_space<vmem>>
        %dma_wait3A_621 = arith.constant 0 : i32
        %dma_wait3A_622 = arith.constant 0 : i32
        %dma_wait3A_623 = tpu.memref_slice %arg16[%dma_wait3A_621, %dma_wait3A_622] : memref<10112x64xf32, #tpu.memory_space<vmem_shared>> -> memref<10112x64xf32, #tpu.memory_space<vmem_shared>>
        tpu.wait_indirect_dma semaphore(%run_scoped3A_611 : memref<!tpu.dma_semaphore, #tpu.memory_space<semaphore_mem>>) src(%arg10 : memref<128x64xf32, #tpu.memory_space<vmem>>) dst(%dma_wait3A_623 : memref<10112x64xf32, #tpu.memory_space<vmem_shared>>)
        tpu.yield
      }) : () -> ()
      %add3A_469 = arith.constant 8 : i32
      %add3A_470 = arith.addi %add3A_458, %add3A_469 : i32
      %dma_start3A_471 = arith.constant 0 : i32
      %dma_start3A_472 = tpu.memref_slice %arg6[%add3A_470, %dma_start3A_471] : memref<80x128xi32, #tpu.memory_space<vmem>> -> memref<1x128xi32, #tpu.memory_space<vmem>>
      %dma_start3A_473 = tpu.memref_squeeze %dma_start3A_472 : memref<1x128xi32, #tpu.memory_space<vmem>> -> memref<128xi32, #tpu.memory_space<vmem>>
      %dma_start3A_474 = arith.constant 0 : i32
      %dma_start3A_475 = arith.constant 0 : i32
      %dma_start3A_476 = tpu.memref_slice %arg2[%arg0, %dma_start3A_474, %dma_start3A_475] : memref<2x10112x64xf32, #tpu.memory_space<hbm>> -> memref<1x10112x64xf32, #tpu.memory_space<hbm>>
      %dma_start3A_477 = tpu.memref_squeeze %dma_start3A_476 : memref<1x10112x64xf32, #tpu.memory_space<hbm>> -> memref<10112x64xf32, #tpu.memory_space<hbm>>
      %dma_start3A_478 = arith.constant 0 : i32
      %dma_start3A_479 = arith.constant 0 : i32
      %dma_start3A_480 = tpu.memref_slice %dma_start3A_477[%dma_start3A_478, %dma_start3A_479] : memref<10112x64xf32, #tpu.memory_space<hbm>> -> memref<10112x64xf32, #tpu.memory_space<hbm>>
      tpu.enqueue_indirect_dma source(%dma_start3A_480 : memref<10112x64xf32, #tpu.memory_space<hbm>>) target(%arg10 : memref<128x64xf32, #tpu.memory_space<vmem>>) offsets(%dma_start3A_473 : memref<128xi32, #tpu.memory_space<vmem>>) semaphore(%arg19 : memref<!tpu.dma_semaphore, #tpu.memory_space<semaphore_mem>>)
      %mul3A_481 = arith.constant 8 : i32
      %mul3A_482 = arith.muli %add3A_402, %mul3A_481 : i32
      %add3A_483 = arith.constant 3 : i32
      %add3A_484 = arith.addi %mul3A_482, %add3A_483 : i32
      %dma_wait3A_485 = arith.constant 0 : i32
      %dma_wait3A_486 = tpu.memref_slice %arg6[%add3A_484, %dma_wait3A_485] : memref<80x128xi32, #tpu.memory_space<vmem>> -> memref<1x128xi32, #tpu.memory_space<vmem>>
      %dma_wait3A_487 = tpu.memref_squeeze %dma_wait3A_486 : memref<1x128xi32, #tpu.memory_space<vmem>> -> memref<128xi32, #tpu.memory_space<vmem>>
      %dma_wait3A_488 = arith.constant 0 : i32
      %dma_wait3A_489 = arith.constant 0 : i32
      %dma_wait3A_490 = tpu.memref_slice %arg2[%arg0, %dma_wait3A_488, %dma_wait3A_489] : memref<2x10112x64xf32, #tpu.memory_space<hbm>> -> memref<1x10112x64xf32, #tpu.memory_space<hbm>>
      %dma_wait3A_491 = tpu.memref_squeeze %dma_wait3A_490 : memref<1x10112x64xf32, #tpu.memory_space<hbm>> -> memref<10112x64xf32, #tpu.memory_space<hbm>>
      %dma_wait3A_492 = arith.constant 0 : i32
      %dma_wait3A_493 = arith.constant 0 : i32
      %dma_wait3A_494 = tpu.memref_slice %dma_wait3A_491[%dma_wait3A_492, %dma_wait3A_493] : memref<10112x64xf32, #tpu.memory_space<hbm>> -> memref<10112x64xf32, #tpu.memory_space<hbm>>
      tpu.wait_indirect_dma semaphore(%arg20 : memref<!tpu.dma_semaphore, #tpu.memory_space<semaphore_mem>>) src(%dma_wait3A_494 : memref<10112x64xf32, #tpu.memory_space<hbm>>) dst(%arg11 : memref<128x64xf32, #tpu.memory_space<vmem>>)
      "tpu.region"() ({
        %run_scoped3A_611 = tpu.sem_alloc : memref<!tpu.dma_semaphore, #tpu.memory_space<semaphore_mem>>
        %dma_start3A_612 = arith.constant 0 : i32
        %dma_start3A_613 = tpu.memref_slice %arg7[%add3A_484, %dma_start3A_612] : memref<80x128xi32, #tpu.memory_space<vmem>> -> memref<1x128xi32, #tpu.memory_space<vmem>>
        %dma_start3A_614 = tpu.memref_squeeze %dma_start3A_613 : memref<1x128xi32, #tpu.memory_space<vmem>> -> memref<128xi32, #tpu.memory_space<vmem>>
        %dma_start3A_615 = arith.constant 0 : i32
        %dma_start3A_616 = arith.constant 0 : i32
        %dma_start3A_617 = tpu.memref_slice %arg16[%dma_start3A_615, %dma_start3A_616] : memref<10112x64xf32, #tpu.memory_space<vmem_shared>> -> memref<10112x64xf32, #tpu.memory_space<vmem_shared>>
        tpu.enqueue_indirect_dma source(%arg11 : memref<128x64xf32, #tpu.memory_space<vmem>>) target(%dma_start3A_617 : memref<10112x64xf32, #tpu.memory_space<vmem_shared>>) offsets(%dma_start3A_614 : memref<128xi32, #tpu.memory_space<vmem>>) semaphore(%run_scoped3A_611 : memref<!tpu.dma_semaphore, #tpu.memory_space<semaphore_mem>>) {add = true}
        %dma_wait3A_618 = arith.constant 0 : i32
        %dma_wait3A_619 = tpu.memref_slice %arg7[%add3A_484, %dma_wait3A_618] : memref<80x128xi32, #tpu.memory_space<vmem>> -> memref<1x128xi32, #tpu.memory_space<vmem>>
        %dma_wait3A_620 = tpu.memref_squeeze %dma_wait3A_619 : memref<1x128xi32, #tpu.memory_space<vmem>> -> memref<128xi32, #tpu.memory_space<vmem>>
        %dma_wait3A_621 = arith.constant 0 : i32
        %dma_wait3A_622 = arith.constant 0 : i32
        %dma_wait3A_623 = tpu.memref_slice %arg16[%dma_wait3A_621, %dma_wait3A_622] : memref<10112x64xf32, #tpu.memory_space<vmem_shared>> -> memref<10112x64xf32, #tpu.memory_space<vmem_shared>>
        tpu.wait_indirect_dma semaphore(%run_scoped3A_611 : memref<!tpu.dma_semaphore, #tpu.memory_space<semaphore_mem>>) src(%arg11 : memref<128x64xf32, #tpu.memory_space<vmem>>) dst(%dma_wait3A_623 : memref<10112x64xf32, #tpu.memory_space<vmem_shared>>)
        tpu.yield
      }) : () -> ()
      %add3A_495 = arith.constant 8 : i32
      %add3A_496 = arith.addi %add3A_484, %add3A_495 : i32
      %dma_start3A_497 = arith.constant 0 : i32
      %dma_start3A_498 = tpu.memref_slice %arg6[%add3A_496, %dma_start3A_497] : memref<80x128xi32, #tpu.memory_space<vmem>> -> memref<1x128xi32, #tpu.memory_space<vmem>>
      %dma_start3A_499 = tpu.memref_squeeze %dma_start3A_498 : memref<1x128xi32, #tpu.memory_space<vmem>> -> memref<128xi32, #tpu.memory_space<vmem>>
      %dma_start3A_500 = arith.constant 0 : i32
      %dma_start3A_501 = arith.constant 0 : i32
      %dma_start3A_502 = tpu.memref_slice %arg2[%arg0, %dma_start3A_500, %dma_start3A_501] : memref<2x10112x64xf32, #tpu.memory_space<hbm>> -> memref<1x10112x64xf32, #tpu.memory_space<hbm>>
      %dma_start3A_503 = tpu.memref_squeeze %dma_start3A_502 : memref<1x10112x64xf32, #tpu.memory_space<hbm>> -> memref<10112x64xf32, #tpu.memory_space<hbm>>
      %dma_start3A_504 = arith.constant 0 : i32
      %dma_start3A_505 = arith.constant 0 : i32
      %dma_start3A_506 = tpu.memref_slice %dma_start3A_503[%dma_start3A_504, %dma_start3A_505] : memref<10112x64xf32, #tpu.memory_space<hbm>> -> memref<10112x64xf32, #tpu.memory_space<hbm>>
      tpu.enqueue_indirect_dma source(%dma_start3A_506 : memref<10112x64xf32, #tpu.memory_space<hbm>>) target(%arg11 : memref<128x64xf32, #tpu.memory_space<vmem>>) offsets(%dma_start3A_499 : memref<128xi32, #tpu.memory_space<vmem>>) semaphore(%arg20 : memref<!tpu.dma_semaphore, #tpu.memory_space<semaphore_mem>>)
      %mul3A_507 = arith.constant 8 : i32
      %mul3A_508 = arith.muli %add3A_402, %mul3A_507 : i32
      %add3A_509 = arith.constant 4 : i32
      %add3A_510 = arith.addi %mul3A_508, %add3A_509 : i32
      %dma_wait3A_511 = arith.constant 0 : i32
      %dma_wait3A_512 = tpu.memref_slice %arg6[%add3A_510, %dma_wait3A_511] : memref<80x128xi32, #tpu.memory_space<vmem>> -> memref<1x128xi32, #tpu.memory_space<vmem>>
      %dma_wait3A_513 = tpu.memref_squeeze %dma_wait3A_512 : memref<1x128xi32, #tpu.memory_space<vmem>> -> memref<128xi32, #tpu.memory_space<vmem>>
      %dma_wait3A_514 = arith.constant 0 : i32
      %dma_wait3A_515 = arith.constant 0 : i32
      %dma_wait3A_516 = tpu.memref_slice %arg2[%arg0, %dma_wait3A_514, %dma_wait3A_515] : memref<2x10112x64xf32, #tpu.memory_space<hbm>> -> memref<1x10112x64xf32, #tpu.memory_space<hbm>>
      %dma_wait3A_517 = tpu.memref_squeeze %dma_wait3A_516 : memref<1x10112x64xf32, #tpu.memory_space<hbm>> -> memref<10112x64xf32, #tpu.memory_space<hbm>>
      %dma_wait3A_518 = arith.constant 0 : i32
      %dma_wait3A_519 = arith.constant 0 : i32
      %dma_wait3A_520 = tpu.memref_slice %dma_wait3A_517[%dma_wait3A_518, %dma_wait3A_519] : memref<10112x64xf32, #tpu.memory_space<hbm>> -> memref<10112x64xf32, #tpu.memory_space<hbm>>
      tpu.wait_indirect_dma semaphore(%arg21 : memref<!tpu.dma_semaphore, #tpu.memory_space<semaphore_mem>>) src(%dma_wait3A_520 : memref<10112x64xf32, #tpu.memory_space<hbm>>) dst(%arg12 : memref<128x64xf32, #tpu.memory_space<vmem>>)
      "tpu.region"() ({
        %run_scoped3A_611 = tpu.sem_alloc : memref<!tpu.dma_semaphore, #tpu.memory_space<semaphore_mem>>
        %dma_start3A_612 = arith.constant 0 : i32
        %dma_start3A_613 = tpu.memref_slice %arg7[%add3A_510, %dma_start3A_612] : memref<80x128xi32, #tpu.memory_space<vmem>> -> memref<1x128xi32, #tpu.memory_space<vmem>>
        %dma_start3A_614 = tpu.memref_squeeze %dma_start3A_613 : memref<1x128xi32, #tpu.memory_space<vmem>> -> memref<128xi32, #tpu.memory_space<vmem>>
        %dma_start3A_615 = arith.constant 0 : i32
        %dma_start3A_616 = arith.constant 0 : i32
        %dma_start3A_617 = tpu.memref_slice %arg16[%dma_start3A_615, %dma_start3A_616] : memref<10112x64xf32, #tpu.memory_space<vmem_shared>> -> memref<10112x64xf32, #tpu.memory_space<vmem_shared>>
        tpu.enqueue_indirect_dma source(%arg12 : memref<128x64xf32, #tpu.memory_space<vmem>>) target(%dma_start3A_617 : memref<10112x64xf32, #tpu.memory_space<vmem_shared>>) offsets(%dma_start3A_614 : memref<128xi32, #tpu.memory_space<vmem>>) semaphore(%run_scoped3A_611 : memref<!tpu.dma_semaphore, #tpu.memory_space<semaphore_mem>>) {add = true}
        %dma_wait3A_618 = arith.constant 0 : i32
        %dma_wait3A_619 = tpu.memref_slice %arg7[%add3A_510, %dma_wait3A_618] : memref<80x128xi32, #tpu.memory_space<vmem>> -> memref<1x128xi32, #tpu.memory_space<vmem>>
        %dma_wait3A_620 = tpu.memref_squeeze %dma_wait3A_619 : memref<1x128xi32, #tpu.memory_space<vmem>> -> memref<128xi32, #tpu.memory_space<vmem>>
        %dma_wait3A_621 = arith.constant 0 : i32
        %dma_wait3A_622 = arith.constant 0 : i32
        %dma_wait3A_623 = tpu.memref_slice %arg16[%dma_wait3A_621, %dma_wait3A_622] : memref<10112x64xf32, #tpu.memory_space<vmem_shared>> -> memref<10112x64xf32, #tpu.memory_space<vmem_shared>>
        tpu.wait_indirect_dma semaphore(%run_scoped3A_611 : memref<!tpu.dma_semaphore, #tpu.memory_space<semaphore_mem>>) src(%arg12 : memref<128x64xf32, #tpu.memory_space<vmem>>) dst(%dma_wait3A_623 : memref<10112x64xf32, #tpu.memory_space<vmem_shared>>)
        tpu.yield
      }) : () -> ()
      %add3A_521 = arith.constant 8 : i32
      %add3A_522 = arith.addi %add3A_510, %add3A_521 : i32
      %dma_start3A_523 = arith.constant 0 : i32
      %dma_start3A_524 = tpu.memref_slice %arg6[%add3A_522, %dma_start3A_523] : memref<80x128xi32, #tpu.memory_space<vmem>> -> memref<1x128xi32, #tpu.memory_space<vmem>>
      %dma_start3A_525 = tpu.memref_squeeze %dma_start3A_524 : memref<1x128xi32, #tpu.memory_space<vmem>> -> memref<128xi32, #tpu.memory_space<vmem>>
      %dma_start3A_526 = arith.constant 0 : i32
      %dma_start3A_527 = arith.constant 0 : i32
      %dma_start3A_528 = tpu.memref_slice %arg2[%arg0, %dma_start3A_526, %dma_start3A_527] : memref<2x10112x64xf32, #tpu.memory_space<hbm>> -> memref<1x10112x64xf32, #tpu.memory_space<hbm>>
      %dma_start3A_529 = tpu.memref_squeeze %dma_start3A_528 : memref<1x10112x64xf32, #tpu.memory_space<hbm>> -> memref<10112x64xf32, #tpu.memory_space<hbm>>
      %dma_start3A_530 = arith.constant 0 : i32
      %dma_start3A_531 = arith.constant 0 : i32
      %dma_start3A_532 = tpu.memref_slice %dma_start3A_529[%dma_start3A_530, %dma_start3A_531] : memref<10112x64xf32, #tpu.memory_space<hbm>> -> memref<10112x64xf32, #tpu.memory_space<hbm>>
      tpu.enqueue_indirect_dma source(%dma_start3A_532 : memref<10112x64xf32, #tpu.memory_space<hbm>>) target(%arg12 : memref<128x64xf32, #tpu.memory_space<vmem>>) offsets(%dma_start3A_525 : memref<128xi32, #tpu.memory_space<vmem>>) semaphore(%arg21 : memref<!tpu.dma_semaphore, #tpu.memory_space<semaphore_mem>>)
      %mul3A_533 = arith.constant 8 : i32
      %mul3A_534 = arith.muli %add3A_402, %mul3A_533 : i32
      %add3A_535 = arith.constant 5 : i32
      %add3A_536 = arith.addi %mul3A_534, %add3A_535 : i32
      %dma_wait3A_537 = arith.constant 0 : i32
      %dma_wait3A_538 = tpu.memref_slice %arg6[%add3A_536, %dma_wait3A_537] : memref<80x128xi32, #tpu.memory_space<vmem>> -> memref<1x128xi32, #tpu.memory_space<vmem>>
      %dma_wait3A_539 = tpu.memref_squeeze %dma_wait3A_538 : memref<1x128xi32, #tpu.memory_space<vmem>> -> memref<128xi32, #tpu.memory_space<vmem>>
      %dma_wait3A_540 = arith.constant 0 : i32
      %dma_wait3A_541 = arith.constant 0 : i32
      %dma_wait3A_542 = tpu.memref_slice %arg2[%arg0, %dma_wait3A_540, %dma_wait3A_541] : memref<2x10112x64xf32, #tpu.memory_space<hbm>> -> memref<1x10112x64xf32, #tpu.memory_space<hbm>>
      %dma_wait3A_543 = tpu.memref_squeeze %dma_wait3A_542 : memref<1x10112x64xf32, #tpu.memory_space<hbm>> -> memref<10112x64xf32, #tpu.memory_space<hbm>>
      %dma_wait3A_544 = arith.constant 0 : i32
      %dma_wait3A_545 = arith.constant 0 : i32
      %dma_wait3A_546 = tpu.memref_slice %dma_wait3A_543[%dma_wait3A_544, %dma_wait3A_545] : memref<10112x64xf32, #tpu.memory_space<hbm>> -> memref<10112x64xf32, #tpu.memory_space<hbm>>
      tpu.wait_indirect_dma semaphore(%arg22 : memref<!tpu.dma_semaphore, #tpu.memory_space<semaphore_mem>>) src(%dma_wait3A_546 : memref<10112x64xf32, #tpu.memory_space<hbm>>) dst(%arg13 : memref<128x64xf32, #tpu.memory_space<vmem>>)
      "tpu.region"() ({
        %run_scoped3A_611 = tpu.sem_alloc : memref<!tpu.dma_semaphore, #tpu.memory_space<semaphore_mem>>
        %dma_start3A_612 = arith.constant 0 : i32
        %dma_start3A_613 = tpu.memref_slice %arg7[%add3A_536, %dma_start3A_612] : memref<80x128xi32, #tpu.memory_space<vmem>> -> memref<1x128xi32, #tpu.memory_space<vmem>>
        %dma_start3A_614 = tpu.memref_squeeze %dma_start3A_613 : memref<1x128xi32, #tpu.memory_space<vmem>> -> memref<128xi32, #tpu.memory_space<vmem>>
        %dma_start3A_615 = arith.constant 0 : i32
        %dma_start3A_616 = arith.constant 0 : i32
        %dma_start3A_617 = tpu.memref_slice %arg16[%dma_start3A_615, %dma_start3A_616] : memref<10112x64xf32, #tpu.memory_space<vmem_shared>> -> memref<10112x64xf32, #tpu.memory_space<vmem_shared>>
        tpu.enqueue_indirect_dma source(%arg13 : memref<128x64xf32, #tpu.memory_space<vmem>>) target(%dma_start3A_617 : memref<10112x64xf32, #tpu.memory_space<vmem_shared>>) offsets(%dma_start3A_614 : memref<128xi32, #tpu.memory_space<vmem>>) semaphore(%run_scoped3A_611 : memref<!tpu.dma_semaphore, #tpu.memory_space<semaphore_mem>>) {add = true}
        %dma_wait3A_618 = arith.constant 0 : i32
        %dma_wait3A_619 = tpu.memref_slice %arg7[%add3A_536, %dma_wait3A_618] : memref<80x128xi32, #tpu.memory_space<vmem>> -> memref<1x128xi32, #tpu.memory_space<vmem>>
        %dma_wait3A_620 = tpu.memref_squeeze %dma_wait3A_619 : memref<1x128xi32, #tpu.memory_space<vmem>> -> memref<128xi32, #tpu.memory_space<vmem>>
        %dma_wait3A_621 = arith.constant 0 : i32
        %dma_wait3A_622 = arith.constant 0 : i32
        %dma_wait3A_623 = tpu.memref_slice %arg16[%dma_wait3A_621, %dma_wait3A_622] : memref<10112x64xf32, #tpu.memory_space<vmem_shared>> -> memref<10112x64xf32, #tpu.memory_space<vmem_shared>>
        tpu.wait_indirect_dma semaphore(%run_scoped3A_611 : memref<!tpu.dma_semaphore, #tpu.memory_space<semaphore_mem>>) src(%arg13 : memref<128x64xf32, #tpu.memory_space<vmem>>) dst(%dma_wait3A_623 : memref<10112x64xf32, #tpu.memory_space<vmem_shared>>)
        tpu.yield
      }) : () -> ()
      %add3A_547 = arith.constant 8 : i32
      %add3A_548 = arith.addi %add3A_536, %add3A_547 : i32
      %dma_start3A_549 = arith.constant 0 : i32
      %dma_start3A_550 = tpu.memref_slice %arg6[%add3A_548, %dma_start3A_549] : memref<80x128xi32, #tpu.memory_space<vmem>> -> memref<1x128xi32, #tpu.memory_space<vmem>>
      %dma_start3A_551 = tpu.memref_squeeze %dma_start3A_550 : memref<1x128xi32, #tpu.memory_space<vmem>> -> memref<128xi32, #tpu.memory_space<vmem>>
      %dma_start3A_552 = arith.constant 0 : i32
      %dma_start3A_553 = arith.constant 0 : i32
      %dma_start3A_554 = tpu.memref_slice %arg2[%arg0, %dma_start3A_552, %dma_start3A_553] : memref<2x10112x64xf32, #tpu.memory_space<hbm>> -> memref<1x10112x64xf32, #tpu.memory_space<hbm>>
      %dma_start3A_555 = tpu.memref_squeeze %dma_start3A_554 : memref<1x10112x64xf32, #tpu.memory_space<hbm>> -> memref<10112x64xf32, #tpu.memory_space<hbm>>
      %dma_start3A_556 = arith.constant 0 : i32
      %dma_start3A_557 = arith.constant 0 : i32
      %dma_start3A_558 = tpu.memref_slice %dma_start3A_555[%dma_start3A_556, %dma_start3A_557] : memref<10112x64xf32, #tpu.memory_space<hbm>> -> memref<10112x64xf32, #tpu.memory_space<hbm>>
      tpu.enqueue_indirect_dma source(%dma_start3A_558 : memref<10112x64xf32, #tpu.memory_space<hbm>>) target(%arg13 : memref<128x64xf32, #tpu.memory_space<vmem>>) offsets(%dma_start3A_551 : memref<128xi32, #tpu.memory_space<vmem>>) semaphore(%arg22 : memref<!tpu.dma_semaphore, #tpu.memory_space<semaphore_mem>>)
      %mul3A_559 = arith.constant 8 : i32
      %mul3A_560 = arith.muli %add3A_402, %mul3A_559 : i32
      %add3A_561 = arith.constant 6 : i32
      %add3A_562 = arith.addi %mul3A_560, %add3A_561 : i32
      %dma_wait3A_563 = arith.constant 0 : i32
      %dma_wait3A_564 = tpu.memref_slice %arg6[%add3A_562, %dma_wait3A_563] : memref<80x128xi32, #tpu.memory_space<vmem>> -> memref<1x128xi32, #tpu.memory_space<vmem>>
      %dma_wait3A_565 = tpu.memref_squeeze %dma_wait3A_564 : memref<1x128xi32, #tpu.memory_space<vmem>> -> memref<128xi32, #tpu.memory_space<vmem>>
      %dma_wait3A_566 = arith.constant 0 : i32
      %dma_wait3A_567 = arith.constant 0 : i32
      %dma_wait3A_568 = tpu.memref_slice %arg2[%arg0, %dma_wait3A_566, %dma_wait3A_567] : memref<2x10112x64xf32, #tpu.memory_space<hbm>> -> memref<1x10112x64xf32, #tpu.memory_space<hbm>>
      %dma_wait3A_569 = tpu.memref_squeeze %dma_wait3A_568 : memref<1x10112x64xf32, #tpu.memory_space<hbm>> -> memref<10112x64xf32, #tpu.memory_space<hbm>>
      %dma_wait3A_570 = arith.constant 0 : i32
      %dma_wait3A_571 = arith.constant 0 : i32
      %dma_wait3A_572 = tpu.memref_slice %dma_wait3A_569[%dma_wait3A_570, %dma_wait3A_571] : memref<10112x64xf32, #tpu.memory_space<hbm>> -> memref<10112x64xf32, #tpu.memory_space<hbm>>
      tpu.wait_indirect_dma semaphore(%arg23 : memref<!tpu.dma_semaphore, #tpu.memory_space<semaphore_mem>>) src(%dma_wait3A_572 : memref<10112x64xf32, #tpu.memory_space<hbm>>) dst(%arg14 : memref<128x64xf32, #tpu.memory_space<vmem>>)
      "tpu.region"() ({
        %run_scoped3A_611 = tpu.sem_alloc : memref<!tpu.dma_semaphore, #tpu.memory_space<semaphore_mem>>
        %dma_start3A_612 = arith.constant 0 : i32
        %dma_start3A_613 = tpu.memref_slice %arg7[%add3A_562, %dma_start3A_612] : memref<80x128xi32, #tpu.memory_space<vmem>> -> memref<1x128xi32, #tpu.memory_space<vmem>>
        %dma_start3A_614 = tpu.memref_squeeze %dma_start3A_613 : memref<1x128xi32, #tpu.memory_space<vmem>> -> memref<128xi32, #tpu.memory_space<vmem>>
        %dma_start3A_615 = arith.constant 0 : i32
        %dma_start3A_616 = arith.constant 0 : i32
        %dma_start3A_617 = tpu.memref_slice %arg16[%dma_start3A_615, %dma_start3A_616] : memref<10112x64xf32, #tpu.memory_space<vmem_shared>> -> memref<10112x64xf32, #tpu.memory_space<vmem_shared>>
        tpu.enqueue_indirect_dma source(%arg14 : memref<128x64xf32, #tpu.memory_space<vmem>>) target(%dma_start3A_617 : memref<10112x64xf32, #tpu.memory_space<vmem_shared>>) offsets(%dma_start3A_614 : memref<128xi32, #tpu.memory_space<vmem>>) semaphore(%run_scoped3A_611 : memref<!tpu.dma_semaphore, #tpu.memory_space<semaphore_mem>>) {add = true}
        %dma_wait3A_618 = arith.constant 0 : i32
        %dma_wait3A_619 = tpu.memref_slice %arg7[%add3A_562, %dma_wait3A_618] : memref<80x128xi32, #tpu.memory_space<vmem>> -> memref<1x128xi32, #tpu.memory_space<vmem>>
        %dma_wait3A_620 = tpu.memref_squeeze %dma_wait3A_619 : memref<1x128xi32, #tpu.memory_space<vmem>> -> memref<128xi32, #tpu.memory_space<vmem>>
        %dma_wait3A_621 = arith.constant 0 : i32
        %dma_wait3A_622 = arith.constant 0 : i32
        %dma_wait3A_623 = tpu.memref_slice %arg16[%dma_wait3A_621, %dma_wait3A_622] : memref<10112x64xf32, #tpu.memory_space<vmem_shared>> -> memref<10112x64xf32, #tpu.memory_space<vmem_shared>>
        tpu.wait_indirect_dma semaphore(%run_scoped3A_611 : memref<!tpu.dma_semaphore, #tpu.memory_space<semaphore_mem>>) src(%arg14 : memref<128x64xf32, #tpu.memory_space<vmem>>) dst(%dma_wait3A_623 : memref<10112x64xf32, #tpu.memory_space<vmem_shared>>)
        tpu.yield
      }) : () -> ()
      %add3A_573 = arith.constant 8 : i32
      %add3A_574 = arith.addi %add3A_562, %add3A_573 : i32
      %dma_start3A_575 = arith.constant 0 : i32
      %dma_start3A_576 = tpu.memref_slice %arg6[%add3A_574, %dma_start3A_575] : memref<80x128xi32, #tpu.memory_space<vmem>> -> memref<1x128xi32, #tpu.memory_space<vmem>>
      %dma_start3A_577 = tpu.memref_squeeze %dma_start3A_576 : memref<1x128xi32, #tpu.memory_space<vmem>> -> memref<128xi32, #tpu.memory_space<vmem>>
      %dma_start3A_578 = arith.constant 0 : i32
      %dma_start3A_579 = arith.constant 0 : i32
      %dma_start3A_580 = tpu.memref_slice %arg2[%arg0, %dma_start3A_578, %dma_start3A_579] : memref<2x10112x64xf32, #tpu.memory_space<hbm>> -> memref<1x10112x64xf32, #tpu.memory_space<hbm>>
      %dma_start3A_581 = tpu.memref_squeeze %dma_start3A_580 : memref<1x10112x64xf32, #tpu.memory_space<hbm>> -> memref<10112x64xf32, #tpu.memory_space<hbm>>
      %dma_start3A_582 = arith.constant 0 : i32
      %dma_start3A_583 = arith.constant 0 : i32
      %dma_start3A_584 = tpu.memref_slice %dma_start3A_581[%dma_start3A_582, %dma_start3A_583] : memref<10112x64xf32, #tpu.memory_space<hbm>> -> memref<10112x64xf32, #tpu.memory_space<hbm>>
      tpu.enqueue_indirect_dma source(%dma_start3A_584 : memref<10112x64xf32, #tpu.memory_space<hbm>>) target(%arg14 : memref<128x64xf32, #tpu.memory_space<vmem>>) offsets(%dma_start3A_577 : memref<128xi32, #tpu.memory_space<vmem>>) semaphore(%arg23 : memref<!tpu.dma_semaphore, #tpu.memory_space<semaphore_mem>>)
      %mul3A_585 = arith.constant 8 : i32
      %mul3A_586 = arith.muli %add3A_402, %mul3A_585 : i32
      %add3A_587 = arith.constant 7 : i32
      %add3A_588 = arith.addi %mul3A_586, %add3A_587 : i32
      %dma_wait3A_589 = arith.constant 0 : i32
      %dma_wait3A_590 = tpu.memref_slice %arg6[%add3A_588, %dma_wait3A_589] : memref<80x128xi32, #tpu.memory_space<vmem>> -> memref<1x128xi32, #tpu.memory_space<vmem>>
      %dma_wait3A_591 = tpu.memref_squeeze %dma_wait3A_590 : memref<1x128xi32, #tpu.memory_space<vmem>> -> memref<128xi32, #tpu.memory_space<vmem>>
      %dma_wait3A_592 = arith.constant 0 : i32
      %dma_wait3A_593 = arith.constant 0 : i32
      %dma_wait3A_594 = tpu.memref_slice %arg2[%arg0, %dma_wait3A_592, %dma_wait3A_593] : memref<2x10112x64xf32, #tpu.memory_space<hbm>> -> memref<1x10112x64xf32, #tpu.memory_space<hbm>>
      %dma_wait3A_595 = tpu.memref_squeeze %dma_wait3A_594 : memref<1x10112x64xf32, #tpu.memory_space<hbm>> -> memref<10112x64xf32, #tpu.memory_space<hbm>>
      %dma_wait3A_596 = arith.constant 0 : i32
      %dma_wait3A_597 = arith.constant 0 : i32
      %dma_wait3A_598 = tpu.memref_slice %dma_wait3A_595[%dma_wait3A_596, %dma_wait3A_597] : memref<10112x64xf32, #tpu.memory_space<hbm>> -> memref<10112x64xf32, #tpu.memory_space<hbm>>
      tpu.wait_indirect_dma semaphore(%arg24 : memref<!tpu.dma_semaphore, #tpu.memory_space<semaphore_mem>>) src(%dma_wait3A_598 : memref<10112x64xf32, #tpu.memory_space<hbm>>) dst(%arg15 : memref<128x64xf32, #tpu.memory_space<vmem>>)
      "tpu.region"() ({
        %run_scoped3A_611 = tpu.sem_alloc : memref<!tpu.dma_semaphore, #tpu.memory_space<semaphore_mem>>
        %dma_start3A_612 = arith.constant 0 : i32
        %dma_start3A_613 = tpu.memref_slice %arg7[%add3A_588, %dma_start3A_612] : memref<80x128xi32, #tpu.memory_space<vmem>> -> memref<1x128xi32, #tpu.memory_space<vmem>>
        %dma_start3A_614 = tpu.memref_squeeze %dma_start3A_613 : memref<1x128xi32, #tpu.memory_space<vmem>> -> memref<128xi32, #tpu.memory_space<vmem>>
        %dma_start3A_615 = arith.constant 0 : i32
        %dma_start3A_616 = arith.constant 0 : i32
        %dma_start3A_617 = tpu.memref_slice %arg16[%dma_start3A_615, %dma_start3A_616] : memref<10112x64xf32, #tpu.memory_space<vmem_shared>> -> memref<10112x64xf32, #tpu.memory_space<vmem_shared>>
        tpu.enqueue_indirect_dma source(%arg15 : memref<128x64xf32, #tpu.memory_space<vmem>>) target(%dma_start3A_617 : memref<10112x64xf32, #tpu.memory_space<vmem_shared>>) offsets(%dma_start3A_614 : memref<128xi32, #tpu.memory_space<vmem>>) semaphore(%run_scoped3A_611 : memref<!tpu.dma_semaphore, #tpu.memory_space<semaphore_mem>>) {add = true}
        %dma_wait3A_618 = arith.constant 0 : i32
        %dma_wait3A_619 = tpu.memref_slice %arg7[%add3A_588, %dma_wait3A_618] : memref<80x128xi32, #tpu.memory_space<vmem>> -> memref<1x128xi32, #tpu.memory_space<vmem>>
        %dma_wait3A_620 = tpu.memref_squeeze %dma_wait3A_619 : memref<1x128xi32, #tpu.memory_space<vmem>> -> memref<128xi32, #tpu.memory_space<vmem>>
        %dma_wait3A_621 = arith.constant 0 : i32
        %dma_wait3A_622 = arith.constant 0 : i32
        %dma_wait3A_623 = tpu.memref_slice %arg16[%dma_wait3A_621, %dma_wait3A_622] : memref<10112x64xf32, #tpu.memory_space<vmem_shared>> -> memref<10112x64xf32, #tpu.memory_space<vmem_shared>>
        tpu.wait_indirect_dma semaphore(%run_scoped3A_611 : memref<!tpu.dma_semaphore, #tpu.memory_space<semaphore_mem>>) src(%arg15 : memref<128x64xf32, #tpu.memory_space<vmem>>) dst(%dma_wait3A_623 : memref<10112x64xf32, #tpu.memory_space<vmem_shared>>)
        tpu.yield
      }) : () -> ()
      %add3A_599 = arith.constant 8 : i32
      %add3A_600 = arith.addi %add3A_588, %add3A_599 : i32
      %dma_start3A_601 = arith.constant 0 : i32
      %dma_start3A_602 = tpu.memref_slice %arg6[%add3A_600, %dma_start3A_601] : memref<80x128xi32, #tpu.memory_space<vmem>> -> memref<1x128xi32, #tpu.memory_space<vmem>>
      %dma_start3A_603 = tpu.memref_squeeze %dma_start3A_602 : memref<1x128xi32, #tpu.memory_space<vmem>> -> memref<128xi32, #tpu.memory_space<vmem>>
      %dma_start3A_604 = arith.constant 0 : i32
      %dma_start3A_605 = arith.constant 0 : i32
      %dma_start3A_606 = tpu.memref_slice %arg2[%arg0, %dma_start3A_604, %dma_start3A_605] : memref<2x10112x64xf32, #tpu.memory_space<hbm>> -> memref<1x10112x64xf32, #tpu.memory_space<hbm>>
      %dma_start3A_607 = tpu.memref_squeeze %dma_start3A_606 : memref<1x10112x64xf32, #tpu.memory_space<hbm>> -> memref<10112x64xf32, #tpu.memory_space<hbm>>
      %dma_start3A_608 = arith.constant 0 : i32
      %dma_start3A_609 = arith.constant 0 : i32
      %dma_start3A_610 = tpu.memref_slice %dma_start3A_607[%dma_start3A_608, %dma_start3A_609] : memref<10112x64xf32, #tpu.memory_space<hbm>> -> memref<10112x64xf32, #tpu.memory_space<hbm>>
      tpu.enqueue_indirect_dma source(%dma_start3A_610 : memref<10112x64xf32, #tpu.memory_space<hbm>>) target(%arg15 : memref<128x64xf32, #tpu.memory_space<vmem>>) offsets(%dma_start3A_603 : memref<128xi32, #tpu.memory_space<vmem>>) semaphore(%arg24 : memref<!tpu.dma_semaphore, #tpu.memory_space<semaphore_mem>>)
    }
    %scan3A_109 = arith.constant 9 : i32
    %dma_wait3A = arith.constant 72 : i32
    %dma_wait3A_110 = arith.constant 0 : i32
    %dma_wait3A_111 = tpu.memref_slice %arg6[%dma_wait3A, %dma_wait3A_110] : memref<80x128xi32, #tpu.memory_space<vmem>> -> memref<1x128xi32, #tpu.memory_space<vmem>>
    %dma_wait3A_112 = tpu.memref_squeeze %dma_wait3A_111 : memref<1x128xi32, #tpu.memory_space<vmem>> -> memref<128xi32, #tpu.memory_space<vmem>>
    %dma_wait3A_113 = arith.constant 0 : i32
    %dma_wait3A_114 = arith.constant 0 : i32
    %dma_wait3A_115 = tpu.memref_slice %arg2[%arg0, %dma_wait3A_113, %dma_wait3A_114] : memref<2x10112x64xf32, #tpu.memory_space<hbm>> -> memref<1x10112x64xf32, #tpu.memory_space<hbm>>
    %dma_wait3A_116 = tpu.memref_squeeze %dma_wait3A_115 : memref<1x10112x64xf32, #tpu.memory_space<hbm>> -> memref<10112x64xf32, #tpu.memory_space<hbm>>
    %dma_wait3A_117 = arith.constant 0 : i32
    %dma_wait3A_118 = arith.constant 0 : i32
    %dma_wait3A_119 = tpu.memref_slice %dma_wait3A_116[%dma_wait3A_117, %dma_wait3A_118] : memref<10112x64xf32, #tpu.memory_space<hbm>> -> memref<10112x64xf32, #tpu.memory_space<hbm>>
    tpu.wait_indirect_dma semaphore(%arg17 : memref<!tpu.dma_semaphore, #tpu.memory_space<semaphore_mem>>) src(%dma_wait3A_119 : memref<10112x64xf32, #tpu.memory_space<hbm>>) dst(%arg8 : memref<128x64xf32, #tpu.memory_space<vmem>>)
    %run_scoped3A = arith.constant 72 : i32
    "tpu.region"() ({
      %run_scoped3A_398 = tpu.sem_alloc : memref<!tpu.dma_semaphore, #tpu.memory_space<semaphore_mem>>
      %dma_start3A_399 = arith.constant 0 : i32
      %dma_start3A_400 = tpu.memref_slice %arg7[%run_scoped3A, %dma_start3A_399] : memref<80x128xi32, #tpu.memory_space<vmem>> -> memref<1x128xi32, #tpu.memory_space<vmem>>
      %dma_start3A_401 = tpu.memref_squeeze %dma_start3A_400 : memref<1x128xi32, #tpu.memory_space<vmem>> -> memref<128xi32, #tpu.memory_space<vmem>>
      %dma_start3A_402 = arith.constant 0 : i32
      %dma_start3A_403 = arith.constant 0 : i32
      %dma_start3A_404 = tpu.memref_slice %arg16[%dma_start3A_402, %dma_start3A_403] : memref<10112x64xf32, #tpu.memory_space<vmem_shared>> -> memref<10112x64xf32, #tpu.memory_space<vmem_shared>>
      tpu.enqueue_indirect_dma source(%arg8 : memref<128x64xf32, #tpu.memory_space<vmem>>) target(%dma_start3A_404 : memref<10112x64xf32, #tpu.memory_space<vmem_shared>>) offsets(%dma_start3A_401 : memref<128xi32, #tpu.memory_space<vmem>>) semaphore(%run_scoped3A_398 : memref<!tpu.dma_semaphore, #tpu.memory_space<semaphore_mem>>) {add = true}
      %dma_wait3A_405 = arith.constant 0 : i32
      %dma_wait3A_406 = tpu.memref_slice %arg7[%run_scoped3A, %dma_wait3A_405] : memref<80x128xi32, #tpu.memory_space<vmem>> -> memref<1x128xi32, #tpu.memory_space<vmem>>
      %dma_wait3A_407 = tpu.memref_squeeze %dma_wait3A_406 : memref<1x128xi32, #tpu.memory_space<vmem>> -> memref<128xi32, #tpu.memory_space<vmem>>
      %dma_wait3A_408 = arith.constant 0 : i32
      %dma_wait3A_409 = arith.constant 0 : i32
      %dma_wait3A_410 = tpu.memref_slice %arg16[%dma_wait3A_408, %dma_wait3A_409] : memref<10112x64xf32, #tpu.memory_space<vmem_shared>> -> memref<10112x64xf32, #tpu.memory_space<vmem_shared>>
      tpu.wait_indirect_dma semaphore(%run_scoped3A_398 : memref<!tpu.dma_semaphore, #tpu.memory_space<semaphore_mem>>) src(%arg8 : memref<128x64xf32, #tpu.memory_space<vmem>>) dst(%dma_wait3A_410 : memref<10112x64xf32, #tpu.memory_space<vmem_shared>>)
      tpu.yield
    }) : () -> ()
    %dma_wait3A_120 = arith.constant 73 : i32
    %dma_wait3A_121 = arith.constant 0 : i32
    %dma_wait3A_122 = tpu.memref_slice %arg6[%dma_wait3A_120, %dma_wait3A_121] : memref<80x128xi32, #tpu.memory_space<vmem>> -> memref<1x128xi32, #tpu.memory_space<vmem>>
    %dma_wait3A_123 = tpu.memref_squeeze %dma_wait3A_122 : memref<1x128xi32, #tpu.memory_space<vmem>> -> memref<128xi32, #tpu.memory_space<vmem>>
    %dma_wait3A_124 = arith.constant 0 : i32
    %dma_wait3A_125 = arith.constant 0 : i32
    %dma_wait3A_126 = tpu.memref_slice %arg2[%arg0, %dma_wait3A_124, %dma_wait3A_125] : memref<2x10112x64xf32, #tpu.memory_space<hbm>> -> memref<1x10112x64xf32, #tpu.memory_space<hbm>>
    %dma_wait3A_127 = tpu.memref_squeeze %dma_wait3A_126 : memref<1x10112x64xf32, #tpu.memory_space<hbm>> -> memref<10112x64xf32, #tpu.memory_space<hbm>>
    %dma_wait3A_128 = arith.constant 0 : i32
    %dma_wait3A_129 = arith.constant 0 : i32
    %dma_wait3A_130 = tpu.memref_slice %dma_wait3A_127[%dma_wait3A_128, %dma_wait3A_129] : memref<10112x64xf32, #tpu.memory_space<hbm>> -> memref<10112x64xf32, #tpu.memory_space<hbm>>
    tpu.wait_indirect_dma semaphore(%arg18 : memref<!tpu.dma_semaphore, #tpu.memory_space<semaphore_mem>>) src(%dma_wait3A_130 : memref<10112x64xf32, #tpu.memory_space<hbm>>) dst(%arg9 : memref<128x64xf32, #tpu.memory_space<vmem>>)
    %run_scoped3A_131 = arith.constant 73 : i32
    "tpu.region"() ({
      %run_scoped3A_398 = tpu.sem_alloc : memref<!tpu.dma_semaphore, #tpu.memory_space<semaphore_mem>>
      %dma_start3A_399 = arith.constant 0 : i32
      %dma_start3A_400 = tpu.memref_slice %arg7[%run_scoped3A_131, %dma_start3A_399] : memref<80x128xi32, #tpu.memory_space<vmem>> -> memref<1x128xi32, #tpu.memory_space<vmem>>
      %dma_start3A_401 = tpu.memref_squeeze %dma_start3A_400 : memref<1x128xi32, #tpu.memory_space<vmem>> -> memref<128xi32, #tpu.memory_space<vmem>>
      %dma_start3A_402 = arith.constant 0 : i32
      %dma_start3A_403 = arith.constant 0 : i32
      %dma_start3A_404 = tpu.memref_slice %arg16[%dma_start3A_402, %dma_start3A_403] : memref<10112x64xf32, #tpu.memory_space<vmem_shared>> -> memref<10112x64xf32, #tpu.memory_space<vmem_shared>>
      tpu.enqueue_indirect_dma source(%arg9 : memref<128x64xf32, #tpu.memory_space<vmem>>) target(%dma_start3A_404 : memref<10112x64xf32, #tpu.memory_space<vmem_shared>>) offsets(%dma_start3A_401 : memref<128xi32, #tpu.memory_space<vmem>>) semaphore(%run_scoped3A_398 : memref<!tpu.dma_semaphore, #tpu.memory_space<semaphore_mem>>) {add = true}
      %dma_wait3A_405 = arith.constant 0 : i32
      %dma_wait3A_406 = tpu.memref_slice %arg7[%run_scoped3A_131, %dma_wait3A_405] : memref<80x128xi32, #tpu.memory_space<vmem>> -> memref<1x128xi32, #tpu.memory_space<vmem>>
      %dma_wait3A_407 = tpu.memref_squeeze %dma_wait3A_406 : memref<1x128xi32, #tpu.memory_space<vmem>> -> memref<128xi32, #tpu.memory_space<vmem>>
      %dma_wait3A_408 = arith.constant 0 : i32
      %dma_wait3A_409 = arith.constant 0 : i32
      %dma_wait3A_410 = tpu.memref_slice %arg16[%dma_wait3A_408, %dma_wait3A_409] : memref<10112x64xf32, #tpu.memory_space<vmem_shared>> -> memref<10112x64xf32, #tpu.memory_space<vmem_shared>>
      tpu.wait_indirect_dma semaphore(%run_scoped3A_398 : memref<!tpu.dma_semaphore, #tpu.memory_space<semaphore_mem>>) src(%arg9 : memref<128x64xf32, #tpu.memory_space<vmem>>) dst(%dma_wait3A_410 : memref<10112x64xf32, #tpu.memory_space<vmem_shared>>)
      tpu.yield
    }) : () -> ()
    %dma_wait3A_132 = arith.constant 74 : i32
    %dma_wait3A_133 = arith.constant 0 : i32
    %dma_wait3A_134 = tpu.memref_slice %arg6[%dma_wait3A_132, %dma_wait3A_133] : memref<80x128xi32, #tpu.memory_space<vmem>> -> memref<1x128xi32, #tpu.memory_space<vmem>>
    %dma_wait3A_135 = tpu.memref_squeeze %dma_wait3A_134 : memref<1x128xi32, #tpu.memory_space<vmem>> -> memref<128xi32, #tpu.memory_space<vmem>>
    %dma_wait3A_136 = arith.constant 0 : i32
    %dma_wait3A_137 = arith.constant 0 : i32
    %dma_wait3A_138 = tpu.memref_slice %arg2[%arg0, %dma_wait3A_136, %dma_wait3A_137] : memref<2x10112x64xf32, #tpu.memory_space<hbm>> -> memref<1x10112x64xf32, #tpu.memory_space<hbm>>
    %dma_wait3A_139 = tpu.memref_squeeze %dma_wait3A_138 : memref<1x10112x64xf32, #tpu.memory_space<hbm>> -> memref<10112x64xf32, #tpu.memory_space<hbm>>
    %dma_wait3A_140 = arith.constant 0 : i32
    %dma_wait3A_141 = arith.constant 0 : i32
    %dma_wait3A_142 = tpu.memref_slice %dma_wait3A_139[%dma_wait3A_140, %dma_wait3A_141] : memref<10112x64xf32, #tpu.memory_space<hbm>> -> memref<10112x64xf32, #tpu.memory_space<hbm>>
    tpu.wait_indirect_dma semaphore(%arg19 : memref<!tpu.dma_semaphore, #tpu.memory_space<semaphore_mem>>) src(%dma_wait3A_142 : memref<10112x64xf32, #tpu.memory_space<hbm>>) dst(%arg10 : memref<128x64xf32, #tpu.memory_space<vmem>>)
    %run_scoped3A_143 = arith.constant 74 : i32
    "tpu.region"() ({
      %run_scoped3A_398 = tpu.sem_alloc : memref<!tpu.dma_semaphore, #tpu.memory_space<semaphore_mem>>
      %dma_start3A_399 = arith.constant 0 : i32
      %dma_start3A_400 = tpu.memref_slice %arg7[%run_scoped3A_143, %dma_start3A_399] : memref<80x128xi32, #tpu.memory_space<vmem>> -> memref<1x128xi32, #tpu.memory_space<vmem>>
      %dma_start3A_401 = tpu.memref_squeeze %dma_start3A_400 : memref<1x128xi32, #tpu.memory_space<vmem>> -> memref<128xi32, #tpu.memory_space<vmem>>
      %dma_start3A_402 = arith.constant 0 : i32
      %dma_start3A_403 = arith.constant 0 : i32
      %dma_start3A_404 = tpu.memref_slice %arg16[%dma_start3A_402, %dma_start3A_403] : memref<10112x64xf32, #tpu.memory_space<vmem_shared>> -> memref<10112x64xf32, #tpu.memory_space<vmem_shared>>
      tpu.enqueue_indirect_dma source(%arg10 : memref<128x64xf32, #tpu.memory_space<vmem>>) target(%dma_start3A_404 : memref<10112x64xf32, #tpu.memory_space<vmem_shared>>) offsets(%dma_start3A_401 : memref<128xi32, #tpu.memory_space<vmem>>) semaphore(%run_scoped3A_398 : memref<!tpu.dma_semaphore, #tpu.memory_space<semaphore_mem>>) {add = true}
      %dma_wait3A_405 = arith.constant 0 : i32
      %dma_wait3A_406 = tpu.memref_slice %arg7[%run_scoped3A_143, %dma_wait3A_405] : memref<80x128xi32, #tpu.memory_space<vmem>> -> memref<1x128xi32, #tpu.memory_space<vmem>>
      %dma_wait3A_407 = tpu.memref_squeeze %dma_wait3A_406 : memref<1x128xi32, #tpu.memory_space<vmem>> -> memref<128xi32, #tpu.memory_space<vmem>>
      %dma_wait3A_408 = arith.constant 0 : i32
      %dma_wait3A_409 = arith.constant 0 : i32
      %dma_wait3A_410 = tpu.memref_slice %arg16[%dma_wait3A_408, %dma_wait3A_409] : memref<10112x64xf32, #tpu.memory_space<vmem_shared>> -> memref<10112x64xf32, #tpu.memory_space<vmem_shared>>
      tpu.wait_indirect_dma semaphore(%run_scoped3A_398 : memref<!tpu.dma_semaphore, #tpu.memory_space<semaphore_mem>>) src(%arg10 : memref<128x64xf32, #tpu.memory_space<vmem>>) dst(%dma_wait3A_410 : memref<10112x64xf32, #tpu.memory_space<vmem_shared>>)
      tpu.yield
    }) : () -> ()
    %dma_wait3A_144 = arith.constant 75 : i32
    %dma_wait3A_145 = arith.constant 0 : i32
    %dma_wait3A_146 = tpu.memref_slice %arg6[%dma_wait3A_144, %dma_wait3A_145] : memref<80x128xi32, #tpu.memory_space<vmem>> -> memref<1x128xi32, #tpu.memory_space<vmem>>
    %dma_wait3A_147 = tpu.memref_squeeze %dma_wait3A_146 : memref<1x128xi32, #tpu.memory_space<vmem>> -> memref<128xi32, #tpu.memory_space<vmem>>
    %dma_wait3A_148 = arith.constant 0 : i32
    %dma_wait3A_149 = arith.constant 0 : i32
    %dma_wait3A_150 = tpu.memref_slice %arg2[%arg0, %dma_wait3A_148, %dma_wait3A_149] : memref<2x10112x64xf32, #tpu.memory_space<hbm>> -> memref<1x10112x64xf32, #tpu.memory_space<hbm>>
    %dma_wait3A_151 = tpu.memref_squeeze %dma_wait3A_150 : memref<1x10112x64xf32, #tpu.memory_space<hbm>> -> memref<10112x64xf32, #tpu.memory_space<hbm>>
    %dma_wait3A_152 = arith.constant 0 : i32
    %dma_wait3A_153 = arith.constant 0 : i32
    %dma_wait3A_154 = tpu.memref_slice %dma_wait3A_151[%dma_wait3A_152, %dma_wait3A_153] : memref<10112x64xf32, #tpu.memory_space<hbm>> -> memref<10112x64xf32, #tpu.memory_space<hbm>>
    tpu.wait_indirect_dma semaphore(%arg20 : memref<!tpu.dma_semaphore, #tpu.memory_space<semaphore_mem>>) src(%dma_wait3A_154 : memref<10112x64xf32, #tpu.memory_space<hbm>>) dst(%arg11 : memref<128x64xf32, #tpu.memory_space<vmem>>)
    %run_scoped3A_155 = arith.constant 75 : i32
    "tpu.region"() ({
      %run_scoped3A_398 = tpu.sem_alloc : memref<!tpu.dma_semaphore, #tpu.memory_space<semaphore_mem>>
      %dma_start3A_399 = arith.constant 0 : i32
      %dma_start3A_400 = tpu.memref_slice %arg7[%run_scoped3A_155, %dma_start3A_399] : memref<80x128xi32, #tpu.memory_space<vmem>> -> memref<1x128xi32, #tpu.memory_space<vmem>>
      %dma_start3A_401 = tpu.memref_squeeze %dma_start3A_400 : memref<1x128xi32, #tpu.memory_space<vmem>> -> memref<128xi32, #tpu.memory_space<vmem>>
      %dma_start3A_402 = arith.constant 0 : i32
      %dma_start3A_403 = arith.constant 0 : i32
      %dma_start3A_404 = tpu.memref_slice %arg16[%dma_start3A_402, %dma_start3A_403] : memref<10112x64xf32, #tpu.memory_space<vmem_shared>> -> memref<10112x64xf32, #tpu.memory_space<vmem_shared>>
      tpu.enqueue_indirect_dma source(%arg11 : memref<128x64xf32, #tpu.memory_space<vmem>>) target(%dma_start3A_404 : memref<10112x64xf32, #tpu.memory_space<vmem_shared>>) offsets(%dma_start3A_401 : memref<128xi32, #tpu.memory_space<vmem>>) semaphore(%run_scoped3A_398 : memref<!tpu.dma_semaphore, #tpu.memory_space<semaphore_mem>>) {add = true}
      %dma_wait3A_405 = arith.constant 0 : i32
      %dma_wait3A_406 = tpu.memref_slice %arg7[%run_scoped3A_155, %dma_wait3A_405] : memref<80x128xi32, #tpu.memory_space<vmem>> -> memref<1x128xi32, #tpu.memory_space<vmem>>
      %dma_wait3A_407 = tpu.memref_squeeze %dma_wait3A_406 : memref<1x128xi32, #tpu.memory_space<vmem>> -> memref<128xi32, #tpu.memory_space<vmem>>
      %dma_wait3A_408 = arith.constant 0 : i32
      %dma_wait3A_409 = arith.constant 0 : i32
      %dma_wait3A_410 = tpu.memref_slice %arg16[%dma_wait3A_408, %dma_wait3A_409] : memref<10112x64xf32, #tpu.memory_space<vmem_shared>> -> memref<10112x64xf32, #tpu.memory_space<vmem_shared>>
      tpu.wait_indirect_dma semaphore(%run_scoped3A_398 : memref<!tpu.dma_semaphore, #tpu.memory_space<semaphore_mem>>) src(%arg11 : memref<128x64xf32, #tpu.memory_space<vmem>>) dst(%dma_wait3A_410 : memref<10112x64xf32, #tpu.memory_space<vmem_shared>>)
      tpu.yield
    }) : () -> ()
    %dma_wait3A_156 = arith.constant 76 : i32
    %dma_wait3A_157 = arith.constant 0 : i32
    %dma_wait3A_158 = tpu.memref_slice %arg6[%dma_wait3A_156, %dma_wait3A_157] : memref<80x128xi32, #tpu.memory_space<vmem>> -> memref<1x128xi32, #tpu.memory_space<vmem>>
    %dma_wait3A_159 = tpu.memref_squeeze %dma_wait3A_158 : memref<1x128xi32, #tpu.memory_space<vmem>> -> memref<128xi32, #tpu.memory_space<vmem>>
    %dma_wait3A_160 = arith.constant 0 : i32
    %dma_wait3A_161 = arith.constant 0 : i32
    %dma_wait3A_162 = tpu.memref_slice %arg2[%arg0, %dma_wait3A_160, %dma_wait3A_161] : memref<2x10112x64xf32, #tpu.memory_space<hbm>> -> memref<1x10112x64xf32, #tpu.memory_space<hbm>>
    %dma_wait3A_163 = tpu.memref_squeeze %dma_wait3A_162 : memref<1x10112x64xf32, #tpu.memory_space<hbm>> -> memref<10112x64xf32, #tpu.memory_space<hbm>>
    %dma_wait3A_164 = arith.constant 0 : i32
    %dma_wait3A_165 = arith.constant 0 : i32
    %dma_wait3A_166 = tpu.memref_slice %dma_wait3A_163[%dma_wait3A_164, %dma_wait3A_165] : memref<10112x64xf32, #tpu.memory_space<hbm>> -> memref<10112x64xf32, #tpu.memory_space<hbm>>
    tpu.wait_indirect_dma semaphore(%arg21 : memref<!tpu.dma_semaphore, #tpu.memory_space<semaphore_mem>>) src(%dma_wait3A_166 : memref<10112x64xf32, #tpu.memory_space<hbm>>) dst(%arg12 : memref<128x64xf32, #tpu.memory_space<vmem>>)
    %run_scoped3A_167 = arith.constant 76 : i32
    "tpu.region"() ({
      %run_scoped3A_398 = tpu.sem_alloc : memref<!tpu.dma_semaphore, #tpu.memory_space<semaphore_mem>>
      %dma_start3A_399 = arith.constant 0 : i32
      %dma_start3A_400 = tpu.memref_slice %arg7[%run_scoped3A_167, %dma_start3A_399] : memref<80x128xi32, #tpu.memory_space<vmem>> -> memref<1x128xi32, #tpu.memory_space<vmem>>
      %dma_start3A_401 = tpu.memref_squeeze %dma_start3A_400 : memref<1x128xi32, #tpu.memory_space<vmem>> -> memref<128xi32, #tpu.memory_space<vmem>>
      %dma_start3A_402 = arith.constant 0 : i32
      %dma_start3A_403 = arith.constant 0 : i32
      %dma_start3A_404 = tpu.memref_slice %arg16[%dma_start3A_402, %dma_start3A_403] : memref<10112x64xf32, #tpu.memory_space<vmem_shared>> -> memref<10112x64xf32, #tpu.memory_space<vmem_shared>>
      tpu.enqueue_indirect_dma source(%arg12 : memref<128x64xf32, #tpu.memory_space<vmem>>) target(%dma_start3A_404 : memref<10112x64xf32, #tpu.memory_space<vmem_shared>>) offsets(%dma_start3A_401 : memref<128xi32, #tpu.memory_space<vmem>>) semaphore(%run_scoped3A_398 : memref<!tpu.dma_semaphore, #tpu.memory_space<semaphore_mem>>) {add = true}
      %dma_wait3A_405 = arith.constant 0 : i32
      %dma_wait3A_406 = tpu.memref_slice %arg7[%run_scoped3A_167, %dma_wait3A_405] : memref<80x128xi32, #tpu.memory_space<vmem>> -> memref<1x128xi32, #tpu.memory_space<vmem>>
      %dma_wait3A_407 = tpu.memref_squeeze %dma_wait3A_406 : memref<1x128xi32, #tpu.memory_space<vmem>> -> memref<128xi32, #tpu.memory_space<vmem>>
      %dma_wait3A_408 = arith.constant 0 : i32
      %dma_wait3A_409 = arith.constant 0 : i32
      %dma_wait3A_410 = tpu.memref_slice %arg16[%dma_wait3A_408, %dma_wait3A_409] : memref<10112x64xf32, #tpu.memory_space<vmem_shared>> -> memref<10112x64xf32, #tpu.memory_space<vmem_shared>>
      tpu.wait_indirect_dma semaphore(%run_scoped3A_398 : memref<!tpu.dma_semaphore, #tpu.memory_space<semaphore_mem>>) src(%arg12 : memref<128x64xf32, #tpu.memory_space<vmem>>) dst(%dma_wait3A_410 : memref<10112x64xf32, #tpu.memory_space<vmem_shared>>)
      tpu.yield
    }) : () -> ()
    %dma_wait3A_168 = arith.constant 77 : i32
    %dma_wait3A_169 = arith.constant 0 : i32
    %dma_wait3A_170 = tpu.memref_slice %arg6[%dma_wait3A_168, %dma_wait3A_169] : memref<80x128xi32, #tpu.memory_space<vmem>> -> memref<1x128xi32, #tpu.memory_space<vmem>>
    %dma_wait3A_171 = tpu.memref_squeeze %dma_wait3A_170 : memref<1x128xi32, #tpu.memory_space<vmem>> -> memref<128xi32, #tpu.memory_space<vmem>>
    %dma_wait3A_172 = arith.constant 0 : i32
    %dma_wait3A_173 = arith.constant 0 : i32
    %dma_wait3A_174 = tpu.memref_slice %arg2[%arg0, %dma_wait3A_172, %dma_wait3A_173] : memref<2x10112x64xf32, #tpu.memory_space<hbm>> -> memref<1x10112x64xf32, #tpu.memory_space<hbm>>
    %dma_wait3A_175 = tpu.memref_squeeze %dma_wait3A_174 : memref<1x10112x64xf32, #tpu.memory_space<hbm>> -> memref<10112x64xf32, #tpu.memory_space<hbm>>
    %dma_wait3A_176 = arith.constant 0 : i32
    %dma_wait3A_177 = arith.constant 0 : i32
    %dma_wait3A_178 = tpu.memref_slice %dma_wait3A_175[%dma_wait3A_176, %dma_wait3A_177] : memref<10112x64xf32, #tpu.memory_space<hbm>> -> memref<10112x64xf32, #tpu.memory_space<hbm>>
    tpu.wait_indirect_dma semaphore(%arg22 : memref<!tpu.dma_semaphore, #tpu.memory_space<semaphore_mem>>) src(%dma_wait3A_178 : memref<10112x64xf32, #tpu.memory_space<hbm>>) dst(%arg13 : memref<128x64xf32, #tpu.memory_space<vmem>>)
    %run_scoped3A_179 = arith.constant 77 : i32
    "tpu.region"() ({
      %run_scoped3A_398 = tpu.sem_alloc : memref<!tpu.dma_semaphore, #tpu.memory_space<semaphore_mem>>
      %dma_start3A_399 = arith.constant 0 : i32
      %dma_start3A_400 = tpu.memref_slice %arg7[%run_scoped3A_179, %dma_start3A_399] : memref<80x128xi32, #tpu.memory_space<vmem>> -> memref<1x128xi32, #tpu.memory_space<vmem>>
      %dma_start3A_401 = tpu.memref_squeeze %dma_start3A_400 : memref<1x128xi32, #tpu.memory_space<vmem>> -> memref<128xi32, #tpu.memory_space<vmem>>
      %dma_start3A_402 = arith.constant 0 : i32
      %dma_start3A_403 = arith.constant 0 : i32
      %dma_start3A_404 = tpu.memref_slice %arg16[%dma_start3A_402, %dma_start3A_403] : memref<10112x64xf32, #tpu.memory_space<vmem_shared>> -> memref<10112x64xf32, #tpu.memory_space<vmem_shared>>
      tpu.enqueue_indirect_dma source(%arg13 : memref<128x64xf32, #tpu.memory_space<vmem>>) target(%dma_start3A_404 : memref<10112x64xf32, #tpu.memory_space<vmem_shared>>) offsets(%dma_start3A_401 : memref<128xi32, #tpu.memory_space<vmem>>) semaphore(%run_scoped3A_398 : memref<!tpu.dma_semaphore, #tpu.memory_space<semaphore_mem>>) {add = true}
      %dma_wait3A_405 = arith.constant 0 : i32
      %dma_wait3A_406 = tpu.memref_slice %arg7[%run_scoped3A_179, %dma_wait3A_405] : memref<80x128xi32, #tpu.memory_space<vmem>> -> memref<1x128xi32, #tpu.memory_space<vmem>>
      %dma_wait3A_407 = tpu.memref_squeeze %dma_wait3A_406 : memref<1x128xi32, #tpu.memory_space<vmem>> -> memref<128xi32, #tpu.memory_space<vmem>>
      %dma_wait3A_408 = arith.constant 0 : i32
      %dma_wait3A_409 = arith.constant 0 : i32
      %dma_wait3A_410 = tpu.memref_slice %arg16[%dma_wait3A_408, %dma_wait3A_409] : memref<10112x64xf32, #tpu.memory_space<vmem_shared>> -> memref<10112x64xf32, #tpu.memory_space<vmem_shared>>
      tpu.wait_indirect_dma semaphore(%run_scoped3A_398 : memref<!tpu.dma_semaphore, #tpu.memory_space<semaphore_mem>>) src(%arg13 : memref<128x64xf32, #tpu.memory_space<vmem>>) dst(%dma_wait3A_410 : memref<10112x64xf32, #tpu.memory_space<vmem_shared>>)
      tpu.yield
    }) : () -> ()
    %dma_wait3A_180 = arith.constant 78 : i32
    %dma_wait3A_181 = arith.constant 0 : i32
    %dma_wait3A_182 = tpu.memref_slice %arg6[%dma_wait3A_180, %dma_wait3A_181] : memref<80x128xi32, #tpu.memory_space<vmem>> -> memref<1x128xi32, #tpu.memory_space<vmem>>
    %dma_wait3A_183 = tpu.memref_squeeze %dma_wait3A_182 : memref<1x128xi32, #tpu.memory_space<vmem>> -> memref<128xi32, #tpu.memory_space<vmem>>
    %dma_wait3A_184 = arith.constant 0 : i32
    %dma_wait3A_185 = arith.constant 0 : i32
    %dma_wait3A_186 = tpu.memref_slice %arg2[%arg0, %dma_wait3A_184, %dma_wait3A_185] : memref<2x10112x64xf32, #tpu.memory_space<hbm>> -> memref<1x10112x64xf32, #tpu.memory_space<hbm>>
    %dma_wait3A_187 = tpu.memref_squeeze %dma_wait3A_186 : memref<1x10112x64xf32, #tpu.memory_space<hbm>> -> memref<10112x64xf32, #tpu.memory_space<hbm>>
    %dma_wait3A_188 = arith.constant 0 : i32
    %dma_wait3A_189 = arith.constant 0 : i32
    %dma_wait3A_190 = tpu.memref_slice %dma_wait3A_187[%dma_wait3A_188, %dma_wait3A_189] : memref<10112x64xf32, #tpu.memory_space<hbm>> -> memref<10112x64xf32, #tpu.memory_space<hbm>>
    tpu.wait_indirect_dma semaphore(%arg23 : memref<!tpu.dma_semaphore, #tpu.memory_space<semaphore_mem>>) src(%dma_wait3A_190 : memref<10112x64xf32, #tpu.memory_space<hbm>>) dst(%arg14 : memref<128x64xf32, #tpu.memory_space<vmem>>)
    %run_scoped3A_191 = arith.constant 78 : i32
    "tpu.region"() ({
      %run_scoped3A_398 = tpu.sem_alloc : memref<!tpu.dma_semaphore, #tpu.memory_space<semaphore_mem>>
      %dma_start3A_399 = arith.constant 0 : i32
      %dma_start3A_400 = tpu.memref_slice %arg7[%run_scoped3A_191, %dma_start3A_399] : memref<80x128xi32, #tpu.memory_space<vmem>> -> memref<1x128xi32, #tpu.memory_space<vmem>>
      %dma_start3A_401 = tpu.memref_squeeze %dma_start3A_400 : memref<1x128xi32, #tpu.memory_space<vmem>> -> memref<128xi32, #tpu.memory_space<vmem>>
      %dma_start3A_402 = arith.constant 0 : i32
      %dma_start3A_403 = arith.constant 0 : i32
      %dma_start3A_404 = tpu.memref_slice %arg16[%dma_start3A_402, %dma_start3A_403] : memref<10112x64xf32, #tpu.memory_space<vmem_shared>> -> memref<10112x64xf32, #tpu.memory_space<vmem_shared>>
      tpu.enqueue_indirect_dma source(%arg14 : memref<128x64xf32, #tpu.memory_space<vmem>>) target(%dma_start3A_404 : memref<10112x64xf32, #tpu.memory_space<vmem_shared>>) offsets(%dma_start3A_401 : memref<128xi32, #tpu.memory_space<vmem>>) semaphore(%run_scoped3A_398 : memref<!tpu.dma_semaphore, #tpu.memory_space<semaphore_mem>>) {add = true}
      %dma_wait3A_405 = arith.constant 0 : i32
      %dma_wait3A_406 = tpu.memref_slice %arg7[%run_scoped3A_191, %dma_wait3A_405] : memref<80x128xi32, #tpu.memory_space<vmem>> -> memref<1x128xi32, #tpu.memory_space<vmem>>
      %dma_wait3A_407 = tpu.memref_squeeze %dma_wait3A_406 : memref<1x128xi32, #tpu.memory_space<vmem>> -> memref<128xi32, #tpu.memory_space<vmem>>
      %dma_wait3A_408 = arith.constant 0 : i32
      %dma_wait3A_409 = arith.constant 0 : i32
      %dma_wait3A_410 = tpu.memref_slice %arg16[%dma_wait3A_408, %dma_wait3A_409] : memref<10112x64xf32, #tpu.memory_space<vmem_shared>> -> memref<10112x64xf32, #tpu.memory_space<vmem_shared>>
      tpu.wait_indirect_dma semaphore(%run_scoped3A_398 : memref<!tpu.dma_semaphore, #tpu.memory_space<semaphore_mem>>) src(%arg14 : memref<128x64xf32, #tpu.memory_space<vmem>>) dst(%dma_wait3A_410 : memref<10112x64xf32, #tpu.memory_space<vmem_shared>>)
      tpu.yield
    }) : () -> ()
    %dma_wait3A_192 = arith.constant 79 : i32
    %dma_wait3A_193 = arith.constant 0 : i32
    %dma_wait3A_194 = tpu.memref_slice %arg6[%dma_wait3A_192, %dma_wait3A_193] : memref<80x128xi32, #tpu.memory_space<vmem>> -> memref<1x128xi32, #tpu.memory_space<vmem>>
    %dma_wait3A_195 = tpu.memref_squeeze %dma_wait3A_194 : memref<1x128xi32, #tpu.memory_space<vmem>> -> memref<128xi32, #tpu.memory_space<vmem>>
    %dma_wait3A_196 = arith.constant 0 : i32
    %dma_wait3A_197 = arith.constant 0 : i32
    %dma_wait3A_198 = tpu.memref_slice %arg2[%arg0, %dma_wait3A_196, %dma_wait3A_197] : memref<2x10112x64xf32, #tpu.memory_space<hbm>> -> memref<1x10112x64xf32, #tpu.memory_space<hbm>>
    %dma_wait3A_199 = tpu.memref_squeeze %dma_wait3A_198 : memref<1x10112x64xf32, #tpu.memory_space<hbm>> -> memref<10112x64xf32, #tpu.memory_space<hbm>>
    %dma_wait3A_200 = arith.constant 0 : i32
    %dma_wait3A_201 = arith.constant 0 : i32
    %dma_wait3A_202 = tpu.memref_slice %dma_wait3A_199[%dma_wait3A_200, %dma_wait3A_201] : memref<10112x64xf32, #tpu.memory_space<hbm>> -> memref<10112x64xf32, #tpu.memory_space<hbm>>
    tpu.wait_indirect_dma semaphore(%arg24 : memref<!tpu.dma_semaphore, #tpu.memory_space<semaphore_mem>>) src(%dma_wait3A_202 : memref<10112x64xf32, #tpu.memory_space<hbm>>) dst(%arg15 : memref<128x64xf32, #tpu.memory_space<vmem>>)
    %run_scoped3A_203 = arith.constant 79 : i32
    "tpu.region"() ({
      %run_scoped3A_398 = tpu.sem_alloc : memref<!tpu.dma_semaphore, #tpu.memory_space<semaphore_mem>>
      %dma_start3A_399 = arith.constant 0 : i32
      %dma_start3A_400 = tpu.memref_slice %arg7[%run_scoped3A_203, %dma_start3A_399] : memref<80x128xi32, #tpu.memory_space<vmem>> -> memref<1x128xi32, #tpu.memory_space<vmem>>
      %dma_start3A_401 = tpu.memref_squeeze %dma_start3A_400 : memref<1x128xi32, #tpu.memory_space<vmem>> -> memref<128xi32, #tpu.memory_space<vmem>>
      %dma_start3A_402 = arith.constant 0 : i32
      %dma_start3A_403 = arith.constant 0 : i32
      %dma_start3A_404 = tpu.memref_slice %arg16[%dma_start3A_402, %dma_start3A_403] : memref<10112x64xf32, #tpu.memory_space<vmem_shared>> -> memref<10112x64xf32, #tpu.memory_space<vmem_shared>>
      tpu.enqueue_indirect_dma source(%arg15 : memref<128x64xf32, #tpu.memory_space<vmem>>) target(%dma_start3A_404 : memref<10112x64xf32, #tpu.memory_space<vmem_shared>>) offsets(%dma_start3A_401 : memref<128xi32, #tpu.memory_space<vmem>>) semaphore(%run_scoped3A_398 : memref<!tpu.dma_semaphore, #tpu.memory_space<semaphore_mem>>) {add = true}
      %dma_wait3A_405 = arith.constant 0 : i32
      %dma_wait3A_406 = tpu.memref_slice %arg7[%run_scoped3A_203, %dma_wait3A_405] : memref<80x128xi32, #tpu.memory_space<vmem>> -> memref<1x128xi32, #tpu.memory_space<vmem>>
      %dma_wait3A_407 = tpu.memref_squeeze %dma_wait3A_406 : memref<1x128xi32, #tpu.memory_space<vmem>> -> memref<128xi32, #tpu.memory_space<vmem>>
      %dma_wait3A_408 = arith.constant 0 : i32
      %dma_wait3A_409 = arith.constant 0 : i32
      %dma_wait3A_410 = tpu.memref_slice %arg16[%dma_wait3A_408, %dma_wait3A_409] : memref<10112x64xf32, #tpu.memory_space<vmem_shared>> -> memref<10112x64xf32, #tpu.memory_space<vmem_shared>>
      tpu.wait_indirect_dma semaphore(%run_scoped3A_398 : memref<!tpu.dma_semaphore, #tpu.memory_space<semaphore_mem>>) src(%arg15 : memref<128x64xf32, #tpu.memory_space<vmem>>) dst(%dma_wait3A_410 : memref<10112x64xf32, #tpu.memory_space<vmem_shared>>)
      tpu.yield
    }) : () -> ()
    %mul3A_204 = arith.constant 160 : i32
    %mul3A_205 = arith.muli %arg1, %mul3A_204 : i32
    %add3A_206 = arith.constant 80 : i32
    %add3A_207 = arith.addi %mul3A_205, %add3A_206 : i32
    "tpu.region"() ({
      %run_scoped3A_398 = tpu.sem_alloc : memref<!tpu.dma_semaphore, #tpu.memory_space<semaphore_mem>>
      %dma_start3A_399 = arith.constant 0 : i32
      %dma_start3A_400 = tpu.memref_slice %arg3[%add3A_207, %dma_start3A_399] : memref<2560x128xi32, #tpu.memory_space<hbm>> -> memref<80x128xi32, #tpu.memory_space<hbm>>
      %dma_start3A_401 = arith.constant 0 : i32
      %dma_start3A_402 = tpu.memref_slice %arg3[%add3A_207, %dma_start3A_401] : memref<2560x128xi32, #tpu.memory_space<hbm>> -> memref<80x128xi32, #tpu.memory_space<hbm>>
      tpu.enqueue_dma source(%dma_start3A_402 : memref<80x128xi32, #tpu.memory_space<hbm>>) target(%arg6 : memref<80x128xi32, #tpu.memory_space<vmem>>) target_semaphore(%run_scoped3A_398 : memref<!tpu.dma_semaphore, #tpu.memory_space<semaphore_mem>>)
      %dma_wait3A_403 = arith.constant 0 : i32
      %dma_wait3A_404 = tpu.memref_slice %arg3[%add3A_207, %dma_wait3A_403] : memref<2560x128xi32, #tpu.memory_space<hbm>> -> memref<80x128xi32, #tpu.memory_space<hbm>>
      %dma_wait3A_405 = arith.constant 0 : i32
      %dma_wait3A_406 = tpu.memref_slice %arg3[%add3A_207, %dma_wait3A_405] : memref<2560x128xi32, #tpu.memory_space<hbm>> -> memref<80x128xi32, #tpu.memory_space<hbm>>
      tpu.wait_dma2 semaphore(%run_scoped3A_398 : memref<!tpu.dma_semaphore, #tpu.memory_space<semaphore_mem>>) src(%dma_wait3A_406 : memref<80x128xi32, #tpu.memory_space<hbm>>) dst(%arg6 : memref<80x128xi32, #tpu.memory_space<vmem>>)
      tpu.yield
    }) : () -> ()
    "tpu.region"() ({
      %run_scoped3A_398 = tpu.sem_alloc : memref<!tpu.dma_semaphore, #tpu.memory_space<semaphore_mem>>
      %dma_start3A_399 = arith.constant 0 : i32
      %dma_start3A_400 = tpu.memref_slice %arg4[%add3A_207, %dma_start3A_399] : memref<2560x128xi32, #tpu.memory_space<hbm>> -> memref<80x128xi32, #tpu.memory_space<hbm>>
      %dma_start3A_401 = arith.constant 0 : i32
      %dma_start3A_402 = tpu.memref_slice %arg4[%add3A_207, %dma_start3A_401] : memref<2560x128xi32, #tpu.memory_space<hbm>> -> memref<80x128xi32, #tpu.memory_space<hbm>>
      tpu.enqueue_dma source(%dma_start3A_402 : memref<80x128xi32, #tpu.memory_space<hbm>>) target(%arg7 : memref<80x128xi32, #tpu.memory_space<vmem>>) target_semaphore(%run_scoped3A_398 : memref<!tpu.dma_semaphore, #tpu.memory_space<semaphore_mem>>)
      %dma_wait3A_403 = arith.constant 0 : i32
      %dma_wait3A_404 = tpu.memref_slice %arg4[%add3A_207, %dma_wait3A_403] : memref<2560x128xi32, #tpu.memory_space<hbm>> -> memref<80x128xi32, #tpu.memory_space<hbm>>
      %dma_wait3A_405 = arith.constant 0 : i32
      %dma_wait3A_406 = tpu.memref_slice %arg4[%add3A_207, %dma_wait3A_405] : memref<2560x128xi32, #tpu.memory_space<hbm>> -> memref<80x128xi32, #tpu.memory_space<hbm>>
      tpu.wait_dma2 semaphore(%run_scoped3A_398 : memref<!tpu.dma_semaphore, #tpu.memory_space<semaphore_mem>>) src(%dma_wait3A_406 : memref<80x128xi32, #tpu.memory_space<hbm>>) dst(%arg7 : memref<80x128xi32, #tpu.memory_space<vmem>>)
      tpu.yield
    }) : () -> ()
    %dma_start3A_208 = arith.constant 0 : i32
    %dma_start3A_209 = arith.constant 0 : i32
    %dma_start3A_210 = tpu.memref_slice %arg6[%dma_start3A_208, %dma_start3A_209] : memref<80x128xi32, #tpu.memory_space<vmem>> -> memref<1x128xi32, #tpu.memory_space<vmem>>
    %dma_start3A_211 = tpu.memref_squeeze %dma_start3A_210 : memref<1x128xi32, #tpu.memory_space<vmem>> -> memref<128xi32, #tpu.memory_space<vmem>>
    %dma_start3A_212 = arith.constant 0 : i32
    %dma_start3A_213 = arith.constant 0 : i32
    %dma_start3A_214 = tpu.memref_slice %arg2[%arg0, %dma_start3A_212, %dma_start3A_213] : memref<2x10112x64xf32, #tpu.memory_space<hbm>> -> memref<1x10112x64xf32, #tpu.memory_space<hbm>>
    %dma_start3A_215 = tpu.memref_squeeze %dma_start3A_214 : memref<1x10112x64xf32, #tpu.memory_space<hbm>> -> memref<10112x64xf32, #tpu.memory_space<hbm>>
    %dma_start3A_216 = arith.constant 0 : i32
    %dma_start3A_217 = arith.constant 0 : i32
    %dma_start3A_218 = tpu.memref_slice %dma_start3A_215[%dma_start3A_216, %dma_start3A_217] : memref<10112x64xf32, #tpu.memory_space<hbm>> -> memref<10112x64xf32, #tpu.memory_space<hbm>>
    tpu.enqueue_indirect_dma source(%dma_start3A_218 : memref<10112x64xf32, #tpu.memory_space<hbm>>) target(%arg8 : memref<128x64xf32, #tpu.memory_space<vmem>>) offsets(%dma_start3A_211 : memref<128xi32, #tpu.memory_space<vmem>>) semaphore(%arg17 : memref<!tpu.dma_semaphore, #tpu.memory_space<semaphore_mem>>)
    %dma_start3A_219 = arith.constant 1 : i32
    %dma_start3A_220 = arith.constant 0 : i32
    %dma_start3A_221 = tpu.memref_slice %arg6[%dma_start3A_219, %dma_start3A_220] : memref<80x128xi32, #tpu.memory_space<vmem>> -> memref<1x128xi32, #tpu.memory_space<vmem>>
    %dma_start3A_222 = tpu.memref_squeeze %dma_start3A_221 : memref<1x128xi32, #tpu.memory_space<vmem>> -> memref<128xi32, #tpu.memory_space<vmem>>
    %dma_start3A_223 = arith.constant 0 : i32
    %dma_start3A_224 = arith.constant 0 : i32
    %dma_start3A_225 = tpu.memref_slice %arg2[%arg0, %dma_start3A_223, %dma_start3A_224] : memref<2x10112x64xf32, #tpu.memory_space<hbm>> -> memref<1x10112x64xf32, #tpu.memory_space<hbm>>
    %dma_start3A_226 = tpu.memref_squeeze %dma_start3A_225 : memref<1x10112x64xf32, #tpu.memory_space<hbm>> -> memref<10112x64xf32, #tpu.memory_space<hbm>>
    %dma_start3A_227 = arith.constant 0 : i32
    %dma_start3A_228 = arith.constant 0 : i32
    %dma_start3A_229 = tpu.memref_slice %dma_start3A_226[%dma_start3A_227, %dma_start3A_228] : memref<10112x64xf32, #tpu.memory_space<hbm>> -> memref<10112x64xf32, #tpu.memory_space<hbm>>
    tpu.enqueue_indirect_dma source(%dma_start3A_229 : memref<10112x64xf32, #tpu.memory_space<hbm>>) target(%arg9 : memref<128x64xf32, #tpu.memory_space<vmem>>) offsets(%dma_start3A_222 : memref<128xi32, #tpu.memory_space<vmem>>) semaphore(%arg18 : memref<!tpu.dma_semaphore, #tpu.memory_space<semaphore_mem>>)
    %dma_start3A_230 = arith.constant 2 : i32
    %dma_start3A_231 = arith.constant 0 : i32
    %dma_start3A_232 = tpu.memref_slice %arg6[%dma_start3A_230, %dma_start3A_231] : memref<80x128xi32, #tpu.memory_space<vmem>> -> memref<1x128xi32, #tpu.memory_space<vmem>>
    %dma_start3A_233 = tpu.memref_squeeze %dma_start3A_232 : memref<1x128xi32, #tpu.memory_space<vmem>> -> memref<128xi32, #tpu.memory_space<vmem>>
    %dma_start3A_234 = arith.constant 0 : i32
    %dma_start3A_235 = arith.constant 0 : i32
    %dma_start3A_236 = tpu.memref_slice %arg2[%arg0, %dma_start3A_234, %dma_start3A_235] : memref<2x10112x64xf32, #tpu.memory_space<hbm>> -> memref<1x10112x64xf32, #tpu.memory_space<hbm>>
    %dma_start3A_237 = tpu.memref_squeeze %dma_start3A_236 : memref<1x10112x64xf32, #tpu.memory_space<hbm>> -> memref<10112x64xf32, #tpu.memory_space<hbm>>
    %dma_start3A_238 = arith.constant 0 : i32
    %dma_start3A_239 = arith.constant 0 : i32
    %dma_start3A_240 = tpu.memref_slice %dma_start3A_237[%dma_start3A_238, %dma_start3A_239] : memref<10112x64xf32, #tpu.memory_space<hbm>> -> memref<10112x64xf32, #tpu.memory_space<hbm>>
    tpu.enqueue_indirect_dma source(%dma_start3A_240 : memref<10112x64xf32, #tpu.memory_space<hbm>>) target(%arg10 : memref<128x64xf32, #tpu.memory_space<vmem>>) offsets(%dma_start3A_233 : memref<128xi32, #tpu.memory_space<vmem>>) semaphore(%arg19 : memref<!tpu.dma_semaphore, #tpu.memory_space<semaphore_mem>>)
    %dma_start3A_241 = arith.constant 3 : i32
    %dma_start3A_242 = arith.constant 0 : i32
    %dma_start3A_243 = tpu.memref_slice %arg6[%dma_start3A_241, %dma_start3A_242] : memref<80x128xi32, #tpu.memory_space<vmem>> -> memref<1x128xi32, #tpu.memory_space<vmem>>
    %dma_start3A_244 = tpu.memref_squeeze %dma_start3A_243 : memref<1x128xi32, #tpu.memory_space<vmem>> -> memref<128xi32, #tpu.memory_space<vmem>>
    %dma_start3A_245 = arith.constant 0 : i32
    %dma_start3A_246 = arith.constant 0 : i32
    %dma_start3A_247 = tpu.memref_slice %arg2[%arg0, %dma_start3A_245, %dma_start3A_246] : memref<2x10112x64xf32, #tpu.memory_space<hbm>> -> memref<1x10112x64xf32, #tpu.memory_space<hbm>>
    %dma_start3A_248 = tpu.memref_squeeze %dma_start3A_247 : memref<1x10112x64xf32, #tpu.memory_space<hbm>> -> memref<10112x64xf32, #tpu.memory_space<hbm>>
    %dma_start3A_249 = arith.constant 0 : i32
    %dma_start3A_250 = arith.constant 0 : i32
    %dma_start3A_251 = tpu.memref_slice %dma_start3A_248[%dma_start3A_249, %dma_start3A_250] : memref<10112x64xf32, #tpu.memory_space<hbm>> -> memref<10112x64xf32, #tpu.memory_space<hbm>>
    tpu.enqueue_indirect_dma source(%dma_start3A_251 : memref<10112x64xf32, #tpu.memory_space<hbm>>) target(%arg11 : memref<128x64xf32, #tpu.memory_space<vmem>>) offsets(%dma_start3A_244 : memref<128xi32, #tpu.memory_space<vmem>>) semaphore(%arg20 : memref<!tpu.dma_semaphore, #tpu.memory_space<semaphore_mem>>)
    %dma_start3A_252 = arith.constant 4 : i32
    %dma_start3A_253 = arith.constant 0 : i32
    %dma_start3A_254 = tpu.memref_slice %arg6[%dma_start3A_252, %dma_start3A_253] : memref<80x128xi32, #tpu.memory_space<vmem>> -> memref<1x128xi32, #tpu.memory_space<vmem>>
    %dma_start3A_255 = tpu.memref_squeeze %dma_start3A_254 : memref<1x128xi32, #tpu.memory_space<vmem>> -> memref<128xi32, #tpu.memory_space<vmem>>
    %dma_start3A_256 = arith.constant 0 : i32
    %dma_start3A_257 = arith.constant 0 : i32
    %dma_start3A_258 = tpu.memref_slice %arg2[%arg0, %dma_start3A_256, %dma_start3A_257] : memref<2x10112x64xf32, #tpu.memory_space<hbm>> -> memref<1x10112x64xf32, #tpu.memory_space<hbm>>
    %dma_start3A_259 = tpu.memref_squeeze %dma_start3A_258 : memref<1x10112x64xf32, #tpu.memory_space<hbm>> -> memref<10112x64xf32, #tpu.memory_space<hbm>>
    %dma_start3A_260 = arith.constant 0 : i32
    %dma_start3A_261 = arith.constant 0 : i32
    %dma_start3A_262 = tpu.memref_slice %dma_start3A_259[%dma_start3A_260, %dma_start3A_261] : memref<10112x64xf32, #tpu.memory_space<hbm>> -> memref<10112x64xf32, #tpu.memory_space<hbm>>
    tpu.enqueue_indirect_dma source(%dma_start3A_262 : memref<10112x64xf32, #tpu.memory_space<hbm>>) target(%arg12 : memref<128x64xf32, #tpu.memory_space<vmem>>) offsets(%dma_start3A_255 : memref<128xi32, #tpu.memory_space<vmem>>) semaphore(%arg21 : memref<!tpu.dma_semaphore, #tpu.memory_space<semaphore_mem>>)
    %dma_start3A_263 = arith.constant 5 : i32
    %dma_start3A_264 = arith.constant 0 : i32
    %dma_start3A_265 = tpu.memref_slice %arg6[%dma_start3A_263, %dma_start3A_264] : memref<80x128xi32, #tpu.memory_space<vmem>> -> memref<1x128xi32, #tpu.memory_space<vmem>>
    %dma_start3A_266 = tpu.memref_squeeze %dma_start3A_265 : memref<1x128xi32, #tpu.memory_space<vmem>> -> memref<128xi32, #tpu.memory_space<vmem>>
    %dma_start3A_267 = arith.constant 0 : i32
    %dma_start3A_268 = arith.constant 0 : i32
    %dma_start3A_269 = tpu.memref_slice %arg2[%arg0, %dma_start3A_267, %dma_start3A_268] : memref<2x10112x64xf32, #tpu.memory_space<hbm>> -> memref<1x10112x64xf32, #tpu.memory_space<hbm>>
    %dma_start3A_270 = tpu.memref_squeeze %dma_start3A_269 : memref<1x10112x64xf32, #tpu.memory_space<hbm>> -> memref<10112x64xf32, #tpu.memory_space<hbm>>
    %dma_start3A_271 = arith.constant 0 : i32
    %dma_start3A_272 = arith.constant 0 : i32
    %dma_start3A_273 = tpu.memref_slice %dma_start3A_270[%dma_start3A_271, %dma_start3A_272] : memref<10112x64xf32, #tpu.memory_space<hbm>> -> memref<10112x64xf32, #tpu.memory_space<hbm>>
    tpu.enqueue_indirect_dma source(%dma_start3A_273 : memref<10112x64xf32, #tpu.memory_space<hbm>>) target(%arg13 : memref<128x64xf32, #tpu.memory_space<vmem>>) offsets(%dma_start3A_266 : memref<128xi32, #tpu.memory_space<vmem>>) semaphore(%arg22 : memref<!tpu.dma_semaphore, #tpu.memory_space<semaphore_mem>>)
    %dma_start3A_274 = arith.constant 6 : i32
    %dma_start3A_275 = arith.constant 0 : i32
    %dma_start3A_276 = tpu.memref_slice %arg6[%dma_start3A_274, %dma_start3A_275] : memref<80x128xi32, #tpu.memory_space<vmem>> -> memref<1x128xi32, #tpu.memory_space<vmem>>
    %dma_start3A_277 = tpu.memref_squeeze %dma_start3A_276 : memref<1x128xi32, #tpu.memory_space<vmem>> -> memref<128xi32, #tpu.memory_space<vmem>>
    %dma_start3A_278 = arith.constant 0 : i32
    %dma_start3A_279 = arith.constant 0 : i32
    %dma_start3A_280 = tpu.memref_slice %arg2[%arg0, %dma_start3A_278, %dma_start3A_279] : memref<2x10112x64xf32, #tpu.memory_space<hbm>> -> memref<1x10112x64xf32, #tpu.memory_space<hbm>>
    %dma_start3A_281 = tpu.memref_squeeze %dma_start3A_280 : memref<1x10112x64xf32, #tpu.memory_space<hbm>> -> memref<10112x64xf32, #tpu.memory_space<hbm>>
    %dma_start3A_282 = arith.constant 0 : i32
    %dma_start3A_283 = arith.constant 0 : i32
    %dma_start3A_284 = tpu.memref_slice %dma_start3A_281[%dma_start3A_282, %dma_start3A_283] : memref<10112x64xf32, #tpu.memory_space<hbm>> -> memref<10112x64xf32, #tpu.memory_space<hbm>>
    tpu.enqueue_indirect_dma source(%dma_start3A_284 : memref<10112x64xf32, #tpu.memory_space<hbm>>) target(%arg14 : memref<128x64xf32, #tpu.memory_space<vmem>>) offsets(%dma_start3A_277 : memref<128xi32, #tpu.memory_space<vmem>>) semaphore(%arg23 : memref<!tpu.dma_semaphore, #tpu.memory_space<semaphore_mem>>)
    %dma_start3A_285 = arith.constant 7 : i32
    %dma_start3A_286 = arith.constant 0 : i32
    %dma_start3A_287 = tpu.memref_slice %arg6[%dma_start3A_285, %dma_start3A_286] : memref<80x128xi32, #tpu.memory_space<vmem>> -> memref<1x128xi32, #tpu.memory_space<vmem>>
    %dma_start3A_288 = tpu.memref_squeeze %dma_start3A_287 : memref<1x128xi32, #tpu.memory_space<vmem>> -> memref<128xi32, #tpu.memory_space<vmem>>
    %dma_start3A_289 = arith.constant 0 : i32
    %dma_start3A_290 = arith.constant 0 : i32
    %dma_start3A_291 = tpu.memref_slice %arg2[%arg0, %dma_start3A_289, %dma_start3A_290] : memref<2x10112x64xf32, #tpu.memory_space<hbm>> -> memref<1x10112x64xf32, #tpu.memory_space<hbm>>
    %dma_start3A_292 = tpu.memref_squeeze %dma_start3A_291 : memref<1x10112x64xf32, #tpu.memory_space<hbm>> -> memref<10112x64xf32, #tpu.memory_space<hbm>>
    %dma_start3A_293 = arith.constant 0 : i32
    %dma_start3A_294 = arith.constant 0 : i32
    %dma_start3A_295 = tpu.memref_slice %dma_start3A_292[%dma_start3A_293, %dma_start3A_294] : memref<10112x64xf32, #tpu.memory_space<hbm>> -> memref<10112x64xf32, #tpu.memory_space<hbm>>
    tpu.enqueue_indirect_dma source(%dma_start3A_295 : memref<10112x64xf32, #tpu.memory_space<hbm>>) target(%arg15 : memref<128x64xf32, #tpu.memory_space<vmem>>) offsets(%dma_start3A_288 : memref<128xi32, #tpu.memory_space<vmem>>) semaphore(%arg24 : memref<!tpu.dma_semaphore, #tpu.memory_space<semaphore_mem>>)
    %scan3A_296 = arith.constant 0 : i32
    %scan3A_297 = arith.constant 9 : i32
    %scan3A_298 = arith.addi %scan3A_296, %scan3A_297 : i32
    %scan3A_299 = arith.constant 1 : i32
    scf.for %scan3A_398 = %scan3A_296 to %scan3A_298 step %scan3A_299  : i32 {
      %mul3A_399 = arith.constant 1 : i32
      %mul3A_400 = arith.muli %scan3A_398, %mul3A_399 : i32
      %add3A_401 = arith.constant 0 : i32
      %add3A_402 = arith.addi %add3A_401, %mul3A_400 : i32
      %mul3A_403 = arith.constant 8 : i32
      %mul3A_404 = arith.muli %add3A_402, %mul3A_403 : i32
      %add3A_405 = arith.constant 0 : i32
      %add3A_406 = arith.addi %mul3A_404, %add3A_405 : i32
      %dma_wait3A_407 = arith.constant 0 : i32
      %dma_wait3A_408 = tpu.memref_slice %arg6[%add3A_406, %dma_wait3A_407] : memref<80x128xi32, #tpu.memory_space<vmem>> -> memref<1x128xi32, #tpu.memory_space<vmem>>
      %dma_wait3A_409 = tpu.memref_squeeze %dma_wait3A_408 : memref<1x128xi32, #tpu.memory_space<vmem>> -> memref<128xi32, #tpu.memory_space<vmem>>
      %dma_wait3A_410 = arith.constant 0 : i32
      %dma_wait3A_411 = arith.constant 0 : i32
      %dma_wait3A_412 = tpu.memref_slice %arg2[%arg0, %dma_wait3A_410, %dma_wait3A_411] : memref<2x10112x64xf32, #tpu.memory_space<hbm>> -> memref<1x10112x64xf32, #tpu.memory_space<hbm>>
      %dma_wait3A_413 = tpu.memref_squeeze %dma_wait3A_412 : memref<1x10112x64xf32, #tpu.memory_space<hbm>> -> memref<10112x64xf32, #tpu.memory_space<hbm>>
      %dma_wait3A_414 = arith.constant 0 : i32
      %dma_wait3A_415 = arith.constant 0 : i32
      %dma_wait3A_416 = tpu.memref_slice %dma_wait3A_413[%dma_wait3A_414, %dma_wait3A_415] : memref<10112x64xf32, #tpu.memory_space<hbm>> -> memref<10112x64xf32, #tpu.memory_space<hbm>>
      tpu.wait_indirect_dma semaphore(%arg17 : memref<!tpu.dma_semaphore, #tpu.memory_space<semaphore_mem>>) src(%dma_wait3A_416 : memref<10112x64xf32, #tpu.memory_space<hbm>>) dst(%arg8 : memref<128x64xf32, #tpu.memory_space<vmem>>)
      "tpu.region"() ({
        %run_scoped3A_611 = tpu.sem_alloc : memref<!tpu.dma_semaphore, #tpu.memory_space<semaphore_mem>>
        %dma_start3A_612 = arith.constant 0 : i32
        %dma_start3A_613 = tpu.memref_slice %arg7[%add3A_406, %dma_start3A_612] : memref<80x128xi32, #tpu.memory_space<vmem>> -> memref<1x128xi32, #tpu.memory_space<vmem>>
        %dma_start3A_614 = tpu.memref_squeeze %dma_start3A_613 : memref<1x128xi32, #tpu.memory_space<vmem>> -> memref<128xi32, #tpu.memory_space<vmem>>
        %dma_start3A_615 = arith.constant 0 : i32
        %dma_start3A_616 = arith.constant 0 : i32
        %dma_start3A_617 = tpu.memref_slice %arg16[%dma_start3A_615, %dma_start3A_616] : memref<10112x64xf32, #tpu.memory_space<vmem_shared>> -> memref<10112x64xf32, #tpu.memory_space<vmem_shared>>
        tpu.enqueue_indirect_dma source(%arg8 : memref<128x64xf32, #tpu.memory_space<vmem>>) target(%dma_start3A_617 : memref<10112x64xf32, #tpu.memory_space<vmem_shared>>) offsets(%dma_start3A_614 : memref<128xi32, #tpu.memory_space<vmem>>) semaphore(%run_scoped3A_611 : memref<!tpu.dma_semaphore, #tpu.memory_space<semaphore_mem>>) {add = true}
        %dma_wait3A_618 = arith.constant 0 : i32
        %dma_wait3A_619 = tpu.memref_slice %arg7[%add3A_406, %dma_wait3A_618] : memref<80x128xi32, #tpu.memory_space<vmem>> -> memref<1x128xi32, #tpu.memory_space<vmem>>
        %dma_wait3A_620 = tpu.memref_squeeze %dma_wait3A_619 : memref<1x128xi32, #tpu.memory_space<vmem>> -> memref<128xi32, #tpu.memory_space<vmem>>
        %dma_wait3A_621 = arith.constant 0 : i32
        %dma_wait3A_622 = arith.constant 0 : i32
        %dma_wait3A_623 = tpu.memref_slice %arg16[%dma_wait3A_621, %dma_wait3A_622] : memref<10112x64xf32, #tpu.memory_space<vmem_shared>> -> memref<10112x64xf32, #tpu.memory_space<vmem_shared>>
        tpu.wait_indirect_dma semaphore(%run_scoped3A_611 : memref<!tpu.dma_semaphore, #tpu.memory_space<semaphore_mem>>) src(%arg8 : memref<128x64xf32, #tpu.memory_space<vmem>>) dst(%dma_wait3A_623 : memref<10112x64xf32, #tpu.memory_space<vmem_shared>>)
        tpu.yield
      }) : () -> ()
      %add3A_417 = arith.constant 8 : i32
      %add3A_418 = arith.addi %add3A_406, %add3A_417 : i32
      %dma_start3A_419 = arith.constant 0 : i32
      %dma_start3A_420 = tpu.memref_slice %arg6[%add3A_418, %dma_start3A_419] : memref<80x128xi32, #tpu.memory_space<vmem>> -> memref<1x128xi32, #tpu.memory_space<vmem>>
      %dma_start3A_421 = tpu.memref_squeeze %dma_start3A_420 : memref<1x128xi32, #tpu.memory_space<vmem>> -> memref<128xi32, #tpu.memory_space<vmem>>
      %dma_start3A_422 = arith.constant 0 : i32
      %dma_start3A_423 = arith.constant 0 : i32
      %dma_start3A_424 = tpu.memref_slice %arg2[%arg0, %dma_start3A_422, %dma_start3A_423] : memref<2x10112x64xf32, #tpu.memory_space<hbm>> -> memref<1x10112x64xf32, #tpu.memory_space<hbm>>
      %dma_start3A_425 = tpu.memref_squeeze %dma_start3A_424 : memref<1x10112x64xf32, #tpu.memory_space<hbm>> -> memref<10112x64xf32, #tpu.memory_space<hbm>>
      %dma_start3A_426 = arith.constant 0 : i32
      %dma_start3A_427 = arith.constant 0 : i32
      %dma_start3A_428 = tpu.memref_slice %dma_start3A_425[%dma_start3A_426, %dma_start3A_427] : memref<10112x64xf32, #tpu.memory_space<hbm>> -> memref<10112x64xf32, #tpu.memory_space<hbm>>
      tpu.enqueue_indirect_dma source(%dma_start3A_428 : memref<10112x64xf32, #tpu.memory_space<hbm>>) target(%arg8 : memref<128x64xf32, #tpu.memory_space<vmem>>) offsets(%dma_start3A_421 : memref<128xi32, #tpu.memory_space<vmem>>) semaphore(%arg17 : memref<!tpu.dma_semaphore, #tpu.memory_space<semaphore_mem>>)
      %mul3A_429 = arith.constant 8 : i32
      %mul3A_430 = arith.muli %add3A_402, %mul3A_429 : i32
      %add3A_431 = arith.constant 1 : i32
      %add3A_432 = arith.addi %mul3A_430, %add3A_431 : i32
      %dma_wait3A_433 = arith.constant 0 : i32
      %dma_wait3A_434 = tpu.memref_slice %arg6[%add3A_432, %dma_wait3A_433] : memref<80x128xi32, #tpu.memory_space<vmem>> -> memref<1x128xi32, #tpu.memory_space<vmem>>
      %dma_wait3A_435 = tpu.memref_squeeze %dma_wait3A_434 : memref<1x128xi32, #tpu.memory_space<vmem>> -> memref<128xi32, #tpu.memory_space<vmem>>
      %dma_wait3A_436 = arith.constant 0 : i32
      %dma_wait3A_437 = arith.constant 0 : i32
      %dma_wait3A_438 = tpu.memref_slice %arg2[%arg0, %dma_wait3A_436, %dma_wait3A_437] : memref<2x10112x64xf32, #tpu.memory_space<hbm>> -> memref<1x10112x64xf32, #tpu.memory_space<hbm>>
      %dma_wait3A_439 = tpu.memref_squeeze %dma_wait3A_438 : memref<1x10112x64xf32, #tpu.memory_space<hbm>> -> memref<10112x64xf32, #tpu.memory_space<hbm>>
      %dma_wait3A_440 = arith.constant 0 : i32
      %dma_wait3A_441 = arith.constant 0 : i32
      %dma_wait3A_442 = tpu.memref_slice %dma_wait3A_439[%dma_wait3A_440, %dma_wait3A_441] : memref<10112x64xf32, #tpu.memory_space<hbm>> -> memref<10112x64xf32, #tpu.memory_space<hbm>>
      tpu.wait_indirect_dma semaphore(%arg18 : memref<!tpu.dma_semaphore, #tpu.memory_space<semaphore_mem>>) src(%dma_wait3A_442 : memref<10112x64xf32, #tpu.memory_space<hbm>>) dst(%arg9 : memref<128x64xf32, #tpu.memory_space<vmem>>)
      "tpu.region"() ({
        %run_scoped3A_611 = tpu.sem_alloc : memref<!tpu.dma_semaphore, #tpu.memory_space<semaphore_mem>>
        %dma_start3A_612 = arith.constant 0 : i32
        %dma_start3A_613 = tpu.memref_slice %arg7[%add3A_432, %dma_start3A_612] : memref<80x128xi32, #tpu.memory_space<vmem>> -> memref<1x128xi32, #tpu.memory_space<vmem>>
        %dma_start3A_614 = tpu.memref_squeeze %dma_start3A_613 : memref<1x128xi32, #tpu.memory_space<vmem>> -> memref<128xi32, #tpu.memory_space<vmem>>
        %dma_start3A_615 = arith.constant 0 : i32
        %dma_start3A_616 = arith.constant 0 : i32
        %dma_start3A_617 = tpu.memref_slice %arg16[%dma_start3A_615, %dma_start3A_616] : memref<10112x64xf32, #tpu.memory_space<vmem_shared>> -> memref<10112x64xf32, #tpu.memory_space<vmem_shared>>
        tpu.enqueue_indirect_dma source(%arg9 : memref<128x64xf32, #tpu.memory_space<vmem>>) target(%dma_start3A_617 : memref<10112x64xf32, #tpu.memory_space<vmem_shared>>) offsets(%dma_start3A_614 : memref<128xi32, #tpu.memory_space<vmem>>) semaphore(%run_scoped3A_611 : memref<!tpu.dma_semaphore, #tpu.memory_space<semaphore_mem>>) {add = true}
        %dma_wait3A_618 = arith.constant 0 : i32
        %dma_wait3A_619 = tpu.memref_slice %arg7[%add3A_432, %dma_wait3A_618] : memref<80x128xi32, #tpu.memory_space<vmem>> -> memref<1x128xi32, #tpu.memory_space<vmem>>
        %dma_wait3A_620 = tpu.memref_squeeze %dma_wait3A_619 : memref<1x128xi32, #tpu.memory_space<vmem>> -> memref<128xi32, #tpu.memory_space<vmem>>
        %dma_wait3A_621 = arith.constant 0 : i32
        %dma_wait3A_622 = arith.constant 0 : i32
        %dma_wait3A_623 = tpu.memref_slice %arg16[%dma_wait3A_621, %dma_wait3A_622] : memref<10112x64xf32, #tpu.memory_space<vmem_shared>> -> memref<10112x64xf32, #tpu.memory_space<vmem_shared>>
        tpu.wait_indirect_dma semaphore(%run_scoped3A_611 : memref<!tpu.dma_semaphore, #tpu.memory_space<semaphore_mem>>) src(%arg9 : memref<128x64xf32, #tpu.memory_space<vmem>>) dst(%dma_wait3A_623 : memref<10112x64xf32, #tpu.memory_space<vmem_shared>>)
        tpu.yield
      }) : () -> ()
      %add3A_443 = arith.constant 8 : i32
      %add3A_444 = arith.addi %add3A_432, %add3A_443 : i32
      %dma_start3A_445 = arith.constant 0 : i32
      %dma_start3A_446 = tpu.memref_slice %arg6[%add3A_444, %dma_start3A_445] : memref<80x128xi32, #tpu.memory_space<vmem>> -> memref<1x128xi32, #tpu.memory_space<vmem>>
      %dma_start3A_447 = tpu.memref_squeeze %dma_start3A_446 : memref<1x128xi32, #tpu.memory_space<vmem>> -> memref<128xi32, #tpu.memory_space<vmem>>
      %dma_start3A_448 = arith.constant 0 : i32
      %dma_start3A_449 = arith.constant 0 : i32
      %dma_start3A_450 = tpu.memref_slice %arg2[%arg0, %dma_start3A_448, %dma_start3A_449] : memref<2x10112x64xf32, #tpu.memory_space<hbm>> -> memref<1x10112x64xf32, #tpu.memory_space<hbm>>
      %dma_start3A_451 = tpu.memref_squeeze %dma_start3A_450 : memref<1x10112x64xf32, #tpu.memory_space<hbm>> -> memref<10112x64xf32, #tpu.memory_space<hbm>>
      %dma_start3A_452 = arith.constant 0 : i32
      %dma_start3A_453 = arith.constant 0 : i32
      %dma_start3A_454 = tpu.memref_slice %dma_start3A_451[%dma_start3A_452, %dma_start3A_453] : memref<10112x64xf32, #tpu.memory_space<hbm>> -> memref<10112x64xf32, #tpu.memory_space<hbm>>
      tpu.enqueue_indirect_dma source(%dma_start3A_454 : memref<10112x64xf32, #tpu.memory_space<hbm>>) target(%arg9 : memref<128x64xf32, #tpu.memory_space<vmem>>) offsets(%dma_start3A_447 : memref<128xi32, #tpu.memory_space<vmem>>) semaphore(%arg18 : memref<!tpu.dma_semaphore, #tpu.memory_space<semaphore_mem>>)
      %mul3A_455 = arith.constant 8 : i32
      %mul3A_456 = arith.muli %add3A_402, %mul3A_455 : i32
      %add3A_457 = arith.constant 2 : i32
      %add3A_458 = arith.addi %mul3A_456, %add3A_457 : i32
      %dma_wait3A_459 = arith.constant 0 : i32
      %dma_wait3A_460 = tpu.memref_slice %arg6[%add3A_458, %dma_wait3A_459] : memref<80x128xi32, #tpu.memory_space<vmem>> -> memref<1x128xi32, #tpu.memory_space<vmem>>
      %dma_wait3A_461 = tpu.memref_squeeze %dma_wait3A_460 : memref<1x128xi32, #tpu.memory_space<vmem>> -> memref<128xi32, #tpu.memory_space<vmem>>
      %dma_wait3A_462 = arith.constant 0 : i32
      %dma_wait3A_463 = arith.constant 0 : i32
      %dma_wait3A_464 = tpu.memref_slice %arg2[%arg0, %dma_wait3A_462, %dma_wait3A_463] : memref<2x10112x64xf32, #tpu.memory_space<hbm>> -> memref<1x10112x64xf32, #tpu.memory_space<hbm>>
      %dma_wait3A_465 = tpu.memref_squeeze %dma_wait3A_464 : memref<1x10112x64xf32, #tpu.memory_space<hbm>> -> memref<10112x64xf32, #tpu.memory_space<hbm>>
      %dma_wait3A_466 = arith.constant 0 : i32
      %dma_wait3A_467 = arith.constant 0 : i32
      %dma_wait3A_468 = tpu.memref_slice %dma_wait3A_465[%dma_wait3A_466, %dma_wait3A_467] : memref<10112x64xf32, #tpu.memory_space<hbm>> -> memref<10112x64xf32, #tpu.memory_space<hbm>>
      tpu.wait_indirect_dma semaphore(%arg19 : memref<!tpu.dma_semaphore, #tpu.memory_space<semaphore_mem>>) src(%dma_wait3A_468 : memref<10112x64xf32, #tpu.memory_space<hbm>>) dst(%arg10 : memref<128x64xf32, #tpu.memory_space<vmem>>)
      "tpu.region"() ({
        %run_scoped3A_611 = tpu.sem_alloc : memref<!tpu.dma_semaphore, #tpu.memory_space<semaphore_mem>>
        %dma_start3A_612 = arith.constant 0 : i32
        %dma_start3A_613 = tpu.memref_slice %arg7[%add3A_458, %dma_start3A_612] : memref<80x128xi32, #tpu.memory_space<vmem>> -> memref<1x128xi32, #tpu.memory_space<vmem>>
        %dma_start3A_614 = tpu.memref_squeeze %dma_start3A_613 : memref<1x128xi32, #tpu.memory_space<vmem>> -> memref<128xi32, #tpu.memory_space<vmem>>
        %dma_start3A_615 = arith.constant 0 : i32
        %dma_start3A_616 = arith.constant 0 : i32
        %dma_start3A_617 = tpu.memref_slice %arg16[%dma_start3A_615, %dma_start3A_616] : memref<10112x64xf32, #tpu.memory_space<vmem_shared>> -> memref<10112x64xf32, #tpu.memory_space<vmem_shared>>
        tpu.enqueue_indirect_dma source(%arg10 : memref<128x64xf32, #tpu.memory_space<vmem>>) target(%dma_start3A_617 : memref<10112x64xf32, #tpu.memory_space<vmem_shared>>) offsets(%dma_start3A_614 : memref<128xi32, #tpu.memory_space<vmem>>) semaphore(%run_scoped3A_611 : memref<!tpu.dma_semaphore, #tpu.memory_space<semaphore_mem>>) {add = true}
        %dma_wait3A_618 = arith.constant 0 : i32
        %dma_wait3A_619 = tpu.memref_slice %arg7[%add3A_458, %dma_wait3A_618] : memref<80x128xi32, #tpu.memory_space<vmem>> -> memref<1x128xi32, #tpu.memory_space<vmem>>
        %dma_wait3A_620 = tpu.memref_squeeze %dma_wait3A_619 : memref<1x128xi32, #tpu.memory_space<vmem>> -> memref<128xi32, #tpu.memory_space<vmem>>
        %dma_wait3A_621 = arith.constant 0 : i32
        %dma_wait3A_622 = arith.constant 0 : i32
        %dma_wait3A_623 = tpu.memref_slice %arg16[%dma_wait3A_621, %dma_wait3A_622] : memref<10112x64xf32, #tpu.memory_space<vmem_shared>> -> memref<10112x64xf32, #tpu.memory_space<vmem_shared>>
        tpu.wait_indirect_dma semaphore(%run_scoped3A_611 : memref<!tpu.dma_semaphore, #tpu.memory_space<semaphore_mem>>) src(%arg10 : memref<128x64xf32, #tpu.memory_space<vmem>>) dst(%dma_wait3A_623 : memref<10112x64xf32, #tpu.memory_space<vmem_shared>>)
        tpu.yield
      }) : () -> ()
      %add3A_469 = arith.constant 8 : i32
      %add3A_470 = arith.addi %add3A_458, %add3A_469 : i32
      %dma_start3A_471 = arith.constant 0 : i32
      %dma_start3A_472 = tpu.memref_slice %arg6[%add3A_470, %dma_start3A_471] : memref<80x128xi32, #tpu.memory_space<vmem>> -> memref<1x128xi32, #tpu.memory_space<vmem>>
      %dma_start3A_473 = tpu.memref_squeeze %dma_start3A_472 : memref<1x128xi32, #tpu.memory_space<vmem>> -> memref<128xi32, #tpu.memory_space<vmem>>
      %dma_start3A_474 = arith.constant 0 : i32
      %dma_start3A_475 = arith.constant 0 : i32
      %dma_start3A_476 = tpu.memref_slice %arg2[%arg0, %dma_start3A_474, %dma_start3A_475] : memref<2x10112x64xf32, #tpu.memory_space<hbm>> -> memref<1x10112x64xf32, #tpu.memory_space<hbm>>
      %dma_start3A_477 = tpu.memref_squeeze %dma_start3A_476 : memref<1x10112x64xf32, #tpu.memory_space<hbm>> -> memref<10112x64xf32, #tpu.memory_space<hbm>>
      %dma_start3A_478 = arith.constant 0 : i32
      %dma_start3A_479 = arith.constant 0 : i32
      %dma_start3A_480 = tpu.memref_slice %dma_start3A_477[%dma_start3A_478, %dma_start3A_479] : memref<10112x64xf32, #tpu.memory_space<hbm>> -> memref<10112x64xf32, #tpu.memory_space<hbm>>
      tpu.enqueue_indirect_dma source(%dma_start3A_480 : memref<10112x64xf32, #tpu.memory_space<hbm>>) target(%arg10 : memref<128x64xf32, #tpu.memory_space<vmem>>) offsets(%dma_start3A_473 : memref<128xi32, #tpu.memory_space<vmem>>) semaphore(%arg19 : memref<!tpu.dma_semaphore, #tpu.memory_space<semaphore_mem>>)
      %mul3A_481 = arith.constant 8 : i32
      %mul3A_482 = arith.muli %add3A_402, %mul3A_481 : i32
      %add3A_483 = arith.constant 3 : i32
      %add3A_484 = arith.addi %mul3A_482, %add3A_483 : i32
      %dma_wait3A_485 = arith.constant 0 : i32
      %dma_wait3A_486 = tpu.memref_slice %arg6[%add3A_484, %dma_wait3A_485] : memref<80x128xi32, #tpu.memory_space<vmem>> -> memref<1x128xi32, #tpu.memory_space<vmem>>
      %dma_wait3A_487 = tpu.memref_squeeze %dma_wait3A_486 : memref<1x128xi32, #tpu.memory_space<vmem>> -> memref<128xi32, #tpu.memory_space<vmem>>
      %dma_wait3A_488 = arith.constant 0 : i32
      %dma_wait3A_489 = arith.constant 0 : i32
      %dma_wait3A_490 = tpu.memref_slice %arg2[%arg0, %dma_wait3A_488, %dma_wait3A_489] : memref<2x10112x64xf32, #tpu.memory_space<hbm>> -> memref<1x10112x64xf32, #tpu.memory_space<hbm>>
      %dma_wait3A_491 = tpu.memref_squeeze %dma_wait3A_490 : memref<1x10112x64xf32, #tpu.memory_space<hbm>> -> memref<10112x64xf32, #tpu.memory_space<hbm>>
      %dma_wait3A_492 = arith.constant 0 : i32
      %dma_wait3A_493 = arith.constant 0 : i32
      %dma_wait3A_494 = tpu.memref_slice %dma_wait3A_491[%dma_wait3A_492, %dma_wait3A_493] : memref<10112x64xf32, #tpu.memory_space<hbm>> -> memref<10112x64xf32, #tpu.memory_space<hbm>>
      tpu.wait_indirect_dma semaphore(%arg20 : memref<!tpu.dma_semaphore, #tpu.memory_space<semaphore_mem>>) src(%dma_wait3A_494 : memref<10112x64xf32, #tpu.memory_space<hbm>>) dst(%arg11 : memref<128x64xf32, #tpu.memory_space<vmem>>)
      "tpu.region"() ({
        %run_scoped3A_611 = tpu.sem_alloc : memref<!tpu.dma_semaphore, #tpu.memory_space<semaphore_mem>>
        %dma_start3A_612 = arith.constant 0 : i32
        %dma_start3A_613 = tpu.memref_slice %arg7[%add3A_484, %dma_start3A_612] : memref<80x128xi32, #tpu.memory_space<vmem>> -> memref<1x128xi32, #tpu.memory_space<vmem>>
        %dma_start3A_614 = tpu.memref_squeeze %dma_start3A_613 : memref<1x128xi32, #tpu.memory_space<vmem>> -> memref<128xi32, #tpu.memory_space<vmem>>
        %dma_start3A_615 = arith.constant 0 : i32
        %dma_start3A_616 = arith.constant 0 : i32
        %dma_start3A_617 = tpu.memref_slice %arg16[%dma_start3A_615, %dma_start3A_616] : memref<10112x64xf32, #tpu.memory_space<vmem_shared>> -> memref<10112x64xf32, #tpu.memory_space<vmem_shared>>
        tpu.enqueue_indirect_dma source(%arg11 : memref<128x64xf32, #tpu.memory_space<vmem>>) target(%dma_start3A_617 : memref<10112x64xf32, #tpu.memory_space<vmem_shared>>) offsets(%dma_start3A_614 : memref<128xi32, #tpu.memory_space<vmem>>) semaphore(%run_scoped3A_611 : memref<!tpu.dma_semaphore, #tpu.memory_space<semaphore_mem>>) {add = true}
        %dma_wait3A_618 = arith.constant 0 : i32
        %dma_wait3A_619 = tpu.memref_slice %arg7[%add3A_484, %dma_wait3A_618] : memref<80x128xi32, #tpu.memory_space<vmem>> -> memref<1x128xi32, #tpu.memory_space<vmem>>
        %dma_wait3A_620 = tpu.memref_squeeze %dma_wait3A_619 : memref<1x128xi32, #tpu.memory_space<vmem>> -> memref<128xi32, #tpu.memory_space<vmem>>
        %dma_wait3A_621 = arith.constant 0 : i32
        %dma_wait3A_622 = arith.constant 0 : i32
        %dma_wait3A_623 = tpu.memref_slice %arg16[%dma_wait3A_621, %dma_wait3A_622] : memref<10112x64xf32, #tpu.memory_space<vmem_shared>> -> memref<10112x64xf32, #tpu.memory_space<vmem_shared>>
        tpu.wait_indirect_dma semaphore(%run_scoped3A_611 : memref<!tpu.dma_semaphore, #tpu.memory_space<semaphore_mem>>) src(%arg11 : memref<128x64xf32, #tpu.memory_space<vmem>>) dst(%dma_wait3A_623 : memref<10112x64xf32, #tpu.memory_space<vmem_shared>>)
        tpu.yield
      }) : () -> ()
      %add3A_495 = arith.constant 8 : i32
      %add3A_496 = arith.addi %add3A_484, %add3A_495 : i32
      %dma_start3A_497 = arith.constant 0 : i32
      %dma_start3A_498 = tpu.memref_slice %arg6[%add3A_496, %dma_start3A_497] : memref<80x128xi32, #tpu.memory_space<vmem>> -> memref<1x128xi32, #tpu.memory_space<vmem>>
      %dma_start3A_499 = tpu.memref_squeeze %dma_start3A_498 : memref<1x128xi32, #tpu.memory_space<vmem>> -> memref<128xi32, #tpu.memory_space<vmem>>
      %dma_start3A_500 = arith.constant 0 : i32
      %dma_start3A_501 = arith.constant 0 : i32
      %dma_start3A_502 = tpu.memref_slice %arg2[%arg0, %dma_start3A_500, %dma_start3A_501] : memref<2x10112x64xf32, #tpu.memory_space<hbm>> -> memref<1x10112x64xf32, #tpu.memory_space<hbm>>
      %dma_start3A_503 = tpu.memref_squeeze %dma_start3A_502 : memref<1x10112x64xf32, #tpu.memory_space<hbm>> -> memref<10112x64xf32, #tpu.memory_space<hbm>>
      %dma_start3A_504 = arith.constant 0 : i32
      %dma_start3A_505 = arith.constant 0 : i32
      %dma_start3A_506 = tpu.memref_slice %dma_start3A_503[%dma_start3A_504, %dma_start3A_505] : memref<10112x64xf32, #tpu.memory_space<hbm>> -> memref<10112x64xf32, #tpu.memory_space<hbm>>
      tpu.enqueue_indirect_dma source(%dma_start3A_506 : memref<10112x64xf32, #tpu.memory_space<hbm>>) target(%arg11 : memref<128x64xf32, #tpu.memory_space<vmem>>) offsets(%dma_start3A_499 : memref<128xi32, #tpu.memory_space<vmem>>) semaphore(%arg20 : memref<!tpu.dma_semaphore, #tpu.memory_space<semaphore_mem>>)
      %mul3A_507 = arith.constant 8 : i32
      %mul3A_508 = arith.muli %add3A_402, %mul3A_507 : i32
      %add3A_509 = arith.constant 4 : i32
      %add3A_510 = arith.addi %mul3A_508, %add3A_509 : i32
      %dma_wait3A_511 = arith.constant 0 : i32
      %dma_wait3A_512 = tpu.memref_slice %arg6[%add3A_510, %dma_wait3A_511] : memref<80x128xi32, #tpu.memory_space<vmem>> -> memref<1x128xi32, #tpu.memory_space<vmem>>
      %dma_wait3A_513 = tpu.memref_squeeze %dma_wait3A_512 : memref<1x128xi32, #tpu.memory_space<vmem>> -> memref<128xi32, #tpu.memory_space<vmem>>
      %dma_wait3A_514 = arith.constant 0 : i32
      %dma_wait3A_515 = arith.constant 0 : i32
      %dma_wait3A_516 = tpu.memref_slice %arg2[%arg0, %dma_wait3A_514, %dma_wait3A_515] : memref<2x10112x64xf32, #tpu.memory_space<hbm>> -> memref<1x10112x64xf32, #tpu.memory_space<hbm>>
      %dma_wait3A_517 = tpu.memref_squeeze %dma_wait3A_516 : memref<1x10112x64xf32, #tpu.memory_space<hbm>> -> memref<10112x64xf32, #tpu.memory_space<hbm>>
      %dma_wait3A_518 = arith.constant 0 : i32
      %dma_wait3A_519 = arith.constant 0 : i32
      %dma_wait3A_520 = tpu.memref_slice %dma_wait3A_517[%dma_wait3A_518, %dma_wait3A_519] : memref<10112x64xf32, #tpu.memory_space<hbm>> -> memref<10112x64xf32, #tpu.memory_space<hbm>>
      tpu.wait_indirect_dma semaphore(%arg21 : memref<!tpu.dma_semaphore, #tpu.memory_space<semaphore_mem>>) src(%dma_wait3A_520 : memref<10112x64xf32, #tpu.memory_space<hbm>>) dst(%arg12 : memref<128x64xf32, #tpu.memory_space<vmem>>)
      "tpu.region"() ({
        %run_scoped3A_611 = tpu.sem_alloc : memref<!tpu.dma_semaphore, #tpu.memory_space<semaphore_mem>>
        %dma_start3A_612 = arith.constant 0 : i32
        %dma_start3A_613 = tpu.memref_slice %arg7[%add3A_510, %dma_start3A_612] : memref<80x128xi32, #tpu.memory_space<vmem>> -> memref<1x128xi32, #tpu.memory_space<vmem>>
        %dma_start3A_614 = tpu.memref_squeeze %dma_start3A_613 : memref<1x128xi32, #tpu.memory_space<vmem>> -> memref<128xi32, #tpu.memory_space<vmem>>
        %dma_start3A_615 = arith.constant 0 : i32
        %dma_start3A_616 = arith.constant 0 : i32
        %dma_start3A_617 = tpu.memref_slice %arg16[%dma_start3A_615, %dma_start3A_616] : memref<10112x64xf32, #tpu.memory_space<vmem_shared>> -> memref<10112x64xf32, #tpu.memory_space<vmem_shared>>
        tpu.enqueue_indirect_dma source(%arg12 : memref<128x64xf32, #tpu.memory_space<vmem>>) target(%dma_start3A_617 : memref<10112x64xf32, #tpu.memory_space<vmem_shared>>) offsets(%dma_start3A_614 : memref<128xi32, #tpu.memory_space<vmem>>) semaphore(%run_scoped3A_611 : memref<!tpu.dma_semaphore, #tpu.memory_space<semaphore_mem>>) {add = true}
        %dma_wait3A_618 = arith.constant 0 : i32
        %dma_wait3A_619 = tpu.memref_slice %arg7[%add3A_510, %dma_wait3A_618] : memref<80x128xi32, #tpu.memory_space<vmem>> -> memref<1x128xi32, #tpu.memory_space<vmem>>
        %dma_wait3A_620 = tpu.memref_squeeze %dma_wait3A_619 : memref<1x128xi32, #tpu.memory_space<vmem>> -> memref<128xi32, #tpu.memory_space<vmem>>
        %dma_wait3A_621 = arith.constant 0 : i32
        %dma_wait3A_622 = arith.constant 0 : i32
        %dma_wait3A_623 = tpu.memref_slice %arg16[%dma_wait3A_621, %dma_wait3A_622] : memref<10112x64xf32, #tpu.memory_space<vmem_shared>> -> memref<10112x64xf32, #tpu.memory_space<vmem_shared>>
        tpu.wait_indirect_dma semaphore(%run_scoped3A_611 : memref<!tpu.dma_semaphore, #tpu.memory_space<semaphore_mem>>) src(%arg12 : memref<128x64xf32, #tpu.memory_space<vmem>>) dst(%dma_wait3A_623 : memref<10112x64xf32, #tpu.memory_space<vmem_shared>>)
        tpu.yield
      }) : () -> ()
      %add3A_521 = arith.constant 8 : i32
      %add3A_522 = arith.addi %add3A_510, %add3A_521 : i32
      %dma_start3A_523 = arith.constant 0 : i32
      %dma_start3A_524 = tpu.memref_slice %arg6[%add3A_522, %dma_start3A_523] : memref<80x128xi32, #tpu.memory_space<vmem>> -> memref<1x128xi32, #tpu.memory_space<vmem>>
      %dma_start3A_525 = tpu.memref_squeeze %dma_start3A_524 : memref<1x128xi32, #tpu.memory_space<vmem>> -> memref<128xi32, #tpu.memory_space<vmem>>
      %dma_start3A_526 = arith.constant 0 : i32
      %dma_start3A_527 = arith.constant 0 : i32
      %dma_start3A_528 = tpu.memref_slice %arg2[%arg0, %dma_start3A_526, %dma_start3A_527] : memref<2x10112x64xf32, #tpu.memory_space<hbm>> -> memref<1x10112x64xf32, #tpu.memory_space<hbm>>
      %dma_start3A_529 = tpu.memref_squeeze %dma_start3A_528 : memref<1x10112x64xf32, #tpu.memory_space<hbm>> -> memref<10112x64xf32, #tpu.memory_space<hbm>>
      %dma_start3A_530 = arith.constant 0 : i32
      %dma_start3A_531 = arith.constant 0 : i32
      %dma_start3A_532 = tpu.memref_slice %dma_start3A_529[%dma_start3A_530, %dma_start3A_531] : memref<10112x64xf32, #tpu.memory_space<hbm>> -> memref<10112x64xf32, #tpu.memory_space<hbm>>
      tpu.enqueue_indirect_dma source(%dma_start3A_532 : memref<10112x64xf32, #tpu.memory_space<hbm>>) target(%arg12 : memref<128x64xf32, #tpu.memory_space<vmem>>) offsets(%dma_start3A_525 : memref<128xi32, #tpu.memory_space<vmem>>) semaphore(%arg21 : memref<!tpu.dma_semaphore, #tpu.memory_space<semaphore_mem>>)
      %mul3A_533 = arith.constant 8 : i32
      %mul3A_534 = arith.muli %add3A_402, %mul3A_533 : i32
      %add3A_535 = arith.constant 5 : i32
      %add3A_536 = arith.addi %mul3A_534, %add3A_535 : i32
      %dma_wait3A_537 = arith.constant 0 : i32
      %dma_wait3A_538 = tpu.memref_slice %arg6[%add3A_536, %dma_wait3A_537] : memref<80x128xi32, #tpu.memory_space<vmem>> -> memref<1x128xi32, #tpu.memory_space<vmem>>
      %dma_wait3A_539 = tpu.memref_squeeze %dma_wait3A_538 : memref<1x128xi32, #tpu.memory_space<vmem>> -> memref<128xi32, #tpu.memory_space<vmem>>
      %dma_wait3A_540 = arith.constant 0 : i32
      %dma_wait3A_541 = arith.constant 0 : i32
      %dma_wait3A_542 = tpu.memref_slice %arg2[%arg0, %dma_wait3A_540, %dma_wait3A_541] : memref<2x10112x64xf32, #tpu.memory_space<hbm>> -> memref<1x10112x64xf32, #tpu.memory_space<hbm>>
      %dma_wait3A_543 = tpu.memref_squeeze %dma_wait3A_542 : memref<1x10112x64xf32, #tpu.memory_space<hbm>> -> memref<10112x64xf32, #tpu.memory_space<hbm>>
      %dma_wait3A_544 = arith.constant 0 : i32
      %dma_wait3A_545 = arith.constant 0 : i32
      %dma_wait3A_546 = tpu.memref_slice %dma_wait3A_543[%dma_wait3A_544, %dma_wait3A_545] : memref<10112x64xf32, #tpu.memory_space<hbm>> -> memref<10112x64xf32, #tpu.memory_space<hbm>>
      tpu.wait_indirect_dma semaphore(%arg22 : memref<!tpu.dma_semaphore, #tpu.memory_space<semaphore_mem>>) src(%dma_wait3A_546 : memref<10112x64xf32, #tpu.memory_space<hbm>>) dst(%arg13 : memref<128x64xf32, #tpu.memory_space<vmem>>)
      "tpu.region"() ({
        %run_scoped3A_611 = tpu.sem_alloc : memref<!tpu.dma_semaphore, #tpu.memory_space<semaphore_mem>>
        %dma_start3A_612 = arith.constant 0 : i32
        %dma_start3A_613 = tpu.memref_slice %arg7[%add3A_536, %dma_start3A_612] : memref<80x128xi32, #tpu.memory_space<vmem>> -> memref<1x128xi32, #tpu.memory_space<vmem>>
        %dma_start3A_614 = tpu.memref_squeeze %dma_start3A_613 : memref<1x128xi32, #tpu.memory_space<vmem>> -> memref<128xi32, #tpu.memory_space<vmem>>
        %dma_start3A_615 = arith.constant 0 : i32
        %dma_start3A_616 = arith.constant 0 : i32
        %dma_start3A_617 = tpu.memref_slice %arg16[%dma_start3A_615, %dma_start3A_616] : memref<10112x64xf32, #tpu.memory_space<vmem_shared>> -> memref<10112x64xf32, #tpu.memory_space<vmem_shared>>
        tpu.enqueue_indirect_dma source(%arg13 : memref<128x64xf32, #tpu.memory_space<vmem>>) target(%dma_start3A_617 : memref<10112x64xf32, #tpu.memory_space<vmem_shared>>) offsets(%dma_start3A_614 : memref<128xi32, #tpu.memory_space<vmem>>) semaphore(%run_scoped3A_611 : memref<!tpu.dma_semaphore, #tpu.memory_space<semaphore_mem>>) {add = true}
        %dma_wait3A_618 = arith.constant 0 : i32
        %dma_wait3A_619 = tpu.memref_slice %arg7[%add3A_536, %dma_wait3A_618] : memref<80x128xi32, #tpu.memory_space<vmem>> -> memref<1x128xi32, #tpu.memory_space<vmem>>
        %dma_wait3A_620 = tpu.memref_squeeze %dma_wait3A_619 : memref<1x128xi32, #tpu.memory_space<vmem>> -> memref<128xi32, #tpu.memory_space<vmem>>
        %dma_wait3A_621 = arith.constant 0 : i32
        %dma_wait3A_622 = arith.constant 0 : i32
        %dma_wait3A_623 = tpu.memref_slice %arg16[%dma_wait3A_621, %dma_wait3A_622] : memref<10112x64xf32, #tpu.memory_space<vmem_shared>> -> memref<10112x64xf32, #tpu.memory_space<vmem_shared>>
        tpu.wait_indirect_dma semaphore(%run_scoped3A_611 : memref<!tpu.dma_semaphore, #tpu.memory_space<semaphore_mem>>) src(%arg13 : memref<128x64xf32, #tpu.memory_space<vmem>>) dst(%dma_wait3A_623 : memref<10112x64xf32, #tpu.memory_space<vmem_shared>>)
        tpu.yield
      }) : () -> ()
      %add3A_547 = arith.constant 8 : i32
      %add3A_548 = arith.addi %add3A_536, %add3A_547 : i32
      %dma_start3A_549 = arith.constant 0 : i32
      %dma_start3A_550 = tpu.memref_slice %arg6[%add3A_548, %dma_start3A_549] : memref<80x128xi32, #tpu.memory_space<vmem>> -> memref<1x128xi32, #tpu.memory_space<vmem>>
      %dma_start3A_551 = tpu.memref_squeeze %dma_start3A_550 : memref<1x128xi32, #tpu.memory_space<vmem>> -> memref<128xi32, #tpu.memory_space<vmem>>
      %dma_start3A_552 = arith.constant 0 : i32
      %dma_start3A_553 = arith.constant 0 : i32
      %dma_start3A_554 = tpu.memref_slice %arg2[%arg0, %dma_start3A_552, %dma_start3A_553] : memref<2x10112x64xf32, #tpu.memory_space<hbm>> -> memref<1x10112x64xf32, #tpu.memory_space<hbm>>
      %dma_start3A_555 = tpu.memref_squeeze %dma_start3A_554 : memref<1x10112x64xf32, #tpu.memory_space<hbm>> -> memref<10112x64xf32, #tpu.memory_space<hbm>>
      %dma_start3A_556 = arith.constant 0 : i32
      %dma_start3A_557 = arith.constant 0 : i32
      %dma_start3A_558 = tpu.memref_slice %dma_start3A_555[%dma_start3A_556, %dma_start3A_557] : memref<10112x64xf32, #tpu.memory_space<hbm>> -> memref<10112x64xf32, #tpu.memory_space<hbm>>
      tpu.enqueue_indirect_dma source(%dma_start3A_558 : memref<10112x64xf32, #tpu.memory_space<hbm>>) target(%arg13 : memref<128x64xf32, #tpu.memory_space<vmem>>) offsets(%dma_start3A_551 : memref<128xi32, #tpu.memory_space<vmem>>) semaphore(%arg22 : memref<!tpu.dma_semaphore, #tpu.memory_space<semaphore_mem>>)
      %mul3A_559 = arith.constant 8 : i32
      %mul3A_560 = arith.muli %add3A_402, %mul3A_559 : i32
      %add3A_561 = arith.constant 6 : i32
      %add3A_562 = arith.addi %mul3A_560, %add3A_561 : i32
      %dma_wait3A_563 = arith.constant 0 : i32
      %dma_wait3A_564 = tpu.memref_slice %arg6[%add3A_562, %dma_wait3A_563] : memref<80x128xi32, #tpu.memory_space<vmem>> -> memref<1x128xi32, #tpu.memory_space<vmem>>
      %dma_wait3A_565 = tpu.memref_squeeze %dma_wait3A_564 : memref<1x128xi32, #tpu.memory_space<vmem>> -> memref<128xi32, #tpu.memory_space<vmem>>
      %dma_wait3A_566 = arith.constant 0 : i32
      %dma_wait3A_567 = arith.constant 0 : i32
      %dma_wait3A_568 = tpu.memref_slice %arg2[%arg0, %dma_wait3A_566, %dma_wait3A_567] : memref<2x10112x64xf32, #tpu.memory_space<hbm>> -> memref<1x10112x64xf32, #tpu.memory_space<hbm>>
      %dma_wait3A_569 = tpu.memref_squeeze %dma_wait3A_568 : memref<1x10112x64xf32, #tpu.memory_space<hbm>> -> memref<10112x64xf32, #tpu.memory_space<hbm>>
      %dma_wait3A_570 = arith.constant 0 : i32
      %dma_wait3A_571 = arith.constant 0 : i32
      %dma_wait3A_572 = tpu.memref_slice %dma_wait3A_569[%dma_wait3A_570, %dma_wait3A_571] : memref<10112x64xf32, #tpu.memory_space<hbm>> -> memref<10112x64xf32, #tpu.memory_space<hbm>>
      tpu.wait_indirect_dma semaphore(%arg23 : memref<!tpu.dma_semaphore, #tpu.memory_space<semaphore_mem>>) src(%dma_wait3A_572 : memref<10112x64xf32, #tpu.memory_space<hbm>>) dst(%arg14 : memref<128x64xf32, #tpu.memory_space<vmem>>)
      "tpu.region"() ({
        %run_scoped3A_611 = tpu.sem_alloc : memref<!tpu.dma_semaphore, #tpu.memory_space<semaphore_mem>>
        %dma_start3A_612 = arith.constant 0 : i32
        %dma_start3A_613 = tpu.memref_slice %arg7[%add3A_562, %dma_start3A_612] : memref<80x128xi32, #tpu.memory_space<vmem>> -> memref<1x128xi32, #tpu.memory_space<vmem>>
        %dma_start3A_614 = tpu.memref_squeeze %dma_start3A_613 : memref<1x128xi32, #tpu.memory_space<vmem>> -> memref<128xi32, #tpu.memory_space<vmem>>
        %dma_start3A_615 = arith.constant 0 : i32
        %dma_start3A_616 = arith.constant 0 : i32
        %dma_start3A_617 = tpu.memref_slice %arg16[%dma_start3A_615, %dma_start3A_616] : memref<10112x64xf32, #tpu.memory_space<vmem_shared>> -> memref<10112x64xf32, #tpu.memory_space<vmem_shared>>
        tpu.enqueue_indirect_dma source(%arg14 : memref<128x64xf32, #tpu.memory_space<vmem>>) target(%dma_start3A_617 : memref<10112x64xf32, #tpu.memory_space<vmem_shared>>) offsets(%dma_start3A_614 : memref<128xi32, #tpu.memory_space<vmem>>) semaphore(%run_scoped3A_611 : memref<!tpu.dma_semaphore, #tpu.memory_space<semaphore_mem>>) {add = true}
        %dma_wait3A_618 = arith.constant 0 : i32
        %dma_wait3A_619 = tpu.memref_slice %arg7[%add3A_562, %dma_wait3A_618] : memref<80x128xi32, #tpu.memory_space<vmem>> -> memref<1x128xi32, #tpu.memory_space<vmem>>
        %dma_wait3A_620 = tpu.memref_squeeze %dma_wait3A_619 : memref<1x128xi32, #tpu.memory_space<vmem>> -> memref<128xi32, #tpu.memory_space<vmem>>
        %dma_wait3A_621 = arith.constant 0 : i32
        %dma_wait3A_622 = arith.constant 0 : i32
        %dma_wait3A_623 = tpu.memref_slice %arg16[%dma_wait3A_621, %dma_wait3A_622] : memref<10112x64xf32, #tpu.memory_space<vmem_shared>> -> memref<10112x64xf32, #tpu.memory_space<vmem_shared>>
        tpu.wait_indirect_dma semaphore(%run_scoped3A_611 : memref<!tpu.dma_semaphore, #tpu.memory_space<semaphore_mem>>) src(%arg14 : memref<128x64xf32, #tpu.memory_space<vmem>>) dst(%dma_wait3A_623 : memref<10112x64xf32, #tpu.memory_space<vmem_shared>>)
        tpu.yield
      }) : () -> ()
      %add3A_573 = arith.constant 8 : i32
      %add3A_574 = arith.addi %add3A_562, %add3A_573 : i32
      %dma_start3A_575 = arith.constant 0 : i32
      %dma_start3A_576 = tpu.memref_slice %arg6[%add3A_574, %dma_start3A_575] : memref<80x128xi32, #tpu.memory_space<vmem>> -> memref<1x128xi32, #tpu.memory_space<vmem>>
      %dma_start3A_577 = tpu.memref_squeeze %dma_start3A_576 : memref<1x128xi32, #tpu.memory_space<vmem>> -> memref<128xi32, #tpu.memory_space<vmem>>
      %dma_start3A_578 = arith.constant 0 : i32
      %dma_start3A_579 = arith.constant 0 : i32
      %dma_start3A_580 = tpu.memref_slice %arg2[%arg0, %dma_start3A_578, %dma_start3A_579] : memref<2x10112x64xf32, #tpu.memory_space<hbm>> -> memref<1x10112x64xf32, #tpu.memory_space<hbm>>
      %dma_start3A_581 = tpu.memref_squeeze %dma_start3A_580 : memref<1x10112x64xf32, #tpu.memory_space<hbm>> -> memref<10112x64xf32, #tpu.memory_space<hbm>>
      %dma_start3A_582 = arith.constant 0 : i32
      %dma_start3A_583 = arith.constant 0 : i32
      %dma_start3A_584 = tpu.memref_slice %dma_start3A_581[%dma_start3A_582, %dma_start3A_583] : memref<10112x64xf32, #tpu.memory_space<hbm>> -> memref<10112x64xf32, #tpu.memory_space<hbm>>
      tpu.enqueue_indirect_dma source(%dma_start3A_584 : memref<10112x64xf32, #tpu.memory_space<hbm>>) target(%arg14 : memref<128x64xf32, #tpu.memory_space<vmem>>) offsets(%dma_start3A_577 : memref<128xi32, #tpu.memory_space<vmem>>) semaphore(%arg23 : memref<!tpu.dma_semaphore, #tpu.memory_space<semaphore_mem>>)
      %mul3A_585 = arith.constant 8 : i32
      %mul3A_586 = arith.muli %add3A_402, %mul3A_585 : i32
      %add3A_587 = arith.constant 7 : i32
      %add3A_588 = arith.addi %mul3A_586, %add3A_587 : i32
      %dma_wait3A_589 = arith.constant 0 : i32
      %dma_wait3A_590 = tpu.memref_slice %arg6[%add3A_588, %dma_wait3A_589] : memref<80x128xi32, #tpu.memory_space<vmem>> -> memref<1x128xi32, #tpu.memory_space<vmem>>
      %dma_wait3A_591 = tpu.memref_squeeze %dma_wait3A_590 : memref<1x128xi32, #tpu.memory_space<vmem>> -> memref<128xi32, #tpu.memory_space<vmem>>
      %dma_wait3A_592 = arith.constant 0 : i32
      %dma_wait3A_593 = arith.constant 0 : i32
      %dma_wait3A_594 = tpu.memref_slice %arg2[%arg0, %dma_wait3A_592, %dma_wait3A_593] : memref<2x10112x64xf32, #tpu.memory_space<hbm>> -> memref<1x10112x64xf32, #tpu.memory_space<hbm>>
      %dma_wait3A_595 = tpu.memref_squeeze %dma_wait3A_594 : memref<1x10112x64xf32, #tpu.memory_space<hbm>> -> memref<10112x64xf32, #tpu.memory_space<hbm>>
      %dma_wait3A_596 = arith.constant 0 : i32
      %dma_wait3A_597 = arith.constant 0 : i32
      %dma_wait3A_598 = tpu.memref_slice %dma_wait3A_595[%dma_wait3A_596, %dma_wait3A_597] : memref<10112x64xf32, #tpu.memory_space<hbm>> -> memref<10112x64xf32, #tpu.memory_space<hbm>>
      tpu.wait_indirect_dma semaphore(%arg24 : memref<!tpu.dma_semaphore, #tpu.memory_space<semaphore_mem>>) src(%dma_wait3A_598 : memref<10112x64xf32, #tpu.memory_space<hbm>>) dst(%arg15 : memref<128x64xf32, #tpu.memory_space<vmem>>)
      "tpu.region"() ({
        %run_scoped3A_611 = tpu.sem_alloc : memref<!tpu.dma_semaphore, #tpu.memory_space<semaphore_mem>>
        %dma_start3A_612 = arith.constant 0 : i32
        %dma_start3A_613 = tpu.memref_slice %arg7[%add3A_588, %dma_start3A_612] : memref<80x128xi32, #tpu.memory_space<vmem>> -> memref<1x128xi32, #tpu.memory_space<vmem>>
        %dma_start3A_614 = tpu.memref_squeeze %dma_start3A_613 : memref<1x128xi32, #tpu.memory_space<vmem>> -> memref<128xi32, #tpu.memory_space<vmem>>
        %dma_start3A_615 = arith.constant 0 : i32
        %dma_start3A_616 = arith.constant 0 : i32
        %dma_start3A_617 = tpu.memref_slice %arg16[%dma_start3A_615, %dma_start3A_616] : memref<10112x64xf32, #tpu.memory_space<vmem_shared>> -> memref<10112x64xf32, #tpu.memory_space<vmem_shared>>
        tpu.enqueue_indirect_dma source(%arg15 : memref<128x64xf32, #tpu.memory_space<vmem>>) target(%dma_start3A_617 : memref<10112x64xf32, #tpu.memory_space<vmem_shared>>) offsets(%dma_start3A_614 : memref<128xi32, #tpu.memory_space<vmem>>) semaphore(%run_scoped3A_611 : memref<!tpu.dma_semaphore, #tpu.memory_space<semaphore_mem>>) {add = true}
        %dma_wait3A_618 = arith.constant 0 : i32
        %dma_wait3A_619 = tpu.memref_slice %arg7[%add3A_588, %dma_wait3A_618] : memref<80x128xi32, #tpu.memory_space<vmem>> -> memref<1x128xi32, #tpu.memory_space<vmem>>
        %dma_wait3A_620 = tpu.memref_squeeze %dma_wait3A_619 : memref<1x128xi32, #tpu.memory_space<vmem>> -> memref<128xi32, #tpu.memory_space<vmem>>
        %dma_wait3A_621 = arith.constant 0 : i32
        %dma_wait3A_622 = arith.constant 0 : i32
        %dma_wait3A_623 = tpu.memref_slice %arg16[%dma_wait3A_621, %dma_wait3A_622] : memref<10112x64xf32, #tpu.memory_space<vmem_shared>> -> memref<10112x64xf32, #tpu.memory_space<vmem_shared>>
        tpu.wait_indirect_dma semaphore(%run_scoped3A_611 : memref<!tpu.dma_semaphore, #tpu.memory_space<semaphore_mem>>) src(%arg15 : memref<128x64xf32, #tpu.memory_space<vmem>>) dst(%dma_wait3A_623 : memref<10112x64xf32, #tpu.memory_space<vmem_shared>>)
        tpu.yield
      }) : () -> ()
      %add3A_599 = arith.constant 8 : i32
      %add3A_600 = arith.addi %add3A_588, %add3A_599 : i32
      %dma_start3A_601 = arith.constant 0 : i32
      %dma_start3A_602 = tpu.memref_slice %arg6[%add3A_600, %dma_start3A_601] : memref<80x128xi32, #tpu.memory_space<vmem>> -> memref<1x128xi32, #tpu.memory_space<vmem>>
      %dma_start3A_603 = tpu.memref_squeeze %dma_start3A_602 : memref<1x128xi32, #tpu.memory_space<vmem>> -> memref<128xi32, #tpu.memory_space<vmem>>
      %dma_start3A_604 = arith.constant 0 : i32
      %dma_start3A_605 = arith.constant 0 : i32
      %dma_start3A_606 = tpu.memref_slice %arg2[%arg0, %dma_start3A_604, %dma_start3A_605] : memref<2x10112x64xf32, #tpu.memory_space<hbm>> -> memref<1x10112x64xf32, #tpu.memory_space<hbm>>
      %dma_start3A_607 = tpu.memref_squeeze %dma_start3A_606 : memref<1x10112x64xf32, #tpu.memory_space<hbm>> -> memref<10112x64xf32, #tpu.memory_space<hbm>>
      %dma_start3A_608 = arith.constant 0 : i32
      %dma_start3A_609 = arith.constant 0 : i32
      %dma_start3A_610 = tpu.memref_slice %dma_start3A_607[%dma_start3A_608, %dma_start3A_609] : memref<10112x64xf32, #tpu.memory_space<hbm>> -> memref<10112x64xf32, #tpu.memory_space<hbm>>
      tpu.enqueue_indirect_dma source(%dma_start3A_610 : memref<10112x64xf32, #tpu.memory_space<hbm>>) target(%arg15 : memref<128x64xf32, #tpu.memory_space<vmem>>) offsets(%dma_start3A_603 : memref<128xi32, #tpu.memory_space<vmem>>) semaphore(%arg24 : memref<!tpu.dma_semaphore, #tpu.memory_space<semaphore_mem>>)
    }
    %scan3A_300 = arith.constant 9 : i32
    %dma_wait3A_301 = arith.constant 72 : i32
    %dma_wait3A_302 = arith.constant 0 : i32
    %dma_wait3A_303 = tpu.memref_slice %arg6[%dma_wait3A_301, %dma_wait3A_302] : memref<80x128xi32, #tpu.memory_space<vmem>> -> memref<1x128xi32, #tpu.memory_space<vmem>>
    %dma_wait3A_304 = tpu.memref_squeeze %dma_wait3A_303 : memref<1x128xi32, #tpu.memory_space<vmem>> -> memref<128xi32, #tpu.memory_space<vmem>>
    %dma_wait3A_305 = arith.constant 0 : i32
    %dma_wait3A_306 = arith.constant 0 : i32
    %dma_wait3A_307 = tpu.memref_slice %arg2[%arg0, %dma_wait3A_305, %dma_wait3A_306] : memref<2x10112x64xf32, #tpu.memory_space<hbm>> -> memref<1x10112x64xf32, #tpu.memory_space<hbm>>
    %dma_wait3A_308 = tpu.memref_squeeze %dma_wait3A_307 : memref<1x10112x64xf32, #tpu.memory_space<hbm>> -> memref<10112x64xf32, #tpu.memory_space<hbm>>
    %dma_wait3A_309 = arith.constant 0 : i32
    %dma_wait3A_310 = arith.constant 0 : i32
    %dma_wait3A_311 = tpu.memref_slice %dma_wait3A_308[%dma_wait3A_309, %dma_wait3A_310] : memref<10112x64xf32, #tpu.memory_space<hbm>> -> memref<10112x64xf32, #tpu.memory_space<hbm>>
    tpu.wait_indirect_dma semaphore(%arg17 : memref<!tpu.dma_semaphore, #tpu.memory_space<semaphore_mem>>) src(%dma_wait3A_311 : memref<10112x64xf32, #tpu.memory_space<hbm>>) dst(%arg8 : memref<128x64xf32, #tpu.memory_space<vmem>>)
    %run_scoped3A_312 = arith.constant 72 : i32
    "tpu.region"() ({
      %run_scoped3A_398 = tpu.sem_alloc : memref<!tpu.dma_semaphore, #tpu.memory_space<semaphore_mem>>
      %dma_start3A_399 = arith.constant 0 : i32
      %dma_start3A_400 = tpu.memref_slice %arg7[%run_scoped3A_312, %dma_start3A_399] : memref<80x128xi32, #tpu.memory_space<vmem>> -> memref<1x128xi32, #tpu.memory_space<vmem>>
      %dma_start3A_401 = tpu.memref_squeeze %dma_start3A_400 : memref<1x128xi32, #tpu.memory_space<vmem>> -> memref<128xi32, #tpu.memory_space<vmem>>
      %dma_start3A_402 = arith.constant 0 : i32
      %dma_start3A_403 = arith.constant 0 : i32
      %dma_start3A_404 = tpu.memref_slice %arg16[%dma_start3A_402, %dma_start3A_403] : memref<10112x64xf32, #tpu.memory_space<vmem_shared>> -> memref<10112x64xf32, #tpu.memory_space<vmem_shared>>
      tpu.enqueue_indirect_dma source(%arg8 : memref<128x64xf32, #tpu.memory_space<vmem>>) target(%dma_start3A_404 : memref<10112x64xf32, #tpu.memory_space<vmem_shared>>) offsets(%dma_start3A_401 : memref<128xi32, #tpu.memory_space<vmem>>) semaphore(%run_scoped3A_398 : memref<!tpu.dma_semaphore, #tpu.memory_space<semaphore_mem>>) {add = true}
      %dma_wait3A_405 = arith.constant 0 : i32
      %dma_wait3A_406 = tpu.memref_slice %arg7[%run_scoped3A_312, %dma_wait3A_405] : memref<80x128xi32, #tpu.memory_space<vmem>> -> memref<1x128xi32, #tpu.memory_space<vmem>>
      %dma_wait3A_407 = tpu.memref_squeeze %dma_wait3A_406 : memref<1x128xi32, #tpu.memory_space<vmem>> -> memref<128xi32, #tpu.memory_space<vmem>>
      %dma_wait3A_408 = arith.constant 0 : i32
      %dma_wait3A_409 = arith.constant 0 : i32
      %dma_wait3A_410 = tpu.memref_slice %arg16[%dma_wait3A_408, %dma_wait3A_409] : memref<10112x64xf32, #tpu.memory_space<vmem_shared>> -> memref<10112x64xf32, #tpu.memory_space<vmem_shared>>
      tpu.wait_indirect_dma semaphore(%run_scoped3A_398 : memref<!tpu.dma_semaphore, #tpu.memory_space<semaphore_mem>>) src(%arg8 : memref<128x64xf32, #tpu.memory_space<vmem>>) dst(%dma_wait3A_410 : memref<10112x64xf32, #tpu.memory_space<vmem_shared>>)
      tpu.yield
    }) : () -> ()
    %dma_wait3A_313 = arith.constant 73 : i32
    %dma_wait3A_314 = arith.constant 0 : i32
    %dma_wait3A_315 = tpu.memref_slice %arg6[%dma_wait3A_313, %dma_wait3A_314] : memref<80x128xi32, #tpu.memory_space<vmem>> -> memref<1x128xi32, #tpu.memory_space<vmem>>
    %dma_wait3A_316 = tpu.memref_squeeze %dma_wait3A_315 : memref<1x128xi32, #tpu.memory_space<vmem>> -> memref<128xi32, #tpu.memory_space<vmem>>
    %dma_wait3A_317 = arith.constant 0 : i32
    %dma_wait3A_318 = arith.constant 0 : i32
    %dma_wait3A_319 = tpu.memref_slice %arg2[%arg0, %dma_wait3A_317, %dma_wait3A_318] : memref<2x10112x64xf32, #tpu.memory_space<hbm>> -> memref<1x10112x64xf32, #tpu.memory_space<hbm>>
    %dma_wait3A_320 = tpu.memref_squeeze %dma_wait3A_319 : memref<1x10112x64xf32, #tpu.memory_space<hbm>> -> memref<10112x64xf32, #tpu.memory_space<hbm>>
    %dma_wait3A_321 = arith.constant 0 : i32
    %dma_wait3A_322 = arith.constant 0 : i32
    %dma_wait3A_323 = tpu.memref_slice %dma_wait3A_320[%dma_wait3A_321, %dma_wait3A_322] : memref<10112x64xf32, #tpu.memory_space<hbm>> -> memref<10112x64xf32, #tpu.memory_space<hbm>>
    tpu.wait_indirect_dma semaphore(%arg18 : memref<!tpu.dma_semaphore, #tpu.memory_space<semaphore_mem>>) src(%dma_wait3A_323 : memref<10112x64xf32, #tpu.memory_space<hbm>>) dst(%arg9 : memref<128x64xf32, #tpu.memory_space<vmem>>)
    %run_scoped3A_324 = arith.constant 73 : i32
    "tpu.region"() ({
      %run_scoped3A_398 = tpu.sem_alloc : memref<!tpu.dma_semaphore, #tpu.memory_space<semaphore_mem>>
      %dma_start3A_399 = arith.constant 0 : i32
      %dma_start3A_400 = tpu.memref_slice %arg7[%run_scoped3A_324, %dma_start3A_399] : memref<80x128xi32, #tpu.memory_space<vmem>> -> memref<1x128xi32, #tpu.memory_space<vmem>>
      %dma_start3A_401 = tpu.memref_squeeze %dma_start3A_400 : memref<1x128xi32, #tpu.memory_space<vmem>> -> memref<128xi32, #tpu.memory_space<vmem>>
      %dma_start3A_402 = arith.constant 0 : i32
      %dma_start3A_403 = arith.constant 0 : i32
      %dma_start3A_404 = tpu.memref_slice %arg16[%dma_start3A_402, %dma_start3A_403] : memref<10112x64xf32, #tpu.memory_space<vmem_shared>> -> memref<10112x64xf32, #tpu.memory_space<vmem_shared>>
      tpu.enqueue_indirect_dma source(%arg9 : memref<128x64xf32, #tpu.memory_space<vmem>>) target(%dma_start3A_404 : memref<10112x64xf32, #tpu.memory_space<vmem_shared>>) offsets(%dma_start3A_401 : memref<128xi32, #tpu.memory_space<vmem>>) semaphore(%run_scoped3A_398 : memref<!tpu.dma_semaphore, #tpu.memory_space<semaphore_mem>>) {add = true}
      %dma_wait3A_405 = arith.constant 0 : i32
      %dma_wait3A_406 = tpu.memref_slice %arg7[%run_scoped3A_324, %dma_wait3A_405] : memref<80x128xi32, #tpu.memory_space<vmem>> -> memref<1x128xi32, #tpu.memory_space<vmem>>
      %dma_wait3A_407 = tpu.memref_squeeze %dma_wait3A_406 : memref<1x128xi32, #tpu.memory_space<vmem>> -> memref<128xi32, #tpu.memory_space<vmem>>
      %dma_wait3A_408 = arith.constant 0 : i32
      %dma_wait3A_409 = arith.constant 0 : i32
      %dma_wait3A_410 = tpu.memref_slice %arg16[%dma_wait3A_408, %dma_wait3A_409] : memref<10112x64xf32, #tpu.memory_space<vmem_shared>> -> memref<10112x64xf32, #tpu.memory_space<vmem_shared>>
      tpu.wait_indirect_dma semaphore(%run_scoped3A_398 : memref<!tpu.dma_semaphore, #tpu.memory_space<semaphore_mem>>) src(%arg9 : memref<128x64xf32, #tpu.memory_space<vmem>>) dst(%dma_wait3A_410 : memref<10112x64xf32, #tpu.memory_space<vmem_shared>>)
      tpu.yield
    }) : () -> ()
    %dma_wait3A_325 = arith.constant 74 : i32
    %dma_wait3A_326 = arith.constant 0 : i32
    %dma_wait3A_327 = tpu.memref_slice %arg6[%dma_wait3A_325, %dma_wait3A_326] : memref<80x128xi32, #tpu.memory_space<vmem>> -> memref<1x128xi32, #tpu.memory_space<vmem>>
    %dma_wait3A_328 = tpu.memref_squeeze %dma_wait3A_327 : memref<1x128xi32, #tpu.memory_space<vmem>> -> memref<128xi32, #tpu.memory_space<vmem>>
    %dma_wait3A_329 = arith.constant 0 : i32
    %dma_wait3A_330 = arith.constant 0 : i32
    %dma_wait3A_331 = tpu.memref_slice %arg2[%arg0, %dma_wait3A_329, %dma_wait3A_330] : memref<2x10112x64xf32, #tpu.memory_space<hbm>> -> memref<1x10112x64xf32, #tpu.memory_space<hbm>>
    %dma_wait3A_332 = tpu.memref_squeeze %dma_wait3A_331 : memref<1x10112x64xf32, #tpu.memory_space<hbm>> -> memref<10112x64xf32, #tpu.memory_space<hbm>>
    %dma_wait3A_333 = arith.constant 0 : i32
    %dma_wait3A_334 = arith.constant 0 : i32
    %dma_wait3A_335 = tpu.memref_slice %dma_wait3A_332[%dma_wait3A_333, %dma_wait3A_334] : memref<10112x64xf32, #tpu.memory_space<hbm>> -> memref<10112x64xf32, #tpu.memory_space<hbm>>
    tpu.wait_indirect_dma semaphore(%arg19 : memref<!tpu.dma_semaphore, #tpu.memory_space<semaphore_mem>>) src(%dma_wait3A_335 : memref<10112x64xf32, #tpu.memory_space<hbm>>) dst(%arg10 : memref<128x64xf32, #tpu.memory_space<vmem>>)
    %run_scoped3A_336 = arith.constant 74 : i32
    "tpu.region"() ({
      %run_scoped3A_398 = tpu.sem_alloc : memref<!tpu.dma_semaphore, #tpu.memory_space<semaphore_mem>>
      %dma_start3A_399 = arith.constant 0 : i32
      %dma_start3A_400 = tpu.memref_slice %arg7[%run_scoped3A_336, %dma_start3A_399] : memref<80x128xi32, #tpu.memory_space<vmem>> -> memref<1x128xi32, #tpu.memory_space<vmem>>
      %dma_start3A_401 = tpu.memref_squeeze %dma_start3A_400 : memref<1x128xi32, #tpu.memory_space<vmem>> -> memref<128xi32, #tpu.memory_space<vmem>>
      %dma_start3A_402 = arith.constant 0 : i32
      %dma_start3A_403 = arith.constant 0 : i32
      %dma_start3A_404 = tpu.memref_slice %arg16[%dma_start3A_402, %dma_start3A_403] : memref<10112x64xf32, #tpu.memory_space<vmem_shared>> -> memref<10112x64xf32, #tpu.memory_space<vmem_shared>>
      tpu.enqueue_indirect_dma source(%arg10 : memref<128x64xf32, #tpu.memory_space<vmem>>) target(%dma_start3A_404 : memref<10112x64xf32, #tpu.memory_space<vmem_shared>>) offsets(%dma_start3A_401 : memref<128xi32, #tpu.memory_space<vmem>>) semaphore(%run_scoped3A_398 : memref<!tpu.dma_semaphore, #tpu.memory_space<semaphore_mem>>) {add = true}
      %dma_wait3A_405 = arith.constant 0 : i32
      %dma_wait3A_406 = tpu.memref_slice %arg7[%run_scoped3A_336, %dma_wait3A_405] : memref<80x128xi32, #tpu.memory_space<vmem>> -> memref<1x128xi32, #tpu.memory_space<vmem>>
      %dma_wait3A_407 = tpu.memref_squeeze %dma_wait3A_406 : memref<1x128xi32, #tpu.memory_space<vmem>> -> memref<128xi32, #tpu.memory_space<vmem>>
      %dma_wait3A_408 = arith.constant 0 : i32
      %dma_wait3A_409 = arith.constant 0 : i32
      %dma_wait3A_410 = tpu.memref_slice %arg16[%dma_wait3A_408, %dma_wait3A_409] : memref<10112x64xf32, #tpu.memory_space<vmem_shared>> -> memref<10112x64xf32, #tpu.memory_space<vmem_shared>>
      tpu.wait_indirect_dma semaphore(%run_scoped3A_398 : memref<!tpu.dma_semaphore, #tpu.memory_space<semaphore_mem>>) src(%arg10 : memref<128x64xf32, #tpu.memory_space<vmem>>) dst(%dma_wait3A_410 : memref<10112x64xf32, #tpu.memory_space<vmem_shared>>)
      tpu.yield
    }) : () -> ()
    %dma_wait3A_337 = arith.constant 75 : i32
    %dma_wait3A_338 = arith.constant 0 : i32
    %dma_wait3A_339 = tpu.memref_slice %arg6[%dma_wait3A_337, %dma_wait3A_338] : memref<80x128xi32, #tpu.memory_space<vmem>> -> memref<1x128xi32, #tpu.memory_space<vmem>>
    %dma_wait3A_340 = tpu.memref_squeeze %dma_wait3A_339 : memref<1x128xi32, #tpu.memory_space<vmem>> -> memref<128xi32, #tpu.memory_space<vmem>>
    %dma_wait3A_341 = arith.constant 0 : i32
    %dma_wait3A_342 = arith.constant 0 : i32
    %dma_wait3A_343 = tpu.memref_slice %arg2[%arg0, %dma_wait3A_341, %dma_wait3A_342] : memref<2x10112x64xf32, #tpu.memory_space<hbm>> -> memref<1x10112x64xf32, #tpu.memory_space<hbm>>
    %dma_wait3A_344 = tpu.memref_squeeze %dma_wait3A_343 : memref<1x10112x64xf32, #tpu.memory_space<hbm>> -> memref<10112x64xf32, #tpu.memory_space<hbm>>
    %dma_wait3A_345 = arith.constant 0 : i32
    %dma_wait3A_346 = arith.constant 0 : i32
    %dma_wait3A_347 = tpu.memref_slice %dma_wait3A_344[%dma_wait3A_345, %dma_wait3A_346] : memref<10112x64xf32, #tpu.memory_space<hbm>> -> memref<10112x64xf32, #tpu.memory_space<hbm>>
    tpu.wait_indirect_dma semaphore(%arg20 : memref<!tpu.dma_semaphore, #tpu.memory_space<semaphore_mem>>) src(%dma_wait3A_347 : memref<10112x64xf32, #tpu.memory_space<hbm>>) dst(%arg11 : memref<128x64xf32, #tpu.memory_space<vmem>>)
    %run_scoped3A_348 = arith.constant 75 : i32
    "tpu.region"() ({
      %run_scoped3A_398 = tpu.sem_alloc : memref<!tpu.dma_semaphore, #tpu.memory_space<semaphore_mem>>
      %dma_start3A_399 = arith.constant 0 : i32
      %dma_start3A_400 = tpu.memref_slice %arg7[%run_scoped3A_348, %dma_start3A_399] : memref<80x128xi32, #tpu.memory_space<vmem>> -> memref<1x128xi32, #tpu.memory_space<vmem>>
      %dma_start3A_401 = tpu.memref_squeeze %dma_start3A_400 : memref<1x128xi32, #tpu.memory_space<vmem>> -> memref<128xi32, #tpu.memory_space<vmem>>
      %dma_start3A_402 = arith.constant 0 : i32
      %dma_start3A_403 = arith.constant 0 : i32
      %dma_start3A_404 = tpu.memref_slice %arg16[%dma_start3A_402, %dma_start3A_403] : memref<10112x64xf32, #tpu.memory_space<vmem_shared>> -> memref<10112x64xf32, #tpu.memory_space<vmem_shared>>
      tpu.enqueue_indirect_dma source(%arg11 : memref<128x64xf32, #tpu.memory_space<vmem>>) target(%dma_start3A_404 : memref<10112x64xf32, #tpu.memory_space<vmem_shared>>) offsets(%dma_start3A_401 : memref<128xi32, #tpu.memory_space<vmem>>) semaphore(%run_scoped3A_398 : memref<!tpu.dma_semaphore, #tpu.memory_space<semaphore_mem>>) {add = true}
      %dma_wait3A_405 = arith.constant 0 : i32
      %dma_wait3A_406 = tpu.memref_slice %arg7[%run_scoped3A_348, %dma_wait3A_405] : memref<80x128xi32, #tpu.memory_space<vmem>> -> memref<1x128xi32, #tpu.memory_space<vmem>>
      %dma_wait3A_407 = tpu.memref_squeeze %dma_wait3A_406 : memref<1x128xi32, #tpu.memory_space<vmem>> -> memref<128xi32, #tpu.memory_space<vmem>>
      %dma_wait3A_408 = arith.constant 0 : i32
      %dma_wait3A_409 = arith.constant 0 : i32
      %dma_wait3A_410 = tpu.memref_slice %arg16[%dma_wait3A_408, %dma_wait3A_409] : memref<10112x64xf32, #tpu.memory_space<vmem_shared>> -> memref<10112x64xf32, #tpu.memory_space<vmem_shared>>
      tpu.wait_indirect_dma semaphore(%run_scoped3A_398 : memref<!tpu.dma_semaphore, #tpu.memory_space<semaphore_mem>>) src(%arg11 : memref<128x64xf32, #tpu.memory_space<vmem>>) dst(%dma_wait3A_410 : memref<10112x64xf32, #tpu.memory_space<vmem_shared>>)
      tpu.yield
    }) : () -> ()
    %dma_wait3A_349 = arith.constant 76 : i32
    %dma_wait3A_350 = arith.constant 0 : i32
    %dma_wait3A_351 = tpu.memref_slice %arg6[%dma_wait3A_349, %dma_wait3A_350] : memref<80x128xi32, #tpu.memory_space<vmem>> -> memref<1x128xi32, #tpu.memory_space<vmem>>
    %dma_wait3A_352 = tpu.memref_squeeze %dma_wait3A_351 : memref<1x128xi32, #tpu.memory_space<vmem>> -> memref<128xi32, #tpu.memory_space<vmem>>
    %dma_wait3A_353 = arith.constant 0 : i32
    %dma_wait3A_354 = arith.constant 0 : i32
    %dma_wait3A_355 = tpu.memref_slice %arg2[%arg0, %dma_wait3A_353, %dma_wait3A_354] : memref<2x10112x64xf32, #tpu.memory_space<hbm>> -> memref<1x10112x64xf32, #tpu.memory_space<hbm>>
    %dma_wait3A_356 = tpu.memref_squeeze %dma_wait3A_355 : memref<1x10112x64xf32, #tpu.memory_space<hbm>> -> memref<10112x64xf32, #tpu.memory_space<hbm>>
    %dma_wait3A_357 = arith.constant 0 : i32
    %dma_wait3A_358 = arith.constant 0 : i32
    %dma_wait3A_359 = tpu.memref_slice %dma_wait3A_356[%dma_wait3A_357, %dma_wait3A_358] : memref<10112x64xf32, #tpu.memory_space<hbm>> -> memref<10112x64xf32, #tpu.memory_space<hbm>>
    tpu.wait_indirect_dma semaphore(%arg21 : memref<!tpu.dma_semaphore, #tpu.memory_space<semaphore_mem>>) src(%dma_wait3A_359 : memref<10112x64xf32, #tpu.memory_space<hbm>>) dst(%arg12 : memref<128x64xf32, #tpu.memory_space<vmem>>)
    %run_scoped3A_360 = arith.constant 76 : i32
    "tpu.region"() ({
      %run_scoped3A_398 = tpu.sem_alloc : memref<!tpu.dma_semaphore, #tpu.memory_space<semaphore_mem>>
      %dma_start3A_399 = arith.constant 0 : i32
      %dma_start3A_400 = tpu.memref_slice %arg7[%run_scoped3A_360, %dma_start3A_399] : memref<80x128xi32, #tpu.memory_space<vmem>> -> memref<1x128xi32, #tpu.memory_space<vmem>>
      %dma_start3A_401 = tpu.memref_squeeze %dma_start3A_400 : memref<1x128xi32, #tpu.memory_space<vmem>> -> memref<128xi32, #tpu.memory_space<vmem>>
      %dma_start3A_402 = arith.constant 0 : i32
      %dma_start3A_403 = arith.constant 0 : i32
      %dma_start3A_404 = tpu.memref_slice %arg16[%dma_start3A_402, %dma_start3A_403] : memref<10112x64xf32, #tpu.memory_space<vmem_shared>> -> memref<10112x64xf32, #tpu.memory_space<vmem_shared>>
      tpu.enqueue_indirect_dma source(%arg12 : memref<128x64xf32, #tpu.memory_space<vmem>>) target(%dma_start3A_404 : memref<10112x64xf32, #tpu.memory_space<vmem_shared>>) offsets(%dma_start3A_401 : memref<128xi32, #tpu.memory_space<vmem>>) semaphore(%run_scoped3A_398 : memref<!tpu.dma_semaphore, #tpu.memory_space<semaphore_mem>>) {add = true}
      %dma_wait3A_405 = arith.constant 0 : i32
      %dma_wait3A_406 = tpu.memref_slice %arg7[%run_scoped3A_360, %dma_wait3A_405] : memref<80x128xi32, #tpu.memory_space<vmem>> -> memref<1x128xi32, #tpu.memory_space<vmem>>
      %dma_wait3A_407 = tpu.memref_squeeze %dma_wait3A_406 : memref<1x128xi32, #tpu.memory_space<vmem>> -> memref<128xi32, #tpu.memory_space<vmem>>
      %dma_wait3A_408 = arith.constant 0 : i32
      %dma_wait3A_409 = arith.constant 0 : i32
      %dma_wait3A_410 = tpu.memref_slice %arg16[%dma_wait3A_408, %dma_wait3A_409] : memref<10112x64xf32, #tpu.memory_space<vmem_shared>> -> memref<10112x64xf32, #tpu.memory_space<vmem_shared>>
      tpu.wait_indirect_dma semaphore(%run_scoped3A_398 : memref<!tpu.dma_semaphore, #tpu.memory_space<semaphore_mem>>) src(%arg12 : memref<128x64xf32, #tpu.memory_space<vmem>>) dst(%dma_wait3A_410 : memref<10112x64xf32, #tpu.memory_space<vmem_shared>>)
      tpu.yield
    }) : () -> ()
    %dma_wait3A_361 = arith.constant 77 : i32
    %dma_wait3A_362 = arith.constant 0 : i32
    %dma_wait3A_363 = tpu.memref_slice %arg6[%dma_wait3A_361, %dma_wait3A_362] : memref<80x128xi32, #tpu.memory_space<vmem>> -> memref<1x128xi32, #tpu.memory_space<vmem>>
    %dma_wait3A_364 = tpu.memref_squeeze %dma_wait3A_363 : memref<1x128xi32, #tpu.memory_space<vmem>> -> memref<128xi32, #tpu.memory_space<vmem>>
    %dma_wait3A_365 = arith.constant 0 : i32
    %dma_wait3A_366 = arith.constant 0 : i32
    %dma_wait3A_367 = tpu.memref_slice %arg2[%arg0, %dma_wait3A_365, %dma_wait3A_366] : memref<2x10112x64xf32, #tpu.memory_space<hbm>> -> memref<1x10112x64xf32, #tpu.memory_space<hbm>>
    %dma_wait3A_368 = tpu.memref_squeeze %dma_wait3A_367 : memref<1x10112x64xf32, #tpu.memory_space<hbm>> -> memref<10112x64xf32, #tpu.memory_space<hbm>>
    %dma_wait3A_369 = arith.constant 0 : i32
    %dma_wait3A_370 = arith.constant 0 : i32
    %dma_wait3A_371 = tpu.memref_slice %dma_wait3A_368[%dma_wait3A_369, %dma_wait3A_370] : memref<10112x64xf32, #tpu.memory_space<hbm>> -> memref<10112x64xf32, #tpu.memory_space<hbm>>
    tpu.wait_indirect_dma semaphore(%arg22 : memref<!tpu.dma_semaphore, #tpu.memory_space<semaphore_mem>>) src(%dma_wait3A_371 : memref<10112x64xf32, #tpu.memory_space<hbm>>) dst(%arg13 : memref<128x64xf32, #tpu.memory_space<vmem>>)
    %run_scoped3A_372 = arith.constant 77 : i32
    "tpu.region"() ({
      %run_scoped3A_398 = tpu.sem_alloc : memref<!tpu.dma_semaphore, #tpu.memory_space<semaphore_mem>>
      %dma_start3A_399 = arith.constant 0 : i32
      %dma_start3A_400 = tpu.memref_slice %arg7[%run_scoped3A_372, %dma_start3A_399] : memref<80x128xi32, #tpu.memory_space<vmem>> -> memref<1x128xi32, #tpu.memory_space<vmem>>
      %dma_start3A_401 = tpu.memref_squeeze %dma_start3A_400 : memref<1x128xi32, #tpu.memory_space<vmem>> -> memref<128xi32, #tpu.memory_space<vmem>>
      %dma_start3A_402 = arith.constant 0 : i32
      %dma_start3A_403 = arith.constant 0 : i32
      %dma_start3A_404 = tpu.memref_slice %arg16[%dma_start3A_402, %dma_start3A_403] : memref<10112x64xf32, #tpu.memory_space<vmem_shared>> -> memref<10112x64xf32, #tpu.memory_space<vmem_shared>>
      tpu.enqueue_indirect_dma source(%arg13 : memref<128x64xf32, #tpu.memory_space<vmem>>) target(%dma_start3A_404 : memref<10112x64xf32, #tpu.memory_space<vmem_shared>>) offsets(%dma_start3A_401 : memref<128xi32, #tpu.memory_space<vmem>>) semaphore(%run_scoped3A_398 : memref<!tpu.dma_semaphore, #tpu.memory_space<semaphore_mem>>) {add = true}
      %dma_wait3A_405 = arith.constant 0 : i32
      %dma_wait3A_406 = tpu.memref_slice %arg7[%run_scoped3A_372, %dma_wait3A_405] : memref<80x128xi32, #tpu.memory_space<vmem>> -> memref<1x128xi32, #tpu.memory_space<vmem>>
      %dma_wait3A_407 = tpu.memref_squeeze %dma_wait3A_406 : memref<1x128xi32, #tpu.memory_space<vmem>> -> memref<128xi32, #tpu.memory_space<vmem>>
      %dma_wait3A_408 = arith.constant 0 : i32
      %dma_wait3A_409 = arith.constant 0 : i32
      %dma_wait3A_410 = tpu.memref_slice %arg16[%dma_wait3A_408, %dma_wait3A_409] : memref<10112x64xf32, #tpu.memory_space<vmem_shared>> -> memref<10112x64xf32, #tpu.memory_space<vmem_shared>>
      tpu.wait_indirect_dma semaphore(%run_scoped3A_398 : memref<!tpu.dma_semaphore, #tpu.memory_space<semaphore_mem>>) src(%arg13 : memref<128x64xf32, #tpu.memory_space<vmem>>) dst(%dma_wait3A_410 : memref<10112x64xf32, #tpu.memory_space<vmem_shared>>)
      tpu.yield
    }) : () -> ()
    %dma_wait3A_373 = arith.constant 78 : i32
    %dma_wait3A_374 = arith.constant 0 : i32
    %dma_wait3A_375 = tpu.memref_slice %arg6[%dma_wait3A_373, %dma_wait3A_374] : memref<80x128xi32, #tpu.memory_space<vmem>> -> memref<1x128xi32, #tpu.memory_space<vmem>>
    %dma_wait3A_376 = tpu.memref_squeeze %dma_wait3A_375 : memref<1x128xi32, #tpu.memory_space<vmem>> -> memref<128xi32, #tpu.memory_space<vmem>>
    %dma_wait3A_377 = arith.constant 0 : i32
    %dma_wait3A_378 = arith.constant 0 : i32
    %dma_wait3A_379 = tpu.memref_slice %arg2[%arg0, %dma_wait3A_377, %dma_wait3A_378] : memref<2x10112x64xf32, #tpu.memory_space<hbm>> -> memref<1x10112x64xf32, #tpu.memory_space<hbm>>
    %dma_wait3A_380 = tpu.memref_squeeze %dma_wait3A_379 : memref<1x10112x64xf32, #tpu.memory_space<hbm>> -> memref<10112x64xf32, #tpu.memory_space<hbm>>
    %dma_wait3A_381 = arith.constant 0 : i32
    %dma_wait3A_382 = arith.constant 0 : i32
    %dma_wait3A_383 = tpu.memref_slice %dma_wait3A_380[%dma_wait3A_381, %dma_wait3A_382] : memref<10112x64xf32, #tpu.memory_space<hbm>> -> memref<10112x64xf32, #tpu.memory_space<hbm>>
    tpu.wait_indirect_dma semaphore(%arg23 : memref<!tpu.dma_semaphore, #tpu.memory_space<semaphore_mem>>) src(%dma_wait3A_383 : memref<10112x64xf32, #tpu.memory_space<hbm>>) dst(%arg14 : memref<128x64xf32, #tpu.memory_space<vmem>>)
    %run_scoped3A_384 = arith.constant 78 : i32
    "tpu.region"() ({
      %run_scoped3A_398 = tpu.sem_alloc : memref<!tpu.dma_semaphore, #tpu.memory_space<semaphore_mem>>
      %dma_start3A_399 = arith.constant 0 : i32
      %dma_start3A_400 = tpu.memref_slice %arg7[%run_scoped3A_384, %dma_start3A_399] : memref<80x128xi32, #tpu.memory_space<vmem>> -> memref<1x128xi32, #tpu.memory_space<vmem>>
      %dma_start3A_401 = tpu.memref_squeeze %dma_start3A_400 : memref<1x128xi32, #tpu.memory_space<vmem>> -> memref<128xi32, #tpu.memory_space<vmem>>
      %dma_start3A_402 = arith.constant 0 : i32
      %dma_start3A_403 = arith.constant 0 : i32
      %dma_start3A_404 = tpu.memref_slice %arg16[%dma_start3A_402, %dma_start3A_403] : memref<10112x64xf32, #tpu.memory_space<vmem_shared>> -> memref<10112x64xf32, #tpu.memory_space<vmem_shared>>
      tpu.enqueue_indirect_dma source(%arg14 : memref<128x64xf32, #tpu.memory_space<vmem>>) target(%dma_start3A_404 : memref<10112x64xf32, #tpu.memory_space<vmem_shared>>) offsets(%dma_start3A_401 : memref<128xi32, #tpu.memory_space<vmem>>) semaphore(%run_scoped3A_398 : memref<!tpu.dma_semaphore, #tpu.memory_space<semaphore_mem>>) {add = true}
      %dma_wait3A_405 = arith.constant 0 : i32
      %dma_wait3A_406 = tpu.memref_slice %arg7[%run_scoped3A_384, %dma_wait3A_405] : memref<80x128xi32, #tpu.memory_space<vmem>> -> memref<1x128xi32, #tpu.memory_space<vmem>>
      %dma_wait3A_407 = tpu.memref_squeeze %dma_wait3A_406 : memref<1x128xi32, #tpu.memory_space<vmem>> -> memref<128xi32, #tpu.memory_space<vmem>>
      %dma_wait3A_408 = arith.constant 0 : i32
      %dma_wait3A_409 = arith.constant 0 : i32
      %dma_wait3A_410 = tpu.memref_slice %arg16[%dma_wait3A_408, %dma_wait3A_409] : memref<10112x64xf32, #tpu.memory_space<vmem_shared>> -> memref<10112x64xf32, #tpu.memory_space<vmem_shared>>
      tpu.wait_indirect_dma semaphore(%run_scoped3A_398 : memref<!tpu.dma_semaphore, #tpu.memory_space<semaphore_mem>>) src(%arg14 : memref<128x64xf32, #tpu.memory_space<vmem>>) dst(%dma_wait3A_410 : memref<10112x64xf32, #tpu.memory_space<vmem_shared>>)
      tpu.yield
    }) : () -> ()
    %dma_wait3A_385 = arith.constant 79 : i32
    %dma_wait3A_386 = arith.constant 0 : i32
    %dma_wait3A_387 = tpu.memref_slice %arg6[%dma_wait3A_385, %dma_wait3A_386] : memref<80x128xi32, #tpu.memory_space<vmem>> -> memref<1x128xi32, #tpu.memory_space<vmem>>
    %dma_wait3A_388 = tpu.memref_squeeze %dma_wait3A_387 : memref<1x128xi32, #tpu.memory_space<vmem>> -> memref<128xi32, #tpu.memory_space<vmem>>
    %dma_wait3A_389 = arith.constant 0 : i32
    %dma_wait3A_390 = arith.constant 0 : i32
    %dma_wait3A_391 = tpu.memref_slice %arg2[%arg0, %dma_wait3A_389, %dma_wait3A_390] : memref<2x10112x64xf32, #tpu.memory_space<hbm>> -> memref<1x10112x64xf32, #tpu.memory_space<hbm>>
    %dma_wait3A_392 = tpu.memref_squeeze %dma_wait3A_391 : memref<1x10112x64xf32, #tpu.memory_space<hbm>> -> memref<10112x64xf32, #tpu.memory_space<hbm>>
    %dma_wait3A_393 = arith.constant 0 : i32
    %dma_wait3A_394 = arith.constant 0 : i32
    %dma_wait3A_395 = tpu.memref_slice %dma_wait3A_392[%dma_wait3A_393, %dma_wait3A_394] : memref<10112x64xf32, #tpu.memory_space<hbm>> -> memref<10112x64xf32, #tpu.memory_space<hbm>>
    tpu.wait_indirect_dma semaphore(%arg24 : memref<!tpu.dma_semaphore, #tpu.memory_space<semaphore_mem>>) src(%dma_wait3A_395 : memref<10112x64xf32, #tpu.memory_space<hbm>>) dst(%arg15 : memref<128x64xf32, #tpu.memory_space<vmem>>)
    %run_scoped3A_396 = arith.constant 79 : i32
    "tpu.region"() ({
      %run_scoped3A_398 = tpu.sem_alloc : memref<!tpu.dma_semaphore, #tpu.memory_space<semaphore_mem>>
      %dma_start3A_399 = arith.constant 0 : i32
      %dma_start3A_400 = tpu.memref_slice %arg7[%run_scoped3A_396, %dma_start3A_399] : memref<80x128xi32, #tpu.memory_space<vmem>> -> memref<1x128xi32, #tpu.memory_space<vmem>>
      %dma_start3A_401 = tpu.memref_squeeze %dma_start3A_400 : memref<1x128xi32, #tpu.memory_space<vmem>> -> memref<128xi32, #tpu.memory_space<vmem>>
      %dma_start3A_402 = arith.constant 0 : i32
      %dma_start3A_403 = arith.constant 0 : i32
      %dma_start3A_404 = tpu.memref_slice %arg16[%dma_start3A_402, %dma_start3A_403] : memref<10112x64xf32, #tpu.memory_space<vmem_shared>> -> memref<10112x64xf32, #tpu.memory_space<vmem_shared>>
      tpu.enqueue_indirect_dma source(%arg15 : memref<128x64xf32, #tpu.memory_space<vmem>>) target(%dma_start3A_404 : memref<10112x64xf32, #tpu.memory_space<vmem_shared>>) offsets(%dma_start3A_401 : memref<128xi32, #tpu.memory_space<vmem>>) semaphore(%run_scoped3A_398 : memref<!tpu.dma_semaphore, #tpu.memory_space<semaphore_mem>>) {add = true}
      %dma_wait3A_405 = arith.constant 0 : i32
      %dma_wait3A_406 = tpu.memref_slice %arg7[%run_scoped3A_396, %dma_wait3A_405] : memref<80x128xi32, #tpu.memory_space<vmem>> -> memref<1x128xi32, #tpu.memory_space<vmem>>
      %dma_wait3A_407 = tpu.memref_squeeze %dma_wait3A_406 : memref<1x128xi32, #tpu.memory_space<vmem>> -> memref<128xi32, #tpu.memory_space<vmem>>
      %dma_wait3A_408 = arith.constant 0 : i32
      %dma_wait3A_409 = arith.constant 0 : i32
      %dma_wait3A_410 = tpu.memref_slice %arg16[%dma_wait3A_408, %dma_wait3A_409] : memref<10112x64xf32, #tpu.memory_space<vmem_shared>> -> memref<10112x64xf32, #tpu.memory_space<vmem_shared>>
      tpu.wait_indirect_dma semaphore(%run_scoped3A_398 : memref<!tpu.dma_semaphore, #tpu.memory_space<semaphore_mem>>) src(%arg15 : memref<128x64xf32, #tpu.memory_space<vmem>>) dst(%dma_wait3A_410 : memref<10112x64xf32, #tpu.memory_space<vmem_shared>>)
      tpu.yield
    }) : () -> ()
    %barrier3A_397 = arith.constant 0 : index
    tpu.barrier barrier_id(%barrier3A_397)
    "tpu.region"() ({
      %run_scoped3A_398 = tpu.sem_alloc : memref<!tpu.dma_semaphore, #tpu.memory_space<semaphore_mem>>
      %dma_start3A_399 = arith.constant 0 : i32
      %dma_start3A_400 = tpu.memref_slice %arg5[%arg0, %mul3A_0, %dma_start3A_399] : memref<2x10112x64xf32, #tpu.memory_space<hbm>> -> memref<1x632x64xf32, #tpu.memory_space<hbm>>
      %dma_start3A_401 = tpu.memref_squeeze %dma_start3A_400 : memref<1x632x64xf32, #tpu.memory_space<hbm>> -> memref<632x64xf32, #tpu.memory_space<hbm>>
      %dma_start3A_402 = arith.constant 0 : i32
      %dma_start3A_403 = tpu.memref_slice %arg16[%mul3A_0, %dma_start3A_402] : memref<10112x64xf32, #tpu.memory_space<vmem_shared>> -> memref<632x64xf32, #tpu.memory_space<vmem_shared>>
      tpu.enqueue_dma source(%dma_start3A_403 : memref<632x64xf32, #tpu.memory_space<vmem_shared>>) target(%dma_start3A_401 : memref<632x64xf32, #tpu.memory_space<hbm>>) target_semaphore(%run_scoped3A_398 : memref<!tpu.dma_semaphore, #tpu.memory_space<semaphore_mem>>)
      %dma_wait3A_404 = arith.constant 0 : i32
      %dma_wait3A_405 = tpu.memref_slice %arg5[%arg0, %mul3A_0, %dma_wait3A_404] : memref<2x10112x64xf32, #tpu.memory_space<hbm>> -> memref<1x632x64xf32, #tpu.memory_space<hbm>>
      %dma_wait3A_406 = tpu.memref_squeeze %dma_wait3A_405 : memref<1x632x64xf32, #tpu.memory_space<hbm>> -> memref<632x64xf32, #tpu.memory_space<hbm>>
      %dma_wait3A_407 = arith.constant 0 : i32
      %dma_wait3A_408 = tpu.memref_slice %arg16[%mul3A_0, %dma_wait3A_407] : memref<10112x64xf32, #tpu.memory_space<vmem_shared>> -> memref<632x64xf32, #tpu.memory_space<vmem_shared>>
      tpu.wait_dma2 semaphore(%run_scoped3A_398 : memref<!tpu.dma_semaphore, #tpu.memory_space<semaphore_mem>>) src(%dma_wait3A_408 : memref<632x64xf32, #tpu.memory_space<vmem_shared>>) dst(%dma_wait3A_406 : memref<632x64xf32, #tpu.memory_space<hbm>>)
      tpu.yield
    }) : () -> ()
    return
  }
}

module attributes {stable_mosaic.version = 14 : i64} {
  func.func @_scale_body(%arg0: memref<2x10112x16xf32, #tpu.memory_space<vmem>>, %arg1: memref<10112x128xf32, #tpu.memory_space<vmem>>, %arg2: memref<128x128xf32, #tpu.memory_space<vmem>>, %arg3: memref<2x10112x64xf32, #tpu.memory_space<vmem>>, %arg4: memref<10112x1xf32, #tpu.memory_space<vmem>>) attributes {dimension_semantics = [], scalar_prefetch = 0 : i64, scratch_operands = 0 : i64, tpu.core_type = #tpu.core_type<tc>} {
    %get3A = arith.constant 0 : index
    %get3A_0 = arith.constant 0 : index
    %get3A_1 = arith.constant 0 : index
    %get3A_2 = vector.load %arg0[%get3A, %get3A_0, %get3A_1] : memref<2x10112x16xf32, #tpu.memory_space<vmem>>, vector<1x10112x1xf32>
    %get3A_3 = vector.shape_cast %get3A_2 : vector<1x10112x1xf32> to vector<10112x1xf32>
    %get3A_4 = arith.constant 1 : index
    %get3A_5 = arith.constant 0 : index
    %get3A_6 = arith.constant 0 : index
    %get3A_7 = vector.load %arg0[%get3A_4, %get3A_5, %get3A_6] : memref<2x10112x16xf32, #tpu.memory_space<vmem>>, vector<1x10112x1xf32>
    %get3A_8 = vector.shape_cast %get3A_7 : vector<1x10112x1xf32> to vector<10112x1xf32>
    %add3A = arith.addf %get3A_3, %get3A_8 : vector<10112x1xf32>
    %add3A_9 = arith.constant 1.000000e+00 : f32
    %add3A_10 = vector.broadcast %add3A_9 : f32 to vector<10112x1xf32>
    %add3A_11 = arith.addf %add3A, %add3A_10 : vector<10112x1xf32>
    %iota3A = tpu.iota {dimensions = array<i32: 0>} : vector<10112x1xi32>
    %lt3A = arith.constant 10000 : i32
    %lt3A_12 = vector.broadcast %lt3A : i32 to vector<10112x1xi32>
    %lt3A_13 = arith.cmpi slt, %iota3A, %lt3A_12 : vector<10112x1xi32>
    %rsqrt3A = math.rsqrt %add3A_11 : vector<10112x1xf32>
    %jit3A = arith.constant 0.000000e+00 : f32
    %broadcast_in_dim3A = vector.broadcast %jit3A : f32 to vector<10112x1xf32>
    %select_n3A = arith.select %lt3A_13, %rsqrt3A, %broadcast_in_dim3A : vector<10112x1xi1>, vector<10112x1xf32>
    %get3A_14 = arith.constant 0 : index
    %get3A_15 = arith.constant 0 : index
    %get3A_16 = vector.load %arg1[%get3A_14, %get3A_15] : memref<10112x128xf32, #tpu.memory_space<vmem>>, vector<10112x128xf32>
    %get3A_17 = arith.constant 0 : index
    %get3A_18 = arith.constant 0 : index
    %get3A_19 = vector.load %arg2[%get3A_17, %get3A_18] : memref<128x128xf32, #tpu.memory_space<vmem>>, vector<128x128xf32>
    %dot_general3A = arith.constant dense<0.000000e+00> : vector<10112x128xf32>
    %dot_general3A_20 = tpu.matmul %get3A_16, %get3A_19, %dot_general3A {dimension_numbers = #tpu.dot_dimension_numbers<[1], [0], [0], [1], [0, 0, 1, 1], [], []>, transpose_lhs_hint = false} : vector<10112x128xf32>, vector<128x128xf32>, vector<10112x128xf32> -> vector<10112x128xf32>
    %mul3A = vector.broadcast %select_n3A : vector<10112x1xf32> to vector<10112x128xf32>
    %mul3A_21 = arith.mulf %dot_general3A_20, %mul3A : vector<10112x128xf32>
    %slice3A = vector.extract_strided_slice %mul3A_21 {offsets = [0, 0], sizes = [10112, 64], strides = [1, 1]} : vector<10112x128xf32> to vector<10112x64xf32>
    %slice3A_22 = vector.extract_strided_slice %mul3A_21 {offsets = [0, 64], sizes = [10112, 64], strides = [1, 1]} : vector<10112x128xf32> to vector<10112x64xf32>
    %stack3A = vector.shape_cast %slice3A : vector<10112x64xf32> to vector<1x10112x64xf32>
    %stack3A_23 = vector.shape_cast %slice3A_22 : vector<10112x64xf32> to vector<1x10112x64xf32>
    %stack3A_24 = tpu.concatenate %stack3A, %stack3A_23 in 0 : vector<1x10112x64xf32>, vector<1x10112x64xf32> -> vector<2x10112x64xf32>
    %swap3A = arith.constant 0 : index
    %swap3A_25 = arith.constant 0 : index
    %swap3A_26 = arith.constant 0 : index
    %swap3A_27 = vector.load %arg3[%swap3A, %swap3A_25, %swap3A_26] : memref<2x10112x64xf32, #tpu.memory_space<vmem>>, vector<2x10112x64xf32>
    tpu.vector_store %arg3[%swap3A, %swap3A_25, %swap3A_26], %stack3A_24 {strides = array<i32>} : memref<2x10112x64xf32, #tpu.memory_space<vmem>>, vector<2x10112x64xf32>,
    %swap3A_28 = arith.constant 0 : index
    %swap3A_29 = arith.constant 0 : index
    %swap3A_30 = vector.load %arg4[%swap3A_28, %swap3A_29] : memref<10112x1xf32, #tpu.memory_space<vmem>>, vector<10112x1xf32>
    tpu.vector_store %arg4[%swap3A_28, %swap3A_29], %select_n3A {strides = array<i32>} : memref<10112x1xf32, #tpu.memory_space<vmem>>, vector<10112x1xf32>,
    return
  }
}

module attributes {stable_mosaic.version = 14 : i64} {
  func.func @_layer_body(%arg0: memref<2x10112x64xf32, #tpu.memory_space<vmem>>, %arg1: memref<2x10112x64xf32, #tpu.memory_space<vmem>>, %arg2: memref<10112x1xf32, #tpu.memory_space<vmem>>, %arg3: memref<1x128xf32, #tpu.memory_space<vmem>>, %arg4: memref<128x128xf32, #tpu.memory_space<vmem>>, %arg5: memref<2x10112x64xf32, #tpu.memory_space<vmem>>) attributes {dimension_semantics = [], scalar_prefetch = 0 : i64, scratch_operands = 0 : i64, tpu.core_type = #tpu.core_type<tc>} {
    %get3A = arith.constant 0 : index
    %get3A_0 = arith.constant 0 : index
    %get3A_1 = vector.load %arg2[%get3A, %get3A_0] : memref<10112x1xf32, #tpu.memory_space<vmem>>, vector<10112x1xf32>
    %get3A_2 = arith.constant 0 : index
    %get3A_3 = arith.constant 0 : index
    %get3A_4 = arith.constant 0 : index
    %get3A_5 = vector.load %arg0[%get3A_2, %get3A_3, %get3A_4] : memref<2x10112x64xf32, #tpu.memory_space<vmem>>, vector<2x10112x64xf32>
    %slice3A = vector.extract_strided_slice %get3A_5 {offsets = [0, 0, 0], sizes = [1, 10112, 64], strides = [1, 1, 1]} : vector<2x10112x64xf32> to vector<1x10112x64xf32>
    %squeeze3A = vector.shape_cast %slice3A : vector<1x10112x64xf32> to vector<10112x64xf32>
    %slice3A_6 = vector.extract_strided_slice %get3A_5 {offsets = [1, 0, 0], sizes = [1, 10112, 64], strides = [1, 1, 1]} : vector<2x10112x64xf32> to vector<1x10112x64xf32>
    %squeeze3A_7 = vector.shape_cast %slice3A_6 : vector<1x10112x64xf32> to vector<10112x64xf32>
    %concatenate3A = tpu.concatenate %squeeze3A, %squeeze3A_7 in 1 : vector<10112x64xf32>, vector<10112x64xf32> -> vector<10112x128xf32>
    %get3A_8 = arith.constant 0 : index
    %get3A_9 = arith.constant 0 : index
    %get3A_10 = arith.constant 0 : index
    %get3A_11 = vector.load %arg1[%get3A_8, %get3A_9, %get3A_10] : memref<2x10112x64xf32, #tpu.memory_space<vmem>>, vector<2x10112x64xf32>
    %slice3A_12 = vector.extract_strided_slice %get3A_11 {offsets = [0, 0, 0], sizes = [1, 10112, 64], strides = [1, 1, 1]} : vector<2x10112x64xf32> to vector<1x10112x64xf32>
    %squeeze3A_13 = vector.shape_cast %slice3A_12 : vector<1x10112x64xf32> to vector<10112x64xf32>
    %slice3A_14 = vector.extract_strided_slice %get3A_11 {offsets = [1, 0, 0], sizes = [1, 10112, 64], strides = [1, 1, 1]} : vector<2x10112x64xf32> to vector<1x10112x64xf32>
    %squeeze3A_15 = vector.shape_cast %slice3A_14 : vector<1x10112x64xf32> to vector<10112x64xf32>
    %concatenate3A_16 = tpu.concatenate %squeeze3A_13, %squeeze3A_15 in 1 : vector<10112x64xf32>, vector<10112x64xf32> -> vector<10112x128xf32>
    %add3A = arith.addf %concatenate3A, %concatenate3A_16 : vector<10112x128xf32>
    %mul3A = vector.broadcast %get3A_1 : vector<10112x1xf32> to vector<10112x128xf32>
    %mul3A_17 = arith.mulf %add3A, %mul3A : vector<10112x128xf32>
    %get3A_18 = arith.constant 0 : index
    %get3A_19 = arith.constant 0 : index
    %get3A_20 = vector.load %arg3[%get3A_18, %get3A_19] : memref<1x128xf32, #tpu.memory_space<vmem>>, vector<1x128xf32>
    %add3A_21 = vector.broadcast %get3A_20 : vector<1x128xf32> to vector<10112x128xf32>
    %add3A_22 = arith.addf %mul3A_17, %add3A_21 : vector<10112x128xf32>
    %max3A = arith.constant 0.000000e+00 : f32
    %max3A_23 = vector.broadcast %max3A : f32 to vector<10112x128xf32>
    %max3A_24 = arith.maximumf %add3A_22, %max3A_23 : vector<10112x128xf32>
    %get3A_25 = arith.constant 0 : index
    %get3A_26 = arith.constant 0 : index
    %get3A_27 = vector.load %arg4[%get3A_25, %get3A_26] : memref<128x128xf32, #tpu.memory_space<vmem>>, vector<128x128xf32>
    %dot_general3A = arith.constant dense<0.000000e+00> : vector<10112x128xf32>
    %dot_general3A_28 = tpu.matmul %max3A_24, %get3A_27, %dot_general3A {dimension_numbers = #tpu.dot_dimension_numbers<[1], [0], [0], [1], [0, 0, 1, 1], [], []>, transpose_lhs_hint = false} : vector<10112x128xf32>, vector<128x128xf32>, vector<10112x128xf32> -> vector<10112x128xf32>
    %mul3A_29 = vector.broadcast %get3A_1 : vector<10112x1xf32> to vector<10112x128xf32>
    %mul3A_30 = arith.mulf %dot_general3A_28, %mul3A_29 : vector<10112x128xf32>
    %slice3A_31 = vector.extract_strided_slice %mul3A_30 {offsets = [0, 0], sizes = [10112, 64], strides = [1, 1]} : vector<10112x128xf32> to vector<10112x64xf32>
    %slice3A_32 = vector.extract_strided_slice %mul3A_30 {offsets = [0, 64], sizes = [10112, 64], strides = [1, 1]} : vector<10112x128xf32> to vector<10112x64xf32>
    %stack3A = vector.shape_cast %slice3A_31 : vector<10112x64xf32> to vector<1x10112x64xf32>
    %stack3A_33 = vector.shape_cast %slice3A_32 : vector<10112x64xf32> to vector<1x10112x64xf32>
    %stack3A_34 = tpu.concatenate %stack3A, %stack3A_33 in 0 : vector<1x10112x64xf32>, vector<1x10112x64xf32> -> vector<2x10112x64xf32>
    %swap3A = arith.constant 0 : index
    %swap3A_35 = arith.constant 0 : index
    %swap3A_36 = arith.constant 0 : index
    %swap3A_37 = vector.load %arg5[%swap3A, %swap3A_35, %swap3A_36] : memref<2x10112x64xf32, #tpu.memory_space<vmem>>, vector<2x10112x64xf32>
    tpu.vector_store %arg5[%swap3A, %swap3A_35, %swap3A_36], %stack3A_34 {strides = array<i32>} : memref<2x10112x64xf32, #tpu.memory_space<vmem>>, vector<2x10112x64xf32>,
    return
  }
}

module attributes {stable_mosaic.version = 14 : i64} {
  func.func @_head_body(%arg0: memref<2x10112x64xf32, #tpu.memory_space<vmem>>, %arg1: memref<2x10112x64xf32, #tpu.memory_space<vmem>>, %arg2: memref<10112x1xf32, #tpu.memory_space<vmem>>, %arg3: memref<1x128xf32, #tpu.memory_space<vmem>>, %arg4: memref<1x10000xi32, #tpu.memory_space<vmem>>, %arg5: memref<128x10xf32, #tpu.memory_space<vmem>>, %arg6: memref<1x10xf32, #tpu.memory_space<vmem>>, %arg7: memref<64x10xf32, #tpu.memory_space<vmem>>, %arg8: memref<10000x1xf32, #tpu.memory_space<vmem>>, %arg9: memref<10112x128xf32, #tpu.memory_space<vmem>>, %arg10: memref<64x128xf32, #tpu.memory_space<vmem>>, %arg11: memref<64x1xi32, #tpu.memory_space<vmem>>) attributes {dimension_semantics = [], scalar_prefetch = 0 : i64, scratch_operands = 3 : i64, tpu.core_type = #tpu.core_type<tc>} {
    %get3A = arith.constant 0 : index
    %get3A_0 = arith.constant 0 : index
    %get3A_1 = vector.load %arg2[%get3A, %get3A_0] : memref<10112x1xf32, #tpu.memory_space<vmem>>, vector<10112x1xf32>
    %get3A_2 = arith.constant 0 : index
    %get3A_3 = arith.constant 0 : index
    %get3A_4 = arith.constant 0 : index
    %get3A_5 = vector.load %arg0[%get3A_2, %get3A_3, %get3A_4] : memref<2x10112x64xf32, #tpu.memory_space<vmem>>, vector<2x10112x64xf32>
    %slice3A = vector.extract_strided_slice %get3A_5 {offsets = [0, 0, 0], sizes = [1, 10112, 64], strides = [1, 1, 1]} : vector<2x10112x64xf32> to vector<1x10112x64xf32>
    %squeeze3A = vector.shape_cast %slice3A : vector<1x10112x64xf32> to vector<10112x64xf32>
    %slice3A_6 = vector.extract_strided_slice %get3A_5 {offsets = [1, 0, 0], sizes = [1, 10112, 64], strides = [1, 1, 1]} : vector<2x10112x64xf32> to vector<1x10112x64xf32>
    %squeeze3A_7 = vector.shape_cast %slice3A_6 : vector<1x10112x64xf32> to vector<10112x64xf32>
    %concatenate3A = tpu.concatenate %squeeze3A, %squeeze3A_7 in 1 : vector<10112x64xf32>, vector<10112x64xf32> -> vector<10112x128xf32>
    %get3A_8 = arith.constant 0 : index
    %get3A_9 = arith.constant 0 : index
    %get3A_10 = arith.constant 0 : index
    %get3A_11 = vector.load %arg1[%get3A_8, %get3A_9, %get3A_10] : memref<2x10112x64xf32, #tpu.memory_space<vmem>>, vector<2x10112x64xf32>
    %slice3A_12 = vector.extract_strided_slice %get3A_11 {offsets = [0, 0, 0], sizes = [1, 10112, 64], strides = [1, 1, 1]} : vector<2x10112x64xf32> to vector<1x10112x64xf32>
    %squeeze3A_13 = vector.shape_cast %slice3A_12 : vector<1x10112x64xf32> to vector<10112x64xf32>
    %slice3A_14 = vector.extract_strided_slice %get3A_11 {offsets = [1, 0, 0], sizes = [1, 10112, 64], strides = [1, 1, 1]} : vector<2x10112x64xf32> to vector<1x10112x64xf32>
    %squeeze3A_15 = vector.shape_cast %slice3A_14 : vector<1x10112x64xf32> to vector<10112x64xf32>
    %concatenate3A_16 = tpu.concatenate %squeeze3A_13, %squeeze3A_15 in 1 : vector<10112x64xf32>, vector<10112x64xf32> -> vector<10112x128xf32>
    %add3A = arith.addf %concatenate3A, %concatenate3A_16 : vector<10112x128xf32>
    %mul3A = vector.broadcast %get3A_1 : vector<10112x1xf32> to vector<10112x128xf32>
    %mul3A_17 = arith.mulf %add3A, %mul3A : vector<10112x128xf32>
    %get3A_18 = arith.constant 0 : index
    %get3A_19 = arith.constant 0 : index
    %get3A_20 = vector.load %arg3[%get3A_18, %get3A_19] : memref<1x128xf32, #tpu.memory_space<vmem>>, vector<1x128xf32>
    %add3A_21 = vector.broadcast %get3A_20 : vector<1x128xf32> to vector<10112x128xf32>
    %add3A_22 = arith.addf %mul3A_17, %add3A_21 : vector<10112x128xf32>
    %max3A = arith.constant 0.000000e+00 : f32
    %max3A_23 = vector.broadcast %max3A : f32 to vector<10112x128xf32>
    %max3A_24 = arith.maximumf %add3A_22, %max3A_23 : vector<10112x128xf32>
    %slice3A_25 = vector.extract_strided_slice %max3A_24 {offsets = [0, 0], sizes = [10000, 128], strides = [1, 1]} : vector<10112x128xf32> to vector<10000x128xf32>
    %reduce_max3A = arith.constant dense<0xFF800000> : vector<10000xf32>
    %reduce_max3A_26 = vector.multi_reduction <maximumf>, %slice3A_25, %reduce_max3A [1] : vector<10000x128xf32> to vector<10000xf32>
    %broadcast_in_dim3A = vector.shape_cast %reduce_max3A_26 : vector<10000xf32> to vector<10000x1xf32>
    %swap3A = arith.constant 0 : index
    %swap3A_27 = arith.constant 0 : index
    %swap3A_28 = vector.load %arg8[%swap3A, %swap3A_27] : memref<10000x1xf32, #tpu.memory_space<vmem>>, vector<10000x1xf32>
    tpu.vector_store %arg8[%swap3A, %swap3A_27], %broadcast_in_dim3A {strides = array<i32>} : memref<10000x1xf32, #tpu.memory_space<vmem>>, vector<10000x1xf32>,
    %swap3A_29 = arith.constant 0 : index
    %swap3A_30 = arith.constant 0 : index
    %swap3A_31 = vector.load %arg9[%swap3A_29, %swap3A_30] : memref<10112x128xf32, #tpu.memory_space<vmem>>, vector<10112x128xf32>
    tpu.vector_store %arg9[%swap3A_29, %swap3A_30], %max3A_24 {strides = array<i32>} : memref<10112x128xf32, #tpu.memory_space<vmem>>, vector<10112x128xf32>,
    %iota3A = tpu.iota {dimensions = array<i32: 0>} : vector<64x1xi32>
    %get3A_32 = arith.constant 0 : index
    %get3A_33 = arith.constant 0 : index
    %get3A_34 = vector.load %arg4[%get3A_32, %get3A_33] : memref<1x10000xi32, #tpu.memory_space<vmem>>, vector<1x10000xi32>
    %le3A = vector.broadcast %get3A_34 : vector<1x10000xi32> to vector<64x10000xi32>
    %le3A_35 = vector.broadcast %iota3A : vector<64x1xi32> to vector<64x10000xi32>
    %le3A_36 = arith.cmpi sle, %le3A, %le3A_35 : vector<64x10000xi32>
    %convert_element_type3A = arith.extui %le3A_36 : vector<64x10000xi1> to vector<64x10000xi32>
    %reduce_sum3A = arith.constant dense<0> : vector<64xi32>
    %reduce_sum3A_37 = vector.multi_reduction <add>, %convert_element_type3A, %reduce_sum3A [1] : vector<64x10000xi32> to vector<64xi32>
    %broadcast_in_dim3A_38 = vector.shape_cast %reduce_sum3A_37 : vector<64xi32> to vector<64x1xi32>
    %swap3A_39 = arith.constant 0 : index
    %swap3A_40 = arith.constant 0 : index
    %swap3A_41 = vector.load %arg11[%swap3A_39, %swap3A_40] : memref<64x1xi32, #tpu.memory_space<vmem>>, vector<64x1xi32>
    tpu.vector_store %arg11[%swap3A_39, %swap3A_40], %broadcast_in_dim3A_38 {strides = array<i32>} : memref<64x1xi32, #tpu.memory_space<vmem>>, vector<64x1xi32>,
    %broadcast_in_dim3A_42 = arith.constant 0xFF800000 : f32
    %broadcast_in_dim3A_43 = vector.broadcast %broadcast_in_dim3A_42 : f32 to vector<64x128xf32>
    %swap3A_44 = arith.constant 0 : index
    %swap3A_45 = arith.constant 0 : index
    %swap3A_46 = vector.load %arg10[%swap3A_44, %swap3A_45] : memref<64x128xf32, #tpu.memory_space<vmem>>, vector<64x128xf32>
    tpu.vector_store %arg10[%swap3A_44, %swap3A_45], %broadcast_in_dim3A_43 {strides = array<i32>} : memref<64x128xf32, #tpu.memory_space<vmem>>, vector<64x128xf32>,
    %scan3A = arith.constant 0 : i32
    %scan3A_47 = arith.constant 0 : i32
    %scan3A_48 = arith.constant 64 : i32
    %scan3A_49 = arith.addi %scan3A_47, %scan3A_48 : i32
    %scan3A_50 = arith.constant 1 : i32
    %scan3A_51 = scf.for %scan3A_79 = %scan3A_47 to %scan3A_49 step %scan3A_50 iter_args(%scan3A_80 = %scan3A) -> (i32)  : i32 {
      %get3A_81 = arith.index_cast %scan3A_79 : i32 to index
      %get3A_82 = arith.constant 0 : index
      %get3A_83 = vector.load %arg11[%get3A_81, %get3A_82] : memref<64x1xi32, #tpu.memory_space<vmem>>, vector<1x1xi32>
      %squeeze3A_84 = vector.extract %get3A_83[0, 0] : i32 from vector<1x1xi32>
      %sub3A_85 = arith.subi %squeeze3A_84, %scan3A_80 : i32
      %add3A_86 = arith.constant 512 : i32
      %add3A_87 = arith.addi %sub3A_85, %add3A_86 : i32
      %sub3A_88 = arith.constant 1 : i32
      %sub3A_89 = arith.subi %add3A_87, %sub3A_88 : i32
      %jit3A_90 = arith.constant 512 : i32
      %div3A_91 = arith.divsi %sub3A_89, %jit3A_90 : i32
      %sign3A = arith.constant 0 : i32
      %sign3A_92 = arith.cmpi sgt, %sub3A_89, %sign3A : i32
      %sign3A_93 = arith.extui %sign3A_92 : i1 to i32
      %sign3A_94 = arith.constant 0 : i32
      %sign3A_95 = arith.cmpi slt, %sub3A_89, %sign3A_94 : i32
      %sign3A_96 = arith.extui %sign3A_95 : i1 to i32
      %sign3A_97 = arith.subi %sign3A_93, %sign3A_96 : i32
      %sign3A_98 = arith.constant 0 : i32
      %sign3A_99 = arith.cmpi sgt, %jit3A_90, %sign3A_98 : i32
      %sign3A_100 = arith.extui %sign3A_99 : i1 to i32
      %sign3A_101 = arith.constant 0 : i32
      %sign3A_102 = arith.cmpi slt, %jit3A_90, %sign3A_101 : i32
      %sign3A_103 = arith.extui %sign3A_102 : i1 to i32
      %sign3A_104 = arith.subi %sign3A_100, %sign3A_103 : i32
      %ne3A = arith.cmpi ne, %sign3A_97, %sign3A_104 : i32
      %rem3A = arith.remsi %sub3A_89, %jit3A_90 : i32
      %ne3A_105 = arith.constant 0 : i32
      %ne3A_106 = arith.cmpi ne, %rem3A, %ne3A_105 : i32
      %and3A = arith.andi %ne3A, %ne3A_106 : i1
      %sub3A_107 = arith.constant 1 : i32
      %sub3A_108 = arith.subi %div3A_91, %sub3A_107 : i32
      %select_n3A_109 = arith.select %and3A, %sub3A_108, %div3A_91 : i32
      %broadcast_in_dim3A_110 = arith.constant 0xFF800000 : f32
      %broadcast_in_dim3A_111 = vector.broadcast %broadcast_in_dim3A_110 : f32 to vector<1x128xf32>
      %while3A = arith.constant 0 : i32
      %while3A_112 = arith.subi %select_n3A_109, %while3A : i32
      %while3A_113 = arith.addi %while3A, %while3A_112 : i32
      %while3A_114 = arith.constant 1 : i32
      %while3A_115 = arith.divsi %while3A_112, %while3A_114 : i32
      %while3A_116 = arith.muli %while3A_115, %while3A_114 : i32
      %while3A_117 = arith.addi %while3A, %while3A_116 : i32
      %while3A_118 = arith.constant 1 : i32
      %while3A_119 = scf.for %while3A_125 = %while3A to %while3A_117 step %while3A_118 iter_args(%while3A_126 = %broadcast_in_dim3A_111) -> (vector<1x128xf32>)  : i32 {
        %mul3A_127 = arith.constant 512 : i32
        %mul3A_128 = arith.muli %while3A_125, %mul3A_127 : i32
        %add3A_129 = arith.addi %scan3A_80, %mul3A_128 : i32
        %min3A = arith.constant 9600 : i32
        %min3A_130 = arith.minsi %add3A_129, %min3A : i32
        %get3A_131 = arith.index_cast %min3A_130 : i32 to index
        %get3A_132 = arith.constant 0 : index
        %get3A_133 = vector.load %arg9[%get3A_131, %get3A_132] : memref<10112x128xf32, #tpu.memory_space<vmem>>, vector<512x128xf32>
        %iota3A_134 = tpu.iota {dimensions = array<i32: 0>} : vector<512x1xi32>
        %add3A_135 = vector.broadcast %min3A_130 : i32 to vector<512x1xi32>
        %add3A_136 = arith.addi %iota3A_134, %add3A_135 : vector<512x1xi32>
        %ge3A = vector.broadcast %scan3A_80 : i32 to vector<512x1xi32>
        %ge3A_137 = arith.cmpi sge, %add3A_136, %ge3A : vector<512x1xi32>
        %lt3A = vector.broadcast %squeeze3A_84 : i32 to vector<512x1xi32>
        %lt3A_138 = arith.cmpi slt, %add3A_136, %lt3A : vector<512x1xi32>
        %and3A_139 = arith.andi %ge3A_137, %lt3A_138 : vector<512x1xi1>
        %jit3A_140 = arith.constant 0xFF800000 : f32
        %broadcast_in_dim3A_141 = vector.shape_cast %and3A_139 : vector<512x1xi1> to vector<512x1xi1>
        %broadcast_in_dim3A_142 = vector.broadcast %broadcast_in_dim3A_141 : vector<512x1xi1> to vector<512x128xi1>
        %broadcast_in_dim3A_143 = vector.broadcast %jit3A_140 : f32 to vector<512x128xf32>
        %select_n3A_144 = arith.select %broadcast_in_dim3A_142, %get3A_133, %broadcast_in_dim3A_143 : vector<512x128xi1>, vector<512x128xf32>
        %reduce_max3A_145 = arith.constant dense<0xFF800000> : vector<128xf32>
        %reduce_max3A_146 = vector.multi_reduction <maximumf>, %select_n3A_144, %reduce_max3A_145 [0] : vector<512x128xf32> to vector<128xf32>
        %broadcast_in_dim3A_147 = vector.shape_cast %reduce_max3A_146 : vector<128xf32> to vector<1x128xf32>
        %max3A_148 = arith.maximumf %while3A_126, %broadcast_in_dim3A_147 : vector<1x128xf32>
        scf.yield %max3A_148 : vector<1x128xf32>
      }
      %while3A_120 = arith.constant 1 : i32
      %while3A_121 = scf.for %while3A_125 = %while3A_117 to %while3A_113 step %while3A_120 iter_args(%while3A_126 = %while3A_119) -> (vector<1x128xf32>)  : i32 {
        %mul3A_127 = arith.constant 512 : i32
        %mul3A_128 = arith.muli %while3A_125, %mul3A_127 : i32
        %add3A_129 = arith.addi %scan3A_80, %mul3A_128 : i32
        %min3A = arith.constant 9600 : i32
        %min3A_130 = arith.minsi %add3A_129, %min3A : i32
        %get3A_131 = arith.index_cast %min3A_130 : i32 to index
        %get3A_132 = arith.constant 0 : index
        %get3A_133 = vector.load %arg9[%get3A_131, %get3A_132] : memref<10112x128xf32, #tpu.memory_space<vmem>>, vector<512x128xf32>
        %iota3A_134 = tpu.iota {dimensions = array<i32: 0>} : vector<512x1xi32>
        %add3A_135 = vector.broadcast %min3A_130 : i32 to vector<512x1xi32>
        %add3A_136 = arith.addi %iota3A_134, %add3A_135 : vector<512x1xi32>
        %ge3A = vector.broadcast %scan3A_80 : i32 to vector<512x1xi32>
        %ge3A_137 = arith.cmpi sge, %add3A_136, %ge3A : vector<512x1xi32>
        %lt3A = vector.broadcast %squeeze3A_84 : i32 to vector<512x1xi32>
        %lt3A_138 = arith.cmpi slt, %add3A_136, %lt3A : vector<512x1xi32>
        %and3A_139 = arith.andi %ge3A_137, %lt3A_138 : vector<512x1xi1>
        %jit3A_140 = arith.constant 0xFF800000 : f32
        %broadcast_in_dim3A_141 = vector.shape_cast %and3A_139 : vector<512x1xi1> to vector<512x1xi1>
        %broadcast_in_dim3A_142 = vector.broadcast %broadcast_in_dim3A_141 : vector<512x1xi1> to vector<512x128xi1>
        %broadcast_in_dim3A_143 = vector.broadcast %jit3A_140 : f32 to vector<512x128xf32>
        %select_n3A_144 = arith.select %broadcast_in_dim3A_142, %get3A_133, %broadcast_in_dim3A_143 : vector<512x128xi1>, vector<512x128xf32>
        %reduce_max3A_145 = arith.constant dense<0xFF800000> : vector<128xf32>
        %reduce_max3A_146 = vector.multi_reduction <maximumf>, %select_n3A_144, %reduce_max3A_145 [0] : vector<512x128xf32> to vector<128xf32>
        %broadcast_in_dim3A_147 = vector.shape_cast %reduce_max3A_146 : vector<128xf32> to vector<1x128xf32>
        %max3A_148 = arith.maximumf %while3A_126, %broadcast_in_dim3A_147 : vector<1x128xf32>
        scf.yield %max3A_148 : vector<1x128xf32>
      }
      %swap3A_122 = arith.index_cast %scan3A_79 : i32 to index
      %swap3A_123 = arith.constant 0 : index
      %swap3A_124 = vector.load %arg10[%swap3A_122, %swap3A_123] : memref<64x128xf32, #tpu.memory_space<vmem>>, vector<1x128xf32>
      tpu.vector_store %arg10[%swap3A_122, %swap3A_123], %while3A_121 {strides = array<i32>} : memref<64x128xf32, #tpu.memory_space<vmem>>, vector<1x128xf32>,
      scf.yield %squeeze3A_84 : i32
    }
    %scan3A_52 = arith.constant 64 : i32
    %get3A_53 = arith.constant 0 : index
    %get3A_54 = arith.constant 0 : index
    %get3A_55 = vector.load %arg10[%get3A_53, %get3A_54] : memref<64x128xf32, #tpu.memory_space<vmem>>, vector<64x128xf32>
    %is_finite3A = tpu.weird %get3A_55 : vector<64x128xf32> -> vector<64x128xi1>
    %is_finite3A_56 = arith.constant dense<true> : vector<64x128xi1>
    %is_finite3A_57 = arith.xori %is_finite3A, %is_finite3A_56 : vector<64x128xi1>
    %jit3A = arith.constant 0.000000e+00 : f32
    %broadcast_in_dim3A_58 = vector.broadcast %jit3A : f32 to vector<64x128xf32>
    %select_n3A = arith.select %is_finite3A_57, %get3A_55, %broadcast_in_dim3A_58 : vector<64x128xi1>, vector<64x128xf32>
    %get3A_59 = arith.constant 0 : index
    %get3A_60 = arith.constant 0 : index
    %get3A_61 = vector.load %arg5[%get3A_59, %get3A_60] : memref<128x10xf32, #tpu.memory_space<vmem>>, vector<128x10xf32>
    %dot_general3A = arith.constant dense<0.000000e+00> : vector<64x10xf32>
    %dot_general3A_62 = tpu.matmul %select_n3A, %get3A_61, %dot_general3A {dimension_numbers = #tpu.dot_dimension_numbers<[1], [0], [0], [1], [0, 0, 1, 1], [], []>, transpose_lhs_hint = false} : vector<64x128xf32>, vector<128x10xf32>, vector<64x10xf32> -> vector<64x10xf32>
    %get3A_63 = arith.constant 0 : index
    %get3A_64 = arith.constant 0 : index
    %get3A_65 = vector.load %arg6[%get3A_63, %get3A_64] : memref<1x10xf32, #tpu.memory_space<vmem>>, vector<1x10xf32>
    %add3A_66 = vector.broadcast %get3A_65 : vector<1x10xf32> to vector<64x10xf32>
    %add3A_67 = arith.addf %dot_general3A_62, %add3A_66 : vector<64x10xf32>
    %reduce_max3A_68 = arith.constant dense<0xFF800000> : vector<64xf32>
    %reduce_max3A_69 = vector.multi_reduction <maximumf>, %add3A_67, %reduce_max3A_68 [1] : vector<64x10xf32> to vector<64xf32>
    %broadcast_in_dim3A_70 = vector.shape_cast %reduce_max3A_69 : vector<64xf32> to vector<64x1xf32>
    %sub3A = vector.broadcast %broadcast_in_dim3A_70 : vector<64x1xf32> to vector<64x10xf32>
    %sub3A_71 = arith.subf %add3A_67, %sub3A : vector<64x10xf32>
    %exp3A = math.exp %sub3A_71 : vector<64x10xf32>
    %reduce_sum3A_72 = arith.constant dense<0.000000e+00> : vector<64xf32>
    %reduce_sum3A_73 = vector.multi_reduction <add>, %exp3A, %reduce_sum3A_72 [1] : vector<64x10xf32> to vector<64xf32>
    %broadcast_in_dim3A_74 = vector.shape_cast %reduce_sum3A_73 : vector<64xf32> to vector<64x1xf32>
    %div3A = vector.broadcast %broadcast_in_dim3A_74 : vector<64x1xf32> to vector<64x10xf32>
    %div3A_75 = arith.divf %exp3A, %div3A : vector<64x10xf32>
    %swap3A_76 = arith.constant 0 : index
    %swap3A_77 = arith.constant 0 : index
    %swap3A_78 = vector.load %arg7[%swap3A_76, %swap3A_77] : memref<64x10xf32, #tpu.memory_space<vmem>>, vector<64x10xf32>
    tpu.vector_store %arg7[%swap3A_76, %swap3A_77], %div3A_75 {strides = array<i32>} : memref<64x10xf32, #tpu.memory_space<vmem>>, vector<64x10xf32>,
    return
  }
}

</mosaic_0001>

<sc_bundles>
// kernel: kernel.11.cloned.1.call-start
scs
__scs_entry_jumppad:
0x0: {  	(pc) =	sbr.rel $0x88, $3  }
0x1: {  	(tag) =	ssettag $0x0;
	lr =	simm.s32 $0x1  }
0x2: {  	[smem:$0x3F98] =	sst lr;
	_ =	strace $0xD0000000  }
0x3: {  	_ = 	snop  }
0x4: {  	_ = 	snop  }
0x5: {  	_ = 	snop  }
0x6: {  	_ = 	snop  }
0x7: {  	_ = 	snop  }
__scs_overlays_trampoline_lowered:
0x8: {  	[smem:$0x3FA7] =	sst s0  }
0x9: {  	[smem:$0x3FA8] =	sst s1  }
0xa: {  	[smem:$0x3FA9] =	sst s2  }
0xb: {  	[smem:$0x3FAA] =	sst s3  }
0xc: {  	[smem:$0x3FAB] =	sst s4  }
0xd: {  	[smem:$0x3FAC] =	sst s5  }
0xe: {  	[smem:$0x3FAD] =	sst s6  }
0xf: {  	[smem:$0x3FAE] =	sst s7  }
0x10: {  	[smem:$0x3FAF] =	sst s8  }
0x11: {  	[smem:$0x3FB0] =	sst s9;
	s0 =	simm.s32 @!p0 $0x0  }
0x12: {  	s1 =	sld [smem:$0x3F96];
	s0 =	simm.s32 @p0 $0x1  }
0x13: {  	[smem:$0x3FB1] =	sst s0;
	s0 =	simm.s32 @!p1 $0x0  }
0x14: {  	s2 =	sld [smem:$0x3F95];
	s0 =	simm.s32 @p1 $0x1  }
0x15: {  	[smem:$0x3FB2] =	sst s0;
	s0 =	simm.s32 @!p2 $0x0  }
0x16: {  	s3 =	sld [smem:$0x3FDB];
	s0 =	simm.s32 @p2 $0x1  }
0x17: {  	s4 =	simm.s32 $0x1BF5;
	[smem:$0x3FB4] =	sst s0  }
0x18: {  	s0 =	sld [smem:$0x3F97];
	_ =	swait.ge [sflag:s4], $0x0  }
0x19: {  	s7 =	sld [smem:$0x3F98]  }
0x1a: {  	s8 =	sadd.s32 $0xFFFFE003, lr  }
0x1b: {  	s9 =	sadd.s32 $0xFFFFFEF7, lr;
	s5 =	simm.s32 $0xFFFFFFFF;
	p2 =	slt.u32 s8, $0xFFFFF086  }
0x1c: {  	p1 =	slt.u32 s9, $0xF7A;
	s5 =	simm.s32 @!p2 $0x0  }
0x1d: {  	s5 =	simm.s32 @p1 $0x1;
	p0 =	seq.s32 s7, s2  }
0x1e: {  	s7 =	smul.u32 @!p0 $0xF7A, s2;
	p2 =	seq.s32 @!p0 s5, $0x0  }
0x1f: {  	s9 =	smul.u32 $0xF7A, s1;
	s8 =	simm.s32 @!p0 $0x1BF5;
	p2 =	por !p2, p0  }
0x20: {  	[sflag:s8] =	ssyncset.s32 @!p0 $0xFFFFF086;
	s6 =	sadd.s32 @!p0 s3, s7;
	s7 =	simm.s32 @!p0 $0x108  }
0x21: {  	s3 =	sadd.s32 s3, s9;
	s6 =	sadd.s32 @!p0 $0x88, s6;
	s7 =	simm.s32 @p2 $0x1082  }
0x22: {  	[simem:s7], [sflag:s8] =	dma.local @!p0 [hbm:s6], $0xF7A  }
0x23: {  	s9 =	sor.u32 $0xD0000000, s2;
	s6 =	simm.s32 $0x108;
	_ =	swait.ge @!p0 [sflag:s8], $0x0  }
0x24: {  	s3 =	sadd.s32 $0x88, s3;
	s6 =	simm.s32 @!p1 $0x1082;
	[sflag:s4] =	ssyncset.s32 $0xFFFFF086  }
0x25: {  	[simem:s6], [sflag:s4] =	dma.local [hbm:s3], $0xF7A  }
0x26: {  	[smem:$0x3F98] =	sst s1;
	(tag) =	ssettag s2;
	_ =	strace s9  }
0x27: {  	s1 =	sld [smem:$0x3FA8]  }
0x28: {  	s2 =	sld [smem:$0x3FA9]  }
0x29: {  	s4 =	sld [smem:$0x3FAB]  }
0x2a: {  	p0 =	seq.s32 s5, $0x0;
	s5 =	sld [smem:$0x3FAC]  }
0x2b: {  	s6 =	sld [smem:$0x3FAD]  }
0x2c: {  	s7 =	sld [smem:$0x3FAE]  }
0x2d: {  	s3 =	simm.s32 $0x108;
	s8 =	sld [smem:$0x3FAF]  }
0x2e: {  	s3 =	simm.s32 @!p0 $0x1082;
	s9 =	sld [smem:$0x3FB0]  }
0x2f: {  	lr =	sadd.s32 s0, s3;
	s0 =	sld [smem:$0x3FA7]  }
0x30: {  	s3 =	sld [smem:$0x3FAA]  }
0x31: {  	[smem:$0x3FB3] =	sst s10  }
0x32: {  	s10 =	sld [smem:$0x3FB1];
	_ =	sdelay $0x3  }
0x33: {  	p0 =	seq.s32 s10, $0x1;
	s10 =	sld [smem:$0x3FB3];
	_ =	sdelay $0x3  }
0x34: {  	[smem:$0x3FB3] =	sst s10  }
0x35: {  	s10 =	sld [smem:$0x3FB2];
	_ =	sdelay $0x3  }
0x36: {  	p1 =	seq.s32 s10, $0x1;
	s10 =	sld [smem:$0x3FB3];
	_ =	sdelay $0x3  }
0x37: {  	[smem:$0x3FB3] =	sst s10  }
0x38: {  	s10 =	sld [smem:$0x3FB4]  }
0x39: {  	_ = 	snop;
	(pc) =	sbr.ind lr, $3  }
0x3a: {  	_ = 	snop  }
0x3b: {  	_ = 	snop  }
0x3c: {  	p2 =	seq.s32 s10, $0x1;
	s10 =	sld [smem:$0x3FB3]  }
0x3d: {  	_ =	shalt  }
0x3e: {  	_ =	shalt  }
0x3f: {  	_ =	shalt  }
0x40: {  	_ =	shalt  }
0x41: {  	_ =	shalt  }
0x42: {  	_ =	shalt  }
0x43: {  	_ =	shalt  }
0x44: {  	_ =	shalt  }
0x45: {  	_ =	shalt  }
0x46: {  	_ =	shalt  }
0x47: {  	_ =	shalt  }
0x48: {  	_ =	shalt  }
0x49: {  	_ =	shalt  }
0x4a: {  	_ =	shalt  }
0x4b: {  	_ =	shalt  }
0x4c: {  	_ =	shalt  }
0x4d: {  	_ =	shalt  }
0x4e: {  	_ =	shalt  }
0x4f: {  	_ =	shalt  }
0x50: {  	_ =	shalt  }
0x51: {  	_ =	shalt  }
0x52: {  	_ =	shalt  }
0x53: {  	_ =	shalt  }
0x54: {  	_ =	shalt  }
0x55: {  	_ =	shalt  }
0x56: {  	_ =	shalt  }
0x57: {  	_ =	shalt  }
0x58: {  	_ =	shalt  }
0x59: {  	_ =	shalt  }
0x5a: {  	_ =	shalt  }
0x5b: {  	_ =	shalt  }
0x5c: {  	_ =	shalt  }
0x5d: {  	_ =	shalt  }
0x5e: {  	_ =	shalt  }
0x5f: {  	_ =	shalt  }
0x60: {  	_ =	shalt  }
0x61: {  	_ =	shalt  }
0x62: {  	_ =	shalt  }
0x63: {  	_ =	shalt  }
0x64: {  	_ =	shalt  }
0x65: {  	_ =	shalt  }
0x66: {  	_ =	shalt  }
0x67: {  	_ =	shalt  }
0x68: {  	_ =	shalt  }
0x69: {  	_ =	shalt  }
0x6a: {  	_ =	shalt  }
0x6b: {  	_ =	shalt  }
0x6c: {  	_ =	shalt  }
0x6d: {  	_ =	shalt  }
0x6e: {  	_ =	shalt  }
0x6f: {  	_ =	shalt  }
0x70: {  	_ =	shalt  }
0x71: {  	_ =	shalt  }
0x72: {  	_ =	shalt  }
0x73: {  	_ =	shalt  }
0x74: {  	_ =	shalt  }
0x75: {  	_ =	shalt  }
0x76: {  	_ =	shalt  }
0x77: {  	_ =	shalt  }
0x78: {  	_ =	shalt  }
0x79: {  	_ =	shalt  }
0x7a: {  	_ =	shalt  }
0x7b: {  	_ =	shalt  }
0x7c: {  	_ =	shalt  }
0x7d: {  	_ =	shalt  }
0x7e: {  	_ =	shalt  }
0x7f: {  	_ =	shalt  }
0x80: {  	_ =	shalt  }
0x81: {  	_ =	shalt  }
0x82: {  	_ =	shalt  }
0x83: {  	_ =	shalt  }
0x84: {  	_ =	shalt  }
0x85: {  	_ =	shalt  }
0x86: {  	_ =	shalt  }
0x87: {  	_ =	shalt  }
.Lfunc_end0:
.L_simem_size_0:
called_computation.1_lowered:
.L_overlay_start_0:
0x88: {  	s2 =	sld [smem:$0x3FD9]  }
0x89: {  	s3 =	sld [smem:$0x3FFE];
	_ =	sdelay $0x1  }
0x8a: {  	s1 =	srdreg.scid  }
0x8b: {  	s0 =	sand.u32 $0x1, s1  }
0x8c: {  	s16 =	sshll.u32 s0, $0xA;
	s2 =	sadd.s32 s3, s2  }
0x8d: {  	s2 =	sadd.s32 s2, s16  }
0x8e: {  	[smem:$0x3FBF] =	sst s2  }
0x8f: {  	_ = 	snop  }
0x90: {  	(tm) =	ssettm $0x1  }
0x91: {  	s17 =	sld [smem:$0x3FFB];
	_ =	sdelay $0x3  }
0x92: {  	_ =	strace s17  }
0x93: {  	s2 =	sld [smem:$0x3FFC];
	_ =	sdelay $0x3  }
0x94: {  	_ =	strace s2  }
0x95: {  	s2 =	sld [smem:$0x3FFD];
	_ =	sdelay $0x3  }
0x96: {  	_ =	strace s2  }
0x97: {  	_ =	strace $0x8FFFFFFF  }
0x98: {  	s18 =	sld [smem:$0x3FDB];
	_ =	sdelay $0x1  }
0x99: {  	s19 =	simm.s32 $_scs_section_size  }
0x9a: {  	s4 =	simm.s32 $_size__tile_overlayer_lowered;
	s5 =	simm.s32 $_tile_overlayer_lowered  }
0x9b: {  	s22 =	simm.s32 $0x1BFF;
	s21 =	sshll.u32 s5, $0x1;
	s2 =	sadd.s32 s19, s18  }
0x9c: {  	s6 =	simm.s32 $0x0;
	s20 =	sshll.u32 s4, $0x1;
	s4 =	sadd.s32 s21, s2  }
0x9d: {  	[timem:s6], [sflag:s22] =	dma.local [hbm:s4], s20  }
0x9e: {  	_ =	swait.ge [sflag:s22], s20  }
0x9f: {  	s3 =	ssub.s32 $0x0, s20;
	[sflag:s22] =	ssyncset.done $0x0  }
0xa0: {  	[sflag:s22] =	ssyncadd.s32 s3;
	_ =	sdelay $0x1  }
0xa1: {  	s23 =	simm.s32 $0x1B8B  }
0xa2: {  	_ =	swait.ge [sflag:s23], $0x1  }
0xa3: {  	[sflag:s23] =	ssyncset.done $0x0  }
0xa4: {  	s25 =	simm.s32 $0x1B8E;
	s24 =	sld [smem:$0x3FFE];
	[sflag:s23] =	ssyncadd.s32 $0xFFFFFFFF  }
0xa5: {  	s26 =	simm.s32 $execute0_lowered;
	[smem:$0x3FD2] =	sst s25  }
0xa6: {  	s4 =	sshll.u32 s26, $0x1;
	_ =	strace $0x80000049;
	[dreg:$0x1] =	wrdreg $0xFFFFFFFF  }
0xa7: {  	s28 =	simm.s32 $_size_execute0_lowered;
	s2 =	sadd.s32 s2, s4;
	[dreg:$0x0] =	wrdreg $0x0  }
0xa8: {  	s4 =	sshll.u32 s28, $0x1;
	[dreg:$0x2] =	wrdreg s2  }
0xa9: {  	[dreg:$0x3] =	wrdreg s4  }
0xaa: {  	[dreg:$0x4] =	wrdreg $0xC0  }
0xab: {  	_ =	task [dreg:s6], $0x5FFFF  }
0xac: {  	[dreg:$0x1] =	wrdreg $0xFFFFFFFF  }
0xad: {  	[dreg:$0x0] =	wrdreg $0x60  }
0xae: {  	[dreg:$0x2] =	wrdreg s24  }
0xaf: {  	[dreg:$0x3] =	wrdreg $0x150000  }
0xb0: {  	[dreg:$0x4] =	wrdreg $0x9  }
0xb1: {  	_ =	task.clear_ibuf [dreg:s6], $0x5FFFF;
	_ =	strace $0x90000049  }
0xb2: {  	s29 =	simm.s32 $0x9;
	_ =	strace $0x8000004B  }
0xb3: {  	_ =	swait.ge [sflag:s29], $0x1  }
0xb4: {  	[sflag:s29] =	ssyncadd.s32 $0xFFFFFFFF  }
0xb5: {  	_ =	strace $0x9000004B  }
0xb6: {  	_ =	sfence  }
0xb7: {  	s30 =	sld [smem:$0x0];
	_ =	sdelay $0x2  }
0xb8: {  	s31 =	sshll.u32 s1, $0xD;
	s1 =	sshrl.u32 s1, $0x2  }
0xb9: {  	s3 =	sand.u32 $0x4000, s31;
	s1 =	sadd.s32 s1, s30  }
0xba: {  	s0 =	sor.u32 s3, s0;
	s1 =	sshll.u32 s1, $0x11  }
0xbb: {  	s0 =	sor.u32 s1, s0  }
0xbc: {  	s0 =	sadd.s32 $0x8F2B, s0  }
0xbd: {  	[sflag:s0] =	ssyncadd.remote.s32 $0x1  }
0xbe: {  	_ =	sfence.sel $0xFFFF  }
0xbf: {  	[dreg:$0x0] =	wrdreg $0xFFFFFFFF;
	(pc) =	sbr.abs _section_cstart, $3  }
0xc0: {  	[dreg:$0x1] =	wrdreg $0xFFFFFFFF  }
0xc1: {  	_ =	task.clear_ibuf [dreg:s6], $0x2FFFF;
	_ =	strace $0x9FFFFFFF  }
0xc2: {  	(tm) =	ssettm $0x7FFFFFFF  }
0xc3: {  	_ =	shalt  }
tec
execute0_lowered:
.L_overlay_start_1:
0x0: {  	(tag) =	ssettag $0x1  }
0x1: {  	s1 =	rddreg [dreg:$0x0]  }
0x2: {  	s0 =	srdreg.scid;
	s2 =	rddreg [dreg:$0x1];
	s3 =	simm.s32 $0x0  }
0x3: {  	s11 =	stileid.u32;
	s16 =	simm.s32 $0x5000;
	s17 =	simm.s32 $0x9  }
0x4: {  	s29 =	simm.s32 $0xF000;
	s31 =	simm.s32 $0x11000;
	s13 =	simm.s32 $0x4D00  }
0x5: {  	s14 =	simm.s32 $0x4E00;
	s15 =	simm.s32 $0x4E80;
	s6 =	smul.u32 $0x9E00, s11  }
0x6: {  	s28 =	simm.s32 $0x4F00;
	s30 =	simm.s32 $0x4F80;
	s8 =	smul.u32 $0x27800, s11  }
0x7: {  	s0 =	sand.u32 $0x1, s0;
	[smem:$0x7FF] =	sst s3;
	s10 =	smul.u32 $0x5000, s11  }
0x8: {  	s7 =	sadd.s32 $0x16A00, s1;
	s9 =	sadd.s32 $0x2C00, s1;
	s20 =	smul.u32 $0xA00, s11  }
0x9: {  	s4 =	smul.u32 $0x9E000, s0;
	_ =	strace $0x8000004A;
	s0 =	ssub.s32 $0x2, s0  }
0xa: {  	s18 =	sshrl.u32 s0, $0x1;
	s8 =	sshrl.u32 s8, $0x2;
	s10 =	sshrl.u32 s10, $0x3  }
0xb: {  	s23 =	sadd.s32 s7, s20;
	s5 =	sshrl.u32 s4, $0x3;
	s4 =	sadd.s32 s6, s4  }
0xc: {  	s0 =	ssub.s32 s0, s18;
	s8 =	sadd.s32 s8, s2;
	[dreg:$0x7] =	wrdreg s23  }
0xd: {  	s24 =	sadd.s32 $0x500, s10;
	s18 =	simm.s32 $0x4;
	s10 =	simm.s32 $0x8  }
0xe: {  	s5 =	sadd.s32 s5, s1;
	s4 =	sshrl.u32 s4, $0x3;
	s19 =	sadd.s32 $0x2000, s8  }
0xf: {  	s21 =	sadd.s32 $0x4000, s8;
	s22 =	sadd.s32 $0x6000, s8;
	[dreg:$0x3] =	wrdreg s19  }
0x10: {  	s8 =	sadd.s32 $0x8000, s8;
	s25 =	sadd.s32 s7, s24;
	[dreg:$0x4] =	wrdreg s21  }
0x11: {  	s26 =	sadd.s32 s9, s24;
	s0 =	smax.u32 s0, $0x1;
	[dreg:$0x5] =	wrdreg s22  }
0x12: {  	s24 =	simm.s32 $0xB000;
	s7 =	simm.s32 $0x3;
	[dreg:$0x6] =	wrdreg s8  }
0x13: {  	s1 =	sadd.s32 s4, s1;
	s4 =	sadd.s32 s6, s2;
	[dreg:$0x9] =	wrdreg s25  }
0x14: {  	s6 =	sadd.s32 s9, s20;
	s11 =	sadd.s32 $0x97200, s5;
	[dreg:$0xa] =	wrdreg s26  }
0x15: {  	[dreg:$0xc] =	wrdreg s0;
	s19 =	simm.s32 $0x80;
	s20 =	simm.s32 $0x7000  }
0x16: {  	s22 =	simm.s32 $0x9000;
	s26 =	simm.s32 $0xD000;
	s5 =	simm.s32 $0x1  }
0x17: {  	s8 =	simm.s32 $0x5;
	s9 =	simm.s32 $0x6;
	s21 =	simm.s32 $0x7  }
0x18: {  	s25 =	simm.s32 $0x4D80;
	[dreg:$0x8] =	wrdreg s6;
	s1 =	sadd.s32 $0xBEA00, s1  }
0x19: {  	v0 =	vimm.f32 $0.0e+00;
	s6 =	simm.s32 $0x2;
	[dreg:$0xb] =	wrdreg s1;
	s1 =	simm.s32 $0x13000  }
.LBB2_1:
0x1a: {  	s23 =	simm.s32 $0x100;
	s0 =	simm.s32 $0x0  }
.LBB2_2:
0x1b: {  	p0 =	sne.s32 s23, $0x7F00;
	[tilespmem:s0+$0x5030] =	vst v0;
	s12 =	smov.u32 s23;
	s23 =	sadd.s32 $0x100, s23  }
.Ltmp0:
0x1c: {  	[tilespmem:s0+$0x5020] =	vst v0;
	(pc) =	sbr.rel @p0 .LBB2_2-.Ltmp0, $3  }
0x1d: {  	[tilespmem:s0+$0x5000] =	vst v0  }
0x1e: {  	[tilespmem:s0+$0x5010] =	vst v0;
	_ =	sdelay $0x1  }
0x1f: {  	s0 =	sshra.s32 s12, $0x2  }
0x20: {  	[tilespmem:s0+$0x5030] =	vst v0  }
0x21: {  	[tilespmem:s0+$0x5020] =	vst v0  }
0x22: {  	[tilespmem:s0+$0x5000] =	vst v0  }
0x23: {  	[tilespmem:s0+$0x5010] =	vst v0  }
0x24: {  	[spmem:s4] =	stream.linear.scatter [tilespmem:s16], [sflag:$0x9], $0x2000, $0x38;
	[tilespmem:$0x1EE00] =	vst v63  }
0x25: {  	_ =	swait.ge [sflag:s17], $0x2000  }
0x26: {  	[sflag:s17] =	ssyncset.done $0x0  }
0x27: {  	s23 =	rddreg [dreg:$0x3];
	[sflag:s17] =	ssyncadd.s32 $0xFFFFE000  }
0x28: {  	[spmem:s23] =	stream.linear.scatter [tilespmem:s16], [sflag:$0x9], $0x2000, $0x38;
	[tilespmem:$0x1EE00] =	vst v63  }
0x29: {  	_ =	swait.ge [sflag:s17], $0x2000  }
0x2a: {  	[sflag:s17] =	ssyncset.done $0x0  }
0x2b: {  	s12 =	rddreg [dreg:$0x4];
	[sflag:s17] =	ssyncadd.s32 $0xFFFFE000  }
0x2c: {  	[spmem:s12] =	stream.linear.scatter [tilespmem:s16], [sflag:$0x9], $0x2000, $0x38;
	[tilespmem:$0x1EE00] =	vst v63  }
0x2d: {  	_ =	swait.ge [sflag:s17], $0x2000  }
0x2e: {  	[sflag:s17] =	ssyncset.done $0x0  }
0x2f: {  	s23 =	rddreg [dreg:$0x5];
	[sflag:s17] =	ssyncadd.s32 $0xFFFFE000  }
0x30: {  	[spmem:s23] =	stream.linear.scatter [tilespmem:s16], [sflag:$0x9], $0x2000, $0x38;
	[tilespmem:$0x1EE00] =	vst v63  }
0x31: {  	_ =	swait.ge [sflag:s17], $0x2000  }
0x32: {  	[sflag:s17] =	ssyncset.done $0x0  }
0x33: {  	s12 =	rddreg [dreg:$0x6];
	[sflag:s17] =	ssyncadd.s32 $0xFFFFE000  }
0x34: {  	[spmem:s12] =	stream.linear.scatter [tilespmem:s16], [sflag:$0x9], $0x1E00, $0x38;
	[tilespmem:$0x1EE00] =	vst v63  }
0x35: {  	_ =	swait.ge [sflag:s17], $0x1E00  }
0x36: {  	[sflag:s17] =	ssyncset.done $0x0  }
0x37: {  	[sflag:s17] =	ssyncadd.s32 $0xFFFFE200  }
0x38: {  	[bflag:$0x0] =	sbarrier.arrive $0xFFFF  }
0x39: {  	s0 =	simm.s32 $0x0;
	s12 =	rddreg [dreg:$0x7]  }
0x3a: {  	[tilespmem:s0], [sflag:$0x9] =	stream.linear.gather [hbm4b:s12+s0], $0x2800, $0x38;
	[tilespmem:$0x1EE00] =	vst v63  }
0x3b: {  	_ =	swait.ge [sflag:s17], $0x2800  }
0x3c: {  	[sflag:s17] =	ssyncset.done $0x0  }
0x3d: {  	s23 =	simm.s32 $0x2800;
	s12 =	rddreg [dreg:$0x8];
	[sflag:s17] =	ssyncadd.s32 $0xFFFFD800  }
0x3e: {  	[tilespmem:s23], [sflag:$0x9] =	stream.linear.gather [hbm4b:s12+s0], $0x2800, $0x38;
	[tilespmem:$0x1EE00] =	vst v63  }
0x3f: {  	_ =	swait.ge [sflag:s17], $0x2800  }
0x40: {  	[sflag:s17] =	ssyncset.done $0x0  }
0x41: {  	[sflag:s17] =	ssyncadd.s32 $0xFFFFD800  }
0x42: {  	[tilespmem:s16], [sflag:$0x1] =	stream.indirect.gather [hbm4b:s11+s19], $0x40, s0, s19, $0xb8;
	[tilespmem:$0x1EE00] =	vst v63  }
0x43: {  	_ = 	snop  }
0x44: {  	[tilespmem:s20], [sflag:$0x2] =	stream.indirect.gather [hbm4b:s11+s19], $0x40, s19, s19, $0xb8;
	[tilespmem:$0x1EE00] =	vst v63  }
0x45: {  	s23 =	simm.s32 $0x100  }
0x46: {  	[tilespmem:s22], [sflag:$0x3] =	stream.indirect.gather [hbm4b:s11+s19], $0x40, s23, s19, $0xb8;
	[tilespmem:$0x1EE00] =	vst v63  }
0x47: {  	s12 =	simm.s32 $0x180  }
0x48: {  	[tilespmem:s24], [sflag:$0x4] =	stream.indirect.gather [hbm4b:s11+s19], $0x40, s12, s19, $0xb8;
	[tilespmem:$0x1EE00] =	vst v63  }
0x49: {  	s23 =	simm.s32 $0x200  }
0x4a: {  	[tilespmem:s26], [sflag:$0x5] =	stream.indirect.gather [hbm4b:s11+s19], $0x40, s23, s19, $0xb8;
	[tilespmem:$0x1EE00] =	vst v63  }
0x4b: {  	s12 =	simm.s32 $0x280  }
0x4c: {  	[tilespmem:s29], [sflag:$0x6] =	stream.indirect.gather [hbm4b:s11+s19], $0x40, s12, s19, $0xb8;
	[tilespmem:$0x1EE00] =	vst v63  }
0x4d: {  	s23 =	simm.s32 $0x300  }
0x4e: {  	[tilespmem:s31], [sflag:$0x7] =	stream.indirect.gather [hbm4b:s11+s19], $0x40, s23, s19, $0xb8;
	[tilespmem:$0x1EE00] =	vst v63  }
0x4f: {  	s12 =	simm.s32 $0x380  }
0x50: {  	[tilespmem:s1], [sflag:$0x8] =	stream.indirect.gather [hbm4b:s11+s19], $0x40, s12, s19, $0xb8;
	[tilespmem:$0x1EE00] =	vst v63  }
0x51: {  	_ =	swait.ge [sflag:s5], $0x2000  }
0x52: {  	[sflag:s5] =	ssyncset.done $0x0  }
0x53: {  	s23 =	simm.s32 $0x2800;
	[sflag:s5] =	ssyncadd.s32 $0xFFFFE000  }
0x54: {  	[spmem:s2] =	stream.indirect.scatter.add.f32 [tilespmem:s16], [sflag:$0x9], $0x40, s23, s19, $0xb8;
	[tilespmem:$0x1EE00] =	vst v63  }
0x55: {  	_ =	swait.ge [sflag:s17], $0x2000  }
0x56: {  	[sflag:s17] =	ssyncset.done $0x0  }
0x57: {  	s12 =	simm.s32 $0x400;
	[sflag:s17] =	ssyncadd.s32 $0xFFFFE000  }
0x58: {  	[tilespmem:s16], [sflag:$0x1] =	stream.indirect.gather [hbm4b:s11+s19], $0x40, s12, s19, $0xb8;
	[tilespmem:$0x1EE00] =	vst v63  }
0x59: {  	_ =	swait.ge [sflag:s6], $0x2000  }
0x5a: {  	[sflag:s6] =	ssyncset.done $0x0  }
0x5b: {  	s23 =	simm.s32 $0x2880;
	[sflag:s6] =	ssyncadd.s32 $0xFFFFE000  }
0x5c: {  	[spmem:s2] =	stream.indirect.scatter.add.f32 [tilespmem:s20], [sflag:$0x9], $0x40, s23, s19, $0xb8;
	[tilespmem:$0x1EE00] =	vst v63  }
0x5d: {  	_ =	swait.ge [sflag:s17], $0x2000  }
0x5e: {  	[sflag:s17] =	ssyncset.done $0x0  }
0x5f: {  	s12 =	simm.s32 $0x480;
	[sflag:s17] =	ssyncadd.s32 $0xFFFFE000  }
0x60: {  	[tilespmem:s20], [sflag:$0x2] =	stream.indirect.gather [hbm4b:s11+s19], $0x40, s12, s19, $0xb8;
	[tilespmem:$0x1EE00] =	vst v63  }
0x61: {  	_ =	swait.ge [sflag:s7], $0x2000  }
0x62: {  	[sflag:s7] =	ssyncset.done $0x0  }
0x63: {  	s23 =	simm.s32 $0x2900;
	[sflag:s7] =	ssyncadd.s32 $0xFFFFE000  }
0x64: {  	[spmem:s2] =	stream.indirect.scatter.add.f32 [tilespmem:s22], [sflag:$0x9], $0x40, s23, s19, $0xb8;
	[tilespmem:$0x1EE00] =	vst v63  }
0x65: {  	_ =	swait.ge [sflag:s17], $0x2000  }
0x66: {  	[sflag:s17] =	ssyncset.done $0x0  }
0x67: {  	s12 =	simm.s32 $0x500;
	[sflag:s17] =	ssyncadd.s32 $0xFFFFE000  }
0x68: {  	[tilespmem:s22], [sflag:$0x3] =	stream.indirect.gather [hbm4b:s11+s19], $0x40, s12, s19, $0xb8;
	[tilespmem:$0x1EE00] =	vst v63  }
0x69: {  	_ =	swait.ge [sflag:s18], $0x2000  }
0x6a: {  	[sflag:s18] =	ssyncset.done $0x0  }
0x6b: {  	s23 =	simm.s32 $0x2980;
	[sflag:s18] =	ssyncadd.s32 $0xFFFFE000  }
0x6c: {  	[spmem:s2] =	stream.indirect.scatter.add.f32 [tilespmem:s24], [sflag:$0x9], $0x40, s23, s19, $0xb8;
	[tilespmem:$0x1EE00] =	vst v63  }
0x6d: {  	_ =	swait.ge [sflag:s17], $0x2000  }
0x6e: {  	[sflag:s17] =	ssyncset.done $0x0  }
0x6f: {  	s12 =	simm.s32 $0x580;
	[sflag:s17] =	ssyncadd.s32 $0xFFFFE000  }
0x70: {  	[tilespmem:s24], [sflag:$0x4] =	stream.indirect.gather [hbm4b:s11+s19], $0x40, s12, s19, $0xb8;
	[tilespmem:$0x1EE00] =	vst v63  }
0x71: {  	_ =	swait.ge [sflag:s8], $0x2000  }
0x72: {  	[sflag:s8] =	ssyncset.done $0x0  }
0x73: {  	s23 =	simm.s32 $0x2A00;
	[sflag:s8] =	ssyncadd.s32 $0xFFFFE000  }
0x74: {  	[spmem:s2] =	stream.indirect.scatter.add.f32 [tilespmem:s26], [sflag:$0x9], $0x40, s23, s19, $0xb8;
	[tilespmem:$0x1EE00] =	vst v63  }
0x75: {  	_ =	swait.ge [sflag:s17], $0x2000  }
0x76: {  	[sflag:s17] =	ssyncset.done $0x0  }
0x77: {  	s12 =	simm.s32 $0x600;
	[sflag:s17] =	ssyncadd.s32 $0xFFFFE000  }
0x78: {  	[tilespmem:s26], [sflag:$0x5] =	stream.indirect.gather [hbm4b:s11+s19], $0x40, s12, s19, $0xb8;
	[tilespmem:$0x1EE00] =	vst v63  }
0x79: {  	_ =	swait.ge [sflag:s9], $0x2000  }
0x7a: {  	[sflag:s9] =	ssyncset.done $0x0  }
0x7b: {  	s23 =	simm.s32 $0x2A80;
	[sflag:s9] =	ssyncadd.s32 $0xFFFFE000  }
0x7c: {  	[spmem:s2] =	stream.indirect.scatter.add.f32 [tilespmem:s29], [sflag:$0x9], $0x40, s23, s19, $0xb8;
	[tilespmem:$0x1EE00] =	vst v63  }
0x7d: {  	_ =	swait.ge [sflag:s17], $0x2000  }
0x7e: {  	[sflag:s17] =	ssyncset.done $0x0  }
0x7f: {  	s12 =	simm.s32 $0x680;
	[sflag:s17] =	ssyncadd.s32 $0xFFFFE000  }
0x80: {  	[tilespmem:s29], [sflag:$0x6] =	stream.indirect.gather [hbm4b:s11+s19], $0x40, s12, s19, $0xb8;
	[tilespmem:$0x1EE00] =	vst v63  }
0x81: {  	_ =	swait.ge [sflag:s21], $0x2000  }
0x82: {  	[sflag:s21] =	ssyncset.done $0x0  }
0x83: {  	s23 =	simm.s32 $0x2B00;
	[sflag:s21] =	ssyncadd.s32 $0xFFFFE000  }
0x84: {  	[spmem:s2] =	stream.indirect.scatter.add.f32 [tilespmem:s31], [sflag:$0x9], $0x40, s23, s19, $0xb8;
	[tilespmem:$0x1EE00] =	vst v63  }
0x85: {  	_ =	swait.ge [sflag:s17], $0x2000  }
0x86: {  	[sflag:s17] =	ssyncset.done $0x0  }
0x87: {  	s12 =	simm.s32 $0x700;
	[sflag:s17] =	ssyncadd.s32 $0xFFFFE000  }
0x88: {  	[tilespmem:s31], [sflag:$0x7] =	stream.indirect.gather [hbm4b:s11+s19], $0x40, s12, s19, $0xb8;
	[tilespmem:$0x1EE00] =	vst v63  }
0x89: {  	_ =	swait.ge [sflag:s10], $0x2000  }
0x8a: {  	[sflag:s10] =	ssyncset.done $0x0  }
0x8b: {  	s23 =	simm.s32 $0x2B80;
	[sflag:s10] =	ssyncadd.s32 $0xFFFFE000  }
0x8c: {  	[spmem:s2] =	stream.indirect.scatter.add.f32 [tilespmem:s1], [sflag:$0x9], $0x40, s23, s19, $0xb8;
	[tilespmem:$0x1EE00] =	vst v63  }
0x8d: {  	_ =	swait.ge [sflag:s17], $0x2000  }
0x8e: {  	[sflag:s17] =	ssyncset.done $0x0  }
0x8f: {  	s0 =	simm.s32 $0x1000;
	s23 =	simm.s32 $0x780;
	[sflag:s17] =	ssyncadd.s32 $0xFFFFE000  }
.LBB2_4:
0x90: {  	[tilespmem:s1], [sflag:$0x8] =	stream.indirect.gather [hbm4b:s11+s19], $0x40, s23, s19, $0xb8;
	[tilespmem:$0x1EE00] =	vst v63  }
0x91: {  	s12 =	smov.u32 s0  }
0x92: {  	p0 =	sne.s32 s0, $0x8000;
	s0 =	sadd.s32 $0x1000, s0;
	_ =	swait.ge [sflag:s5], $0x2000  }
0x93: {  	s23 =	sshra.s32 s12, $0x2;
	[sflag:s5] =	ssyncset.done $0x0  }
0x94: {  	s12 =	sadd.s32 $0x2800, s23;
	[sflag:s5] =	ssyncadd.s32 $0xFFFFE000  }
0x95: {  	[spmem:s2] =	stream.indirect.scatter.add.f32 [tilespmem:s16], [sflag:$0x9], $0x40, s12, s19, $0xb8;
	[tilespmem:$0x1EE00] =	vst v63  }
0x96: {  	_ =	swait.ge [sflag:s17], $0x2000  }
0x97: {  	[sflag:s17] =	ssyncset.done $0x0  }
0x98: {  	s12 =	sadd.s32 $0x400, s23;
	[sflag:s17] =	ssyncadd.s32 $0xFFFFE000  }
0x99: {  	[tilespmem:s16], [sflag:$0x1] =	stream.indirect.gather [hbm4b:s11+s19], $0x40, s12, s19, $0xb8;
	[tilespmem:$0x1EE00] =	vst v63  }
0x9a: {  	_ =	swait.ge [sflag:s6], $0x2000  }
0x9b: {  	[sflag:s6] =	ssyncset.done $0x0  }
0x9c: {  	s12 =	sadd.s32 $0x2880, s23;
	[sflag:s6] =	ssyncadd.s32 $0xFFFFE000  }
0x9d: {  	[spmem:s2] =	stream.indirect.scatter.add.f32 [tilespmem:s20], [sflag:$0x9], $0x40, s12, s19, $0xb8;
	[tilespmem:$0x1EE00] =	vst v63  }
0x9e: {  	_ =	swait.ge [sflag:s17], $0x2000  }
0x9f: {  	[sflag:s17] =	ssyncset.done $0x0  }
0xa0: {  	s12 =	sadd.s32 $0x480, s23;
	[sflag:s17] =	ssyncadd.s32 $0xFFFFE000  }
0xa1: {  	[tilespmem:s20], [sflag:$0x2] =	stream.indirect.gather [hbm4b:s11+s19], $0x40, s12, s19, $0xb8;
	[tilespmem:$0x1EE00] =	vst v63  }
0xa2: {  	_ =	swait.ge [sflag:s7], $0x2000  }
0xa3: {  	[sflag:s7] =	ssyncset.done $0x0  }
0xa4: {  	s12 =	sadd.s32 $0x2900, s23;
	[sflag:s7] =	ssyncadd.s32 $0xFFFFE000  }
0xa5: {  	[spmem:s2] =	stream.indirect.scatter.add.f32 [tilespmem:s22], [sflag:$0x9], $0x40, s12, s19, $0xb8;
	[tilespmem:$0x1EE00] =	vst v63  }
0xa6: {  	_ =	swait.ge [sflag:s17], $0x2000  }
0xa7: {  	[sflag:s17] =	ssyncset.done $0x0  }
0xa8: {  	s12 =	sadd.s32 $0x500, s23;
	[sflag:s17] =	ssyncadd.s32 $0xFFFFE000  }
0xa9: {  	[tilespmem:s22], [sflag:$0x3] =	stream.indirect.gather [hbm4b:s11+s19], $0x40, s12, s19, $0xb8;
	[tilespmem:$0x1EE00] =	vst v63  }
0xaa: {  	_ =	swait.ge [sflag:s18], $0x2000  }
0xab: {  	[sflag:s18] =	ssyncset.done $0x0  }
0xac: {  	s12 =	sadd.s32 $0x2980, s23;
	[sflag:s18] =	ssyncadd.s32 $0xFFFFE000  }
0xad: {  	[spmem:s2] =	stream.indirect.scatter.add.f32 [tilespmem:s24], [sflag:$0x9], $0x40, s12, s19, $0xb8;
	[tilespmem:$0x1EE00] =	vst v63  }
0xae: {  	_ =	swait.ge [sflag:s17], $0x2000  }
0xaf: {  	[sflag:s17] =	ssyncset.done $0x0  }
0xb0: {  	s12 =	sadd.s32 $0x580, s23;
	[sflag:s17] =	ssyncadd.s32 $0xFFFFE000  }
0xb1: {  	[tilespmem:s24], [sflag:$0x4] =	stream.indirect.gather [hbm4b:s11+s19], $0x40, s12, s19, $0xb8;
	[tilespmem:$0x1EE00] =	vst v63  }
0xb2: {  	_ =	swait.ge [sflag:s8], $0x2000  }
0xb3: {  	[sflag:s8] =	ssyncset.done $0x0  }
0xb4: {  	s12 =	sadd.s32 $0x2A00, s23;
	[sflag:s8] =	ssyncadd.s32 $0xFFFFE000  }
0xb5: {  	[spmem:s2] =	stream.indirect.scatter.add.f32 [tilespmem:s26], [sflag:$0x9], $0x40, s12, s19, $0xb8;
	[tilespmem:$0x1EE00] =	vst v63  }
0xb6: {  	_ =	swait.ge [sflag:s17], $0x2000  }
0xb7: {  	[sflag:s17] =	ssyncset.done $0x0  }
0xb8: {  	s12 =	sadd.s32 $0x600, s23;
	[sflag:s17] =	ssyncadd.s32 $0xFFFFE000  }
0xb9: {  	[tilespmem:s26], [sflag:$0x5] =	stream.indirect.gather [hbm4b:s11+s19], $0x40, s12, s19, $0xb8;
	[tilespmem:$0x1EE00] =	vst v63  }
0xba: {  	_ =	swait.ge [sflag:s9], $0x2000  }
0xbb: {  	[sflag:s9] =	ssyncset.done $0x0  }
0xbc: {  	s12 =	sadd.s32 $0x2A80, s23;
	[sflag:s9] =	ssyncadd.s32 $0xFFFFE000  }
0xbd: {  	[spmem:s2] =	stream.indirect.scatter.add.f32 [tilespmem:s29], [sflag:$0x9], $0x40, s12, s19, $0xb8;
	[tilespmem:$0x1EE00] =	vst v63  }
0xbe: {  	_ =	swait.ge [sflag:s17], $0x2000  }
0xbf: {  	[sflag:s17] =	ssyncset.done $0x0  }
0xc0: {  	s12 =	sadd.s32 $0x680, s23;
	[sflag:s17] =	ssyncadd.s32 $0xFFFFE000  }
0xc1: {  	[tilespmem:s29], [sflag:$0x6] =	stream.indirect.gather [hbm4b:s11+s19], $0x40, s12, s19, $0xb8;
	[tilespmem:$0x1EE00] =	vst v63  }
0xc2: {  	_ =	swait.ge [sflag:s21], $0x2000  }
0xc3: {  	[sflag:s21] =	ssyncset.done $0x0  }
0xc4: {  	s12 =	sadd.s32 $0x2B00, s23;
	[sflag:s21] =	ssyncadd.s32 $0xFFFFE000  }
0xc5: {  	[spmem:s2] =	stream.indirect.scatter.add.f32 [tilespmem:s31], [sflag:$0x9], $0x40, s12, s19, $0xb8;
	[tilespmem:$0x1EE00] =	vst v63  }
0xc6: {  	_ =	swait.ge [sflag:s17], $0x2000  }
0xc7: {  	[sflag:s17] =	ssyncset.done $0x0  }
0xc8: {  	s12 =	sadd.s32 $0x700, s23;
	[sflag:s17] =	ssyncadd.s32 $0xFFFFE000  }
0xc9: {  	[tilespmem:s31], [sflag:$0x7] =	stream.indirect.gather [hbm4b:s11+s19], $0x40, s12, s19, $0xb8;
	[tilespmem:$0x1EE00] =	vst v63  }
0xca: {  	_ =	swait.ge [sflag:s10], $0x2000  }
0xcb: {  	[sflag:s10] =	ssyncset.done $0x0  }
.Ltmp1:
0xcc: {  	s12 =	sadd.s32 $0x2B80, s23;
	[sflag:s10] =	ssyncadd.s32 $0xFFFFE000;
	(pc) =	sbr.rel @p0 .LBB2_4-.Ltmp1, $4  }
0xcd: {  	[spmem:s2] =	stream.indirect.scatter.add.f32 [tilespmem:s1], [sflag:$0x9], $0x40, s12, s19, $0xb8;
	[tilespmem:$0x1EE00] =	vst v63  }
0xce: {  	_ =	swait.ge [sflag:s17], $0x2000  }
0xcf: {  	[sflag:s17] =	ssyncset.done $0x0  }
0xd0: {  	s23 =	sadd.s32 $0x780, s23;
	[sflag:s17] =	ssyncadd.s32 $0xFFFFE000  }
0xd1: {  	[tilespmem:s1], [sflag:$0x8] =	stream.indirect.gather [hbm4b:s11+s19], $0x40, s23, s19, $0xb8;
	[tilespmem:$0x1EE00] =	vst v63  }
0xd2: {  	_ =	swait.ge [sflag:s5], $0x2000  }
0xd3: {  	[sflag:s5] =	ssyncset.done $0x0  }
0xd4: {  	s0 =	simm.s32 $0x4C00;
	[sflag:s5] =	ssyncadd.s32 $0xFFFFE000  }
0xd5: {  	[spmem:s2] =	stream.indirect.scatter.add.f32 [tilespmem:s16], [sflag:$0x9], $0x40, s0, s19, $0xb8;
	[tilespmem:$0x1EE00] =	vst v63  }
0xd6: {  	_ =	swait.ge [sflag:s17], $0x2000  }
0xd7: {  	[sflag:s17] =	ssyncset.done $0x0  }
0xd8: {  	[sflag:s17] =	ssyncadd.s32 $0xFFFFE000  }
0xd9: {  	_ =	swait.ge [sflag:s6], $0x2000  }
0xda: {  	[sflag:s6] =	ssyncset.done $0x0  }
0xdb: {  	s12 =	simm.s32 $0x4C80;
	[sflag:s6] =	ssyncadd.s32 $0xFFFFE000  }
0xdc: {  	[spmem:s2] =	stream.indirect.scatter.add.f32 [tilespmem:s20], [sflag:$0x9], $0x40, s12, s19, $0xb8;
	[tilespmem:$0x1EE00] =	vst v63  }
0xdd: {  	_ =	swait.ge [sflag:s17], $0x2000  }
0xde: {  	[sflag:s17] =	ssyncset.done $0x0  }
0xdf: {  	[sflag:s17] =	ssyncadd.s32 $0xFFFFE000  }
0xe0: {  	_ =	swait.ge [sflag:s7], $0x2000  }
0xe1: {  	[sflag:s7] =	ssyncset.done $0x0  }
0xe2: {  	[sflag:s7] =	ssyncadd.s32 $0xFFFFE000  }
0xe3: {  	[spmem:s2] =	stream.indirect.scatter.add.f32 [tilespmem:s22], [sflag:$0x9], $0x40, s13, s19, $0xb8;
	[tilespmem:$0x1EE00] =	vst v63  }
0xe4: {  	_ =	swait.ge [sflag:s17], $0x2000  }
0xe5: {  	[sflag:s17] =	ssyncset.done $0x0  }
0xe6: {  	[sflag:s17] =	ssyncadd.s32 $0xFFFFE000  }
0xe7: {  	_ =	swait.ge [sflag:s18], $0x2000  }
0xe8: {  	[sflag:s18] =	ssyncset.done $0x0  }
0xe9: {  	[sflag:s18] =	ssyncadd.s32 $0xFFFFE000  }
0xea: {  	[spmem:s2] =	stream.indirect.scatter.add.f32 [tilespmem:s24], [sflag:$0x9], $0x40, s25, s19, $0xb8;
	[tilespmem:$0x1EE00] =	vst v63  }
0xeb: {  	_ =	swait.ge [sflag:s17], $0x2000  }
0xec: {  	[sflag:s17] =	ssyncset.done $0x0  }
0xed: {  	[sflag:s17] =	ssyncadd.s32 $0xFFFFE000  }
0xee: {  	_ =	swait.ge [sflag:s8], $0x2000  }
0xef: {  	[sflag:s8] =	ssyncset.done $0x0  }
0xf0: {  	[sflag:s8] =	ssyncadd.s32 $0xFFFFE000  }
0xf1: {  	[spmem:s2] =	stream.indirect.scatter.add.f32 [tilespmem:s26], [sflag:$0x9], $0x40, s14, s19, $0xb8;
	[tilespmem:$0x1EE00] =	vst v63  }
0xf2: {  	_ =	swait.ge [sflag:s17], $0x2000  }
0xf3: {  	[sflag:s17] =	ssyncset.done $0x0  }
0xf4: {  	[sflag:s17] =	ssyncadd.s32 $0xFFFFE000  }
0xf5: {  	_ =	swait.ge [sflag:s9], $0x2000  }
0xf6: {  	[sflag:s9] =	ssyncset.done $0x0  }
0xf7: {  	[sflag:s9] =	ssyncadd.s32 $0xFFFFE000  }
0xf8: {  	[spmem:s2] =	stream.indirect.scatter.add.f32 [tilespmem:s29], [sflag:$0x9], $0x40, s15, s19, $0xb8;
	[tilespmem:$0x1EE00] =	vst v63  }
0xf9: {  	_ =	swait.ge [sflag:s17], $0x2000  }
0xfa: {  	[sflag:s17] =	ssyncset.done $0x0  }
0xfb: {  	[sflag:s17] =	ssyncadd.s32 $0xFFFFE000  }
0xfc: {  	_ =	swait.ge [sflag:s21], $0x2000  }
0xfd: {  	[sflag:s21] =	ssyncset.done $0x0  }
0xfe: {  	[sflag:s21] =	ssyncadd.s32 $0xFFFFE000  }
0xff: {  	[spmem:s2] =	stream.indirect.scatter.add.f32 [tilespmem:s31], [sflag:$0x9], $0x40, s28, s19, $0xb8;
	[tilespmem:$0x1EE00] =	vst v63  }
0x100: {  	_ =	swait.ge [sflag:s17], $0x2000  }
0x101: {  	[sflag:s17] =	ssyncset.done $0x0  }
0x102: {  	[sflag:s17] =	ssyncadd.s32 $0xFFFFE000  }
0x103: {  	_ =	swait.ge [sflag:s10], $0x2000  }
0x104: {  	[sflag:s10] =	ssyncset.done $0x0  }
0x105: {  	[sflag:s10] =	ssyncadd.s32 $0xFFFFE000  }
0x106: {  	[spmem:s2] =	stream.indirect.scatter.add.f32 [tilespmem:s1], [sflag:$0x9], $0x40, s30, s19, $0xb8;
	[tilespmem:$0x1EE00] =	vst v63  }
0x107: {  	_ =	swait.ge [sflag:s17], $0x2000  }
0x108: {  	[sflag:s17] =	ssyncset.done $0x0  }
0x109: {  	s0 =	simm.s32 $0x0;
	s12 =	rddreg [dreg:$0x9];
	[sflag:s17] =	ssyncadd.s32 $0xFFFFE000  }
0x10a: {  	[tilespmem:s0], [sflag:$0x9] =	stream.linear.gather [hbm4b:s12+s0], $0x2800, $0x38;
	[tilespmem:$0x1EE00] =	vst v63  }
0x10b: {  	_ =	swait.ge [sflag:s17], $0x2800  }
0x10c: {  	[sflag:s17] =	ssyncset.done $0x0  }
0x10d: {  	s23 =	simm.s32 $0x2800;
	s12 =	rddreg [dreg:$0xa];
	[sflag:s17] =	ssyncadd.s32 $0xFFFFD800  }
0x10e: {  	[tilespmem:s23], [sflag:$0x9] =	stream.linear.gather [hbm4b:s12+s0], $0x2800, $0x38;
	[tilespmem:$0x1EE00] =	vst v63  }
0x10f: {  	_ =	swait.ge [sflag:s17], $0x2800  }
0x110: {  	[sflag:s17] =	ssyncset.done $0x0  }
0x111: {  	[sflag:s17] =	ssyncadd.s32 $0xFFFFD800  }
0x112: {  	[tilespmem:s16], [sflag:$0x1] =	stream.indirect.gather [hbm4b:s11+s19], $0x40, s0, s19, $0xb8;
	[tilespmem:$0x1EE00] =	vst v63  }
0x113: {  	_ = 	snop  }
0x114: {  	[tilespmem:s20], [sflag:$0x2] =	stream.indirect.gather [hbm4b:s11+s19], $0x40, s19, s19, $0xb8;
	[tilespmem:$0x1EE00] =	vst v63  }
0x115: {  	s23 =	simm.s32 $0x100  }
0x116: {  	[tilespmem:s22], [sflag:$0x3] =	stream.indirect.gather [hbm4b:s11+s19], $0x40, s23, s19, $0xb8;
	[tilespmem:$0x1EE00] =	vst v63  }
0x117: {  	s12 =	simm.s32 $0x180  }
0x118: {  	[tilespmem:s24], [sflag:$0x4] =	stream.indirect.gather [hbm4b:s11+s19], $0x40, s12, s19, $0xb8;
	[tilespmem:$0x1EE00] =	vst v63  }
0x119: {  	s23 =	simm.s32 $0x200  }
0x11a: {  	[tilespmem:s26], [sflag:$0x5] =	stream.indirect.gather [hbm4b:s11+s19], $0x40, s23, s19, $0xb8;
	[tilespmem:$0x1EE00] =	vst v63  }
0x11b: {  	s12 =	simm.s32 $0x280  }
0x11c: {  	[tilespmem:s29], [sflag:$0x6] =	stream.indirect.gather [hbm4b:s11+s19], $0x40, s12, s19, $0xb8;
	[tilespmem:$0x1EE00] =	vst v63  }
0x11d: {  	s23 =	simm.s32 $0x300  }
0x11e: {  	[tilespmem:s31], [sflag:$0x7] =	stream.indirect.gather [hbm4b:s11+s19], $0x40, s23, s19, $0xb8;
	[tilespmem:$0x1EE00] =	vst v63  }
0x11f: {  	s12 =	simm.s32 $0x380  }
0x120: {  	[tilespmem:s1], [sflag:$0x8] =	stream.indirect.gather [hbm4b:s11+s19], $0x40, s12, s19, $0xb8;
	[tilespmem:$0x1EE00] =	vst v63  }
0x121: {  	_ =	swait.ge [sflag:s5], $0x2000  }
0x122: {  	[sflag:s5] =	ssyncset.done $0x0  }
0x123: {  	s23 =	simm.s32 $0x2800;
	[sflag:s5] =	ssyncadd.s32 $0xFFFFE000  }
0x124: {  	[spmem:s2] =	stream.indirect.scatter.add.f32 [tilespmem:s16], [sflag:$0x9], $0x40, s23, s19, $0xb8;
	[tilespmem:$0x1EE00] =	vst v63  }
0x125: {  	_ =	swait.ge [sflag:s17], $0x2000  }
0x126: {  	[sflag:s17] =	ssyncset.done $0x0  }
0x127: {  	s12 =	simm.s32 $0x400;
	[sflag:s17] =	ssyncadd.s32 $0xFFFFE000  }
0x128: {  	[tilespmem:s16], [sflag:$0x1] =	stream.indirect.gather [hbm4b:s11+s19], $0x40, s12, s19, $0xb8;
	[tilespmem:$0x1EE00] =	vst v63  }
0x129: {  	_ =	swait.ge [sflag:s6], $0x2000  }
0x12a: {  	[sflag:s6] =	ssyncset.done $0x0  }
0x12b: {  	s23 =	simm.s32 $0x2880;
	[sflag:s6] =	ssyncadd.s32 $0xFFFFE000  }
0x12c: {  	[spmem:s2] =	stream.indirect.scatter.add.f32 [tilespmem:s20], [sflag:$0x9], $0x40, s23, s19, $0xb8;
	[tilespmem:$0x1EE00] =	vst v63  }
0x12d: {  	_ =	swait.ge [sflag:s17], $0x2000  }
0x12e: {  	[sflag:s17] =	ssyncset.done $0x0  }
0x12f: {  	s12 =	simm.s32 $0x480;
	[sflag:s17] =	ssyncadd.s32 $0xFFFFE000  }
0x130: {  	[tilespmem:s20], [sflag:$0x2] =	stream.indirect.gather [hbm4b:s11+s19], $0x40, s12, s19, $0xb8;
	[tilespmem:$0x1EE00] =	vst v63  }
0x131: {  	_ =	swait.ge [sflag:s7], $0x2000  }
0x132: {  	[sflag:s7] =	ssyncset.done $0x0  }
0x133: {  	s23 =	simm.s32 $0x2900;
	[sflag:s7] =	ssyncadd.s32 $0xFFFFE000  }
0x134: {  	[spmem:s2] =	stream.indirect.scatter.add.f32 [tilespmem:s22], [sflag:$0x9], $0x40, s23, s19, $0xb8;
	[tilespmem:$0x1EE00] =	vst v63  }
0x135: {  	_ =	swait.ge [sflag:s17], $0x2000  }
0x136: {  	[sflag:s17] =	ssyncset.done $0x0  }
0x137: {  	s12 =	simm.s32 $0x500;
	[sflag:s17] =	ssyncadd.s32 $0xFFFFE000  }
0x138: {  	[tilespmem:s22], [sflag:$0x3] =	stream.indirect.gather [hbm4b:s11+s19], $0x40, s12, s19, $0xb8;
	[tilespmem:$0x1EE00] =	vst v63  }
0x139: {  	_ =	swait.ge [sflag:s18], $0x2000  }
0x13a: {  	[sflag:s18] =	ssyncset.done $0x0  }
0x13b: {  	s23 =	simm.s32 $0x2980;
	[sflag:s18] =	ssyncadd.s32 $0xFFFFE000  }
0x13c: {  	[spmem:s2] =	stream.indirect.scatter.add.f32 [tilespmem:s24], [sflag:$0x9], $0x40, s23, s19, $0xb8;
	[tilespmem:$0x1EE00] =	vst v63  }
0x13d: {  	_ =	swait.ge [sflag:s17], $0x2000  }
0x13e: {  	[sflag:s17] =	ssyncset.done $0x0  }
0x13f: {  	s12 =	simm.s32 $0x580;
	[sflag:s17] =	ssyncadd.s32 $0xFFFFE000  }
0x140: {  	[tilespmem:s24], [sflag:$0x4] =	stream.indirect.gather [hbm4b:s11+s19], $0x40, s12, s19, $0xb8;
	[tilespmem:$0x1EE00] =	vst v63  }
0x141: {  	_ =	swait.ge [sflag:s8], $0x2000  }
0x142: {  	[sflag:s8] =	ssyncset.done $0x0  }
0x143: {  	s23 =	simm.s32 $0x2A00;
	[sflag:s8] =	ssyncadd.s32 $0xFFFFE000  }
0x144: {  	[spmem:s2] =	stream.indirect.scatter.add.f32 [tilespmem:s26], [sflag:$0x9], $0x40, s23, s19, $0xb8;
	[tilespmem:$0x1EE00] =	vst v63  }
0x145: {  	_ =	swait.ge [sflag:s17], $0x2000  }
0x146: {  	[sflag:s17] =	ssyncset.done $0x0  }
0x147: {  	s12 =	simm.s32 $0x600;
	[sflag:s17] =	ssyncadd.s32 $0xFFFFE000  }
0x148: {  	[tilespmem:s26], [sflag:$0x5] =	stream.indirect.gather [hbm4b:s11+s19], $0x40, s12, s19, $0xb8;
	[tilespmem:$0x1EE00] =	vst v63  }
0x149: {  	_ =	swait.ge [sflag:s9], $0x2000  }
0x14a: {  	[sflag:s9] =	ssyncset.done $0x0  }
0x14b: {  	s23 =	simm.s32 $0x2A80;
	[sflag:s9] =	ssyncadd.s32 $0xFFFFE000  }
0x14c: {  	[spmem:s2] =	stream.indirect.scatter.add.f32 [tilespmem:s29], [sflag:$0x9], $0x40, s23, s19, $0xb8;
	[tilespmem:$0x1EE00] =	vst v63  }
0x14d: {  	_ =	swait.ge [sflag:s17], $0x2000  }
0x14e: {  	[sflag:s17] =	ssyncset.done $0x0  }
0x14f: {  	s12 =	simm.s32 $0x680;
	[sflag:s17] =	ssyncadd.s32 $0xFFFFE000  }
0x150: {  	[tilespmem:s29], [sflag:$0x6] =	stream.indirect.gather [hbm4b:s11+s19], $0x40, s12, s19, $0xb8;
	[tilespmem:$0x1EE00] =	vst v63  }
0x151: {  	_ =	swait.ge [sflag:s21], $0x2000  }
0x152: {  	[sflag:s21] =	ssyncset.done $0x0  }
0x153: {  	s23 =	simm.s32 $0x2B00;
	[sflag:s21] =	ssyncadd.s32 $0xFFFFE000  }
0x154: {  	[spmem:s2] =	stream.indirect.scatter.add.f32 [tilespmem:s31], [sflag:$0x9], $0x40, s23, s19, $0xb8;
	[tilespmem:$0x1EE00] =	vst v63  }
0x155: {  	_ =	swait.ge [sflag:s17], $0x2000  }
0x156: {  	[sflag:s17] =	ssyncset.done $0x0  }
0x157: {  	s12 =	simm.s32 $0x700;
	[sflag:s17] =	ssyncadd.s32 $0xFFFFE000  }
0x158: {  	[tilespmem:s31], [sflag:$0x7] =	stream.indirect.gather [hbm4b:s11+s19], $0x40, s12, s19, $0xb8;
	[tilespmem:$0x1EE00] =	vst v63  }
0x159: {  	_ =	swait.ge [sflag:s10], $0x2000  }
0x15a: {  	[sflag:s10] =	ssyncset.done $0x0  }
0x15b: {  	s23 =	simm.s32 $0x2B80;
	[sflag:s10] =	ssyncadd.s32 $0xFFFFE000  }
0x15c: {  	[spmem:s2] =	stream.indirect.scatter.add.f32 [tilespmem:s1], [sflag:$0x9], $0x40, s23, s19, $0xb8;
	[tilespmem:$0x1EE00] =	vst v63  }
0x15d: {  	_ =	swait.ge [sflag:s17], $0x2000  }
0x15e: {  	[sflag:s17] =	ssyncset.done $0x0  }
0x15f: {  	s0 =	simm.s32 $0x1000;
	s23 =	simm.s32 $0x780;
	[sflag:s17] =	ssyncadd.s32 $0xFFFFE000  }
.LBB2_6:
0x160: {  	[tilespmem:s1], [sflag:$0x8] =	stream.indirect.gather [hbm4b:s11+s19], $0x40, s23, s19, $0xb8;
	[tilespmem:$0x1EE00] =	vst v63  }
0x161: {  	s12 =	smov.u32 s0  }
0x162: {  	p0 =	sne.s32 s0, $0x8000;
	s0 =	sadd.s32 $0x1000, s0;
	_ =	swait.ge [sflag:s5], $0x2000  }
0x163: {  	s23 =	sshra.s32 s12, $0x2;
	[sflag:s5] =	ssyncset.done $0x0  }
0x164: {  	s12 =	sadd.s32 $0x2800, s23;
	[sflag:s5] =	ssyncadd.s32 $0xFFFFE000  }
0x165: {  	[spmem:s2] =	stream.indirect.scatter.add.f32 [tilespmem:s16], [sflag:$0x9], $0x40, s12, s19, $0xb8;
	[tilespmem:$0x1EE00] =	vst v63  }
0x166: {  	_ =	swait.ge [sflag:s17], $0x2000  }
0x167: {  	[sflag:s17] =	ssyncset.done $0x0  }
0x168: {  	s12 =	sadd.s32 $0x400, s23;
	[sflag:s17] =	ssyncadd.s32 $0xFFFFE000  }
0x169: {  	[tilespmem:s16], [sflag:$0x1] =	stream.indirect.gather [hbm4b:s11+s19], $0x40, s12, s19, $0xb8;
	[tilespmem:$0x1EE00] =	vst v63  }
0x16a: {  	_ =	swait.ge [sflag:s6], $0x2000  }
0x16b: {  	[sflag:s6] =	ssyncset.done $0x0  }
0x16c: {  	s12 =	sadd.s32 $0x2880, s23;
	[sflag:s6] =	ssyncadd.s32 $0xFFFFE000  }
0x16d: {  	[spmem:s2] =	stream.indirect.scatter.add.f32 [tilespmem:s20], [sflag:$0x9], $0x40, s12, s19, $0xb8;
	[tilespmem:$0x1EE00] =	vst v63  }
0x16e: {  	_ =	swait.ge [sflag:s17], $0x2000  }
0x16f: {  	[sflag:s17] =	ssyncset.done $0x0  }
0x170: {  	s12 =	sadd.s32 $0x480, s23;
	[sflag:s17] =	ssyncadd.s32 $0xFFFFE000  }
0x171: {  	[tilespmem:s20], [sflag:$0x2] =	stream.indirect.gather [hbm4b:s11+s19], $0x40, s12, s19, $0xb8;
	[tilespmem:$0x1EE00] =	vst v63  }
0x172: {  	_ =	swait.ge [sflag:s7], $0x2000  }
0x173: {  	[sflag:s7] =	ssyncset.done $0x0  }
0x174: {  	s12 =	sadd.s32 $0x2900, s23;
	[sflag:s7] =	ssyncadd.s32 $0xFFFFE000  }
0x175: {  	[spmem:s2] =	stream.indirect.scatter.add.f32 [tilespmem:s22], [sflag:$0x9], $0x40, s12, s19, $0xb8;
	[tilespmem:$0x1EE00] =	vst v63  }
0x176: {  	_ =	swait.ge [sflag:s17], $0x2000  }
0x177: {  	[sflag:s17] =	ssyncset.done $0x0  }
0x178: {  	s12 =	sadd.s32 $0x500, s23;
	[sflag:s17] =	ssyncadd.s32 $0xFFFFE000  }
0x179: {  	[tilespmem:s22], [sflag:$0x3] =	stream.indirect.gather [hbm4b:s11+s19], $0x40, s12, s19, $0xb8;
	[tilespmem:$0x1EE00] =	vst v63  }
0x17a: {  	_ =	swait.ge [sflag:s18], $0x2000  }
0x17b: {  	[sflag:s18] =	ssyncset.done $0x0  }
0x17c: {  	s12 =	sadd.s32 $0x2980, s23;
	[sflag:s18] =	ssyncadd.s32 $0xFFFFE000  }
0x17d: {  	[spmem:s2] =	stream.indirect.scatter.add.f32 [tilespmem:s24], [sflag:$0x9], $0x40, s12, s19, $0xb8;
	[tilespmem:$0x1EE00] =	vst v63  }
0x17e: {  	_ =	swait.ge [sflag:s17], $0x2000  }
0x17f: {  	[sflag:s17] =	ssyncset.done $0x0  }
0x180: {  	s12 =	sadd.s32 $0x580, s23;
	[sflag:s17] =	ssyncadd.s32 $0xFFFFE000  }
0x181: {  	[tilespmem:s24], [sflag:$0x4] =	stream.indirect.gather [hbm4b:s11+s19], $0x40, s12, s19, $0xb8;
	[tilespmem:$0x1EE00] =	vst v63  }
0x182: {  	_ =	swait.ge [sflag:s8], $0x2000  }
0x183: {  	[sflag:s8] =	ssyncset.done $0x0  }
0x184: {  	s12 =	sadd.s32 $0x2A00, s23;
	[sflag:s8] =	ssyncadd.s32 $0xFFFFE000  }
0x185: {  	[spmem:s2] =	stream.indirect.scatter.add.f32 [tilespmem:s26], [sflag:$0x9], $0x40, s12, s19, $0xb8;
	[tilespmem:$0x1EE00] =	vst v63  }
0x186: {  	_ =	swait.ge [sflag:s17], $0x2000  }
0x187: {  	[sflag:s17] =	ssyncset.done $0x0  }
0x188: {  	s12 =	sadd.s32 $0x600, s23;
	[sflag:s17] =	ssyncadd.s32 $0xFFFFE000  }
0x189: {  	[tilespmem:s26], [sflag:$0x5] =	stream.indirect.gather [hbm4b:s11+s19], $0x40, s12, s19, $0xb8;
	[tilespmem:$0x1EE00] =	vst v63  }
0x18a: {  	_ =	swait.ge [sflag:s9], $0x2000  }
0x18b: {  	[sflag:s9] =	ssyncset.done $0x0  }
0x18c: {  	s12 =	sadd.s32 $0x2A80, s23;
	[sflag:s9] =	ssyncadd.s32 $0xFFFFE000  }
0x18d: {  	[spmem:s2] =	stream.indirect.scatter.add.f32 [tilespmem:s29], [sflag:$0x9], $0x40, s12, s19, $0xb8;
	[tilespmem:$0x1EE00] =	vst v63  }
0x18e: {  	_ =	swait.ge [sflag:s17], $0x2000  }
0x18f: {  	[sflag:s17] =	ssyncset.done $0x0  }
0x190: {  	s12 =	sadd.s32 $0x680, s23;
	[sflag:s17] =	ssyncadd.s32 $0xFFFFE000  }
0x191: {  	[tilespmem:s29], [sflag:$0x6] =	stream.indirect.gather [hbm4b:s11+s19], $0x40, s12, s19, $0xb8;
	[tilespmem:$0x1EE00] =	vst v63  }
0x192: {  	_ =	swait.ge [sflag:s21], $0x2000  }
0x193: {  	[sflag:s21] =	ssyncset.done $0x0  }
0x194: {  	s12 =	sadd.s32 $0x2B00, s23;
	[sflag:s21] =	ssyncadd.s32 $0xFFFFE000  }
0x195: {  	[spmem:s2] =	stream.indirect.scatter.add.f32 [tilespmem:s31], [sflag:$0x9], $0x40, s12, s19, $0xb8;
	[tilespmem:$0x1EE00] =	vst v63  }
0x196: {  	_ =	swait.ge [sflag:s17], $0x2000  }
0x197: {  	[sflag:s17] =	ssyncset.done $0x0  }
0x198: {  	s12 =	sadd.s32 $0x700, s23;
	[sflag:s17] =	ssyncadd.s32 $0xFFFFE000  }
0x199: {  	[tilespmem:s31], [sflag:$0x7] =	stream.indirect.gather [hbm4b:s11+s19], $0x40, s12, s19, $0xb8;
	[tilespmem:$0x1EE00] =	vst v63  }
0x19a: {  	_ =	swait.ge [sflag:s10], $0x2000  }
0x19b: {  	[sflag:s10] =	ssyncset.done $0x0  }
.Ltmp2:
0x19c: {  	s12 =	sadd.s32 $0x2B80, s23;
	[sflag:s10] =	ssyncadd.s32 $0xFFFFE000;
	(pc) =	sbr.rel @p0 .LBB2_6-.Ltmp2, $4  }
0x19d: {  	[spmem:s2] =	stream.indirect.scatter.add.f32 [tilespmem:s1], [sflag:$0x9], $0x40, s12, s19, $0xb8;
	[tilespmem:$0x1EE00] =	vst v63  }
0x19e: {  	_ =	swait.ge [sflag:s17], $0x2000  }
0x19f: {  	[sflag:s17] =	ssyncset.done $0x0  }
0x1a0: {  	s23 =	sadd.s32 $0x780, s23;
	[sflag:s17] =	ssyncadd.s32 $0xFFFFE000  }
0x1a1: {  	[tilespmem:s1], [sflag:$0x8] =	stream.indirect.gather [hbm4b:s11+s19], $0x40, s23, s19, $0xb8;
	[tilespmem:$0x1EE00] =	vst v63  }
0x1a2: {  	_ =	swait.ge [sflag:s5], $0x2000  }
0x1a3: {  	[sflag:s5] =	ssyncset.done $0x0  }
0x1a4: {  	s0 =	simm.s32 $0x4C00;
	[sflag:s5] =	ssyncadd.s32 $0xFFFFE000  }
0x1a5: {  	[spmem:s2] =	stream.indirect.scatter.add.f32 [tilespmem:s16], [sflag:$0x9], $0x40, s0, s19, $0xb8;
	[tilespmem:$0x1EE00] =	vst v63  }
0x1a6: {  	_ =	swait.ge [sflag:s17], $0x2000  }
0x1a7: {  	[sflag:s17] =	ssyncset.done $0x0  }
0x1a8: {  	[sflag:s17] =	ssyncadd.s32 $0xFFFFE000  }
0x1a9: {  	_ =	swait.ge [sflag:s6], $0x2000  }
0x1aa: {  	[sflag:s6] =	ssyncset.done $0x0  }
0x1ab: {  	s23 =	simm.s32 $0x4C80;
	[sflag:s6] =	ssyncadd.s32 $0xFFFFE000  }
0x1ac: {  	[spmem:s2] =	stream.indirect.scatter.add.f32 [tilespmem:s20], [sflag:$0x9], $0x40, s23, s19, $0xb8;
	[tilespmem:$0x1EE00] =	vst v63  }
0x1ad: {  	_ =	swait.ge [sflag:s17], $0x2000  }
0x1ae: {  	[sflag:s17] =	ssyncset.done $0x0  }
0x1af: {  	[sflag:s17] =	ssyncadd.s32 $0xFFFFE000  }
0x1b0: {  	_ =	swait.ge [sflag:s7], $0x2000  }
0x1b1: {  	[sflag:s7] =	ssyncset.done $0x0  }
0x1b2: {  	[sflag:s7] =	ssyncadd.s32 $0xFFFFE000  }
0x1b3: {  	[spmem:s2] =	stream.indirect.scatter.add.f32 [tilespmem:s22], [sflag:$0x9], $0x40, s13, s19, $0xb8;
	[tilespmem:$0x1EE00] =	vst v63  }
0x1b4: {  	_ =	swait.ge [sflag:s17], $0x2000  }
0x1b5: {  	[sflag:s17] =	ssyncset.done $0x0  }
0x1b6: {  	[sflag:s17] =	ssyncadd.s32 $0xFFFFE000  }
0x1b7: {  	_ =	swait.ge [sflag:s18], $0x2000  }
0x1b8: {  	[sflag:s18] =	ssyncset.done $0x0  }
0x1b9: {  	[sflag:s18] =	ssyncadd.s32 $0xFFFFE000  }
0x1ba: {  	[spmem:s2] =	stream.indirect.scatter.add.f32 [tilespmem:s24], [sflag:$0x9], $0x40, s25, s19, $0xb8;
	[tilespmem:$0x1EE00] =	vst v63  }
0x1bb: {  	_ =	swait.ge [sflag:s17], $0x2000  }
0x1bc: {  	[sflag:s17] =	ssyncset.done $0x0  }
0x1bd: {  	[sflag:s17] =	ssyncadd.s32 $0xFFFFE000  }
0x1be: {  	_ =	swait.ge [sflag:s8], $0x2000  }
0x1bf: {  	[sflag:s8] =	ssyncset.done $0x0  }
0x1c0: {  	[sflag:s8] =	ssyncadd.s32 $0xFFFFE000  }
0x1c1: {  	[spmem:s2] =	stream.indirect.scatter.add.f32 [tilespmem:s26], [sflag:$0x9], $0x40, s14, s19, $0xb8;
	[tilespmem:$0x1EE00] =	vst v63  }
0x1c2: {  	_ =	swait.ge [sflag:s17], $0x2000  }
0x1c3: {  	[sflag:s17] =	ssyncset.done $0x0  }
0x1c4: {  	[sflag:s17] =	ssyncadd.s32 $0xFFFFE000  }
0x1c5: {  	_ =	swait.ge [sflag:s9], $0x2000  }
0x1c6: {  	[sflag:s9] =	ssyncset.done $0x0  }
0x1c7: {  	[sflag:s9] =	ssyncadd.s32 $0xFFFFE000  }
0x1c8: {  	[spmem:s2] =	stream.indirect.scatter.add.f32 [tilespmem:s29], [sflag:$0x9], $0x40, s15, s19, $0xb8;
	[tilespmem:$0x1EE00] =	vst v63  }
0x1c9: {  	_ =	swait.ge [sflag:s17], $0x2000  }
0x1ca: {  	[sflag:s17] =	ssyncset.done $0x0  }
0x1cb: {  	[sflag:s17] =	ssyncadd.s32 $0xFFFFE000  }
0x1cc: {  	_ =	swait.ge [sflag:s21], $0x2000  }
0x1cd: {  	[sflag:s21] =	ssyncset.done $0x0  }
0x1ce: {  	[sflag:s21] =	ssyncadd.s32 $0xFFFFE000  }
0x1cf: {  	[spmem:s2] =	stream.indirect.scatter.add.f32 [tilespmem:s31], [sflag:$0x9], $0x40, s28, s19, $0xb8;
	[tilespmem:$0x1EE00] =	vst v63  }
0x1d0: {  	_ =	swait.ge [sflag:s17], $0x2000  }
0x1d1: {  	[sflag:s17] =	ssyncset.done $0x0  }
0x1d2: {  	[sflag:s17] =	ssyncadd.s32 $0xFFFFE000  }
0x1d3: {  	_ =	swait.ge [sflag:s10], $0x2000  }
0x1d4: {  	[sflag:s10] =	ssyncset.done $0x0  }
0x1d5: {  	[sflag:s10] =	ssyncadd.s32 $0xFFFFE000  }
0x1d6: {  	[spmem:s2] =	stream.indirect.scatter.add.f32 [tilespmem:s1], [sflag:$0x9], $0x40, s30, s19, $0xb8;
	[tilespmem:$0x1EE00] =	vst v63  }
0x1d7: {  	_ =	swait.ge [sflag:s17], $0x2000  }
0x1d8: {  	[sflag:s17] =	ssyncset.done $0x0  }
0x1d9: {  	s12 =	stileid.u32;
	[sflag:s17] =	ssyncadd.s32 $0xFFFFE000  }
0x1da: {  	s0 =	sshll.u32 s12, $0x6;
	[bflag:$0x0] =	sbarrier.arrive $0xFFFF  }
0x1db: {  	s12 =	sshrl.u32 s4, $0x3;
	s0 =	sor.u32 $0x1C09, s0;
	s23 =	rddreg [dreg:$0xb]  }
0x1dc: {  	[hbm:s23], [sflag:s0] =	dma.local [spmem:s12], $0x13C0  }
0x1dd: {  	_ =	swait.ge [sflag:s17], $0x13C0  }
0x1de: {  	s3 =	sadd.s32 $0x1, s3;
	s23 =	rddreg [dreg:$0xc]  }
0x1df: {  	p0 =	sne.s32 s3, s23  }
.Ltmp3:
0x1e0: {  	_ = 	snop;
	(pc) =	sbr.rel @p0 .LBB2_1-.Ltmp3, $3  }
0x1e1: {  	_ =	sdelay $0x1  }
0x1e2: {  	[sflag:s17] =	ssyncset.done $0x0  }
0x1e3: {  	[sflag:s17] =	ssyncadd.s32 $0xFFFFEC40  }
0x1e4: {  	_ =	sfence.sel $0x180000  }
0x1e5: {  	[bflag:$0x0] =	sbarrier.arrive $0xFFFF  }
0x1e6: {  	_ =	strace $0x9000004A  }
0x1e7: {  	s0 =	stileid.u32;
	[bflag:$0x2] =	sbarrier.arrive $0xFFFF  }
0x1e8: {  	p0 =	sne.s32 s0, $0x0;
	s0 =	rddreg [dreg:$0x2]  }
0x1e9: {  	s0 =	sadd.s32 @!p0 $0x100000, s0  }
0x1ea: {  	[sflag:s0] =	ssyncadd.tile.s32 @!p0 $0x1;
	_ =	shalt  }
.Lfunc_end2:
_tile_overlayer_lowered:
.L_overlay_start_2:
0x1eb: {  	(tag) =	ssettag $0x2  }
0x1ec: {  	s0 =	rddreg [dreg:$0x0];
	s2 =	stileid.u32  }
0x1ed: {  	s1 =	rddreg [dreg:$0x1];
	p0 =	sne.s32 s2, $0x0  }
0x1ee: {  	s3 =	rddreg [dreg:$0x2];
	[bflag:$0x3] =	sbarrier.arrive $0xFFFF;
	s2 =	simm.s32 @!p0 $0x1C09  }
0x1ef: {  	[timem:s3], [sflag:s2] =	dma.local @!p0 [hbm:s0], s1  }
0x1f0: {  	s0 =	simm.s32 @!p0 $0x9  }
0x1f1: {  	_ =	swait.ge @!p0 [sflag:s0], s1  }
0x1f2: {  	s1 =	ssub.s32 @!p0 $0x0, s1;
	[sflag:s0] =	ssyncset.done @!p0 $0x0  }
0x1f3: {  	[sflag:s0] =	ssyncadd.s32 @!p0 s1  }
0x1f4: {  	[bflag:$0x3] =	sbarrier.arrive $0xFFFF  }
0x1f5: {  	_ =	shalt  }

// kernel: kernel.14.cloned.1.call-start
scs
__scs_entry_jumppad:
0x0: {  	(pc) =	sbr.rel $0x88, $3  }
0x1: {  	(tag) =	ssettag $0x0;
	lr =	simm.s32 $0x1  }
0x2: {  	[smem:$0x3F98] =	sst lr;
	_ =	strace $0xD0000000  }
0x3: {  	_ = 	snop  }
0x4: {  	_ = 	snop  }
0x5: {  	_ = 	snop  }
0x6: {  	_ = 	snop  }
0x7: {  	_ = 	snop  }
__scs_overlays_trampoline_lowered:
0x8: {  	[smem:$0x3FA7] =	sst s0  }
0x9: {  	[smem:$0x3FA8] =	sst s1  }
0xa: {  	[smem:$0x3FA9] =	sst s2  }
0xb: {  	[smem:$0x3FAA] =	sst s3  }
0xc: {  	[smem:$0x3FAB] =	sst s4  }
0xd: {  	[smem:$0x3FAC] =	sst s5  }
0xe: {  	[smem:$0x3FAD] =	sst s6  }
0xf: {  	[smem:$0x3FAE] =	sst s7  }
0x10: {  	[smem:$0x3FAF] =	sst s8  }
0x11: {  	[smem:$0x3FB0] =	sst s9;
	s0 =	simm.s32 @!p0 $0x0  }
0x12: {  	s1 =	sld [smem:$0x3F96];
	s0 =	simm.s32 @p0 $0x1  }
0x13: {  	[smem:$0x3FB1] =	sst s0;
	s0 =	simm.s32 @!p1 $0x0  }
0x14: {  	s2 =	sld [smem:$0x3F95];
	s0 =	simm.s32 @p1 $0x1  }
0x15: {  	[smem:$0x3FB2] =	sst s0;
	s0 =	simm.s32 @!p2 $0x0  }
0x16: {  	s3 =	sld [smem:$0x3FDB];
	s0 =	simm.s32 @p2 $0x1  }
0x17: {  	s4 =	simm.s32 $0x1BF5;
	[smem:$0x3FB4] =	sst s0  }
0x18: {  	s0 =	sld [smem:$0x3F97];
	_ =	swait.ge [sflag:s4], $0x0  }
0x19: {  	s7 =	sld [smem:$0x3F98]  }
0x1a: {  	s8 =	sadd.s32 $0xFFFFE003, lr  }
0x1b: {  	s9 =	sadd.s32 $0xFFFFFEF7, lr;
	s5 =	simm.s32 $0xFFFFFFFF;
	p2 =	slt.u32 s8, $0xFFFFF086  }
0x1c: {  	p1 =	slt.u32 s9, $0xF7A;
	s5 =	simm.s32 @!p2 $0x0  }
0x1d: {  	s5 =	simm.s32 @p1 $0x1;
	p0 =	seq.s32 s7, s2  }
0x1e: {  	s7 =	smul.u32 @!p0 $0xF7A, s2;
	p2 =	seq.s32 @!p0 s5, $0x0  }
0x1f: {  	s9 =	smul.u32 $0xF7A, s1;
	s8 =	simm.s32 @!p0 $0x1BF5;
	p2 =	por !p2, p0  }
0x20: {  	[sflag:s8] =	ssyncset.s32 @!p0 $0xFFFFF086;
	s6 =	sadd.s32 @!p0 s3, s7;
	s7 =	simm.s32 @!p0 $0x108  }
0x21: {  	s3 =	sadd.s32 s3, s9;
	s6 =	sadd.s32 @!p0 $0x88, s6;
	s7 =	simm.s32 @p2 $0x1082  }
0x22: {  	[simem:s7], [sflag:s8] =	dma.local @!p0 [hbm:s6], $0xF7A  }
0x23: {  	s9 =	sor.u32 $0xD0000000, s2;
	s6 =	simm.s32 $0x108;
	_ =	swait.ge @!p0 [sflag:s8], $0x0  }
0x24: {  	s3 =	sadd.s32 $0x88, s3;
	s6 =	simm.s32 @!p1 $0x1082;
	[sflag:s4] =	ssyncset.s32 $0xFFFFF086  }
0x25: {  	[simem:s6], [sflag:s4] =	dma.local [hbm:s3], $0xF7A  }
0x26: {  	[smem:$0x3F98] =	sst s1;
	(tag) =	ssettag s2;
	_ =	strace s9  }
0x27: {  	s1 =	sld [smem:$0x3FA8]  }
0x28: {  	s2 =	sld [smem:$0x3FA9]  }
0x29: {  	s4 =	sld [smem:$0x3FAB]  }
0x2a: {  	p0 =	seq.s32 s5, $0x0;
	s5 =	sld [smem:$0x3FAC]  }
0x2b: {  	s6 =	sld [smem:$0x3FAD]  }
0x2c: {  	s7 =	sld [smem:$0x3FAE]  }
0x2d: {  	s3 =	simm.s32 $0x108;
	s8 =	sld [smem:$0x3FAF]  }
0x2e: {  	s3 =	simm.s32 @!p0 $0x1082;
	s9 =	sld [smem:$0x3FB0]  }
0x2f: {  	lr =	sadd.s32 s0, s3;
	s0 =	sld [smem:$0x3FA7]  }
0x30: {  	s3 =	sld [smem:$0x3FAA]  }
0x31: {  	[smem:$0x3FB3] =	sst s10  }
0x32: {  	s10 =	sld [smem:$0x3FB1];
	_ =	sdelay $0x3  }
0x33: {  	p0 =	seq.s32 s10, $0x1;
	s10 =	sld [smem:$0x3FB3];
	_ =	sdelay $0x3  }
0x34: {  	[smem:$0x3FB3] =	sst s10  }
0x35: {  	s10 =	sld [smem:$0x3FB2];
	_ =	sdelay $0x3  }
0x36: {  	p1 =	seq.s32 s10, $0x1;
	s10 =	sld [smem:$0x3FB3];
	_ =	sdelay $0x3  }
0x37: {  	[smem:$0x3FB3] =	sst s10  }
0x38: {  	s10 =	sld [smem:$0x3FB4]  }
0x39: {  	_ = 	snop;
	(pc) =	sbr.ind lr, $3  }
0x3a: {  	_ = 	snop  }
0x3b: {  	_ = 	snop  }
0x3c: {  	p2 =	seq.s32 s10, $0x1;
	s10 =	sld [smem:$0x3FB3]  }
0x3d: {  	_ =	shalt  }
0x3e: {  	_ =	shalt  }
0x3f: {  	_ =	shalt  }
0x40: {  	_ =	shalt  }
0x41: {  	_ =	shalt  }
0x42: {  	_ =	shalt  }
0x43: {  	_ =	shalt  }
0x44: {  	_ =	shalt  }
0x45: {  	_ =	shalt  }
0x46: {  	_ =	shalt  }
0x47: {  	_ =	shalt  }
0x48: {  	_ =	shalt  }
0x49: {  	_ =	shalt  }
0x4a: {  	_ =	shalt  }
0x4b: {  	_ =	shalt  }
0x4c: {  	_ =	shalt  }
0x4d: {  	_ =	shalt  }
0x4e: {  	_ =	shalt  }
0x4f: {  	_ =	shalt  }
0x50: {  	_ =	shalt  }
0x51: {  	_ =	shalt  }
0x52: {  	_ =	shalt  }
0x53: {  	_ =	shalt  }
0x54: {  	_ =	shalt  }
0x55: {  	_ =	shalt  }
0x56: {  	_ =	shalt  }
0x57: {  	_ =	shalt  }
0x58: {  	_ =	shalt  }
0x59: {  	_ =	shalt  }
0x5a: {  	_ =	shalt  }
0x5b: {  	_ =	shalt  }
0x5c: {  	_ =	shalt  }
0x5d: {  	_ =	shalt  }
0x5e: {  	_ =	shalt  }
0x5f: {  	_ =	shalt  }
0x60: {  	_ =	shalt  }
0x61: {  	_ =	shalt  }
0x62: {  	_ =	shalt  }
0x63: {  	_ =	shalt  }
0x64: {  	_ =	shalt  }
0x65: {  	_ =	shalt  }
0x66: {  	_ =	shalt  }
0x67: {  	_ =	shalt  }
0x68: {  	_ =	shalt  }
0x69: {  	_ =	shalt  }
0x6a: {  	_ =	shalt  }
0x6b: {  	_ =	shalt  }
0x6c: {  	_ =	shalt  }
0x6d: {  	_ =	shalt  }
0x6e: {  	_ =	shalt  }
0x6f: {  	_ =	shalt  }
0x70: {  	_ =	shalt  }
0x71: {  	_ =	shalt  }
0x72: {  	_ =	shalt  }
0x73: {  	_ =	shalt  }
0x74: {  	_ =	shalt  }
0x75: {  	_ =	shalt  }
0x76: {  	_ =	shalt  }
0x77: {  	_ =	shalt  }
0x78: {  	_ =	shalt  }
0x79: {  	_ =	shalt  }
0x7a: {  	_ =	shalt  }
0x7b: {  	_ =	shalt  }
0x7c: {  	_ =	shalt  }
0x7d: {  	_ =	shalt  }
0x7e: {  	_ =	shalt  }
0x7f: {  	_ =	shalt  }
0x80: {  	_ =	shalt  }
0x81: {  	_ =	shalt  }
0x82: {  	_ =	shalt  }
0x83: {  	_ =	shalt  }
0x84: {  	_ =	shalt  }
0x85: {  	_ =	shalt  }
0x86: {  	_ =	shalt  }
0x87: {  	_ =	shalt  }
.Lfunc_end0:
.L_simem_size_0:
called_computation.2_lowered:
.L_overlay_start_0:
0x88: {  	s2 =	sld [smem:$0x3FD9]  }
0x89: {  	s3 =	sld [smem:$0x3FFE];
	_ =	sdelay $0x1  }
0x8a: {  	s1 =	srdreg.scid  }
0x8b: {  	s0 =	sand.u32 $0x1, s1  }
0x8c: {  	s16 =	sshll.u32 s0, $0xA;
	s2 =	sadd.s32 s3, s2  }
0x8d: {  	s2 =	sadd.s32 s2, s16  }
0x8e: {  	[smem:$0x3FBF] =	sst s2  }
0x8f: {  	_ = 	snop  }
0x90: {  	(tm) =	ssettm $0x1  }
0x91: {  	s17 =	sld [smem:$0x3FFB];
	_ =	sdelay $0x3  }
0x92: {  	_ =	strace s17  }
0x93: {  	s2 =	sld [smem:$0x3FFC];
	_ =	sdelay $0x3  }
0x94: {  	_ =	strace s2  }
0x95: {  	s2 =	sld [smem:$0x3FFD];
	_ =	sdelay $0x3  }
0x96: {  	_ =	strace s2  }
0x97: {  	_ =	strace $0x8FFFFFFF  }
0x98: {  	s18 =	sld [smem:$0x3FDB];
	_ =	sdelay $0x1  }
0x99: {  	s19 =	simm.s32 $_scs_section_size  }
0x9a: {  	s4 =	simm.s32 $_size__tile_overlayer_lowered;
	s5 =	simm.s32 $_tile_overlayer_lowered  }
0x9b: {  	s22 =	simm.s32 $0x1BFF;
	s21 =	sshll.u32 s5, $0x1;
	s2 =	sadd.s32 s19, s18  }
0x9c: {  	s6 =	simm.s32 $0x0;
	s20 =	sshll.u32 s4, $0x1;
	s4 =	sadd.s32 s21, s2  }
0x9d: {  	[timem:s6], [sflag:s22] =	dma.local [hbm:s4], s20  }
0x9e: {  	_ =	swait.ge [sflag:s22], s20  }
0x9f: {  	s3 =	ssub.s32 $0x0, s20;
	[sflag:s22] =	ssyncset.done $0x0  }
0xa0: {  	[sflag:s22] =	ssyncadd.s32 s3;
	_ =	sdelay $0x1  }
0xa1: {  	s23 =	simm.s32 $0x1B8B  }
0xa2: {  	_ =	swait.ge [sflag:s23], $0x1  }
0xa3: {  	[sflag:s23] =	ssyncset.done $0x0  }
0xa4: {  	s25 =	simm.s32 $0x1B8E;
	s24 =	sld [smem:$0x3FFE];
	[sflag:s23] =	ssyncadd.s32 $0xFFFFFFFF  }
0xa5: {  	s26 =	simm.s32 $execute0_lowered;
	[smem:$0x3FD2] =	sst s25  }
0xa6: {  	s4 =	sshll.u32 s26, $0x1;
	_ =	strace $0x8000004C;
	[dreg:$0x1] =	wrdreg $0xFFFFFFFF  }
0xa7: {  	s28 =	simm.s32 $_size_execute0_lowered;
	s2 =	sadd.s32 s2, s4;
	[dreg:$0x0] =	wrdreg $0x0  }
0xa8: {  	s4 =	sshll.u32 s28, $0x1;
	[dreg:$0x2] =	wrdreg s2  }
0xa9: {  	[dreg:$0x3] =	wrdreg s4  }
0xaa: {  	[dreg:$0x4] =	wrdreg $0xC0  }
0xab: {  	_ =	task [dreg:s6], $0x5FFFF  }
0xac: {  	[dreg:$0x1] =	wrdreg $0xFFFFFFFF  }
0xad: {  	[dreg:$0x0] =	wrdreg $0x60  }
0xae: {  	[dreg:$0x2] =	wrdreg s24  }
0xaf: {  	[dreg:$0x3] =	wrdreg $0x150000  }
0xb0: {  	[dreg:$0x4] =	wrdreg $0x9  }
0xb1: {  	_ =	task.clear_ibuf [dreg:s6], $0x5FFFF;
	_ =	strace $0x9000004C  }
0xb2: {  	s29 =	simm.s32 $0x9;
	_ =	strace $0x8000004E  }
0xb3: {  	_ =	swait.ge [sflag:s29], $0x1  }
0xb4: {  	[sflag:s29] =	ssyncadd.s32 $0xFFFFFFFF  }
0xb5: {  	_ =	strace $0x9000004E  }
0xb6: {  	_ =	sfence  }
0xb7: {  	s30 =	sld [smem:$0x0];
	_ =	sdelay $0x2  }
0xb8: {  	s31 =	sshll.u32 s1, $0xD;
	s1 =	sshrl.u32 s1, $0x2  }
0xb9: {  	s3 =	sand.u32 $0x4000, s31;
	s1 =	sadd.s32 s1, s30  }
0xba: {  	s0 =	sor.u32 s3, s0;
	s1 =	sshll.u32 s1, $0x11  }
0xbb: {  	s0 =	sor.u32 s1, s0  }
0xbc: {  	s0 =	sadd.s32 $0x8F2B, s0  }
0xbd: {  	[sflag:s0] =	ssyncadd.remote.s32 $0x1  }
0xbe: {  	_ =	sfence.sel $0xFFFF  }
0xbf: {  	[dreg:$0x0] =	wrdreg $0xFFFFFFFF;
	(pc) =	sbr.abs _section_cstart, $3  }
0xc0: {  	[dreg:$0x1] =	wrdreg $0xFFFFFFFF  }
0xc1: {  	_ =	task.clear_ibuf [dreg:s6], $0x2FFFF;
	_ =	strace $0x9FFFFFFF  }
0xc2: {  	(tm) =	ssettm $0x7FFFFFFF  }
0xc3: {  	_ =	shalt  }
tec
execute0_lowered:
.L_overlay_start_1:
0x0: {  	(tag) =	ssettag $0x1  }
0x1: {  	s1 =	rddreg [dreg:$0x0]  }
0x2: {  	s0 =	srdreg.scid;
	s2 =	rddreg [dreg:$0x1];
	s3 =	simm.s32 $0x0  }
0x3: {  	s11 =	stileid.u32;
	s16 =	simm.s32 $0x5000;
	s17 =	simm.s32 $0x9  }
0x4: {  	s29 =	simm.s32 $0xF000;
	s31 =	simm.s32 $0x11000;
	s13 =	simm.s32 $0x4D00  }
0x5: {  	s14 =	simm.s32 $0x4E00;
	s15 =	simm.s32 $0x4E80;
	s6 =	smul.u32 $0x9E00, s11  }
0x6: {  	s28 =	simm.s32 $0x4F00;
	s30 =	simm.s32 $0x4F80;
	s8 =	smul.u32 $0x27800, s11  }
0x7: {  	s0 =	sand.u32 $0x1, s0;
	[smem:$0x7FF] =	sst s3;
	s10 =	smul.u32 $0x5000, s11  }
0x8: {  	s7 =	sadd.s32 $0x16A00, s1;
	s9 =	sadd.s32 $0x2C00, s1;
	s20 =	smul.u32 $0xA00, s11  }
0x9: {  	s4 =	smul.u32 $0x9E000, s0;
	_ =	strace $0x8000004D;
	s0 =	ssub.s32 $0x2, s0  }
0xa: {  	s18 =	sshrl.u32 s0, $0x1;
	s8 =	sshrl.u32 s8, $0x2;
	s10 =	sshrl.u32 s10, $0x3  }
0xb: {  	s23 =	sadd.s32 s7, s20;
	s5 =	sshrl.u32 s4, $0x3;
	s4 =	sadd.s32 s6, s4  }
0xc: {  	s0 =	ssub.s32 s0, s18;
	s8 =	sadd.s32 s8, s2;
	[dreg:$0x7] =	wrdreg s23  }
0xd: {  	s24 =	sadd.s32 $0x500, s10;
	s18 =	simm.s32 $0x4;
	s10 =	simm.s32 $0x8  }
0xe: {  	s5 =	sadd.s32 s5, s1;
	s4 =	sshrl.u32 s4, $0x3;
	s19 =	sadd.s32 $0x2000, s8  }
0xf: {  	s21 =	sadd.s32 $0x4000, s8;
	s22 =	sadd.s32 $0x6000, s8;
	[dreg:$0x3] =	wrdreg s19  }
0x10: {  	s8 =	sadd.s32 $0x8000, s8;
	s25 =	sadd.s32 s7, s24;
	[dreg:$0x4] =	wrdreg s21  }
0x11: {  	s26 =	sadd.s32 s9, s24;
	s0 =	smax.u32 s0, $0x1;
	[dreg:$0x5] =	wrdreg s22  }
0x12: {  	s24 =	simm.s32 $0xB000;
	s7 =	simm.s32 $0x3;
	[dreg:$0x6] =	wrdreg s8  }
0x13: {  	s1 =	sadd.s32 s4, s1;
	s4 =	sadd.s32 s6, s2;
	[dreg:$0x9] =	wrdreg s25  }
0x14: {  	s6 =	sadd.s32 s9, s20;
	s11 =	sadd.s32 $0x97200, s5;
	[dreg:$0xa] =	wrdreg s26  }
0x15: {  	[dreg:$0xc] =	wrdreg s0;
	s19 =	simm.s32 $0x80;
	s20 =	simm.s32 $0x7000  }
0x16: {  	s22 =	simm.s32 $0x9000;
	s26 =	simm.s32 $0xD000;
	s5 =	simm.s32 $0x1  }
0x17: {  	s8 =	simm.s32 $0x5;
	s9 =	simm.s32 $0x6;
	s21 =	simm.s32 $0x7  }
0x18: {  	s25 =	simm.s32 $0x4D80;
	[dreg:$0x8] =	wrdreg s6;
	s1 =	sadd.s32 $0xBEA00, s1  }
0x19: {  	v0 =	vimm.f32 $0.0e+00;
	s6 =	simm.s32 $0x2;
	[dreg:$0xb] =	wrdreg s1;
	s1 =	simm.s32 $0x13000  }
.LBB2_1:
0x1a: {  	s23 =	simm.s32 $0x100;
	s0 =	simm.s32 $0x0  }
.LBB2_2:
0x1b: {  	p0 =	sne.s32 s23, $0x7F00;
	[tilespmem:s0+$0x5030] =	vst v0;
	s12 =	smov.u32 s23;
	s23 =	sadd.s32 $0x100, s23  }
.Ltmp0:
0x1c: {  	[tilespmem:s0+$0x5020] =	vst v0;
	(pc) =	sbr.rel @p0 .LBB2_2-.Ltmp0, $3  }
0x1d: {  	[tilespmem:s0+$0x5000] =	vst v0  }
0x1e: {  	[tilespmem:s0+$0x5010] =	vst v0;
	_ =	sdelay $0x1  }
0x1f: {  	s0 =	sshra.s32 s12, $0x2  }
0x20: {  	[tilespmem:s0+$0x5030] =	vst v0  }
0x21: {  	[tilespmem:s0+$0x5020] =	vst v0  }
0x22: {  	[tilespmem:s0+$0x5000] =	vst v0  }
0x23: {  	[tilespmem:s0+$0x5010] =	vst v0  }
0x24: {  	[spmem:s4] =	stream.linear.scatter [tilespmem:s16], [sflag:$0x9], $0x2000, $0x38;
	[tilespmem:$0x1EE00] =	vst v63  }
0x25: {  	_ =	swait.ge [sflag:s17], $0x2000  }
0x26: {  	[sflag:s17] =	ssyncset.done $0x0  }
0x27: {  	s23 =	rddreg [dreg:$0x3];
	[sflag:s17] =	ssyncadd.s32 $0xFFFFE000  }
0x28: {  	[spmem:s23] =	stream.linear.scatter [tilespmem:s16], [sflag:$0x9], $0x2000, $0x38;
	[tilespmem:$0x1EE00] =	vst v63  }
0x29: {  	_ =	swait.ge [sflag:s17], $0x2000  }
0x2a: {  	[sflag:s17] =	ssyncset.done $0x0  }
0x2b: {  	s12 =	rddreg [dreg:$0x4];
	[sflag:s17] =	ssyncadd.s32 $0xFFFFE000  }
0x2c: {  	[spmem:s12] =	stream.linear.scatter [tilespmem:s16], [sflag:$0x9], $0x2000, $0x38;
	[tilespmem:$0x1EE00] =	vst v63  }
0x2d: {  	_ =	swait.ge [sflag:s17], $0x2000  }
0x2e: {  	[sflag:s17] =	ssyncset.done $0x0  }
0x2f: {  	s23 =	rddreg [dreg:$0x5];
	[sflag:s17] =	ssyncadd.s32 $0xFFFFE000  }
0x30: {  	[spmem:s23] =	stream.linear.scatter [tilespmem:s16], [sflag:$0x9], $0x2000, $0x38;
	[tilespmem:$0x1EE00] =	vst v63  }
0x31: {  	_ =	swait.ge [sflag:s17], $0x2000  }
0x32: {  	[sflag:s17] =	ssyncset.done $0x0  }
0x33: {  	s12 =	rddreg [dreg:$0x6];
	[sflag:s17] =	ssyncadd.s32 $0xFFFFE000  }
0x34: {  	[spmem:s12] =	stream.linear.scatter [tilespmem:s16], [sflag:$0x9], $0x1E00, $0x38;
	[tilespmem:$0x1EE00] =	vst v63  }
0x35: {  	_ =	swait.ge [sflag:s17], $0x1E00  }
0x36: {  	[sflag:s17] =	ssyncset.done $0x0  }
0x37: {  	[sflag:s17] =	ssyncadd.s32 $0xFFFFE200  }
0x38: {  	[bflag:$0x0] =	sbarrier.arrive $0xFFFF  }
0x39: {  	s0 =	simm.s32 $0x0;
	s12 =	rddreg [dreg:$0x7]  }
0x3a: {  	[tilespmem:s0], [sflag:$0x9] =	stream.linear.gather [hbm4b:s12+s0], $0x2800, $0x38;
	[tilespmem:$0x1EE00] =	vst v63  }
0x3b: {  	_ =	swait.ge [sflag:s17], $0x2800  }
0x3c: {  	[sflag:s17] =	ssyncset.done $0x0  }
0x3d: {  	s23 =	simm.s32 $0x2800;
	s12 =	rddreg [dreg:$0x8];
	[sflag:s17] =	ssyncadd.s32 $0xFFFFD800  }
0x3e: {  	[tilespmem:s23], [sflag:$0x9] =	stream.linear.gather [hbm4b:s12+s0], $0x2800, $0x38;
	[tilespmem:$0x1EE00] =	vst v63  }
0x3f: {  	_ =	swait.ge [sflag:s17], $0x2800  }
0x40: {  	[sflag:s17] =	ssyncset.done $0x0  }
0x41: {  	[sflag:s17] =	ssyncadd.s32 $0xFFFFD800  }
0x42: {  	[tilespmem:s16], [sflag:$0x1] =	stream.indirect.gather [hbm4b:s11+s19], $0x40, s0, s19, $0xb8;
	[tilespmem:$0x1EE00] =	vst v63  }
0x43: {  	_ = 	snop  }
0x44: {  	[tilespmem:s20], [sflag:$0x2] =	stream.indirect.gather [hbm4b:s11+s19], $0x40, s19, s19, $0xb8;
	[tilespmem:$0x1EE00] =	vst v63  }
0x45: {  	s23 =	simm.s32 $0x100  }
0x46: {  	[tilespmem:s22], [sflag:$0x3] =	stream.indirect.gather [hbm4b:s11+s19], $0x40, s23, s19, $0xb8;
	[tilespmem:$0x1EE00] =	vst v63  }
0x47: {  	s12 =	simm.s32 $0x180  }
0x48: {  	[tilespmem:s24], [sflag:$0x4] =	stream.indirect.gather [hbm4b:s11+s19], $0x40, s12, s19, $0xb8;
	[tilespmem:$0x1EE00] =	vst v63  }
0x49: {  	s23 =	simm.s32 $0x200  }
0x4a: {  	[tilespmem:s26], [sflag:$0x5] =	stream.indirect.gather [hbm4b:s11+s19], $0x40, s23, s19, $0xb8;
	[tilespmem:$0x1EE00] =	vst v63  }
0x4b: {  	s12 =	simm.s32 $0x280  }
0x4c: {  	[tilespmem:s29], [sflag:$0x6] =	stream.indirect.gather [hbm4b:s11+s19], $0x40, s12, s19, $0xb8;
	[tilespmem:$0x1EE00] =	vst v63  }
0x4d: {  	s23 =	simm.s32 $0x300  }
0x4e: {  	[tilespmem:s31], [sflag:$0x7] =	stream.indirect.gather [hbm4b:s11+s19], $0x40, s23, s19, $0xb8;
	[tilespmem:$0x1EE00] =	vst v63  }
0x4f: {  	s12 =	simm.s32 $0x380  }
0x50: {  	[tilespmem:s1], [sflag:$0x8] =	stream.indirect.gather [hbm4b:s11+s19], $0x40, s12, s19, $0xb8;
	[tilespmem:$0x1EE00] =	vst v63  }
0x51: {  	_ =	swait.ge [sflag:s5], $0x2000  }
0x52: {  	[sflag:s5] =	ssyncset.done $0x0  }
0x53: {  	s23 =	simm.s32 $0x2800;
	[sflag:s5] =	ssyncadd.s32 $0xFFFFE000  }
0x54: {  	[spmem:s2] =	stream.indirect.scatter.add.f32 [tilespmem:s16], [sflag:$0x9], $0x40, s23, s19, $0xb8;
	[tilespmem:$0x1EE00] =	vst v63  }
0x55: {  	_ =	swait.ge [sflag:s17], $0x2000  }
0x56: {  	[sflag:s17] =	ssyncset.done $0x0  }
0x57: {  	s12 =	simm.s32 $0x400;
	[sflag:s17] =	ssyncadd.s32 $0xFFFFE000  }
0x58: {  	[tilespmem:s16], [sflag:$0x1] =	stream.indirect.gather [hbm4b:s11+s19], $0x40, s12, s19, $0xb8;
	[tilespmem:$0x1EE00] =	vst v63  }
0x59: {  	_ =	swait.ge [sflag:s6], $0x2000  }
0x5a: {  	[sflag:s6] =	ssyncset.done $0x0  }
0x5b: {  	s23 =	simm.s32 $0x2880;
	[sflag:s6] =	ssyncadd.s32 $0xFFFFE000  }
0x5c: {  	[spmem:s2] =	stream.indirect.scatter.add.f32 [tilespmem:s20], [sflag:$0x9], $0x40, s23, s19, $0xb8;
	[tilespmem:$0x1EE00] =	vst v63  }
0x5d: {  	_ =	swait.ge [sflag:s17], $0x2000  }
0x5e: {  	[sflag:s17] =	ssyncset.done $0x0  }
0x5f: {  	s12 =	simm.s32 $0x480;
	[sflag:s17] =	ssyncadd.s32 $0xFFFFE000  }
0x60: {  	[tilespmem:s20], [sflag:$0x2] =	stream.indirect.gather [hbm4b:s11+s19], $0x40, s12, s19, $0xb8;
	[tilespmem:$0x1EE00] =	vst v63  }
0x61: {  	_ =	swait.ge [sflag:s7], $0x2000  }
0x62: {  	[sflag:s7] =	ssyncset.done $0x0  }
0x63: {  	s23 =	simm.s32 $0x2900;
	[sflag:s7] =	ssyncadd.s32 $0xFFFFE000  }
0x64: {  	[spmem:s2] =	stream.indirect.scatter.add.f32 [tilespmem:s22], [sflag:$0x9], $0x40, s23, s19, $0xb8;
	[tilespmem:$0x1EE00] =	vst v63  }
0x65: {  	_ =	swait.ge [sflag:s17], $0x2000  }
0x66: {  	[sflag:s17] =	ssyncset.done $0x0  }
0x67: {  	s12 =	simm.s32 $0x500;
	[sflag:s17] =	ssyncadd.s32 $0xFFFFE000  }
0x68: {  	[tilespmem:s22], [sflag:$0x3] =	stream.indirect.gather [hbm4b:s11+s19], $0x40, s12, s19, $0xb8;
	[tilespmem:$0x1EE00] =	vst v63  }
0x69: {  	_ =	swait.ge [sflag:s18], $0x2000  }
0x6a: {  	[sflag:s18] =	ssyncset.done $0x0  }
0x6b: {  	s23 =	simm.s32 $0x2980;
	[sflag:s18] =	ssyncadd.s32 $0xFFFFE000  }
0x6c: {  	[spmem:s2] =	stream.indirect.scatter.add.f32 [tilespmem:s24], [sflag:$0x9], $0x40, s23, s19, $0xb8;
	[tilespmem:$0x1EE00] =	vst v63  }
0x6d: {  	_ =	swait.ge [sflag:s17], $0x2000  }
0x6e: {  	[sflag:s17] =	ssyncset.done $0x0  }
0x6f: {  	s12 =	simm.s32 $0x580;
	[sflag:s17] =	ssyncadd.s32 $0xFFFFE000  }
0x70: {  	[tilespmem:s24], [sflag:$0x4] =	stream.indirect.gather [hbm4b:s11+s19], $0x40, s12, s19, $0xb8;
	[tilespmem:$0x1EE00] =	vst v63  }
0x71: {  	_ =	swait.ge [sflag:s8], $0x2000  }
0x72: {  	[sflag:s8] =	ssyncset.done $0x0  }
0x73: {  	s23 =	simm.s32 $0x2A00;
	[sflag:s8] =	ssyncadd.s32 $0xFFFFE000  }
0x74: {  	[spmem:s2] =	stream.indirect.scatter.add.f32 [tilespmem:s26], [sflag:$0x9], $0x40, s23, s19, $0xb8;
	[tilespmem:$0x1EE00] =	vst v63  }
0x75: {  	_ =	swait.ge [sflag:s17], $0x2000  }
0x76: {  	[sflag:s17] =	ssyncset.done $0x0  }
0x77: {  	s12 =	simm.s32 $0x600;
	[sflag:s17] =	ssyncadd.s32 $0xFFFFE000  }
0x78: {  	[tilespmem:s26], [sflag:$0x5] =	stream.indirect.gather [hbm4b:s11+s19], $0x40, s12, s19, $0xb8;
	[tilespmem:$0x1EE00] =	vst v63  }
0x79: {  	_ =	swait.ge [sflag:s9], $0x2000  }
0x7a: {  	[sflag:s9] =	ssyncset.done $0x0  }
0x7b: {  	s23 =	simm.s32 $0x2A80;
	[sflag:s9] =	ssyncadd.s32 $0xFFFFE000  }
0x7c: {  	[spmem:s2] =	stream.indirect.scatter.add.f32 [tilespmem:s29], [sflag:$0x9], $0x40, s23, s19, $0xb8;
	[tilespmem:$0x1EE00] =	vst v63  }
0x7d: {  	_ =	swait.ge [sflag:s17], $0x2000  }
0x7e: {  	[sflag:s17] =	ssyncset.done $0x0  }
0x7f: {  	s12 =	simm.s32 $0x680;
	[sflag:s17] =	ssyncadd.s32 $0xFFFFE000  }
0x80: {  	[tilespmem:s29], [sflag:$0x6] =	stream.indirect.gather [hbm4b:s11+s19], $0x40, s12, s19, $0xb8;
	[tilespmem:$0x1EE00] =	vst v63  }
0x81: {  	_ =	swait.ge [sflag:s21], $0x2000  }
0x82: {  	[sflag:s21] =	ssyncset.done $0x0  }
0x83: {  	s23 =	simm.s32 $0x2B00;
	[sflag:s21] =	ssyncadd.s32 $0xFFFFE000  }
0x84: {  	[spmem:s2] =	stream.indirect.scatter.add.f32 [tilespmem:s31], [sflag:$0x9], $0x40, s23, s19, $0xb8;
	[tilespmem:$0x1EE00] =	vst v63  }
0x85: {  	_ =	swait.ge [sflag:s17], $0x2000  }
0x86: {  	[sflag:s17] =	ssyncset.done $0x0  }
0x87: {  	s12 =	simm.s32 $0x700;
	[sflag:s17] =	ssyncadd.s32 $0xFFFFE000  }
0x88: {  	[tilespmem:s31], [sflag:$0x7] =	stream.indirect.gather [hbm4b:s11+s19], $0x40, s12, s19, $0xb8;
	[tilespmem:$0x1EE00] =	vst v63  }
0x89: {  	_ =	swait.ge [sflag:s10], $0x2000  }
0x8a: {  	[sflag:s10] =	ssyncset.done $0x0  }
0x8b: {  	s23 =	simm.s32 $0x2B80;
	[sflag:s10] =	ssyncadd.s32 $0xFFFFE000  }
0x8c: {  	[spmem:s2] =	stream.indirect.scatter.add.f32 [tilespmem:s1], [sflag:$0x9], $0x40, s23, s19, $0xb8;
	[tilespmem:$0x1EE00] =	vst v63  }
0x8d: {  	_ =	swait.ge [sflag:s17], $0x2000  }
0x8e: {  	[sflag:s17] =	ssyncset.done $0x0  }
0x8f: {  	s0 =	simm.s32 $0x1000;
	s23 =	simm.s32 $0x780;
	[sflag:s17] =	ssyncadd.s32 $0xFFFFE000  }
.LBB2_4:
0x90: {  	[tilespmem:s1], [sflag:$0x8] =	stream.indirect.gather [hbm4b:s11+s19], $0x40, s23, s19, $0xb8;
	[tilespmem:$0x1EE00] =	vst v63  }
0x91: {  	s12 =	smov.u32 s0  }
0x92: {  	p0 =	sne.s32 s0, $0x8000;
	s0 =	sadd.s32 $0x1000, s0;
	_ =	swait.ge [sflag:s5], $0x2000  }
0x93: {  	s23 =	sshra.s32 s12, $0x2;
	[sflag:s5] =	ssyncset.done $0x0  }
0x94: {  	s12 =	sadd.s32 $0x2800, s23;
	[sflag:s5] =	ssyncadd.s32 $0xFFFFE000  }
0x95: {  	[spmem:s2] =	stream.indirect.scatter.add.f32 [tilespmem:s16], [sflag:$0x9], $0x40, s12, s19, $0xb8;
	[tilespmem:$0x1EE00] =	vst v63  }
0x96: {  	_ =	swait.ge [sflag:s17], $0x2000  }
0x97: {  	[sflag:s17] =	ssyncset.done $0x0  }
0x98: {  	s12 =	sadd.s32 $0x400, s23;
	[sflag:s17] =	ssyncadd.s32 $0xFFFFE000  }
0x99: {  	[tilespmem:s16], [sflag:$0x1] =	stream.indirect.gather [hbm4b:s11+s19], $0x40, s12, s19, $0xb8;
	[tilespmem:$0x1EE00] =	vst v63  }
0x9a: {  	_ =	swait.ge [sflag:s6], $0x2000  }
0x9b: {  	[sflag:s6] =	ssyncset.done $0x0  }
0x9c: {  	s12 =	sadd.s32 $0x2880, s23;
	[sflag:s6] =	ssyncadd.s32 $0xFFFFE000  }
0x9d: {  	[spmem:s2] =	stream.indirect.scatter.add.f32 [tilespmem:s20], [sflag:$0x9], $0x40, s12, s19, $0xb8;
	[tilespmem:$0x1EE00] =	vst v63  }
0x9e: {  	_ =	swait.ge [sflag:s17], $0x2000  }
0x9f: {  	[sflag:s17] =	ssyncset.done $0x0  }
0xa0: {  	s12 =	sadd.s32 $0x480, s23;
	[sflag:s17] =	ssyncadd.s32 $0xFFFFE000  }
0xa1: {  	[tilespmem:s20], [sflag:$0x2] =	stream.indirect.gather [hbm4b:s11+s19], $0x40, s12, s19, $0xb8;
	[tilespmem:$0x1EE00] =	vst v63  }
0xa2: {  	_ =	swait.ge [sflag:s7], $0x2000  }
0xa3: {  	[sflag:s7] =	ssyncset.done $0x0  }
0xa4: {  	s12 =	sadd.s32 $0x2900, s23;
	[sflag:s7] =	ssyncadd.s32 $0xFFFFE000  }
0xa5: {  	[spmem:s2] =	stream.indirect.scatter.add.f32 [tilespmem:s22], [sflag:$0x9], $0x40, s12, s19, $0xb8;
	[tilespmem:$0x1EE00] =	vst v63  }
0xa6: {  	_ =	swait.ge [sflag:s17], $0x2000  }
0xa7: {  	[sflag:s17] =	ssyncset.done $0x0  }
0xa8: {  	s12 =	sadd.s32 $0x500, s23;
	[sflag:s17] =	ssyncadd.s32 $0xFFFFE000  }
0xa9: {  	[tilespmem:s22], [sflag:$0x3] =	stream.indirect.gather [hbm4b:s11+s19], $0x40, s12, s19, $0xb8;
	[tilespmem:$0x1EE00] =	vst v63  }
0xaa: {  	_ =	swait.ge [sflag:s18], $0x2000  }
0xab: {  	[sflag:s18] =	ssyncset.done $0x0  }
0xac: {  	s12 =	sadd.s32 $0x2980, s23;
	[sflag:s18] =	ssyncadd.s32 $0xFFFFE000  }
0xad: {  	[spmem:s2] =	stream.indirect.scatter.add.f32 [tilespmem:s24], [sflag:$0x9], $0x40, s12, s19, $0xb8;
	[tilespmem:$0x1EE00] =	vst v63  }
0xae: {  	_ =	swait.ge [sflag:s17], $0x2000  }
0xaf: {  	[sflag:s17] =	ssyncset.done $0x0  }
0xb0: {  	s12 =	sadd.s32 $0x580, s23;
	[sflag:s17] =	ssyncadd.s32 $0xFFFFE000  }
0xb1: {  	[tilespmem:s24], [sflag:$0x4] =	stream.indirect.gather [hbm4b:s11+s19], $0x40, s12, s19, $0xb8;
	[tilespmem:$0x1EE00] =	vst v63  }
0xb2: {  	_ =	swait.ge [sflag:s8], $0x2000  }
0xb3: {  	[sflag:s8] =	ssyncset.done $0x0  }
0xb4: {  	s12 =	sadd.s32 $0x2A00, s23;
	[sflag:s8] =	ssyncadd.s32 $0xFFFFE000  }
0xb5: {  	[spmem:s2] =	stream.indirect.scatter.add.f32 [tilespmem:s26], [sflag:$0x9], $0x40, s12, s19, $0xb8;
	[tilespmem:$0x1EE00] =	vst v63  }
0xb6: {  	_ =	swait.ge [sflag:s17], $0x2000  }
0xb7: {  	[sflag:s17] =	ssyncset.done $0x0  }
0xb8: {  	s12 =	sadd.s32 $0x600, s23;
	[sflag:s17] =	ssyncadd.s32 $0xFFFFE000  }
0xb9: {  	[tilespmem:s26], [sflag:$0x5] =	stream.indirect.gather [hbm4b:s11+s19], $0x40, s12, s19, $0xb8;
	[tilespmem:$0x1EE00] =	vst v63  }
0xba: {  	_ =	swait.ge [sflag:s9], $0x2000  }
0xbb: {  	[sflag:s9] =	ssyncset.done $0x0  }
0xbc: {  	s12 =	sadd.s32 $0x2A80, s23;
	[sflag:s9] =	ssyncadd.s32 $0xFFFFE000  }
0xbd: {  	[spmem:s2] =	stream.indirect.scatter.add.f32 [tilespmem:s29], [sflag:$0x9], $0x40, s12, s19, $0xb8;
	[tilespmem:$0x1EE00] =	vst v63  }
0xbe: {  	_ =	swait.ge [sflag:s17], $0x2000  }
0xbf: {  	[sflag:s17] =	ssyncset.done $0x0  }
0xc0: {  	s12 =	sadd.s32 $0x680, s23;
	[sflag:s17] =	ssyncadd.s32 $0xFFFFE000  }
0xc1: {  	[tilespmem:s29], [sflag:$0x6] =	stream.indirect.gather [hbm4b:s11+s19], $0x40, s12, s19, $0xb8;
	[tilespmem:$0x1EE00] =	vst v63  }
0xc2: {  	_ =	swait.ge [sflag:s21], $0x2000  }
0xc3: {  	[sflag:s21] =	ssyncset.done $0x0  }
0xc4: {  	s12 =	sadd.s32 $0x2B00, s23;
	[sflag:s21] =	ssyncadd.s32 $0xFFFFE000  }
0xc5: {  	[spmem:s2] =	stream.indirect.scatter.add.f32 [tilespmem:s31], [sflag:$0x9], $0x40, s12, s19, $0xb8;
	[tilespmem:$0x1EE00] =	vst v63  }
0xc6: {  	_ =	swait.ge [sflag:s17], $0x2000  }
0xc7: {  	[sflag:s17] =	ssyncset.done $0x0  }
0xc8: {  	s12 =	sadd.s32 $0x700, s23;
	[sflag:s17] =	ssyncadd.s32 $0xFFFFE000  }
0xc9: {  	[tilespmem:s31], [sflag:$0x7] =	stream.indirect.gather [hbm4b:s11+s19], $0x40, s12, s19, $0xb8;
	[tilespmem:$0x1EE00] =	vst v63  }
0xca: {  	_ =	swait.ge [sflag:s10], $0x2000  }
0xcb: {  	[sflag:s10] =	ssyncset.done $0x0  }
.Ltmp1:
0xcc: {  	s12 =	sadd.s32 $0x2B80, s23;
	[sflag:s10] =	ssyncadd.s32 $0xFFFFE000;
	(pc) =	sbr.rel @p0 .LBB2_4-.Ltmp1, $4  }
0xcd: {  	[spmem:s2] =	stream.indirect.scatter.add.f32 [tilespmem:s1], [sflag:$0x9], $0x40, s12, s19, $0xb8;
	[tilespmem:$0x1EE00] =	vst v63  }
0xce: {  	_ =	swait.ge [sflag:s17], $0x2000  }
0xcf: {  	[sflag:s17] =	ssyncset.done $0x0  }
0xd0: {  	s23 =	sadd.s32 $0x780, s23;
	[sflag:s17] =	ssyncadd.s32 $0xFFFFE000  }
0xd1: {  	[tilespmem:s1], [sflag:$0x8] =	stream.indirect.gather [hbm4b:s11+s19], $0x40, s23, s19, $0xb8;
	[tilespmem:$0x1EE00] =	vst v63  }
0xd2: {  	_ =	swait.ge [sflag:s5], $0x2000  }
0xd3: {  	[sflag:s5] =	ssyncset.done $0x0  }
0xd4: {  	s0 =	simm.s32 $0x4C00;
	[sflag:s5] =	ssyncadd.s32 $0xFFFFE000  }
0xd5: {  	[spmem:s2] =	stream.indirect.scatter.add.f32 [tilespmem:s16], [sflag:$0x9], $0x40, s0, s19, $0xb8;
	[tilespmem:$0x1EE00] =	vst v63  }
0xd6: {  	_ =	swait.ge [sflag:s17], $0x2000  }
0xd7: {  	[sflag:s17] =	ssyncset.done $0x0  }
0xd8: {  	[sflag:s17] =	ssyncadd.s32 $0xFFFFE000  }
0xd9: {  	_ =	swait.ge [sflag:s6], $0x2000  }
0xda: {  	[sflag:s6] =	ssyncset.done $0x0  }
0xdb: {  	s12 =	simm.s32 $0x4C80;
	[sflag:s6] =	ssyncadd.s32 $0xFFFFE000  }
0xdc: {  	[spmem:s2] =	stream.indirect.scatter.add.f32 [tilespmem:s20], [sflag:$0x9], $0x40, s12, s19, $0xb8;
	[tilespmem:$0x1EE00] =	vst v63  }
0xdd: {  	_ =	swait.ge [sflag:s17], $0x2000  }
0xde: {  	[sflag:s17] =	ssyncset.done $0x0  }
0xdf: {  	[sflag:s17] =	ssyncadd.s32 $0xFFFFE000  }
0xe0: {  	_ =	swait.ge [sflag:s7], $0x2000  }
0xe1: {  	[sflag:s7] =	ssyncset.done $0x0  }
0xe2: {  	[sflag:s7] =	ssyncadd.s32 $0xFFFFE000  }
0xe3: {  	[spmem:s2] =	stream.indirect.scatter.add.f32 [tilespmem:s22], [sflag:$0x9], $0x40, s13, s19, $0xb8;
	[tilespmem:$0x1EE00] =	vst v63  }
0xe4: {  	_ =	swait.ge [sflag:s17], $0x2000  }
0xe5: {  	[sflag:s17] =	ssyncset.done $0x0  }
0xe6: {  	[sflag:s17] =	ssyncadd.s32 $0xFFFFE000  }
0xe7: {  	_ =	swait.ge [sflag:s18], $0x2000  }
0xe8: {  	[sflag:s18] =	ssyncset.done $0x0  }
0xe9: {  	[sflag:s18] =	ssyncadd.s32 $0xFFFFE000  }
0xea: {  	[spmem:s2] =	stream.indirect.scatter.add.f32 [tilespmem:s24], [sflag:$0x9], $0x40, s25, s19, $0xb8;
	[tilespmem:$0x1EE00] =	vst v63  }
0xeb: {  	_ =	swait.ge [sflag:s17], $0x2000  }
0xec: {  	[sflag:s17] =	ssyncset.done $0x0  }
0xed: {  	[sflag:s17] =	ssyncadd.s32 $0xFFFFE000  }
0xee: {  	_ =	swait.ge [sflag:s8], $0x2000  }
0xef: {  	[sflag:s8] =	ssyncset.done $0x0  }
0xf0: {  	[sflag:s8] =	ssyncadd.s32 $0xFFFFE000  }
0xf1: {  	[spmem:s2] =	stream.indirect.scatter.add.f32 [tilespmem:s26], [sflag:$0x9], $0x40, s14, s19, $0xb8;
	[tilespmem:$0x1EE00] =	vst v63  }
0xf2: {  	_ =	swait.ge [sflag:s17], $0x2000  }
0xf3: {  	[sflag:s17] =	ssyncset.done $0x0  }
0xf4: {  	[sflag:s17] =	ssyncadd.s32 $0xFFFFE000  }
0xf5: {  	_ =	swait.ge [sflag:s9], $0x2000  }
0xf6: {  	[sflag:s9] =	ssyncset.done $0x0  }
0xf7: {  	[sflag:s9] =	ssyncadd.s32 $0xFFFFE000  }
0xf8: {  	[spmem:s2] =	stream.indirect.scatter.add.f32 [tilespmem:s29], [sflag:$0x9], $0x40, s15, s19, $0xb8;
	[tilespmem:$0x1EE00] =	vst v63  }
0xf9: {  	_ =	swait.ge [sflag:s17], $0x2000  }
0xfa: {  	[sflag:s17] =	ssyncset.done $0x0  }
0xfb: {  	[sflag:s17] =	ssyncadd.s32 $0xFFFFE000  }
0xfc: {  	_ =	swait.ge [sflag:s21], $0x2000  }
0xfd: {  	[sflag:s21] =	ssyncset.done $0x0  }
0xfe: {  	[sflag:s21] =	ssyncadd.s32 $0xFFFFE000  }
0xff: {  	[spmem:s2] =	stream.indirect.scatter.add.f32 [tilespmem:s31], [sflag:$0x9], $0x40, s28, s19, $0xb8;
	[tilespmem:$0x1EE00] =	vst v63  }
0x100: {  	_ =	swait.ge [sflag:s17], $0x2000  }
0x101: {  	[sflag:s17] =	ssyncset.done $0x0  }
0x102: {  	[sflag:s17] =	ssyncadd.s32 $0xFFFFE000  }
0x103: {  	_ =	swait.ge [sflag:s10], $0x2000  }
0x104: {  	[sflag:s10] =	ssyncset.done $0x0  }
0x105: {  	[sflag:s10] =	ssyncadd.s32 $0xFFFFE000  }
0x106: {  	[spmem:s2] =	stream.indirect.scatter.add.f32 [tilespmem:s1], [sflag:$0x9], $0x40, s30, s19, $0xb8;
	[tilespmem:$0x1EE00] =	vst v63  }
0x107: {  	_ =	swait.ge [sflag:s17], $0x2000  }
0x108: {  	[sflag:s17] =	ssyncset.done $0x0  }
0x109: {  	s0 =	simm.s32 $0x0;
	s12 =	rddreg [dreg:$0x9];
	[sflag:s17] =	ssyncadd.s32 $0xFFFFE000  }
0x10a: {  	[tilespmem:s0], [sflag:$0x9] =	stream.linear.gather [hbm4b:s12+s0], $0x2800, $0x38;
	[tilespmem:$0x1EE00] =	vst v63  }
0x10b: {  	_ =	swait.ge [sflag:s17], $0x2800  }
0x10c: {  	[sflag:s17] =	ssyncset.done $0x0  }
0x10d: {  	s23 =	simm.s32 $0x2800;
	s12 =	rddreg [dreg:$0xa];
	[sflag:s17] =	ssyncadd.s32 $0xFFFFD800  }
0x10e: {  	[tilespmem:s23], [sflag:$0x9] =	stream.linear.gather [hbm4b:s12+s0], $0x2800, $0x38;
	[tilespmem:$0x1EE00] =	vst v63  }
0x10f: {  	_ =	swait.ge [sflag:s17], $0x2800  }
0x110: {  	[sflag:s17] =	ssyncset.done $0x0  }
0x111: {  	[sflag:s17] =	ssyncadd.s32 $0xFFFFD800  }
0x112: {  	[tilespmem:s16], [sflag:$0x1] =	stream.indirect.gather [hbm4b:s11+s19], $0x40, s0, s19, $0xb8;
	[tilespmem:$0x1EE00] =	vst v63  }
0x113: {  	_ = 	snop  }
0x114: {  	[tilespmem:s20], [sflag:$0x2] =	stream.indirect.gather [hbm4b:s11+s19], $0x40, s19, s19, $0xb8;
	[tilespmem:$0x1EE00] =	vst v63  }
0x115: {  	s23 =	simm.s32 $0x100  }
0x116: {  	[tilespmem:s22], [sflag:$0x3] =	stream.indirect.gather [hbm4b:s11+s19], $0x40, s23, s19, $0xb8;
	[tilespmem:$0x1EE00] =	vst v63  }
0x117: {  	s12 =	simm.s32 $0x180  }
0x118: {  	[tilespmem:s24], [sflag:$0x4] =	stream.indirect.gather [hbm4b:s11+s19], $0x40, s12, s19, $0xb8;
	[tilespmem:$0x1EE00] =	vst v63  }
0x119: {  	s23 =	simm.s32 $0x200  }
0x11a: {  	[tilespmem:s26], [sflag:$0x5] =	stream.indirect.gather [hbm4b:s11+s19], $0x40, s23, s19, $0xb8;
	[tilespmem:$0x1EE00] =	vst v63  }
0x11b: {  	s12 =	simm.s32 $0x280  }
0x11c: {  	[tilespmem:s29], [sflag:$0x6] =	stream.indirect.gather [hbm4b:s11+s19], $0x40, s12, s19, $0xb8;
	[tilespmem:$0x1EE00] =	vst v63  }
0x11d: {  	s23 =	simm.s32 $0x300  }
0x11e: {  	[tilespmem:s31], [sflag:$0x7] =	stream.indirect.gather [hbm4b:s11+s19], $0x40, s23, s19, $0xb8;
	[tilespmem:$0x1EE00] =	vst v63  }
0x11f: {  	s12 =	simm.s32 $0x380  }
0x120: {  	[tilespmem:s1], [sflag:$0x8] =	stream.indirect.gather [hbm4b:s11+s19], $0x40, s12, s19, $0xb8;
	[tilespmem:$0x1EE00] =	vst v63  }
0x121: {  	_ =	swait.ge [sflag:s5], $0x2000  }
0x122: {  	[sflag:s5] =	ssyncset.done $0x0  }
0x123: {  	s23 =	simm.s32 $0x2800;
	[sflag:s5] =	ssyncadd.s32 $0xFFFFE000  }
0x124: {  	[spmem:s2] =	stream.indirect.scatter.add.f32 [tilespmem:s16], [sflag:$0x9], $0x40, s23, s19, $0xb8;
	[tilespmem:$0x1EE00] =	vst v63  }
0x125: {  	_ =	swait.ge [sflag:s17], $0x2000  }
0x126: {  	[sflag:s17] =	ssyncset.done $0x0  }
0x127: {  	s12 =	simm.s32 $0x400;
	[sflag:s17] =	ssyncadd.s32 $0xFFFFE000  }
0x128: {  	[tilespmem:s16], [sflag:$0x1] =	stream.indirect.gather [hbm4b:s11+s19], $0x40, s12, s19, $0xb8;
	[tilespmem:$0x1EE00] =	vst v63  }
0x129: {  	_ =	swait.ge [sflag:s6], $0x2000  }
0x12a: {  	[sflag:s6] =	ssyncset.done $0x0  }
0x12b: {  	s23 =	simm.s32 $0x2880;
	[sflag:s6] =	ssyncadd.s32 $0xFFFFE000  }
0x12c: {  	[spmem:s2] =	stream.indirect.scatter.add.f32 [tilespmem:s20], [sflag:$0x9], $0x40, s23, s19, $0xb8;
	[tilespmem:$0x1EE00] =	vst v63  }
0x12d: {  	_ =	swait.ge [sflag:s17], $0x2000  }
0x12e: {  	[sflag:s17] =	ssyncset.done $0x0  }
0x12f: {  	s12 =	simm.s32 $0x480;
	[sflag:s17] =	ssyncadd.s32 $0xFFFFE000  }
0x130: {  	[tilespmem:s20], [sflag:$0x2] =	stream.indirect.gather [hbm4b:s11+s19], $0x40, s12, s19, $0xb8;
	[tilespmem:$0x1EE00] =	vst v63  }
0x131: {  	_ =	swait.ge [sflag:s7], $0x2000  }
0x132: {  	[sflag:s7] =	ssyncset.done $0x0  }
0x133: {  	s23 =	simm.s32 $0x2900;
	[sflag:s7] =	ssyncadd.s32 $0xFFFFE000  }
0x134: {  	[spmem:s2] =	stream.indirect.scatter.add.f32 [tilespmem:s22], [sflag:$0x9], $0x40, s23, s19, $0xb8;
	[tilespmem:$0x1EE00] =	vst v63  }
0x135: {  	_ =	swait.ge [sflag:s17], $0x2000  }
0x136: {  	[sflag:s17] =	ssyncset.done $0x0  }
0x137: {  	s12 =	simm.s32 $0x500;
	[sflag:s17] =	ssyncadd.s32 $0xFFFFE000  }
0x138: {  	[tilespmem:s22], [sflag:$0x3] =	stream.indirect.gather [hbm4b:s11+s19], $0x40, s12, s19, $0xb8;
	[tilespmem:$0x1EE00] =	vst v63  }
0x139: {  	_ =	swait.ge [sflag:s18], $0x2000  }
0x13a: {  	[sflag:s18] =	ssyncset.done $0x0  }
0x13b: {  	s23 =	simm.s32 $0x2980;
	[sflag:s18] =	ssyncadd.s32 $0xFFFFE000  }
0x13c: {  	[spmem:s2] =	stream.indirect.scatter.add.f32 [tilespmem:s24], [sflag:$0x9], $0x40, s23, s19, $0xb8;
	[tilespmem:$0x1EE00] =	vst v63  }
0x13d: {  	_ =	swait.ge [sflag:s17], $0x2000  }
0x13e: {  	[sflag:s17] =	ssyncset.done $0x0  }
0x13f: {  	s12 =	simm.s32 $0x580;
	[sflag:s17] =	ssyncadd.s32 $0xFFFFE000  }
0x140: {  	[tilespmem:s24], [sflag:$0x4] =	stream.indirect.gather [hbm4b:s11+s19], $0x40, s12, s19, $0xb8;
	[tilespmem:$0x1EE00] =	vst v63  }
0x141: {  	_ =	swait.ge [sflag:s8], $0x2000  }
0x142: {  	[sflag:s8] =	ssyncset.done $0x0  }
0x143: {  	s23 =	simm.s32 $0x2A00;
	[sflag:s8] =	ssyncadd.s32 $0xFFFFE000  }
0x144: {  	[spmem:s2] =	stream.indirect.scatter.add.f32 [tilespmem:s26], [sflag:$0x9], $0x40, s23, s19, $0xb8;
	[tilespmem:$0x1EE00] =	vst v63  }
0x145: {  	_ =	swait.ge [sflag:s17], $0x2000  }
0x146: {  	[sflag:s17] =	ssyncset.done $0x0  }
0x147: {  	s12 =	simm.s32 $0x600;
	[sflag:s17] =	ssyncadd.s32 $0xFFFFE000  }
0x148: {  	[tilespmem:s26], [sflag:$0x5] =	stream.indirect.gather [hbm4b:s11+s19], $0x40, s12, s19, $0xb8;
	[tilespmem:$0x1EE00] =	vst v63  }
0x149: {  	_ =	swait.ge [sflag:s9], $0x2000  }
0x14a: {  	[sflag:s9] =	ssyncset.done $0x0  }
0x14b: {  	s23 =	simm.s32 $0x2A80;
	[sflag:s9] =	ssyncadd.s32 $0xFFFFE000  }
0x14c: {  	[spmem:s2] =	stream.indirect.scatter.add.f32 [tilespmem:s29], [sflag:$0x9], $0x40, s23, s19, $0xb8;
	[tilespmem:$0x1EE00] =	vst v63  }
0x14d: {  	_ =	swait.ge [sflag:s17], $0x2000  }
0x14e: {  	[sflag:s17] =	ssyncset.done $0x0  }
0x14f: {  	s12 =	simm.s32 $0x680;
	[sflag:s17] =	ssyncadd.s32 $0xFFFFE000  }
0x150: {  	[tilespmem:s29], [sflag:$0x6] =	stream.indirect.gather [hbm4b:s11+s19], $0x40, s12, s19, $0xb8;
	[tilespmem:$0x1EE00] =	vst v63  }
0x151: {  	_ =	swait.ge [sflag:s21], $0x2000  }
0x152: {  	[sflag:s21] =	ssyncset.done $0x0  }
0x153: {  	s23 =	simm.s32 $0x2B00;
	[sflag:s21] =	ssyncadd.s32 $0xFFFFE000  }
0x154: {  	[spmem:s2] =	stream.indirect.scatter.add.f32 [tilespmem:s31], [sflag:$0x9], $0x40, s23, s19, $0xb8;
	[tilespmem:$0x1EE00] =	vst v63  }
0x155: {  	_ =	swait.ge [sflag:s17], $0x2000  }
0x156: {  	[sflag:s17] =	ssyncset.done $0x0  }
0x157: {  	s12 =	simm.s32 $0x700;
	[sflag:s17] =	ssyncadd.s32 $0xFFFFE000  }
0x158: {  	[tilespmem:s31], [sflag:$0x7] =	stream.indirect.gather [hbm4b:s11+s19], $0x40, s12, s19, $0xb8;
	[tilespmem:$0x1EE00] =	vst v63  }
0x159: {  	_ =	swait.ge [sflag:s10], $0x2000  }
0x15a: {  	[sflag:s10] =	ssyncset.done $0x0  }
0x15b: {  	s23 =	simm.s32 $0x2B80;
	[sflag:s10] =	ssyncadd.s32 $0xFFFFE000  }
0x15c: {  	[spmem:s2] =	stream.indirect.scatter.add.f32 [tilespmem:s1], [sflag:$0x9], $0x40, s23, s19, $0xb8;
	[tilespmem:$0x1EE00] =	vst v63  }
0x15d: {  	_ =	swait.ge [sflag:s17], $0x2000  }
0x15e: {  	[sflag:s17] =	ssyncset.done $0x0  }
0x15f: {  	s0 =	simm.s32 $0x1000;
	s23 =	simm.s32 $0x780;
	[sflag:s17] =	ssyncadd.s32 $0xFFFFE000  }
.LBB2_6:
0x160: {  	[tilespmem:s1], [sflag:$0x8] =	stream.indirect.gather [hbm4b:s11+s19], $0x40, s23, s19, $0xb8;
	[tilespmem:$0x1EE00] =	vst v63  }
0x161: {  	s12 =	smov.u32 s0  }
0x162: {  	p0 =	sne.s32 s0, $0x8000;
	s0 =	sadd.s32 $0x1000, s0;
	_ =	swait.ge [sflag:s5], $0x2000  }
0x163: {  	s23 =	sshra.s32 s12, $0x2;
	[sflag:s5] =	ssyncset.done $0x0  }
0x164: {  	s12 =	sadd.s32 $0x2800, s23;
	[sflag:s5] =	ssyncadd.s32 $0xFFFFE000  }
0x165: {  	[spmem:s2] =	stream.indirect.scatter.add.f32 [tilespmem:s16], [sflag:$0x9], $0x40, s12, s19, $0xb8;
	[tilespmem:$0x1EE00] =	vst v63  }
0x166: {  	_ =	swait.ge [sflag:s17], $0x2000  }
0x167: {  	[sflag:s17] =	ssyncset.done $0x0  }
0x168: {  	s12 =	sadd.s32 $0x400, s23;
	[sflag:s17] =	ssyncadd.s32 $0xFFFFE000  }
0x169: {  	[tilespmem:s16], [sflag:$0x1] =	stream.indirect.gather [hbm4b:s11+s19], $0x40, s12, s19, $0xb8;
	[tilespmem:$0x1EE00] =	vst v63  }
0x16a: {  	_ =	swait.ge [sflag:s6], $0x2000  }
0x16b: {  	[sflag:s6] =	ssyncset.done $0x0  }
0x16c: {  	s12 =	sadd.s32 $0x2880, s23;
	[sflag:s6] =	ssyncadd.s32 $0xFFFFE000  }
0x16d: {  	[spmem:s2] =	stream.indirect.scatter.add.f32 [tilespmem:s20], [sflag:$0x9], $0x40, s12, s19, $0xb8;
	[tilespmem:$0x1EE00] =	vst v63  }
0x16e: {  	_ =	swait.ge [sflag:s17], $0x2000  }
0x16f: {  	[sflag:s17] =	ssyncset.done $0x0  }
0x170: {  	s12 =	sadd.s32 $0x480, s23;
	[sflag:s17] =	ssyncadd.s32 $0xFFFFE000  }
0x171: {  	[tilespmem:s20], [sflag:$0x2] =	stream.indirect.gather [hbm4b:s11+s19], $0x40, s12, s19, $0xb8;
	[tilespmem:$0x1EE00] =	vst v63  }
0x172: {  	_ =	swait.ge [sflag:s7], $0x2000  }
0x173: {  	[sflag:s7] =	ssyncset.done $0x0  }
0x174: {  	s12 =	sadd.s32 $0x2900, s23;
	[sflag:s7] =	ssyncadd.s32 $0xFFFFE000  }
0x175: {  	[spmem:s2] =	stream.indirect.scatter.add.f32 [tilespmem:s22], [sflag:$0x9], $0x40, s12, s19, $0xb8;
	[tilespmem:$0x1EE00] =	vst v63  }
0x176: {  	_ =	swait.ge [sflag:s17], $0x2000  }
0x177: {  	[sflag:s17] =	ssyncset.done $0x0  }
0x178: {  	s12 =	sadd.s32 $0x500, s23;
	[sflag:s17] =	ssyncadd.s32 $0xFFFFE000  }
0x179: {  	[tilespmem:s22], [sflag:$0x3] =	stream.indirect.gather [hbm4b:s11+s19], $0x40, s12, s19, $0xb8;
	[tilespmem:$0x1EE00] =	vst v63  }
0x17a: {  	_ =	swait.ge [sflag:s18], $0x2000  }
0x17b: {  	[sflag:s18] =	ssyncset.done $0x0  }
0x17c: {  	s12 =	sadd.s32 $0x2980, s23;
	[sflag:s18] =	ssyncadd.s32 $0xFFFFE000  }
0x17d: {  	[spmem:s2] =	stream.indirect.scatter.add.f32 [tilespmem:s24], [sflag:$0x9], $0x40, s12, s19, $0xb8;
	[tilespmem:$0x1EE00] =	vst v63  }
0x17e: {  	_ =	swait.ge [sflag:s17], $0x2000  }
0x17f: {  	[sflag:s17] =	ssyncset.done $0x0  }
0x180: {  	s12 =	sadd.s32 $0x580, s23;
	[sflag:s17] =	ssyncadd.s32 $0xFFFFE000  }
0x181: {  	[tilespmem:s24], [sflag:$0x4] =	stream.indirect.gather [hbm4b:s11+s19], $0x40, s12, s19, $0xb8;
	[tilespmem:$0x1EE00] =	vst v63  }
0x182: {  	_ =	swait.ge [sflag:s8], $0x2000  }
0x183: {  	[sflag:s8] =	ssyncset.done $0x0  }
0x184: {  	s12 =	sadd.s32 $0x2A00, s23;
	[sflag:s8] =	ssyncadd.s32 $0xFFFFE000  }
0x185: {  	[spmem:s2] =	stream.indirect.scatter.add.f32 [tilespmem:s26], [sflag:$0x9], $0x40, s12, s19, $0xb8;
	[tilespmem:$0x1EE00] =	vst v63  }
0x186: {  	_ =	swait.ge [sflag:s17], $0x2000  }
0x187: {  	[sflag:s17] =	ssyncset.done $0x0  }
0x188: {  	s12 =	sadd.s32 $0x600, s23;
	[sflag:s17] =	ssyncadd.s32 $0xFFFFE000  }
0x189: {  	[tilespmem:s26], [sflag:$0x5] =	stream.indirect.gather [hbm4b:s11+s19], $0x40, s12, s19, $0xb8;
	[tilespmem:$0x1EE00] =	vst v63  }
0x18a: {  	_ =	swait.ge [sflag:s9], $0x2000  }
0x18b: {  	[sflag:s9] =	ssyncset.done $0x0  }
0x18c: {  	s12 =	sadd.s32 $0x2A80, s23;
	[sflag:s9] =	ssyncadd.s32 $0xFFFFE000  }
0x18d: {  	[spmem:s2] =	stream.indirect.scatter.add.f32 [tilespmem:s29], [sflag:$0x9], $0x40, s12, s19, $0xb8;
	[tilespmem:$0x1EE00] =	vst v63  }
0x18e: {  	_ =	swait.ge [sflag:s17], $0x2000  }
0x18f: {  	[sflag:s17] =	ssyncset.done $0x0  }
0x190: {  	s12 =	sadd.s32 $0x680, s23;
	[sflag:s17] =	ssyncadd.s32 $0xFFFFE000  }
0x191: {  	[tilespmem:s29], [sflag:$0x6] =	stream.indirect.gather [hbm4b:s11+s19], $0x40, s12, s19, $0xb8;
	[tilespmem:$0x1EE00] =	vst v63  }
0x192: {  	_ =	swait.ge [sflag:s21], $0x2000  }
0x193: {  	[sflag:s21] =	ssyncset.done $0x0  }
0x194: {  	s12 =	sadd.s32 $0x2B00, s23;
	[sflag:s21] =	ssyncadd.s32 $0xFFFFE000  }
0x195: {  	[spmem:s2] =	stream.indirect.scatter.add.f32 [tilespmem:s31], [sflag:$0x9], $0x40, s12, s19, $0xb8;
	[tilespmem:$0x1EE00] =	vst v63  }
0x196: {  	_ =	swait.ge [sflag:s17], $0x2000  }
0x197: {  	[sflag:s17] =	ssyncset.done $0x0  }
0x198: {  	s12 =	sadd.s32 $0x700, s23;
	[sflag:s17] =	ssyncadd.s32 $0xFFFFE000  }
0x199: {  	[tilespmem:s31], [sflag:$0x7] =	stream.indirect.gather [hbm4b:s11+s19], $0x40, s12, s19, $0xb8;
	[tilespmem:$0x1EE00] =	vst v63  }
0x19a: {  	_ =	swait.ge [sflag:s10], $0x2000  }
0x19b: {  	[sflag:s10] =	ssyncset.done $0x0  }
.Ltmp2:
0x19c: {  	s12 =	sadd.s32 $0x2B80, s23;
	[sflag:s10] =	ssyncadd.s32 $0xFFFFE000;
	(pc) =	sbr.rel @p0 .LBB2_6-.Ltmp2, $4  }
0x19d: {  	[spmem:s2] =	stream.indirect.scatter.add.f32 [tilespmem:s1], [sflag:$0x9], $0x40, s12, s19, $0xb8;
	[tilespmem:$0x1EE00] =	vst v63  }
0x19e: {  	_ =	swait.ge [sflag:s17], $0x2000  }
0x19f: {  	[sflag:s17] =	ssyncset.done $0x0  }
0x1a0: {  	s23 =	sadd.s32 $0x780, s23;
	[sflag:s17] =	ssyncadd.s32 $0xFFFFE000  }
0x1a1: {  	[tilespmem:s1], [sflag:$0x8] =	stream.indirect.gather [hbm4b:s11+s19], $0x40, s23, s19, $0xb8;
	[tilespmem:$0x1EE00] =	vst v63  }
0x1a2: {  	_ =	swait.ge [sflag:s5], $0x2000  }
0x1a3: {  	[sflag:s5] =	ssyncset.done $0x0  }
0x1a4: {  	s0 =	simm.s32 $0x4C00;
	[sflag:s5] =	ssyncadd.s32 $0xFFFFE000  }
0x1a5: {  	[spmem:s2] =	stream.indirect.scatter.add.f32 [tilespmem:s16], [sflag:$0x9], $0x40, s0, s19, $0xb8;
	[tilespmem:$0x1EE00] =	vst v63  }
0x1a6: {  	_ =	swait.ge [sflag:s17], $0x2000  }
0x1a7: {  	[sflag:s17] =	ssyncset.done $0x0  }
0x1a8: {  	[sflag:s17] =	ssyncadd.s32 $0xFFFFE000  }
0x1a9: {  	_ =	swait.ge [sflag:s6], $0x2000  }
0x1aa: {  	[sflag:s6] =	ssyncset.done $0x0  }
0x1ab: {  	s23 =	simm.s32 $0x4C80;
	[sflag:s6] =	ssyncadd.s32 $0xFFFFE000  }
0x1ac: {  	[spmem:s2] =	stream.indirect.scatter.add.f32 [tilespmem:s20], [sflag:$0x9], $0x40, s23, s19, $0xb8;
	[tilespmem:$0x1EE00] =	vst v63  }
0x1ad: {  	_ =	swait.ge [sflag:s17], $0x2000  }
0x1ae: {  	[sflag:s17] =	ssyncset.done $0x0  }
0x1af: {  	[sflag:s17] =	ssyncadd.s32 $0xFFFFE000  }
0x1b0: {  	_ =	swait.ge [sflag:s7], $0x2000  }
0x1b1: {  	[sflag:s7] =	ssyncset.done $0x0  }
0x1b2: {  	[sflag:s7] =	ssyncadd.s32 $0xFFFFE000  }
0x1b3: {  	[spmem:s2] =	stream.indirect.scatter.add.f32 [tilespmem:s22], [sflag:$0x9], $0x40, s13, s19, $0xb8;
	[tilespmem:$0x1EE00] =	vst v63  }
0x1b4: {  	_ =	swait.ge [sflag:s17], $0x2000  }
0x1b5: {  	[sflag:s17] =	ssyncset.done $0x0  }
0x1b6: {  	[sflag:s17] =	ssyncadd.s32 $0xFFFFE000  }
0x1b7: {  	_ =	swait.ge [sflag:s18], $0x2000  }
0x1b8: {  	[sflag:s18] =	ssyncset.done $0x0  }
0x1b9: {  	[sflag:s18] =	ssyncadd.s32 $0xFFFFE000  }
0x1ba: {  	[spmem:s2] =	stream.indirect.scatter.add.f32 [tilespmem:s24], [sflag:$0x9], $0x40, s25, s19, $0xb8;
	[tilespmem:$0x1EE00] =	vst v63  }
0x1bb: {  	_ =	swait.ge [sflag:s17], $0x2000  }
0x1bc: {  	[sflag:s17] =	ssyncset.done $0x0  }
0x1bd: {  	[sflag:s17] =	ssyncadd.s32 $0xFFFFE000  }
0x1be: {  	_ =	swait.ge [sflag:s8], $0x2000  }
0x1bf: {  	[sflag:s8] =	ssyncset.done $0x0  }
0x1c0: {  	[sflag:s8] =	ssyncadd.s32 $0xFFFFE000  }
0x1c1: {  	[spmem:s2] =	stream.indirect.scatter.add.f32 [tilespmem:s26], [sflag:$0x9], $0x40, s14, s19, $0xb8;
	[tilespmem:$0x1EE00] =	vst v63  }
0x1c2: {  	_ =	swait.ge [sflag:s17], $0x2000  }
0x1c3: {  	[sflag:s17] =	ssyncset.done $0x0  }
0x1c4: {  	[sflag:s17] =	ssyncadd.s32 $0xFFFFE000  }
0x1c5: {  	_ =	swait.ge [sflag:s9], $0x2000  }
0x1c6: {  	[sflag:s9] =	ssyncset.done $0x0  }
0x1c7: {  	[sflag:s9] =	ssyncadd.s32 $0xFFFFE000  }
0x1c8: {  	[spmem:s2] =	stream.indirect.scatter.add.f32 [tilespmem:s29], [sflag:$0x9], $0x40, s15, s19, $0xb8;
	[tilespmem:$0x1EE00] =	vst v63  }
0x1c9: {  	_ =	swait.ge [sflag:s17], $0x2000  }
0x1ca: {  	[sflag:s17] =	ssyncset.done $0x0  }
0x1cb: {  	[sflag:s17] =	ssyncadd.s32 $0xFFFFE000  }
0x1cc: {  	_ =	swait.ge [sflag:s21], $0x2000  }
0x1cd: {  	[sflag:s21] =	ssyncset.done $0x0  }
0x1ce: {  	[sflag:s21] =	ssyncadd.s32 $0xFFFFE000  }
0x1cf: {  	[spmem:s2] =	stream.indirect.scatter.add.f32 [tilespmem:s31], [sflag:$0x9], $0x40, s28, s19, $0xb8;
	[tilespmem:$0x1EE00] =	vst v63  }
0x1d0: {  	_ =	swait.ge [sflag:s17], $0x2000  }
0x1d1: {  	[sflag:s17] =	ssyncset.done $0x0  }
0x1d2: {  	[sflag:s17] =	ssyncadd.s32 $0xFFFFE000  }
0x1d3: {  	_ =	swait.ge [sflag:s10], $0x2000  }
0x1d4: {  	[sflag:s10] =	ssyncset.done $0x0  }
0x1d5: {  	[sflag:s10] =	ssyncadd.s32 $0xFFFFE000  }
0x1d6: {  	[spmem:s2] =	stream.indirect.scatter.add.f32 [tilespmem:s1], [sflag:$0x9], $0x40, s30, s19, $0xb8;
	[tilespmem:$0x1EE00] =	vst v63  }
0x1d7: {  	_ =	swait.ge [sflag:s17], $0x2000  }
0x1d8: {  	[sflag:s17] =	ssyncset.done $0x0  }
0x1d9: {  	s12 =	stileid.u32;
	[sflag:s17] =	ssyncadd.s32 $0xFFFFE000  }
0x1da: {  	s0 =	sshll.u32 s12, $0x6;
	[bflag:$0x0] =	sbarrier.arrive $0xFFFF  }
0x1db: {  	s12 =	sshrl.u32 s4, $0x3;
	s0 =	sor.u32 $0x1C09, s0;
	s23 =	rddreg [dreg:$0xb]  }
0x1dc: {  	[hbm:s23], [sflag:s0] =	dma.local [spmem:s12], $0x13C0  }
0x1dd: {  	_ =	swait.ge [sflag:s17], $0x13C0  }
0x1de: {  	s3 =	sadd.s32 $0x1, s3;
	s23 =	rddreg [dreg:$0xc]  }
0x1df: {  	p0 =	sne.s32 s3, s23  }
.Ltmp3:
0x1e0: {  	_ = 	snop;
	(pc) =	sbr.rel @p0 .LBB2_1-.Ltmp3, $3  }
0x1e1: {  	_ =	sdelay $0x1  }
0x1e2: {  	[sflag:s17] =	ssyncset.done $0x0  }
0x1e3: {  	[sflag:s17] =	ssyncadd.s32 $0xFFFFEC40  }
0x1e4: {  	_ =	sfence.sel $0x180000  }
0x1e5: {  	[bflag:$0x0] =	sbarrier.arrive $0xFFFF  }
0x1e6: {  	_ =	strace $0x9000004D  }
0x1e7: {  	s0 =	stileid.u32;
	[bflag:$0x2] =	sbarrier.arrive $0xFFFF  }
0x1e8: {  	p0 =	sne.s32 s0, $0x0;
	s0 =	rddreg [dreg:$0x2]  }
0x1e9: {  	s0 =	sadd.s32 @!p0 $0x100000, s0  }
0x1ea: {  	[sflag:s0] =	ssyncadd.tile.s32 @!p0 $0x1;
	_ =	shalt  }
.Lfunc_end2:
_tile_overlayer_lowered:
.L_overlay_start_2:
0x1eb: {  	(tag) =	ssettag $0x2  }
0x1ec: {  	s0 =	rddreg [dreg:$0x0];
	s2 =	stileid.u32  }
0x1ed: {  	s1 =	rddreg [dreg:$0x1];
	p0 =	sne.s32 s2, $0x0  }
0x1ee: {  	s3 =	rddreg [dreg:$0x2];
	[bflag:$0x3] =	sbarrier.arrive $0xFFFF;
	s2 =	simm.s32 @!p0 $0x1C09  }
0x1ef: {  	[timem:s3], [sflag:s2] =	dma.local @!p0 [hbm:s0], s1  }
0x1f0: {  	s0 =	simm.s32 @!p0 $0x9  }
0x1f1: {  	_ =	swait.ge @!p0 [sflag:s0], s1  }
0x1f2: {  	s1 =	ssub.s32 @!p0 $0x0, s1;
	[sflag:s0] =	ssyncset.done @!p0 $0x0  }
0x1f3: {  	[sflag:s0] =	ssyncadd.s32 @!p0 s1  }
0x1f4: {  	[bflag:$0x3] =	sbarrier.arrive $0xFFFF  }
0x1f5: {  	_ =	shalt  }

// kernel: kernel.8.cloned.1.call-start
scs
__scs_entry_jumppad:
0x0: {  	(pc) =	sbr.rel $0x88, $3  }
0x1: {  	(tag) =	ssettag $0x0;
	lr =	simm.s32 $0x1  }
0x2: {  	[smem:$0x3F98] =	sst lr;
	_ =	strace $0xD0000000  }
0x3: {  	_ = 	snop  }
0x4: {  	_ = 	snop  }
0x5: {  	_ = 	snop  }
0x6: {  	_ = 	snop  }
0x7: {  	_ = 	snop  }
__scs_overlays_trampoline_lowered:
0x8: {  	[smem:$0x3FA7] =	sst s0  }
0x9: {  	[smem:$0x3FA8] =	sst s1  }
0xa: {  	[smem:$0x3FA9] =	sst s2  }
0xb: {  	[smem:$0x3FAA] =	sst s3  }
0xc: {  	[smem:$0x3FAB] =	sst s4  }
0xd: {  	[smem:$0x3FAC] =	sst s5  }
0xe: {  	[smem:$0x3FAD] =	sst s6  }
0xf: {  	[smem:$0x3FAE] =	sst s7  }
0x10: {  	[smem:$0x3FAF] =	sst s8  }
0x11: {  	[smem:$0x3FB0] =	sst s9;
	s0 =	simm.s32 @!p0 $0x0  }
0x12: {  	s1 =	sld [smem:$0x3F96];
	s0 =	simm.s32 @p0 $0x1  }
0x13: {  	[smem:$0x3FB1] =	sst s0;
	s0 =	simm.s32 @!p1 $0x0  }
0x14: {  	s2 =	sld [smem:$0x3F95];
	s0 =	simm.s32 @p1 $0x1  }
0x15: {  	[smem:$0x3FB2] =	sst s0;
	s0 =	simm.s32 @!p2 $0x0  }
0x16: {  	s3 =	sld [smem:$0x3FDB];
	s0 =	simm.s32 @p2 $0x1  }
0x17: {  	s4 =	simm.s32 $0x1BF5;
	[smem:$0x3FB4] =	sst s0  }
0x18: {  	s0 =	sld [smem:$0x3F97];
	_ =	swait.ge [sflag:s4], $0x0  }
0x19: {  	s7 =	sld [smem:$0x3F98]  }
0x1a: {  	s8 =	sadd.s32 $0xFFFFE003, lr  }
0x1b: {  	s9 =	sadd.s32 $0xFFFFFEF7, lr;
	s5 =	simm.s32 $0xFFFFFFFF;
	p2 =	slt.u32 s8, $0xFFFFF086  }
0x1c: {  	p1 =	slt.u32 s9, $0xF7A;
	s5 =	simm.s32 @!p2 $0x0  }
0x1d: {  	s5 =	simm.s32 @p1 $0x1;
	p0 =	seq.s32 s7, s2  }
0x1e: {  	s7 =	smul.u32 @!p0 $0xF7A, s2;
	p2 =	seq.s32 @!p0 s5, $0x0  }
0x1f: {  	s9 =	smul.u32 $0xF7A, s1;
	s8 =	simm.s32 @!p0 $0x1BF5;
	p2 =	por !p2, p0  }
0x20: {  	[sflag:s8] =	ssyncset.s32 @!p0 $0xFFFFF086;
	s6 =	sadd.s32 @!p0 s3, s7;
	s7 =	simm.s32 @!p0 $0x108  }
0x21: {  	s3 =	sadd.s32 s3, s9;
	s6 =	sadd.s32 @!p0 $0x88, s6;
	s7 =	simm.s32 @p2 $0x1082  }
0x22: {  	[simem:s7], [sflag:s8] =	dma.local @!p0 [hbm:s6], $0xF7A  }
0x23: {  	s9 =	sor.u32 $0xD0000000, s2;
	s6 =	simm.s32 $0x108;
	_ =	swait.ge @!p0 [sflag:s8], $0x0  }
0x24: {  	s3 =	sadd.s32 $0x88, s3;
	s6 =	simm.s32 @!p1 $0x1082;
	[sflag:s4] =	ssyncset.s32 $0xFFFFF086  }
0x25: {  	[simem:s6], [sflag:s4] =	dma.local [hbm:s3], $0xF7A  }
0x26: {  	[smem:$0x3F98] =	sst s1;
	(tag) =	ssettag s2;
	_ =	strace s9  }
0x27: {  	s1 =	sld [smem:$0x3FA8]  }
0x28: {  	s2 =	sld [smem:$0x3FA9]  }
0x29: {  	s4 =	sld [smem:$0x3FAB]  }
0x2a: {  	p0 =	seq.s32 s5, $0x0;
	s5 =	sld [smem:$0x3FAC]  }
0x2b: {  	s6 =	sld [smem:$0x3FAD]  }
0x2c: {  	s7 =	sld [smem:$0x3FAE]  }
0x2d: {  	s3 =	simm.s32 $0x108;
	s8 =	sld [smem:$0x3FAF]  }
0x2e: {  	s3 =	simm.s32 @!p0 $0x1082;
	s9 =	sld [smem:$0x3FB0]  }
0x2f: {  	lr =	sadd.s32 s0, s3;
	s0 =	sld [smem:$0x3FA7]  }
0x30: {  	s3 =	sld [smem:$0x3FAA]  }
0x31: {  	[smem:$0x3FB3] =	sst s10  }
0x32: {  	s10 =	sld [smem:$0x3FB1];
	_ =	sdelay $0x3  }
0x33: {  	p0 =	seq.s32 s10, $0x1;
	s10 =	sld [smem:$0x3FB3];
	_ =	sdelay $0x3  }
0x34: {  	[smem:$0x3FB3] =	sst s10  }
0x35: {  	s10 =	sld [smem:$0x3FB2];
	_ =	sdelay $0x3  }
0x36: {  	p1 =	seq.s32 s10, $0x1;
	s10 =	sld [smem:$0x3FB3];
	_ =	sdelay $0x3  }
0x37: {  	[smem:$0x3FB3] =	sst s10  }
0x38: {  	s10 =	sld [smem:$0x3FB4]  }
0x39: {  	_ = 	snop;
	(pc) =	sbr.ind lr, $3  }
0x3a: {  	_ = 	snop  }
0x3b: {  	_ = 	snop  }
0x3c: {  	p2 =	seq.s32 s10, $0x1;
	s10 =	sld [smem:$0x3FB3]  }
0x3d: {  	_ =	shalt  }
0x3e: {  	_ =	shalt  }
0x3f: {  	_ =	shalt  }
0x40: {  	_ =	shalt  }
0x41: {  	_ =	shalt  }
0x42: {  	_ =	shalt  }
0x43: {  	_ =	shalt  }
0x44: {  	_ =	shalt  }
0x45: {  	_ =	shalt  }
0x46: {  	_ =	shalt  }
0x47: {  	_ =	shalt  }
0x48: {  	_ =	shalt  }
0x49: {  	_ =	shalt  }
0x4a: {  	_ =	shalt  }
0x4b: {  	_ =	shalt  }
0x4c: {  	_ =	shalt  }
0x4d: {  	_ =	shalt  }
0x4e: {  	_ =	shalt  }
0x4f: {  	_ =	shalt  }
0x50: {  	_ =	shalt  }
0x51: {  	_ =	shalt  }
0x52: {  	_ =	shalt  }
0x53: {  	_ =	shalt  }
0x54: {  	_ =	shalt  }
0x55: {  	_ =	shalt  }
0x56: {  	_ =	shalt  }
0x57: {  	_ =	shalt  }
0x58: {  	_ =	shalt  }
0x59: {  	_ =	shalt  }
0x5a: {  	_ =	shalt  }
0x5b: {  	_ =	shalt  }
0x5c: {  	_ =	shalt  }
0x5d: {  	_ =	shalt  }
0x5e: {  	_ =	shalt  }
0x5f: {  	_ =	shalt  }
0x60: {  	_ =	shalt  }
0x61: {  	_ =	shalt  }
0x62: {  	_ =	shalt  }
0x63: {  	_ =	shalt  }
0x64: {  	_ =	shalt  }
0x65: {  	_ =	shalt  }
0x66: {  	_ =	shalt  }
0x67: {  	_ =	shalt  }
0x68: {  	_ =	shalt  }
0x69: {  	_ =	shalt  }
0x6a: {  	_ =	shalt  }
0x6b: {  	_ =	shalt  }
0x6c: {  	_ =	shalt  }
0x6d: {  	_ =	shalt  }
0x6e: {  	_ =	shalt  }
0x6f: {  	_ =	shalt  }
0x70: {  	_ =	shalt  }
0x71: {  	_ =	shalt  }
0x72: {  	_ =	shalt  }
0x73: {  	_ =	shalt  }
0x74: {  	_ =	shalt  }
0x75: {  	_ =	shalt  }
0x76: {  	_ =	shalt  }
0x77: {  	_ =	shalt  }
0x78: {  	_ =	shalt  }
0x79: {  	_ =	shalt  }
0x7a: {  	_ =	shalt  }
0x7b: {  	_ =	shalt  }
0x7c: {  	_ =	shalt  }
0x7d: {  	_ =	shalt  }
0x7e: {  	_ =	shalt  }
0x7f: {  	_ =	shalt  }
0x80: {  	_ =	shalt  }
0x81: {  	_ =	shalt  }
0x82: {  	_ =	shalt  }
0x83: {  	_ =	shalt  }
0x84: {  	_ =	shalt  }
0x85: {  	_ =	shalt  }
0x86: {  	_ =	shalt  }
0x87: {  	_ =	shalt  }
.Lfunc_end0:
.L_simem_size_0:
called_computation_lowered:
.L_overlay_start_0:
0x88: {  	s2 =	sld [smem:$0x3FD9]  }
0x89: {  	s3 =	sld [smem:$0x3FFE];
	_ =	sdelay $0x1  }
0x8a: {  	s1 =	srdreg.scid  }
0x8b: {  	s0 =	sand.u32 $0x1, s1  }
0x8c: {  	s16 =	sshll.u32 s0, $0xA;
	s2 =	sadd.s32 s3, s2  }
0x8d: {  	s2 =	sadd.s32 s2, s16  }
0x8e: {  	[smem:$0x3FBF] =	sst s2  }
0x8f: {  	_ = 	snop  }
0x90: {  	(tm) =	ssettm $0x1  }
0x91: {  	s17 =	sld [smem:$0x3FFB];
	_ =	sdelay $0x3  }
0x92: {  	_ =	strace s17  }
0x93: {  	s2 =	sld [smem:$0x3FFC];
	_ =	sdelay $0x3  }
0x94: {  	_ =	strace s2  }
0x95: {  	s2 =	sld [smem:$0x3FFD];
	_ =	sdelay $0x3  }
0x96: {  	_ =	strace s2  }
0x97: {  	_ =	strace $0x8FFFFFFF  }
0x98: {  	s18 =	sld [smem:$0x3FDB];
	_ =	sdelay $0x1  }
0x99: {  	s19 =	simm.s32 $_scs_section_size  }
0x9a: {  	s4 =	simm.s32 $_size__tile_overlayer_lowered;
	s5 =	simm.s32 $_tile_overlayer_lowered  }
0x9b: {  	s22 =	simm.s32 $0x1BFF;
	s21 =	sshll.u32 s5, $0x1;
	s2 =	sadd.s32 s19, s18  }
0x9c: {  	s6 =	simm.s32 $0x0;
	s20 =	sshll.u32 s4, $0x1;
	s4 =	sadd.s32 s21, s2  }
0x9d: {  	[timem:s6], [sflag:s22] =	dma.local [hbm:s4], s20  }
0x9e: {  	_ =	swait.ge [sflag:s22], s20  }
0x9f: {  	s3 =	ssub.s32 $0x0, s20;
	[sflag:s22] =	ssyncset.done $0x0  }
0xa0: {  	[sflag:s22] =	ssyncadd.s32 s3;
	_ =	sdelay $0x1  }
0xa1: {  	s23 =	simm.s32 $0x1B8B  }
0xa2: {  	_ =	swait.ge [sflag:s23], $0x1  }
0xa3: {  	[sflag:s23] =	ssyncset.done $0x0  }
0xa4: {  	s25 =	simm.s32 $0x1B8E;
	s24 =	sld [smem:$0x3FFE];
	[sflag:s23] =	ssyncadd.s32 $0xFFFFFFFF  }
0xa5: {  	s26 =	simm.s32 $execute0_lowered;
	[smem:$0x3FD2] =	sst s25  }
0xa6: {  	s4 =	sshll.u32 s26, $0x1;
	_ =	strace $0x80000046;
	[dreg:$0x1] =	wrdreg $0xFFFFFFFF  }
0xa7: {  	s28 =	simm.s32 $_size_execute0_lowered;
	s2 =	sadd.s32 s2, s4;
	[dreg:$0x0] =	wrdreg $0x0  }
0xa8: {  	s4 =	sshll.u32 s28, $0x1;
	[dreg:$0x2] =	wrdreg s2  }
0xa9: {  	[dreg:$0x3] =	wrdreg s4  }
0xaa: {  	[dreg:$0x4] =	wrdreg $0xC0  }
0xab: {  	_ =	task [dreg:s6], $0x5FFFF  }
0xac: {  	[dreg:$0x1] =	wrdreg $0xFFFFFFFF  }
0xad: {  	[dreg:$0x0] =	wrdreg $0x60  }
0xae: {  	[dreg:$0x2] =	wrdreg s24  }
0xaf: {  	[dreg:$0x3] =	wrdreg $0x57800  }
0xb0: {  	[dreg:$0x4] =	wrdreg $0x9  }
0xb1: {  	_ =	task.clear_ibuf [dreg:s6], $0x5FFFF;
	_ =	strace $0x90000046  }
0xb2: {  	s29 =	simm.s32 $0x9;
	_ =	strace $0x80000048  }
0xb3: {  	_ =	swait.ge [sflag:s29], $0x1  }
0xb4: {  	[sflag:s29] =	ssyncadd.s32 $0xFFFFFFFF  }
0xb5: {  	_ =	strace $0x90000048  }
0xb6: {  	_ =	sfence  }
0xb7: {  	s30 =	sld [smem:$0x0];
	_ =	sdelay $0x2  }
0xb8: {  	s31 =	sshll.u32 s1, $0xD;
	s1 =	sshrl.u32 s1, $0x2  }
0xb9: {  	s3 =	sand.u32 $0x4000, s31;
	s1 =	sadd.s32 s1, s30  }
0xba: {  	s0 =	sor.u32 s3, s0;
	s1 =	sshll.u32 s1, $0x11  }
0xbb: {  	s0 =	sor.u32 s1, s0  }
0xbc: {  	s0 =	sadd.s32 $0x8F2B, s0  }
0xbd: {  	[sflag:s0] =	ssyncadd.remote.s32 $0x1  }
0xbe: {  	_ =	sfence.sel $0xFFFF  }
0xbf: {  	[dreg:$0x0] =	wrdreg $0xFFFFFFFF;
	(pc) =	sbr.abs _section_cstart, $3  }
0xc0: {  	[dreg:$0x1] =	wrdreg $0xFFFFFFFF  }
0xc1: {  	_ =	task.clear_ibuf [dreg:s6], $0x2FFFF;
	_ =	strace $0x9FFFFFFF  }
0xc2: {  	(tm) =	ssettm $0x7FFFFFFF  }
0xc3: {  	_ =	shalt  }
tec
execute0_lowered:
.L_overlay_start_1:
0x0: {  	(tag) =	ssettag $0x1  }
0x1: {  	s1 =	srdreg.scid;
	s4 =	rddreg [dreg:$0x0]  }
0x2: {  	s0 =	stileid.u32;
	s2 =	rddreg [dreg:$0x1];
	s3 =	simm.s32 $0x0  }
0x3: {  	s10 =	simm.s32 $0x80;
	s5 =	sand.u32 $0x1, s1;
	s1 =	rddreg [dreg:$0x2]  }
0x4: {  	s11 =	simm.s32 $0x2800;
	s6 =	smul.u32 $0x2780, s0;
	[smem:$0x7FF] =	sst s3  }
0x5: {  	s12 =	sshll.u32 s0, $0x6;
	s7 =	sshll.u32 s5, $0x4;
	s8 =	smul.u32 $0x27800, s5  }
0x6: {  	_ =	strace $0x80000047;
	s5 =	ssub.s32 $0x2, s5;
	s7 =	sor.u32 s0, s7  }
0x7: {  	s31 =	sshrl.u32 s5, $0x1;
	s7 =	smul.u32 $0x500, s7;
	s8 =	sadd.s32 s6, s8  }
0x8: {  	s12 =	sor.u32 $0x1C01, s12;
	s9 =	ssub.s32 s5, s31;
	s8 =	sshrl.u32 s8, $0x3  }
0x9: {  	s7 =	sadd.s32 s7, s4;
	s8 =	sadd.s32 s8, s4;
	s4 =	sadd.s32 s6, s2  }
0xa: {  	s5 =	sadd.s32 $0x2C00, s7;
	s6 =	sadd.s32 $0xCC00, s8;
	s7 =	smax.u32 s9, $0x1  }
0xb: {  	v0 =	vimm.f32 $1.000000000e+00;
	v1 =	vimm.f32 $0.0e+00;
	s8 =	simm.s32 $0x3000;
	s9 =	simm.s32 $0x1;
	s13 =	sshrl.u32 s4, $0x3  }
.LBB2_1:
0xc: {  	s14 =	simm.s32 $0x0  }
.LBB2_2:
0xd: {  	p0 =	sne.s32 s14, $0x1FC0  }
.Ltmp0:
0xe: {  	_ = 	snop;
	(pc) =	sbr.rel @p0 .LBB2_2-.Ltmp0, $3  }
0xf: {  	_ =	sdelay $0x1  }
0x10: {  	s15 =	sshra.s32 s14, $0x2  }
0x11: {  	s14 =	sadd.s32 $0x40, s14;
	[tilespmem:s15+$0x2800] =	vst v0  }
0x12: {  	s14 =	simm.s32 $0x40;
	s15 =	simm.s32 $0x0  }
.LBB2_4:
0x13: {  	p0 =	sne.s32 s14, $0x9DC0;
	[tilespmem:s15+$0x3000] =	vst v1;
	s15 =	smov.u32 s14;
	s14 =	sadd.s32 $0x40, s14  }
.Ltmp1:
0x14: {  	(pc) =	sbr.rel @p0 .LBB2_4-.Ltmp1, $2  }
0x15: {  	_ =	sdelay $0x2  }
0x16: {  	s15 =	sshra.s32 s15, $0x2  }
0x17: {  	[tilespmem:s15+$0x3000] =	vst v1  }
0x18: {  	[spmem:s4] =	stream.linear.scatter [tilespmem:s8], [sflag:$0x1], $0x2780, $0x38;
	[tilespmem:$0x7F00] =	vst v63  }
0x19: {  	_ =	swait.ge [sflag:s9], $0x2780  }
0x1a: {  	[sflag:s9] =	ssyncset.done $0x0  }
0x1b: {  	s14 =	simm.s32 $0x0;
	[sflag:s9] =	ssyncadd.s32 $0xFFFFD880  }
0x1c: {  	[tilespmem:s14], [sflag:$0x1] =	stream.linear.gather [hbm4b:s5+s14], $0x2800, $0x38;
	[tilespmem:$0x7F00] =	vst v63  }
0x1d: {  	_ =	swait.ge [sflag:s9], $0x2800  }
0x1e: {  	[sflag:s9] =	ssyncset.done $0x0  }
0x1f: {  	[sflag:s9] =	ssyncadd.s32 $0xFFFFD800  }
0x20: {  	s31 =	simm.s32 $0x0;
	[bflag:$0x0] =	sbarrier.arrive $0xFFFF  }
0x21: {  	[spmem:s2] =	stream.indirect.scatter.add.f32 [tilespmem:s11], [sflag:$0x1], $0x10, s31, s10, $0xb8;
	[tilespmem:$0x7F00] =	vst v63  }
0x22: {  	_ =	swait.ge [sflag:s9], $0x800  }
0x23: {  	s14 =	simm.s32 $0x200;
	[sflag:s9] =	ssyncset.done $0x0  }
.LBB2_6:
0x24: {  	s15 =	sshra.s32 s14, $0x2;
	[sflag:s9] =	ssyncadd.s32 $0xFFFFF800;
	p0 =	sne.s32 s14, $0x9E00  }
0x25: {  	[spmem:s2] =	stream.indirect.scatter.add.f32 [tilespmem:s11], [sflag:$0x1], $0x10, s15, s10, $0xb8;
	[tilespmem:$0x7F00] =	vst v63  }
.Ltmp2:
0x26: {  	_ = 	snop;
	(pc) =	sbr.rel @p0 .LBB2_6-.Ltmp2, $4  }
0x27: {  	_ = 	snop  }
0x28: {  	s14 =	sadd.s32 $0x200, s14  }
0x29: {  	_ =	swait.ge [sflag:s9], $0x800  }
0x2a: {  	[sflag:s9] =	ssyncset.done $0x0  }
0x2b: {  	s3 =	sadd.s32 $0x1, s3  }
0x2c: {  	[sflag:s9] =	ssyncadd.s32 $0xFFFFF800;
	p0 =	sne.s32 s3, s7  }
.Ltmp3:
0x2d: {  	[bflag:$0x0] =	sbarrier.arrive $0xFFFF;
	(pc) =	sbr.rel @p0 .LBB2_1-.Ltmp3, $4  }
0x2e: {  	[hbm:s6], [sflag:s12] =	dma.local [spmem:s13], $0x4F0  }
0x2f: {  	_ =	swait.ge [sflag:s9], $0x4F0  }
0x30: {  	[sflag:s9] =	ssyncset.done $0x0  }
0x31: {  	[sflag:s9] =	ssyncadd.s32 $0xFFFFFB10  }
0x32: {  	_ =	sfence.sel $0x180000  }
0x33: {  	[bflag:$0x0] =	sbarrier.arrive $0xFFFF  }
0x34: {  	p0 =	sne.s32 s0, $0x0;
	_ =	strace $0x90000047  }
0x35: {  	s0 =	sadd.s32 @!p0 $0x100000, s1;
	[bflag:$0x2] =	sbarrier.arrive $0xFFFF  }
0x36: {  	[sflag:s0] =	ssyncadd.tile.s32 @!p0 $0x1;
	_ =	shalt  }
.Lfunc_end2:
_tile_overlayer_lowered:
.L_overlay_start_2:
0x37: {  	(tag) =	ssettag $0x2  }
0x38: {  	s0 =	rddreg [dreg:$0x0];
	s2 =	stileid.u32  }
0x39: {  	s1 =	rddreg [dreg:$0x1];
	p0 =	sne.s32 s2, $0x0  }
0x3a: {  	s3 =	rddreg [dreg:$0x2];
	[bflag:$0x3] =	sbarrier.arrive $0xFFFF;
	s2 =	simm.s32 @!p0 $0x1C01  }
0x3b: {  	[timem:s3], [sflag:s2] =	dma.local @!p0 [hbm:s0], s1  }
0x3c: {  	s0 =	simm.s32 @!p0 $0x1  }
0x3d: {  	_ =	swait.ge @!p0 [sflag:s0], s1  }
0x3e: {  	s1 =	ssub.s32 @!p0 $0x0, s1;
	[sflag:s0] =	ssyncset.done @!p0 $0x0  }
0x3f: {  	[sflag:s0] =	ssyncadd.s32 @!p0 s1  }
0x40: {  	[bflag:$0x3] =	sbarrier.arrive $0xFFFF  }
0x41: {  	_ =	shalt  }

</sc_bundles>
